<compile_context>
chip_gen: v7x
topology: tpu7x:2x2x1
jax: 0.10.2.dev20260603
libtpu: 0.0.44.dev20260713+nightly
codegen_flags: <defaults>
</compile_context>

<pallas_src>
import functools

import jax
import jax.numpy as jnp
from jax import lax
from jax.experimental import pallas as pl
from jax.experimental.pallas import tpu as pltpu
from jax.experimental.pallas import tpu_sc as plsc

B = 2
C = 4
N = 64 * 256 * 256

N_SC = 2097152

NC = 2
NS = 16
NW = NC * NS
LANES = 16
CHUNK = 8192
HIST = B * C * C * LANES

TR = 1024
NBUF = 4
ROWS = N // 128


def _log2(x):
    return x.bit_length() - 1



def _fire(out_hbm, tgt_hbm, wid, g, bufs, sem, n_w, n_chunks):
    b = lax.shift_right_logical(g, _log2(n_chunks))
    j = lax.bitwise_and(g, n_chunks - 1)
    base = wid * n_w + j * CHUNK
    copies = []
    for c in range(C):
        src = out_hbm.at[pl.ds((b * C + c) * N + base, CHUNK)]
        copies.append(pltpu.make_async_copy(src, bufs[c], sem))
    copies.append(pltpu.make_async_copy(tgt_hbm.at[pl.ds(b * N + base, CHUNK)],
                                        bufs[4], sem))
    return copies


def _sc_body(out_hbm, tgt_hbm, res_hbm,
             a0, a1, a2, a3, a4, b0, b1, b2, b3, b4, hist, sem_a, sem_b):
    n_w = N_SC // NW
    n_chunks = n_w // CHUNK
    g_tot = B * n_chunks

    wid = lax.axis_index("s") * NC + lax.axis_index("c")
    bufsets = ((a0, a1, a2, a3, a4), (b0, b1, b2, b3, b4))
    sems = (sem_a, sem_b)

    zeros = jnp.zeros((LANES,), jnp.int32)
    for k in range(HIST // LANES):
        hist[pl.ds(k * LANES, LANES)] = zeros

    iota = lax.broadcasted_iota(jnp.int32, (LANES,), 0)
    ones = jnp.ones((LANES,), jnp.int32)

    for cp in _fire(out_hbm, tgt_hbm, wid, jnp.int32(0), bufsets[0], sems[0],
                    n_w, n_chunks):
        cp.start()

    def ring_step(g, s):
        bufs = bufsets[s]
        ch0, ch1, ch2, ch3, tb = bufs

        @pl.when(g + 1 < g_tot)
        def _():
            for cp in _fire(out_hbm, tgt_hbm, wid, g + 1,
                            bufsets[1 - s], sems[1 - s], n_w, n_chunks):
                cp.start()

        for cp in _fire(out_hbm, tgt_hbm, wid, g, bufs, sems[s],
                        n_w, n_chunks):
            cp.wait()

        b = lax.shift_right_logical(g, _log2(n_chunks))
        cell_base = iota + b * (C * C * LANES)

        @plsc.parallel_loop(0, CHUNK // LANES, unroll=4)
        def inner(i):
            off = i * LANES
            x0 = ch0[pl.ds(off, LANES)]
            x1 = ch1[pl.ds(off, LANES)]
            x2 = ch2[pl.ds(off, LANES)]
            x3 = ch3[pl.ds(off, LANES)]
            t = tb[pl.ds(off, LANES)]

            a = jnp.maximum(x0, x1)
            bq = jnp.maximum(x2, x3)
            i01 = jnp.where(x1 > x0, jnp.full((LANES,), 1, jnp.int32),
                            jnp.zeros((LANES,), jnp.int32))
            i23 = jnp.where(x3 > x2, jnp.full((LANES,), 3, jnp.int32),
                            jnp.full((LANES,), 2, jnp.int32))
            bidx = jnp.where(bq > a, i23, i01)

            cell = jnp.left_shift(jnp.left_shift(bidx, 2) + t, 4) + cell_base
            plsc.addupdate_scatter(hist, [cell], ones)

    def pair_step(p, carry):
        for s in range(2):
            ring_step(2 * p + s, s)
        return carry

    lax.fori_loop(0, g_tot // 2, pair_step, 0)

    pltpu.sync_copy(hist, res_hbm.at[wid])


def _sc_partials(out1, tgt1):
    mesh = plsc.VectorSubcoreMesh(core_axis_name="c", subcore_axis_name="s")
    scratch = [pltpu.VMEM((CHUNK,), jnp.float32) for _ in range(4)]
    scratch.append(pltpu.VMEM((CHUNK,), jnp.int32))
    scratch = scratch + [pltpu.VMEM((CHUNK,), jnp.float32) for _ in range(4)]
    scratch.append(pltpu.VMEM((CHUNK,), jnp.int32))
    scratch.append(pltpu.VMEM((HIST,), jnp.int32))
    scratch.append(pltpu.SemaphoreType.DMA)
    scratch.append(pltpu.SemaphoreType.DMA)

    return pl.kernel(
        _sc_body,
        out_type=jax.ShapeDtypeStruct((NW, HIST), jnp.int32),
        mesh=mesh,
        scratch_types=scratch,
        compiler_params=pltpu.CompilerParams(needs_layout_passes=False),
    )(out1, tgt1)



def _tc_body(out_hbm, tgt_hbm, acc_ref, chbuf, tbuf, sems):
    r0 = N_SC // 128
    nb = (ROWS - r0) // TR
    s_tot = B * nb

    def fire(step, slot):
        b = step // nb
        r = r0 + lax.rem(step, nb) * TR
        cps = []
        for c in range(C):
            cps.append(pltpu.make_async_copy(
                out_hbm.at[b, c, pl.ds(r, TR), :], chbuf.at[slot, c],
                sems.at[slot]))
        cps.append(pltpu.make_async_copy(
            tgt_hbm.at[b, pl.ds(r, TR), :], tbuf.at[slot], sems.at[slot]))
        return cps

    g = pl.program_id(0)

    @pl.when(g == 0)
    def _():
        for s in range(NBUF):
            for cp in fire(jnp.int32(s), s):
                cp.start()

    @pl.when(jnp.logical_and(g > 0, g + NBUF <= s_tot))
    def _():
        step = g + NBUF - 1
        for s in range(NBUF):
            @pl.when(lax.rem(step, NBUF) == s)
            def _():
                for cp in fire(step, s):
                    cp.start()

    @pl.when(lax.rem(g, nb) == 0)
    def _():
        acc_ref[0] = jnp.zeros((16, 128), jnp.float32)

    def compute(s):
        for cp in fire(g, s):
            cp.wait()

        x0 = chbuf[s, 0]
        x1 = chbuf[s, 1]
        x2 = chbuf[s, 2]
        x3 = chbuf[s, 3]
        t = tbuf[s]

        a = jnp.maximum(x0, x1)
        bq = jnp.maximum(x2, x3)
        i01 = jnp.where(x1 > x0, jnp.full((TR, 128), 1, jnp.int32),
                        jnp.full((TR, 128), 0, jnp.int32))
        i23 = jnp.where(x3 > x2, jnp.full((TR, 128), 3, jnp.int32),
                        jnp.full((TR, 128), 2, jnp.int32))
        bidx = jnp.where(bq > a, i23, i01)

        one = jnp.full((TR, 128), 1.0, jnp.float32)
        zero = jnp.full((TR, 128), 0.0, jnp.float32)
        for c in range(C):
            pm = bidx == c
            tm = t == c
            im = pm & tm
            for k, msk in ((3 * c, pm), (3 * c + 1, tm), (3 * c + 2, im)):
                row = jnp.sum(jnp.where(msk, one, zero), axis=0, keepdims=True)
                acc_ref[0, pl.ds(k, 1)] = acc_ref[0, pl.ds(k, 1)] + row

    for s in range(NBUF):
        @pl.when(lax.rem(g, NBUF) == s)
        def _():
            compute(s)


def _tc_counts(out4, tgt4):
    r0 = N_SC // 128
    nb = (ROWS - r0) // TR
    s_tot = B * nb
    return pl.pallas_call(
        _tc_body,
        grid=(s_tot,),
        in_specs=[
            pl.BlockSpec(memory_space=pl.ANY),
            pl.BlockSpec(memory_space=pl.ANY),
        ],
        out_specs=pl.BlockSpec((1, 16, 128), lambda g: (g // (s_tot // B), 0, 0)),
        out_shape=jax.ShapeDtypeStruct((B, 16, 128), jnp.float32),
        scratch_shapes=[
            pltpu.VMEM((NBUF, C, TR, 128), jnp.float32),
            pltpu.VMEM((NBUF, TR, 128), jnp.int32),
            pltpu.SemaphoreType.DMA((NBUF,)),
        ],
    )(out4, tgt4)


@jax.jit
def kernel(output, target):
    out4 = output.reshape(B, C, ROWS, 128)
    tgt4 = target.reshape(B, ROWS, 128)

    tc = _tc_counts(out4, tgt4)
    tc_counts = tc[:, :12].sum(axis=2).reshape(B, C, 3)
    pred_cnt = tc_counts[:, :, 0]
    tgt_cnt = tc_counts[:, :, 1]
    inter = tc_counts[:, :, 2]

    if N_SC:
        out1 = output.reshape(B * C * N)
        tgt1 = target.reshape(B * N)
        partials = _sc_partials(out1, tgt1)
        m = partials.reshape(NW, B, C, C, LANES).sum(axis=(0, 4))
        m = m.astype(jnp.float32)
        pred_cnt = pred_cnt + m.sum(axis=2)
        tgt_cnt = tgt_cnt + m.sum(axis=1)
        inter = inter + jnp.diagonal(m, axis1=1, axis2=2)

    dice = (2.0 * inter) / (pred_cnt + tgt_cnt + 1e-5)
    return jnp.mean(dice, axis=0)

# --- scband reference (transcript-rebuilt; emitter-appended) ---
"""Pipeline reference for scband-dice-score-11364483465346 (READ-ONLY COPY).

The authoritative reference and input builder live on the scoring server;
editing this copy changes nothing except your own understanding.
"""

import jax, jax.numpy as jnp
import numpy as np


def setup_inputs(seed: int = 0) -> dict:
    key = jax.random.key(seed)
    k1, k2 = jax.random.split(key)
    output = jax.random.normal(k1, (2, 4, 64, 256, 256), dtype=jnp.float32)
    target = jax.random.randint(k2, (2, 1, 64, 256, 256), 0, 4, dtype=jnp.int32)
    return {"output": output, "target": target}


def _one_hot_ch(label, num_classes):
    # label: (N, D, H, W) int -> (N, C, D, H, W) float32, equivalent to
    # torch.zeros((N, C, D, H, W)).scatter_(1, label, 1)
    return jax.nn.one_hot(label, num_classes, dtype=jnp.float32, axis=1)


def reference(output, target):
    # output: float32[B, C, D, H, W] log-probabilities
    # target: int[B, 1, D, H, W] class labels
    num_classes = output.shape[1]
    target_oh = _one_hot_ch(target[:, 0], num_classes)
    pred = jnp.argmax(output, axis=1)
    output_oh = _one_hot_ch(pred, num_classes)
    reduce_axes = (2, 3, 4)
    intersection = 2.0 * jnp.sum(output_oh * target_oh, axis=reduce_axes)
    union = jnp.sum(output_oh, axis=reduce_axes) + jnp.sum(target_oh, axis=reduce_axes)
    smooth = 1e-05
    dice_score = intersection / (union + smooth)
    return jnp.mean(dice_score, axis=0)

if __name__ == "__main__":
    import jax
    _d = setup_inputs()
    print(jax.jit(kernel)(*tuple(_d.values())))

</pallas_src>

<mosaic_0001>
#map = affine_map<(d0, d1) -> (0)>
#map1 = affine_map<(d0, d1) -> (0, 0)>
module attributes {stable_mosaic.version = 14 : i64} {
  func.func @_sc_body(%arg0: i32, %arg1: i32, %arg2: memref<33554432xf32, #tpu.memory_space<hbm>>, %arg3: memref<8388608xi32, #tpu.memory_space<hbm>>, %arg4: memref<32x512xi32, #tpu.memory_space<hbm>>, %arg5: memref<8192xf32, #tpu.memory_space<vmem>>, %arg6: memref<8192xf32, #tpu.memory_space<vmem>>, %arg7: memref<8192xf32, #tpu.memory_space<vmem>>, %arg8: memref<8192xf32, #tpu.memory_space<vmem>>, %arg9: memref<8192xi32, #tpu.memory_space<vmem>>, %arg10: memref<8192xf32, #tpu.memory_space<vmem>>, %arg11: memref<8192xf32, #tpu.memory_space<vmem>>, %arg12: memref<8192xf32, #tpu.memory_space<vmem>>, %arg13: memref<8192xf32, #tpu.memory_space<vmem>>, %arg14: memref<8192xi32, #tpu.memory_space<vmem>>, %arg15: memref<512xi32, #tpu.memory_space<vmem>>, %arg16: memref<!tpu.dma_semaphore, #tpu.memory_space<semaphore_mem>>, %arg17: memref<!tpu.dma_semaphore, #tpu.memory_space<semaphore_mem>>) attributes {dimension_semantics = [#tpu.dimension_semantics<core_parallel>, #tpu.dimension_semantics<subcore_parallel>], iteration_bounds = array<i64: 2, 16>, scalar_prefetch = 0 : i64, scratch_operands = 13 : i64, tpu.core_type = #tpu.core_type<sc_vector_subcore>, window_params = [{transform_indices = #map}, {transform_indices = #map}, {transform_indices = #map1}]} {
    %mul3A = arith.constant 2 : i32
    %mul3A_0 = arith.muli %arg1, %mul3A : i32
    %add3A = arith.addi %mul3A_0, %arg0 : i32
    %broadcast_in_dim3A = arith.constant 0 : i32
    %broadcast_in_dim3A_1 = vector.broadcast %broadcast_in_dim3A : i32 to vector<16xi32>
    %swap3A = arith.constant 0 : index
    %swap3A_2 = tpu.vector_load %arg15[%swap3A] {strides = array<i32>} : memref<512xi32, #tpu.memory_space<vmem>>, vector<16xi32>,
    tpu.vector_store %arg15[%swap3A], %broadcast_in_dim3A_1 {strides = array<i32>} : memref<512xi32, #tpu.memory_space<vmem>>, vector<16xi32>,
    %swap3A_3 = arith.constant 16 : index
    %swap3A_4 = tpu.vector_load %arg15[%swap3A_3] {strides = array<i32>} : memref<512xi32, #tpu.memory_space<vmem>>, vector<16xi32>,
    tpu.vector_store %arg15[%swap3A_3], %broadcast_in_dim3A_1 {strides = array<i32>} : memref<512xi32, #tpu.memory_space<vmem>>, vector<16xi32>,
    %swap3A_5 = arith.constant 32 : index
    %swap3A_6 = tpu.vector_load %arg15[%swap3A_5] {strides = array<i32>} : memref<512xi32, #tpu.memory_space<vmem>>, vector<16xi32>,
    tpu.vector_store %arg15[%swap3A_5], %broadcast_in_dim3A_1 {strides = array<i32>} : memref<512xi32, #tpu.memory_space<vmem>>, vector<16xi32>,
    %swap3A_7 = arith.constant 48 : index
    %swap3A_8 = tpu.vector_load %arg15[%swap3A_7] {strides = array<i32>} : memref<512xi32, #tpu.memory_space<vmem>>, vector<16xi32>,
    tpu.vector_store %arg15[%swap3A_7], %broadcast_in_dim3A_1 {strides = array<i32>} : memref<512xi32, #tpu.memory_space<vmem>>, vector<16xi32>,
    %swap3A_9 = arith.constant 64 : index
    %swap3A_10 = tpu.vector_load %arg15[%swap3A_9] {strides = array<i32>} : memref<512xi32, #tpu.memory_space<vmem>>, vector<16xi32>,
    tpu.vector_store %arg15[%swap3A_9], %broadcast_in_dim3A_1 {strides = array<i32>} : memref<512xi32, #tpu.memory_space<vmem>>, vector<16xi32>,
    %swap3A_11 = arith.constant 80 : index
    %swap3A_12 = tpu.vector_load %arg15[%swap3A_11] {strides = array<i32>} : memref<512xi32, #tpu.memory_space<vmem>>, vector<16xi32>,
    tpu.vector_store %arg15[%swap3A_11], %broadcast_in_dim3A_1 {strides = array<i32>} : memref<512xi32, #tpu.memory_space<vmem>>, vector<16xi32>,
    %swap3A_13 = arith.constant 96 : index
    %swap3A_14 = tpu.vector_load %arg15[%swap3A_13] {strides = array<i32>} : memref<512xi32, #tpu.memory_space<vmem>>, vector<16xi32>,
    tpu.vector_store %arg15[%swap3A_13], %broadcast_in_dim3A_1 {strides = array<i32>} : memref<512xi32, #tpu.memory_space<vmem>>, vector<16xi32>,
    %swap3A_15 = arith.constant 112 : index
    %swap3A_16 = tpu.vector_load %arg15[%swap3A_15] {strides = array<i32>} : memref<512xi32, #tpu.memory_space<vmem>>, vector<16xi32>,
    tpu.vector_store %arg15[%swap3A_15], %broadcast_in_dim3A_1 {strides = array<i32>} : memref<512xi32, #tpu.memory_space<vmem>>, vector<16xi32>,
    %swap3A_17 = arith.constant 128 : index
    %swap3A_18 = tpu.vector_load %arg15[%swap3A_17] {strides = array<i32>} : memref<512xi32, #tpu.memory_space<vmem>>, vector<16xi32>,
    tpu.vector_store %arg15[%swap3A_17], %broadcast_in_dim3A_1 {strides = array<i32>} : memref<512xi32, #tpu.memory_space<vmem>>, vector<16xi32>,
    %swap3A_19 = arith.constant 144 : index
    %swap3A_20 = tpu.vector_load %arg15[%swap3A_19] {strides = array<i32>} : memref<512xi32, #tpu.memory_space<vmem>>, vector<16xi32>,
    tpu.vector_store %arg15[%swap3A_19], %broadcast_in_dim3A_1 {strides = array<i32>} : memref<512xi32, #tpu.memory_space<vmem>>, vector<16xi32>,
    %swap3A_21 = arith.constant 160 : index
    %swap3A_22 = tpu.vector_load %arg15[%swap3A_21] {strides = array<i32>} : memref<512xi32, #tpu.memory_space<vmem>>, vector<16xi32>,
    tpu.vector_store %arg15[%swap3A_21], %broadcast_in_dim3A_1 {strides = array<i32>} : memref<512xi32, #tpu.memory_space<vmem>>, vector<16xi32>,
    %swap3A_23 = arith.constant 176 : index
    %swap3A_24 = tpu.vector_load %arg15[%swap3A_23] {strides = array<i32>} : memref<512xi32, #tpu.memory_space<vmem>>, vector<16xi32>,
    tpu.vector_store %arg15[%swap3A_23], %broadcast_in_dim3A_1 {strides = array<i32>} : memref<512xi32, #tpu.memory_space<vmem>>, vector<16xi32>,
    %swap3A_25 = arith.constant 192 : index
    %swap3A_26 = tpu.vector_load %arg15[%swap3A_25] {strides = array<i32>} : memref<512xi32, #tpu.memory_space<vmem>>, vector<16xi32>,
    tpu.vector_store %arg15[%swap3A_25], %broadcast_in_dim3A_1 {strides = array<i32>} : memref<512xi32, #tpu.memory_space<vmem>>, vector<16xi32>,
    %swap3A_27 = arith.constant 208 : index
    %swap3A_28 = tpu.vector_load %arg15[%swap3A_27] {strides = array<i32>} : memref<512xi32, #tpu.memory_space<vmem>>, vector<16xi32>,
    tpu.vector_store %arg15[%swap3A_27], %broadcast_in_dim3A_1 {strides = array<i32>} : memref<512xi32, #tpu.memory_space<vmem>>, vector<16xi32>,
    %swap3A_29 = arith.constant 224 : index
    %swap3A_30 = tpu.vector_load %arg15[%swap3A_29] {strides = array<i32>} : memref<512xi32, #tpu.memory_space<vmem>>, vector<16xi32>,
    tpu.vector_store %arg15[%swap3A_29], %broadcast_in_dim3A_1 {strides = array<i32>} : memref<512xi32, #tpu.memory_space<vmem>>, vector<16xi32>,
    %swap3A_31 = arith.constant 240 : index
    %swap3A_32 = tpu.vector_load %arg15[%swap3A_31] {strides = array<i32>} : memref<512xi32, #tpu.memory_space<vmem>>, vector<16xi32>,
    tpu.vector_store %arg15[%swap3A_31], %broadcast_in_dim3A_1 {strides = array<i32>} : memref<512xi32, #tpu.memory_space<vmem>>, vector<16xi32>,
    %swap3A_33 = arith.constant 256 : index
    %swap3A_34 = tpu.vector_load %arg15[%swap3A_33] {strides = array<i32>} : memref<512xi32, #tpu.memory_space<vmem>>, vector<16xi32>,
    tpu.vector_store %arg15[%swap3A_33], %broadcast_in_dim3A_1 {strides = array<i32>} : memref<512xi32, #tpu.memory_space<vmem>>, vector<16xi32>,
    %swap3A_35 = arith.constant 272 : index
    %swap3A_36 = tpu.vector_load %arg15[%swap3A_35] {strides = array<i32>} : memref<512xi32, #tpu.memory_space<vmem>>, vector<16xi32>,
    tpu.vector_store %arg15[%swap3A_35], %broadcast_in_dim3A_1 {strides = array<i32>} : memref<512xi32, #tpu.memory_space<vmem>>, vector<16xi32>,
    %swap3A_37 = arith.constant 288 : index
    %swap3A_38 = tpu.vector_load %arg15[%swap3A_37] {strides = array<i32>} : memref<512xi32, #tpu.memory_space<vmem>>, vector<16xi32>,
    tpu.vector_store %arg15[%swap3A_37], %broadcast_in_dim3A_1 {strides = array<i32>} : memref<512xi32, #tpu.memory_space<vmem>>, vector<16xi32>,
    %swap3A_39 = arith.constant 304 : index
    %swap3A_40 = tpu.vector_load %arg15[%swap3A_39] {strides = array<i32>} : memref<512xi32, #tpu.memory_space<vmem>>, vector<16xi32>,
    tpu.vector_store %arg15[%swap3A_39], %broadcast_in_dim3A_1 {strides = array<i32>} : memref<512xi32, #tpu.memory_space<vmem>>, vector<16xi32>,
    %swap3A_41 = arith.constant 320 : index
    %swap3A_42 = tpu.vector_load %arg15[%swap3A_41] {strides = array<i32>} : memref<512xi32, #tpu.memory_space<vmem>>, vector<16xi32>,
    tpu.vector_store %arg15[%swap3A_41], %broadcast_in_dim3A_1 {strides = array<i32>} : memref<512xi32, #tpu.memory_space<vmem>>, vector<16xi32>,
    %swap3A_43 = arith.constant 336 : index
    %swap3A_44 = tpu.vector_load %arg15[%swap3A_43] {strides = array<i32>} : memref<512xi32, #tpu.memory_space<vmem>>, vector<16xi32>,
    tpu.vector_store %arg15[%swap3A_43], %broadcast_in_dim3A_1 {strides = array<i32>} : memref<512xi32, #tpu.memory_space<vmem>>, vector<16xi32>,
    %swap3A_45 = arith.constant 352 : index
    %swap3A_46 = tpu.vector_load %arg15[%swap3A_45] {strides = array<i32>} : memref<512xi32, #tpu.memory_space<vmem>>, vector<16xi32>,
    tpu.vector_store %arg15[%swap3A_45], %broadcast_in_dim3A_1 {strides = array<i32>} : memref<512xi32, #tpu.memory_space<vmem>>, vector<16xi32>,
    %swap3A_47 = arith.constant 368 : index
    %swap3A_48 = tpu.vector_load %arg15[%swap3A_47] {strides = array<i32>} : memref<512xi32, #tpu.memory_space<vmem>>, vector<16xi32>,
    tpu.vector_store %arg15[%swap3A_47], %broadcast_in_dim3A_1 {strides = array<i32>} : memref<512xi32, #tpu.memory_space<vmem>>, vector<16xi32>,
    %swap3A_49 = arith.constant 384 : index
    %swap3A_50 = tpu.vector_load %arg15[%swap3A_49] {strides = array<i32>} : memref<512xi32, #tpu.memory_space<vmem>>, vector<16xi32>,
    tpu.vector_store %arg15[%swap3A_49], %broadcast_in_dim3A_1 {strides = array<i32>} : memref<512xi32, #tpu.memory_space<vmem>>, vector<16xi32>,
    %swap3A_51 = arith.constant 400 : index
    %swap3A_52 = tpu.vector_load %arg15[%swap3A_51] {strides = array<i32>} : memref<512xi32, #tpu.memory_space<vmem>>, vector<16xi32>,
    tpu.vector_store %arg15[%swap3A_51], %broadcast_in_dim3A_1 {strides = array<i32>} : memref<512xi32, #tpu.memory_space<vmem>>, vector<16xi32>,
    %swap3A_53 = arith.constant 416 : index
    %swap3A_54 = tpu.vector_load %arg15[%swap3A_53] {strides = array<i32>} : memref<512xi32, #tpu.memory_space<vmem>>, vector<16xi32>,
    tpu.vector_store %arg15[%swap3A_53], %broadcast_in_dim3A_1 {strides = array<i32>} : memref<512xi32, #tpu.memory_space<vmem>>, vector<16xi32>,
    %swap3A_55 = arith.constant 432 : index
    %swap3A_56 = tpu.vector_load %arg15[%swap3A_55] {strides = array<i32>} : memref<512xi32, #tpu.memory_space<vmem>>, vector<16xi32>,
    tpu.vector_store %arg15[%swap3A_55], %broadcast_in_dim3A_1 {strides = array<i32>} : memref<512xi32, #tpu.memory_space<vmem>>, vector<16xi32>,
    %swap3A_57 = arith.constant 448 : index
    %swap3A_58 = tpu.vector_load %arg15[%swap3A_57] {strides = array<i32>} : memref<512xi32, #tpu.memory_space<vmem>>, vector<16xi32>,
    tpu.vector_store %arg15[%swap3A_57], %broadcast_in_dim3A_1 {strides = array<i32>} : memref<512xi32, #tpu.memory_space<vmem>>, vector<16xi32>,
    %swap3A_59 = arith.constant 464 : index
    %swap3A_60 = tpu.vector_load %arg15[%swap3A_59] {strides = array<i32>} : memref<512xi32, #tpu.memory_space<vmem>>, vector<16xi32>,
    tpu.vector_store %arg15[%swap3A_59], %broadcast_in_dim3A_1 {strides = array<i32>} : memref<512xi32, #tpu.memory_space<vmem>>, vector<16xi32>,
    %swap3A_61 = arith.constant 480 : index
    %swap3A_62 = tpu.vector_load %arg15[%swap3A_61] {strides = array<i32>} : memref<512xi32, #tpu.memory_space<vmem>>, vector<16xi32>,
    tpu.vector_store %arg15[%swap3A_61], %broadcast_in_dim3A_1 {strides = array<i32>} : memref<512xi32, #tpu.memory_space<vmem>>, vector<16xi32>,
    %swap3A_63 = arith.constant 496 : index
    %swap3A_64 = tpu.vector_load %arg15[%swap3A_63] {strides = array<i32>} : memref<512xi32, #tpu.memory_space<vmem>>, vector<16xi32>,
    tpu.vector_store %arg15[%swap3A_63], %broadcast_in_dim3A_1 {strides = array<i32>} : memref<512xi32, #tpu.memory_space<vmem>>, vector<16xi32>,
    %iota3A = tpu.iota {dimensions = array<i32: 0>} : vector<16xi32>
    %broadcast_in_dim3A_65 = arith.constant 1 : i32
    %broadcast_in_dim3A_66 = vector.broadcast %broadcast_in_dim3A_65 : i32 to vector<16xi32>
    %shift_right_logical3A = arith.constant 0 : i32
    %shift_right_logical3A_67 = arith.constant 3 : i32
    %shift_right_logical3A_68 = arith.shrui %shift_right_logical3A, %shift_right_logical3A_67 : i32
    %and3A = arith.constant 0 : i32
    %and3A_69 = arith.constant 7 : i32
    %and3A_70 = arith.andi %and3A, %and3A_69 : i32
    %mul3A_71 = arith.constant 65536 : i32
    %mul3A_72 = arith.muli %add3A, %mul3A_71 : i32
    %mul3A_73 = arith.constant 8192 : i32
    %mul3A_74 = arith.muli %and3A_70, %mul3A_73 : i32
    %add3A_75 = arith.addi %mul3A_72, %mul3A_74 : i32
    %mul3A_76 = arith.constant 4 : i32
    %mul3A_77 = arith.muli %shift_right_logical3A_68, %mul3A_76 : i32
    %add3A_78 = arith.constant 0 : i32
    %add3A_79 = arith.addi %mul3A_77, %add3A_78 : i32
    %mul3A_80 = arith.constant 4194304 : i32
    %mul3A_81 = arith.muli %add3A_79, %mul3A_80 : i32
    %add3A_82 = arith.addi %mul3A_81, %add3A_75 : i32
    %mul3A_83 = arith.constant 4 : i32
    %mul3A_84 = arith.muli %shift_right_logical3A_68, %mul3A_83 : i32
    %add3A_85 = arith.constant 1 : i32
    %add3A_86 = arith.addi %mul3A_84, %add3A_85 : i32
    %mul3A_87 = arith.constant 4194304 : i32
    %mul3A_88 = arith.muli %add3A_86, %mul3A_87 : i32
    %add3A_89 = arith.addi %mul3A_88, %add3A_75 : i32
    %mul3A_90 = arith.constant 4 : i32
    %mul3A_91 = arith.muli %shift_right_logical3A_68, %mul3A_90 : i32
    %add3A_92 = arith.constant 2 : i32
    %add3A_93 = arith.addi %mul3A_91, %add3A_92 : i32
    %mul3A_94 = arith.constant 4194304 : i32
    %mul3A_95 = arith.muli %add3A_93, %mul3A_94 : i32
    %add3A_96 = arith.addi %mul3A_95, %add3A_75 : i32
    %mul3A_97 = arith.constant 4 : i32
    %mul3A_98 = arith.muli %shift_right_logical3A_68, %mul3A_97 : i32
    %add3A_99 = arith.constant 3 : i32
    %add3A_100 = arith.addi %mul3A_98, %add3A_99 : i32
    %mul3A_101 = arith.constant 4194304 : i32
    %mul3A_102 = arith.muli %add3A_100, %mul3A_101 : i32
    %add3A_103 = arith.addi %mul3A_102, %add3A_75 : i32
    %mul3A_104 = arith.constant 4194304 : i32
    %mul3A_105 = arith.muli %shift_right_logical3A_68, %mul3A_104 : i32
    %add3A_106 = arith.addi %mul3A_105, %add3A_75 : i32
    %dma_start3A = tpu.memref_slice %arg2[%add3A_82] : memref<33554432xf32, #tpu.memory_space<hbm>> -> memref<8192xf32, #tpu.memory_space<hbm>>
    %dma_start3A_107 = tpu.memref_slice %arg2[%add3A_82] : memref<33554432xf32, #tpu.memory_space<hbm>> -> memref<8192xf32, #tpu.memory_space<hbm>>
    tpu.enqueue_dma source(%dma_start3A_107 : memref<8192xf32, #tpu.memory_space<hbm>>) target(%arg5 : memref<8192xf32, #tpu.memory_space<vmem>>) target_semaphore(%arg16 : memref<!tpu.dma_semaphore, #tpu.memory_space<semaphore_mem>>)
    %dma_start3A_108 = tpu.memref_slice %arg2[%add3A_89] : memref<33554432xf32, #tpu.memory_space<hbm>> -> memref<8192xf32, #tpu.memory_space<hbm>>
    %dma_start3A_109 = tpu.memref_slice %arg2[%add3A_89] : memref<33554432xf32, #tpu.memory_space<hbm>> -> memref<8192xf32, #tpu.memory_space<hbm>>
    tpu.enqueue_dma source(%dma_start3A_109 : memref<8192xf32, #tpu.memory_space<hbm>>) target(%arg6 : memref<8192xf32, #tpu.memory_space<vmem>>) target_semaphore(%arg16 : memref<!tpu.dma_semaphore, #tpu.memory_space<semaphore_mem>>)
    %dma_start3A_110 = tpu.memref_slice %arg2[%add3A_96] : memref<33554432xf32, #tpu.memory_space<hbm>> -> memref<8192xf32, #tpu.memory_space<hbm>>
    %dma_start3A_111 = tpu.memref_slice %arg2[%add3A_96] : memref<33554432xf32, #tpu.memory_space<hbm>> -> memref<8192xf32, #tpu.memory_space<hbm>>
    tpu.enqueue_dma source(%dma_start3A_111 : memref<8192xf32, #tpu.memory_space<hbm>>) target(%arg7 : memref<8192xf32, #tpu.memory_space<vmem>>) target_semaphore(%arg16 : memref<!tpu.dma_semaphore, #tpu.memory_space<semaphore_mem>>)
    %dma_start3A_112 = tpu.memref_slice %arg2[%add3A_103] : memref<33554432xf32, #tpu.memory_space<hbm>> -> memref<8192xf32, #tpu.memory_space<hbm>>
    %dma_start3A_113 = tpu.memref_slice %arg2[%add3A_103] : memref<33554432xf32, #tpu.memory_space<hbm>> -> memref<8192xf32, #tpu.memory_space<hbm>>
    tpu.enqueue_dma source(%dma_start3A_113 : memref<8192xf32, #tpu.memory_space<hbm>>) target(%arg8 : memref<8192xf32, #tpu.memory_space<vmem>>) target_semaphore(%arg16 : memref<!tpu.dma_semaphore, #tpu.memory_space<semaphore_mem>>)
    %dma_start3A_114 = tpu.memref_slice %arg3[%add3A_106] : memref<8388608xi32, #tpu.memory_space<hbm>> -> memref<8192xi32, #tpu.memory_space<hbm>>
    %dma_start3A_115 = tpu.memref_slice %arg3[%add3A_106] : memref<8388608xi32, #tpu.memory_space<hbm>> -> memref<8192xi32, #tpu.memory_space<hbm>>
    tpu.enqueue_dma source(%dma_start3A_115 : memref<8192xi32, #tpu.memory_space<hbm>>) target(%arg9 : memref<8192xi32, #tpu.memory_space<vmem>>) target_semaphore(%arg16 : memref<!tpu.dma_semaphore, #tpu.memory_space<semaphore_mem>>)
    %scan3A = arith.constant 0 : i32
    %scan3A_116 = arith.constant 0 : i32
    %scan3A_117 = arith.constant 8 : i32
    %scan3A_118 = arith.addi %scan3A_116, %scan3A_117 : i32
    %scan3A_119 = arith.constant 1 : i32
    scf.for %scan3A_121 = %scan3A_116 to %scan3A_118 step %scan3A_119  : i32 {
      %mul3A_122 = arith.constant 2 : i32
      %mul3A_123 = arith.muli %mul3A_122, %scan3A_121 : i32
      %add3A_124 = arith.constant 0 : i32
      %add3A_125 = arith.addi %mul3A_123, %add3A_124 : i32
      %add3A_126 = arith.constant 1 : i32
      %add3A_127 = arith.addi %add3A_125, %add3A_126 : i32
      %lt3A = arith.constant 16 : i32
      %lt3A_128 = arith.cmpi slt, %add3A_127, %lt3A : i32
      %convert_element_type3A = arith.extui %lt3A_128 : i1 to i32
      %cond3A = arith.constant 0 : i32
      %cond3A_129 = arith.cmpi ne, %convert_element_type3A, %cond3A : i32
      scf.if %cond3A_129 {
        %add3A_257 = arith.constant 1 : i32
        %add3A_258 = arith.addi %add3A_125, %add3A_257 : i32
        %shift_right_logical3A_259 = arith.constant 3 : i32
        %shift_right_logical3A_260 = arith.shrui %add3A_258, %shift_right_logical3A_259 : i32
        %and3A_261 = arith.constant 7 : i32
        %and3A_262 = arith.andi %add3A_258, %and3A_261 : i32
        %mul3A_263 = arith.constant 65536 : i32
        %mul3A_264 = arith.muli %add3A, %mul3A_263 : i32
        %mul3A_265 = arith.constant 8192 : i32
        %mul3A_266 = arith.muli %and3A_262, %mul3A_265 : i32
        %add3A_267 = arith.addi %mul3A_264, %mul3A_266 : i32
        %mul3A_268 = arith.constant 4 : i32
        %mul3A_269 = arith.muli %shift_right_logical3A_260, %mul3A_268 : i32
        %add3A_270 = arith.constant 0 : i32
        %add3A_271 = arith.addi %mul3A_269, %add3A_270 : i32
        %mul3A_272 = arith.constant 4194304 : i32
        %mul3A_273 = arith.muli %add3A_271, %mul3A_272 : i32
        %add3A_274 = arith.addi %mul3A_273, %add3A_267 : i32
        %mul3A_275 = arith.constant 4 : i32
        %mul3A_276 = arith.muli %shift_right_logical3A_260, %mul3A_275 : i32
        %add3A_277 = arith.constant 1 : i32
        %add3A_278 = arith.addi %mul3A_276, %add3A_277 : i32
        %mul3A_279 = arith.constant 4194304 : i32
        %mul3A_280 = arith.muli %add3A_278, %mul3A_279 : i32
        %add3A_281 = arith.addi %mul3A_280, %add3A_267 : i32
        %mul3A_282 = arith.constant 4 : i32
        %mul3A_283 = arith.muli %shift_right_logical3A_260, %mul3A_282 : i32
        %add3A_284 = arith.constant 2 : i32
        %add3A_285 = arith.addi %mul3A_283, %add3A_284 : i32
        %mul3A_286 = arith.constant 4194304 : i32
        %mul3A_287 = arith.muli %add3A_285, %mul3A_286 : i32
        %add3A_288 = arith.addi %mul3A_287, %add3A_267 : i32
        %mul3A_289 = arith.constant 4 : i32
        %mul3A_290 = arith.muli %shift_right_logical3A_260, %mul3A_289 : i32
        %add3A_291 = arith.constant 3 : i32
        %add3A_292 = arith.addi %mul3A_290, %add3A_291 : i32
        %mul3A_293 = arith.constant 4194304 : i32
        %mul3A_294 = arith.muli %add3A_292, %mul3A_293 : i32
        %add3A_295 = arith.addi %mul3A_294, %add3A_267 : i32
        %mul3A_296 = arith.constant 4194304 : i32
        %mul3A_297 = arith.muli %shift_right_logical3A_260, %mul3A_296 : i32
        %add3A_298 = arith.addi %mul3A_297, %add3A_267 : i32
        %dma_start3A_299 = tpu.memref_slice %arg2[%add3A_274] : memref<33554432xf32, #tpu.memory_space<hbm>> -> memref<8192xf32, #tpu.memory_space<hbm>>
        %dma_start3A_300 = tpu.memref_slice %arg2[%add3A_274] : memref<33554432xf32, #tpu.memory_space<hbm>> -> memref<8192xf32, #tpu.memory_space<hbm>>
        tpu.enqueue_dma source(%dma_start3A_300 : memref<8192xf32, #tpu.memory_space<hbm>>) target(%arg10 : memref<8192xf32, #tpu.memory_space<vmem>>) target_semaphore(%arg17 : memref<!tpu.dma_semaphore, #tpu.memory_space<semaphore_mem>>)
        %dma_start3A_301 = tpu.memref_slice %arg2[%add3A_281] : memref<33554432xf32, #tpu.memory_space<hbm>> -> memref<8192xf32, #tpu.memory_space<hbm>>
        %dma_start3A_302 = tpu.memref_slice %arg2[%add3A_281] : memref<33554432xf32, #tpu.memory_space<hbm>> -> memref<8192xf32, #tpu.memory_space<hbm>>
        tpu.enqueue_dma source(%dma_start3A_302 : memref<8192xf32, #tpu.memory_space<hbm>>) target(%arg11 : memref<8192xf32, #tpu.memory_space<vmem>>) target_semaphore(%arg17 : memref<!tpu.dma_semaphore, #tpu.memory_space<semaphore_mem>>)
        %dma_start3A_303 = tpu.memref_slice %arg2[%add3A_288] : memref<33554432xf32, #tpu.memory_space<hbm>> -> memref<8192xf32, #tpu.memory_space<hbm>>
        %dma_start3A_304 = tpu.memref_slice %arg2[%add3A_288] : memref<33554432xf32, #tpu.memory_space<hbm>> -> memref<8192xf32, #tpu.memory_space<hbm>>
        tpu.enqueue_dma source(%dma_start3A_304 : memref<8192xf32, #tpu.memory_space<hbm>>) target(%arg12 : memref<8192xf32, #tpu.memory_space<vmem>>) target_semaphore(%arg17 : memref<!tpu.dma_semaphore, #tpu.memory_space<semaphore_mem>>)
        %dma_start3A_305 = tpu.memref_slice %arg2[%add3A_295] : memref<33554432xf32, #tpu.memory_space<hbm>> -> memref<8192xf32, #tpu.memory_space<hbm>>
        %dma_start3A_306 = tpu.memref_slice %arg2[%add3A_295] : memref<33554432xf32, #tpu.memory_space<hbm>> -> memref<8192xf32, #tpu.memory_space<hbm>>
        tpu.enqueue_dma source(%dma_start3A_306 : memref<8192xf32, #tpu.memory_space<hbm>>) target(%arg13 : memref<8192xf32, #tpu.memory_space<vmem>>) target_semaphore(%arg17 : memref<!tpu.dma_semaphore, #tpu.memory_space<semaphore_mem>>)
        %dma_start3A_307 = tpu.memref_slice %arg3[%add3A_298] : memref<8388608xi32, #tpu.memory_space<hbm>> -> memref<8192xi32, #tpu.memory_space<hbm>>
        %dma_start3A_308 = tpu.memref_slice %arg3[%add3A_298] : memref<8388608xi32, #tpu.memory_space<hbm>> -> memref<8192xi32, #tpu.memory_space<hbm>>
        tpu.enqueue_dma source(%dma_start3A_308 : memref<8192xi32, #tpu.memory_space<hbm>>) target(%arg14 : memref<8192xi32, #tpu.memory_space<vmem>>) target_semaphore(%arg17 : memref<!tpu.dma_semaphore, #tpu.memory_space<semaphore_mem>>)
      } else {
      }
      %shift_right_logical3A_130 = arith.constant 3 : i32
      %shift_right_logical3A_131 = arith.shrui %add3A_125, %shift_right_logical3A_130 : i32
      %and3A_132 = arith.constant 7 : i32
      %and3A_133 = arith.andi %add3A_125, %and3A_132 : i32
      %mul3A_134 = arith.constant 65536 : i32
      %mul3A_135 = arith.muli %add3A, %mul3A_134 : i32
      %mul3A_136 = arith.constant 8192 : i32
      %mul3A_137 = arith.muli %and3A_133, %mul3A_136 : i32
      %add3A_138 = arith.addi %mul3A_135, %mul3A_137 : i32
      %mul3A_139 = arith.constant 4 : i32
      %mul3A_140 = arith.muli %shift_right_logical3A_131, %mul3A_139 : i32
      %add3A_141 = arith.constant 0 : i32
      %add3A_142 = arith.addi %mul3A_140, %add3A_141 : i32
      %mul3A_143 = arith.constant 4194304 : i32
      %mul3A_144 = arith.muli %add3A_142, %mul3A_143 : i32
      %add3A_145 = arith.addi %mul3A_144, %add3A_138 : i32
      %mul3A_146 = arith.constant 4 : i32
      %mul3A_147 = arith.muli %shift_right_logical3A_131, %mul3A_146 : i32
      %add3A_148 = arith.constant 1 : i32
      %add3A_149 = arith.addi %mul3A_147, %add3A_148 : i32
      %mul3A_150 = arith.constant 4194304 : i32
      %mul3A_151 = arith.muli %add3A_149, %mul3A_150 : i32
      %add3A_152 = arith.addi %mul3A_151, %add3A_138 : i32
      %mul3A_153 = arith.constant 4 : i32
      %mul3A_154 = arith.muli %shift_right_logical3A_131, %mul3A_153 : i32
      %add3A_155 = arith.constant 2 : i32
      %add3A_156 = arith.addi %mul3A_154, %add3A_155 : i32
      %mul3A_157 = arith.constant 4194304 : i32
      %mul3A_158 = arith.muli %add3A_156, %mul3A_157 : i32
      %add3A_159 = arith.addi %mul3A_158, %add3A_138 : i32
      %mul3A_160 = arith.constant 4 : i32
      %mul3A_161 = arith.muli %shift_right_logical3A_131, %mul3A_160 : i32
      %add3A_162 = arith.constant 3 : i32
      %add3A_163 = arith.addi %mul3A_161, %add3A_162 : i32
      %mul3A_164 = arith.constant 4194304 : i32
      %mul3A_165 = arith.muli %add3A_163, %mul3A_164 : i32
      %add3A_166 = arith.addi %mul3A_165, %add3A_138 : i32
      %mul3A_167 = arith.constant 4194304 : i32
      %mul3A_168 = arith.muli %shift_right_logical3A_131, %mul3A_167 : i32
      %add3A_169 = arith.addi %mul3A_168, %add3A_138 : i32
      %dma_wait3A = tpu.memref_slice %arg2[%add3A_145] : memref<33554432xf32, #tpu.memory_space<hbm>> -> memref<8192xf32, #tpu.memory_space<hbm>>
      %dma_wait3A_170 = tpu.memref_slice %arg2[%add3A_145] : memref<33554432xf32, #tpu.memory_space<hbm>> -> memref<8192xf32, #tpu.memory_space<hbm>>
      tpu.wait_dma2 semaphore(%arg16 : memref<!tpu.dma_semaphore, #tpu.memory_space<semaphore_mem>>) src(%dma_wait3A_170 : memref<8192xf32, #tpu.memory_space<hbm>>) dst(%arg5 : memref<8192xf32, #tpu.memory_space<vmem>>)
      %dma_wait3A_171 = tpu.memref_slice %arg2[%add3A_152] : memref<33554432xf32, #tpu.memory_space<hbm>> -> memref<8192xf32, #tpu.memory_space<hbm>>
      %dma_wait3A_172 = tpu.memref_slice %arg2[%add3A_152] : memref<33554432xf32, #tpu.memory_space<hbm>> -> memref<8192xf32, #tpu.memory_space<hbm>>
      tpu.wait_dma2 semaphore(%arg16 : memref<!tpu.dma_semaphore, #tpu.memory_space<semaphore_mem>>) src(%dma_wait3A_172 : memref<8192xf32, #tpu.memory_space<hbm>>) dst(%arg6 : memref<8192xf32, #tpu.memory_space<vmem>>)
      %dma_wait3A_173 = tpu.memref_slice %arg2[%add3A_159] : memref<33554432xf32, #tpu.memory_space<hbm>> -> memref<8192xf32, #tpu.memory_space<hbm>>
      %dma_wait3A_174 = tpu.memref_slice %arg2[%add3A_159] : memref<33554432xf32, #tpu.memory_space<hbm>> -> memref<8192xf32, #tpu.memory_space<hbm>>
      tpu.wait_dma2 semaphore(%arg16 : memref<!tpu.dma_semaphore, #tpu.memory_space<semaphore_mem>>) src(%dma_wait3A_174 : memref<8192xf32, #tpu.memory_space<hbm>>) dst(%arg7 : memref<8192xf32, #tpu.memory_space<vmem>>)
      %dma_wait3A_175 = tpu.memref_slice %arg2[%add3A_166] : memref<33554432xf32, #tpu.memory_space<hbm>> -> memref<8192xf32, #tpu.memory_space<hbm>>
      %dma_wait3A_176 = tpu.memref_slice %arg2[%add3A_166] : memref<33554432xf32, #tpu.memory_space<hbm>> -> memref<8192xf32, #tpu.memory_space<hbm>>
      tpu.wait_dma2 semaphore(%arg16 : memref<!tpu.dma_semaphore, #tpu.memory_space<semaphore_mem>>) src(%dma_wait3A_176 : memref<8192xf32, #tpu.memory_space<hbm>>) dst(%arg8 : memref<8192xf32, #tpu.memory_space<vmem>>)
      %dma_wait3A_177 = tpu.memref_slice %arg3[%add3A_169] : memref<8388608xi32, #tpu.memory_space<hbm>> -> memref<8192xi32, #tpu.memory_space<hbm>>
      %dma_wait3A_178 = tpu.memref_slice %arg3[%add3A_169] : memref<8388608xi32, #tpu.memory_space<hbm>> -> memref<8192xi32, #tpu.memory_space<hbm>>
      tpu.wait_dma2 semaphore(%arg16 : memref<!tpu.dma_semaphore, #tpu.memory_space<semaphore_mem>>) src(%dma_wait3A_178 : memref<8192xi32, #tpu.memory_space<hbm>>) dst(%arg9 : memref<8192xi32, #tpu.memory_space<vmem>>)
      %shift_right_logical3A_179 = arith.constant 3 : i32
      %shift_right_logical3A_180 = arith.shrui %add3A_125, %shift_right_logical3A_179 : i32
      %mul3A_181 = arith.constant 256 : i32
      %mul3A_182 = arith.muli %shift_right_logical3A_180, %mul3A_181 : i32
      %add3A_183 = vector.broadcast %mul3A_182 : i32 to vector<16xi32>
      %add3A_184 = arith.addi %iota3A, %add3A_183 : vector<16xi32>
      %parallel_loop3A = arith.constant 0 : i32
      %parallel_loop3A_185 = arith.constant 512 : i32
      %parallel_loop3A_186 = arith.constant 1 : i32
      scf.for %parallel_loop3A_257 = %parallel_loop3A to %parallel_loop3A_185 step %parallel_loop3A_186  : i32 {
        %parallel_loop3A_258 = arith.constant 16 : i32
        %parallel_loop3A_259 = arith.muli %parallel_loop3A_257, %parallel_loop3A_258 : i32
        %parallel_loop3A_260 = arith.index_cast %parallel_loop3A_259 : i32 to index
        %parallel_loop3A_261 = tpu.vector_load %arg5[%parallel_loop3A_260] {strides = array<i32>} : memref<8192xf32, #tpu.memory_space<vmem>>, vector<16xf32>,
        %parallel_loop3A_262 = arith.index_cast %parallel_loop3A_259 : i32 to index
        %parallel_loop3A_263 = tpu.vector_load %arg6[%parallel_loop3A_262] {strides = array<i32>} : memref<8192xf32, #tpu.memory_space<vmem>>, vector<16xf32>,
        %parallel_loop3A_264 = arith.index_cast %parallel_loop3A_259 : i32 to index
        %parallel_loop3A_265 = tpu.vector_load %arg7[%parallel_loop3A_264] {strides = array<i32>} : memref<8192xf32, #tpu.memory_space<vmem>>, vector<16xf32>,
        %parallel_loop3A_266 = arith.index_cast %parallel_loop3A_259 : i32 to index
        %parallel_loop3A_267 = tpu.vector_load %arg8[%parallel_loop3A_266] {strides = array<i32>} : memref<8192xf32, #tpu.memory_space<vmem>>, vector<16xf32>,
        %parallel_loop3A_268 = arith.index_cast %parallel_loop3A_259 : i32 to index
        %parallel_loop3A_269 = tpu.vector_load %arg9[%parallel_loop3A_268] {strides = array<i32>} : memref<8192xi32, #tpu.memory_space<vmem>>, vector<16xi32>,
        %parallel_loop3A_270 = arith.maximumf %parallel_loop3A_261, %parallel_loop3A_263 : vector<16xf32>
        %parallel_loop3A_271 = arith.maximumf %parallel_loop3A_265, %parallel_loop3A_267 : vector<16xf32>
        %parallel_loop3A_272 = arith.cmpf ogt, %parallel_loop3A_263, %parallel_loop3A_261 : vector<16xf32>
        %parallel_loop3A_273 = arith.constant 1 : i32
        %parallel_loop3A_274 = vector.broadcast %parallel_loop3A_273 : i32 to vector<16xi32>
        %parallel_loop3A_275 = arith.constant 0 : i32
        %parallel_loop3A_276 = vector.broadcast %parallel_loop3A_275 : i32 to vector<16xi32>
        %parallel_loop3A_277 = arith.select %parallel_loop3A_272, %parallel_loop3A_274, %parallel_loop3A_276 : vector<16xi1>, vector<16xi32>
        %parallel_loop3A_278 = arith.cmpf ogt, %parallel_loop3A_267, %parallel_loop3A_265 : vector<16xf32>
        %parallel_loop3A_279 = arith.constant 3 : i32
        %parallel_loop3A_280 = vector.broadcast %parallel_loop3A_279 : i32 to vector<16xi32>
        %parallel_loop3A_281 = arith.constant 2 : i32
        %parallel_loop3A_282 = vector.broadcast %parallel_loop3A_281 : i32 to vector<16xi32>
        %parallel_loop3A_283 = arith.select %parallel_loop3A_278, %parallel_loop3A_280, %parallel_loop3A_282 : vector<16xi1>, vector<16xi32>
        %parallel_loop3A_284 = arith.cmpf ogt, %parallel_loop3A_271, %parallel_loop3A_270 : vector<16xf32>
        %parallel_loop3A_285 = arith.select %parallel_loop3A_284, %parallel_loop3A_283, %parallel_loop3A_277 : vector<16xi1>, vector<16xi32>
        %parallel_loop3A_286 = arith.constant 2 : i32
        %parallel_loop3A_287 = vector.broadcast %parallel_loop3A_286 : i32 to vector<16xi32>
        %parallel_loop3A_288 = arith.shli %parallel_loop3A_285, %parallel_loop3A_287 : vector<16xi32>
        %parallel_loop3A_289 = arith.addi %parallel_loop3A_288, %parallel_loop3A_269 : vector<16xi32>
        %parallel_loop3A_290 = arith.constant 4 : i32
        %parallel_loop3A_291 = vector.broadcast %parallel_loop3A_290 : i32 to vector<16xi32>
        %parallel_loop3A_292 = arith.shli %parallel_loop3A_289, %parallel_loop3A_291 : vector<16xi32>
        %parallel_loop3A_293 = arith.addi %parallel_loop3A_292, %add3A_184 : vector<16xi32>
        tpu.vector_store_idx %arg15[%parallel_loop3A_293], %broadcast_in_dim3A_66 {add = true} : memref<512xi32, #tpu.memory_space<vmem>>[vector<16xi32>], vector<16xi32>,
      } {sc.loop_unroll_factor = 4 : i64, sc.parallel_access}
      %mul3A_187 = arith.constant 2 : i32
      %mul3A_188 = arith.muli %mul3A_187, %scan3A_121 : i32
      %add3A_189 = arith.constant 1 : i32
      %add3A_190 = arith.addi %mul3A_188, %add3A_189 : i32
      %add3A_191 = arith.constant 1 : i32
      %add3A_192 = arith.addi %add3A_190, %add3A_191 : i32
      %lt3A_193 = arith.constant 16 : i32
      %lt3A_194 = arith.cmpi slt, %add3A_192, %lt3A_193 : i32
      %convert_element_type3A_195 = arith.extui %lt3A_194 : i1 to i32
      %cond3A_196 = arith.constant 0 : i32
      %cond3A_197 = arith.cmpi ne, %convert_element_type3A_195, %cond3A_196 : i32
      scf.if %cond3A_197 {
        %add3A_257 = arith.constant 1 : i32
        %add3A_258 = arith.addi %add3A_190, %add3A_257 : i32
        %shift_right_logical3A_259 = arith.constant 3 : i32
        %shift_right_logical3A_260 = arith.shrui %add3A_258, %shift_right_logical3A_259 : i32
        %and3A_261 = arith.constant 7 : i32
        %and3A_262 = arith.andi %add3A_258, %and3A_261 : i32
        %mul3A_263 = arith.constant 65536 : i32
        %mul3A_264 = arith.muli %add3A, %mul3A_263 : i32
        %mul3A_265 = arith.constant 8192 : i32
        %mul3A_266 = arith.muli %and3A_262, %mul3A_265 : i32
        %add3A_267 = arith.addi %mul3A_264, %mul3A_266 : i32
        %mul3A_268 = arith.constant 4 : i32
        %mul3A_269 = arith.muli %shift_right_logical3A_260, %mul3A_268 : i32
        %add3A_270 = arith.constant 0 : i32
        %add3A_271 = arith.addi %mul3A_269, %add3A_270 : i32
        %mul3A_272 = arith.constant 4194304 : i32
        %mul3A_273 = arith.muli %add3A_271, %mul3A_272 : i32
        %add3A_274 = arith.addi %mul3A_273, %add3A_267 : i32
        %mul3A_275 = arith.constant 4 : i32
        %mul3A_276 = arith.muli %shift_right_logical3A_260, %mul3A_275 : i32
        %add3A_277 = arith.constant 1 : i32
        %add3A_278 = arith.addi %mul3A_276, %add3A_277 : i32
        %mul3A_279 = arith.constant 4194304 : i32
        %mul3A_280 = arith.muli %add3A_278, %mul3A_279 : i32
        %add3A_281 = arith.addi %mul3A_280, %add3A_267 : i32
        %mul3A_282 = arith.constant 4 : i32
        %mul3A_283 = arith.muli %shift_right_logical3A_260, %mul3A_282 : i32
        %add3A_284 = arith.constant 2 : i32
        %add3A_285 = arith.addi %mul3A_283, %add3A_284 : i32
        %mul3A_286 = arith.constant 4194304 : i32
        %mul3A_287 = arith.muli %add3A_285, %mul3A_286 : i32
        %add3A_288 = arith.addi %mul3A_287, %add3A_267 : i32
        %mul3A_289 = arith.constant 4 : i32
        %mul3A_290 = arith.muli %shift_right_logical3A_260, %mul3A_289 : i32
        %add3A_291 = arith.constant 3 : i32
        %add3A_292 = arith.addi %mul3A_290, %add3A_291 : i32
        %mul3A_293 = arith.constant 4194304 : i32
        %mul3A_294 = arith.muli %add3A_292, %mul3A_293 : i32
        %add3A_295 = arith.addi %mul3A_294, %add3A_267 : i32
        %mul3A_296 = arith.constant 4194304 : i32
        %mul3A_297 = arith.muli %shift_right_logical3A_260, %mul3A_296 : i32
        %add3A_298 = arith.addi %mul3A_297, %add3A_267 : i32
        %dma_start3A_299 = tpu.memref_slice %arg2[%add3A_274] : memref<33554432xf32, #tpu.memory_space<hbm>> -> memref<8192xf32, #tpu.memory_space<hbm>>
        %dma_start3A_300 = tpu.memref_slice %arg2[%add3A_274] : memref<33554432xf32, #tpu.memory_space<hbm>> -> memref<8192xf32, #tpu.memory_space<hbm>>
        tpu.enqueue_dma source(%dma_start3A_300 : memref<8192xf32, #tpu.memory_space<hbm>>) target(%arg5 : memref<8192xf32, #tpu.memory_space<vmem>>) target_semaphore(%arg16 : memref<!tpu.dma_semaphore, #tpu.memory_space<semaphore_mem>>)
        %dma_start3A_301 = tpu.memref_slice %arg2[%add3A_281] : memref<33554432xf32, #tpu.memory_space<hbm>> -> memref<8192xf32, #tpu.memory_space<hbm>>
        %dma_start3A_302 = tpu.memref_slice %arg2[%add3A_281] : memref<33554432xf32, #tpu.memory_space<hbm>> -> memref<8192xf32, #tpu.memory_space<hbm>>
        tpu.enqueue_dma source(%dma_start3A_302 : memref<8192xf32, #tpu.memory_space<hbm>>) target(%arg6 : memref<8192xf32, #tpu.memory_space<vmem>>) target_semaphore(%arg16 : memref<!tpu.dma_semaphore, #tpu.memory_space<semaphore_mem>>)
        %dma_start3A_303 = tpu.memref_slice %arg2[%add3A_288] : memref<33554432xf32, #tpu.memory_space<hbm>> -> memref<8192xf32, #tpu.memory_space<hbm>>
        %dma_start3A_304 = tpu.memref_slice %arg2[%add3A_288] : memref<33554432xf32, #tpu.memory_space<hbm>> -> memref<8192xf32, #tpu.memory_space<hbm>>
        tpu.enqueue_dma source(%dma_start3A_304 : memref<8192xf32, #tpu.memory_space<hbm>>) target(%arg7 : memref<8192xf32, #tpu.memory_space<vmem>>) target_semaphore(%arg16 : memref<!tpu.dma_semaphore, #tpu.memory_space<semaphore_mem>>)
        %dma_start3A_305 = tpu.memref_slice %arg2[%add3A_295] : memref<33554432xf32, #tpu.memory_space<hbm>> -> memref<8192xf32, #tpu.memory_space<hbm>>
        %dma_start3A_306 = tpu.memref_slice %arg2[%add3A_295] : memref<33554432xf32, #tpu.memory_space<hbm>> -> memref<8192xf32, #tpu.memory_space<hbm>>
        tpu.enqueue_dma source(%dma_start3A_306 : memref<8192xf32, #tpu.memory_space<hbm>>) target(%arg8 : memref<8192xf32, #tpu.memory_space<vmem>>) target_semaphore(%arg16 : memref<!tpu.dma_semaphore, #tpu.memory_space<semaphore_mem>>)
        %dma_start3A_307 = tpu.memref_slice %arg3[%add3A_298] : memref<8388608xi32, #tpu.memory_space<hbm>> -> memref<8192xi32, #tpu.memory_space<hbm>>
        %dma_start3A_308 = tpu.memref_slice %arg3[%add3A_298] : memref<8388608xi32, #tpu.memory_space<hbm>> -> memref<8192xi32, #tpu.memory_space<hbm>>
        tpu.enqueue_dma source(%dma_start3A_308 : memref<8192xi32, #tpu.memory_space<hbm>>) target(%arg9 : memref<8192xi32, #tpu.memory_space<vmem>>) target_semaphore(%arg16 : memref<!tpu.dma_semaphore, #tpu.memory_space<semaphore_mem>>)
      } else {
      }
      %shift_right_logical3A_198 = arith.constant 3 : i32
      %shift_right_logical3A_199 = arith.shrui %add3A_190, %shift_right_logical3A_198 : i32
      %and3A_200 = arith.constant 7 : i32
      %and3A_201 = arith.andi %add3A_190, %and3A_200 : i32
      %mul3A_202 = arith.constant 65536 : i32
      %mul3A_203 = arith.muli %add3A, %mul3A_202 : i32
      %mul3A_204 = arith.constant 8192 : i32
      %mul3A_205 = arith.muli %and3A_201, %mul3A_204 : i32
      %add3A_206 = arith.addi %mul3A_203, %mul3A_205 : i32
      %mul3A_207 = arith.constant 4 : i32
      %mul3A_208 = arith.muli %shift_right_logical3A_199, %mul3A_207 : i32
      %add3A_209 = arith.constant 0 : i32
      %add3A_210 = arith.addi %mul3A_208, %add3A_209 : i32
      %mul3A_211 = arith.constant 4194304 : i32
      %mul3A_212 = arith.muli %add3A_210, %mul3A_211 : i32
      %add3A_213 = arith.addi %mul3A_212, %add3A_206 : i32
      %mul3A_214 = arith.constant 4 : i32
      %mul3A_215 = arith.muli %shift_right_logical3A_199, %mul3A_214 : i32
      %add3A_216 = arith.constant 1 : i32
      %add3A_217 = arith.addi %mul3A_215, %add3A_216 : i32
      %mul3A_218 = arith.constant 4194304 : i32
      %mul3A_219 = arith.muli %add3A_217, %mul3A_218 : i32
      %add3A_220 = arith.addi %mul3A_219, %add3A_206 : i32
      %mul3A_221 = arith.constant 4 : i32
      %mul3A_222 = arith.muli %shift_right_logical3A_199, %mul3A_221 : i32
      %add3A_223 = arith.constant 2 : i32
      %add3A_224 = arith.addi %mul3A_222, %add3A_223 : i32
      %mul3A_225 = arith.constant 4194304 : i32
      %mul3A_226 = arith.muli %add3A_224, %mul3A_225 : i32
      %add3A_227 = arith.addi %mul3A_226, %add3A_206 : i32
      %mul3A_228 = arith.constant 4 : i32
      %mul3A_229 = arith.muli %shift_right_logical3A_199, %mul3A_228 : i32
      %add3A_230 = arith.constant 3 : i32
      %add3A_231 = arith.addi %mul3A_229, %add3A_230 : i32
      %mul3A_232 = arith.constant 4194304 : i32
      %mul3A_233 = arith.muli %add3A_231, %mul3A_232 : i32
      %add3A_234 = arith.addi %mul3A_233, %add3A_206 : i32
      %mul3A_235 = arith.constant 4194304 : i32
      %mul3A_236 = arith.muli %shift_right_logical3A_199, %mul3A_235 : i32
      %add3A_237 = arith.addi %mul3A_236, %add3A_206 : i32
      %dma_wait3A_238 = tpu.memref_slice %arg2[%add3A_213] : memref<33554432xf32, #tpu.memory_space<hbm>> -> memref<8192xf32, #tpu.memory_space<hbm>>
      %dma_wait3A_239 = tpu.memref_slice %arg2[%add3A_213] : memref<33554432xf32, #tpu.memory_space<hbm>> -> memref<8192xf32, #tpu.memory_space<hbm>>
      tpu.wait_dma2 semaphore(%arg17 : memref<!tpu.dma_semaphore, #tpu.memory_space<semaphore_mem>>) src(%dma_wait3A_239 : memref<8192xf32, #tpu.memory_space<hbm>>) dst(%arg10 : memref<8192xf32, #tpu.memory_space<vmem>>)
      %dma_wait3A_240 = tpu.memref_slice %arg2[%add3A_220] : memref<33554432xf32, #tpu.memory_space<hbm>> -> memref<8192xf32, #tpu.memory_space<hbm>>
      %dma_wait3A_241 = tpu.memref_slice %arg2[%add3A_220] : memref<33554432xf32, #tpu.memory_space<hbm>> -> memref<8192xf32, #tpu.memory_space<hbm>>
      tpu.wait_dma2 semaphore(%arg17 : memref<!tpu.dma_semaphore, #tpu.memory_space<semaphore_mem>>) src(%dma_wait3A_241 : memref<8192xf32, #tpu.memory_space<hbm>>) dst(%arg11 : memref<8192xf32, #tpu.memory_space<vmem>>)
      %dma_wait3A_242 = tpu.memref_slice %arg2[%add3A_227] : memref<33554432xf32, #tpu.memory_space<hbm>> -> memref<8192xf32, #tpu.memory_space<hbm>>
      %dma_wait3A_243 = tpu.memref_slice %arg2[%add3A_227] : memref<33554432xf32, #tpu.memory_space<hbm>> -> memref<8192xf32, #tpu.memory_space<hbm>>
      tpu.wait_dma2 semaphore(%arg17 : memref<!tpu.dma_semaphore, #tpu.memory_space<semaphore_mem>>) src(%dma_wait3A_243 : memref<8192xf32, #tpu.memory_space<hbm>>) dst(%arg12 : memref<8192xf32, #tpu.memory_space<vmem>>)
      %dma_wait3A_244 = tpu.memref_slice %arg2[%add3A_234] : memref<33554432xf32, #tpu.memory_space<hbm>> -> memref<8192xf32, #tpu.memory_space<hbm>>
      %dma_wait3A_245 = tpu.memref_slice %arg2[%add3A_234] : memref<33554432xf32, #tpu.memory_space<hbm>> -> memref<8192xf32, #tpu.memory_space<hbm>>
      tpu.wait_dma2 semaphore(%arg17 : memref<!tpu.dma_semaphore, #tpu.memory_space<semaphore_mem>>) src(%dma_wait3A_245 : memref<8192xf32, #tpu.memory_space<hbm>>) dst(%arg13 : memref<8192xf32, #tpu.memory_space<vmem>>)
      %dma_wait3A_246 = tpu.memref_slice %arg3[%add3A_237] : memref<8388608xi32, #tpu.memory_space<hbm>> -> memref<8192xi32, #tpu.memory_space<hbm>>
      %dma_wait3A_247 = tpu.memref_slice %arg3[%add3A_237] : memref<8388608xi32, #tpu.memory_space<hbm>> -> memref<8192xi32, #tpu.memory_space<hbm>>
      tpu.wait_dma2 semaphore(%arg17 : memref<!tpu.dma_semaphore, #tpu.memory_space<semaphore_mem>>) src(%dma_wait3A_247 : memref<8192xi32, #tpu.memory_space<hbm>>) dst(%arg14 : memref<8192xi32, #tpu.memory_space<vmem>>)
      %shift_right_logical3A_248 = arith.constant 3 : i32
      %shift_right_logical3A_249 = arith.shrui %add3A_190, %shift_right_logical3A_248 : i32
      %mul3A_250 = arith.constant 256 : i32
      %mul3A_251 = arith.muli %shift_right_logical3A_249, %mul3A_250 : i32
      %add3A_252 = vector.broadcast %mul3A_251 : i32 to vector<16xi32>
      %add3A_253 = arith.addi %iota3A, %add3A_252 : vector<16xi32>
      %parallel_loop3A_254 = arith.constant 0 : i32
      %parallel_loop3A_255 = arith.constant 512 : i32
      %parallel_loop3A_256 = arith.constant 1 : i32
      scf.for %parallel_loop3A_257 = %parallel_loop3A_254 to %parallel_loop3A_255 step %parallel_loop3A_256  : i32 {
        %parallel_loop3A_258 = arith.constant 16 : i32
        %parallel_loop3A_259 = arith.muli %parallel_loop3A_257, %parallel_loop3A_258 : i32
        %parallel_loop3A_260 = arith.index_cast %parallel_loop3A_259 : i32 to index
        %parallel_loop3A_261 = tpu.vector_load %arg10[%parallel_loop3A_260] {strides = array<i32>} : memref<8192xf32, #tpu.memory_space<vmem>>, vector<16xf32>,
        %parallel_loop3A_262 = arith.index_cast %parallel_loop3A_259 : i32 to index
        %parallel_loop3A_263 = tpu.vector_load %arg11[%parallel_loop3A_262] {strides = array<i32>} : memref<8192xf32, #tpu.memory_space<vmem>>, vector<16xf32>,
        %parallel_loop3A_264 = arith.index_cast %parallel_loop3A_259 : i32 to index
        %parallel_loop3A_265 = tpu.vector_load %arg12[%parallel_loop3A_264] {strides = array<i32>} : memref<8192xf32, #tpu.memory_space<vmem>>, vector<16xf32>,
        %parallel_loop3A_266 = arith.index_cast %parallel_loop3A_259 : i32 to index
        %parallel_loop3A_267 = tpu.vector_load %arg13[%parallel_loop3A_266] {strides = array<i32>} : memref<8192xf32, #tpu.memory_space<vmem>>, vector<16xf32>,
        %parallel_loop3A_268 = arith.index_cast %parallel_loop3A_259 : i32 to index
        %parallel_loop3A_269 = tpu.vector_load %arg14[%parallel_loop3A_268] {strides = array<i32>} : memref<8192xi32, #tpu.memory_space<vmem>>, vector<16xi32>,
        %parallel_loop3A_270 = arith.maximumf %parallel_loop3A_261, %parallel_loop3A_263 : vector<16xf32>
        %parallel_loop3A_271 = arith.maximumf %parallel_loop3A_265, %parallel_loop3A_267 : vector<16xf32>
        %parallel_loop3A_272 = arith.cmpf ogt, %parallel_loop3A_263, %parallel_loop3A_261 : vector<16xf32>
        %parallel_loop3A_273 = arith.constant 1 : i32
        %parallel_loop3A_274 = vector.broadcast %parallel_loop3A_273 : i32 to vector<16xi32>
        %parallel_loop3A_275 = arith.constant 0 : i32
        %parallel_loop3A_276 = vector.broadcast %parallel_loop3A_275 : i32 to vector<16xi32>
        %parallel_loop3A_277 = arith.select %parallel_loop3A_272, %parallel_loop3A_274, %parallel_loop3A_276 : vector<16xi1>, vector<16xi32>
        %parallel_loop3A_278 = arith.cmpf ogt, %parallel_loop3A_267, %parallel_loop3A_265 : vector<16xf32>
        %parallel_loop3A_279 = arith.constant 3 : i32
        %parallel_loop3A_280 = vector.broadcast %parallel_loop3A_279 : i32 to vector<16xi32>
        %parallel_loop3A_281 = arith.constant 2 : i32
        %parallel_loop3A_282 = vector.broadcast %parallel_loop3A_281 : i32 to vector<16xi32>
        %parallel_loop3A_283 = arith.select %parallel_loop3A_278, %parallel_loop3A_280, %parallel_loop3A_282 : vector<16xi1>, vector<16xi32>
        %parallel_loop3A_284 = arith.cmpf ogt, %parallel_loop3A_271, %parallel_loop3A_270 : vector<16xf32>
        %parallel_loop3A_285 = arith.select %parallel_loop3A_284, %parallel_loop3A_283, %parallel_loop3A_277 : vector<16xi1>, vector<16xi32>
        %parallel_loop3A_286 = arith.constant 2 : i32
        %parallel_loop3A_287 = vector.broadcast %parallel_loop3A_286 : i32 to vector<16xi32>
        %parallel_loop3A_288 = arith.shli %parallel_loop3A_285, %parallel_loop3A_287 : vector<16xi32>
        %parallel_loop3A_289 = arith.addi %parallel_loop3A_288, %parallel_loop3A_269 : vector<16xi32>
        %parallel_loop3A_290 = arith.constant 4 : i32
        %parallel_loop3A_291 = vector.broadcast %parallel_loop3A_290 : i32 to vector<16xi32>
        %parallel_loop3A_292 = arith.shli %parallel_loop3A_289, %parallel_loop3A_291 : vector<16xi32>
        %parallel_loop3A_293 = arith.addi %parallel_loop3A_292, %add3A_253 : vector<16xi32>
        tpu.vector_store_idx %arg15[%parallel_loop3A_293], %broadcast_in_dim3A_66 {add = true} : memref<512xi32, #tpu.memory_space<vmem>>[vector<16xi32>], vector<16xi32>,
      } {sc.loop_unroll_factor = 4 : i64, sc.parallel_access}
    }
    %scan3A_120 = arith.constant 8 : i32
    "tpu.region"() ({
      %run_scoped3A = tpu.sem_alloc : memref<!tpu.dma_semaphore, #tpu.memory_space<semaphore_mem>>
      %dma_start3A_121 = arith.constant 0 : i32
      %dma_start3A_122 = tpu.memref_slice %arg4[%add3A, %dma_start3A_121] : memref<32x512xi32, #tpu.memory_space<hbm>> -> memref<1x512xi32, #tpu.memory_space<hbm>>
      %dma_start3A_123 = tpu.memref_squeeze %dma_start3A_122 : memref<1x512xi32, #tpu.memory_space<hbm>> -> memref<512xi32, #tpu.memory_space<hbm>>
      %dma_start3A_124 = arith.constant 0 : i32
      %dma_start3A_125 = tpu.memref_slice %arg4[%add3A, %dma_start3A_124] : memref<32x512xi32, #tpu.memory_space<hbm>> -> memref<1x512xi32, #tpu.memory_space<hbm>>
      %dma_start3A_126 = tpu.memref_squeeze %dma_start3A_125 : memref<1x512xi32, #tpu.memory_space<hbm>> -> memref<512xi32, #tpu.memory_space<hbm>>
      tpu.enqueue_dma source(%arg15 : memref<512xi32, #tpu.memory_space<vmem>>) target(%dma_start3A_126 : memref<512xi32, #tpu.memory_space<hbm>>) target_semaphore(%run_scoped3A : memref<!tpu.dma_semaphore, #tpu.memory_space<semaphore_mem>>)
      %dma_wait3A = arith.constant 0 : i32
      %dma_wait3A_127 = tpu.memref_slice %arg4[%add3A, %dma_wait3A] : memref<32x512xi32, #tpu.memory_space<hbm>> -> memref<1x512xi32, #tpu.memory_space<hbm>>
      %dma_wait3A_128 = tpu.memref_squeeze %dma_wait3A_127 : memref<1x512xi32, #tpu.memory_space<hbm>> -> memref<512xi32, #tpu.memory_space<hbm>>
      %dma_wait3A_129 = arith.constant 0 : i32
      %dma_wait3A_130 = tpu.memref_slice %arg4[%add3A, %dma_wait3A_129] : memref<32x512xi32, #tpu.memory_space<hbm>> -> memref<1x512xi32, #tpu.memory_space<hbm>>
      %dma_wait3A_131 = tpu.memref_squeeze %dma_wait3A_130 : memref<1x512xi32, #tpu.memory_space<hbm>> -> memref<512xi32, #tpu.memory_space<hbm>>
      tpu.wait_dma2 semaphore(%run_scoped3A : memref<!tpu.dma_semaphore, #tpu.memory_space<semaphore_mem>>) src(%arg15 : memref<512xi32, #tpu.memory_space<vmem>>) dst(%dma_wait3A_131 : memref<512xi32, #tpu.memory_space<hbm>>)
      tpu.yield
    }) : () -> ()
    return
  }
}

module attributes {stable_mosaic.version = 14 : i64} {
  func.func @_tc_body(%arg0: i32, %arg1: memref<2x4x32768x128xf32, #tpu.memory_space<any>>, %arg2: memref<2x32768x128xi32, #tpu.memory_space<any>>, %arg3: memref<1x16x128xf32, #tpu.memory_space<vmem>>, %arg4: memref<4x4x1024x128xf32, #tpu.memory_space<vmem>>, %arg5: memref<4x1024x128xi32, #tpu.memory_space<vmem>>, %arg6: memref<4x!tpu.dma_semaphore, #tpu.memory_space<semaphore_mem>>) attributes {dimension_semantics = [#tpu.dimension_semantics<arbitrary>], iteration_bounds = array<i64: 32>, scalar_prefetch = 0 : i64, scratch_operands = 3 : i64, tpu.core_type = #tpu.core_type<tc>, window_params = [{}, {}, {transform_indices = @transform_2, window_bounds = array<i64: 1, 16, 128>}]} {
    %eq3A = arith.constant 0 : i32
    %eq3A_0 = arith.cmpi eq, %arg0, %eq3A : i32
    %convert_element_type3A = arith.extui %eq3A_0 : i1 to i32
    %cond3A = arith.constant 0 : i32
    %cond3A_1 = arith.cmpi ne, %convert_element_type3A, %cond3A : i32
    scf.if %cond3A_1 {
      %jit3A = arith.constant 0 : i32
      %jit3A_42 = arith.constant 16 : i32
      %div3A = arith.divsi %jit3A, %jit3A_42 : i32
      %sign3A = arith.constant 0 : i32
      %sign3A_43 = arith.cmpi sgt, %jit3A, %sign3A : i32
      %sign3A_44 = arith.extui %sign3A_43 : i1 to i32
      %sign3A_45 = arith.constant 0 : i32
      %sign3A_46 = arith.cmpi slt, %jit3A, %sign3A_45 : i32
      %sign3A_47 = arith.extui %sign3A_46 : i1 to i32
      %sign3A_48 = arith.subi %sign3A_44, %sign3A_47 : i32
      %sign3A_49 = arith.constant 0 : i32
      %sign3A_50 = arith.cmpi sgt, %jit3A_42, %sign3A_49 : i32
      %sign3A_51 = arith.extui %sign3A_50 : i1 to i32
      %sign3A_52 = arith.constant 0 : i32
      %sign3A_53 = arith.cmpi slt, %jit3A_42, %sign3A_52 : i32
      %sign3A_54 = arith.extui %sign3A_53 : i1 to i32
      %sign3A_55 = arith.subi %sign3A_51, %sign3A_54 : i32
      %ne3A = arith.cmpi ne, %sign3A_48, %sign3A_55 : i32
      %rem3A_56 = arith.remsi %jit3A, %jit3A_42 : i32
      %ne3A_57 = arith.constant 0 : i32
      %ne3A_58 = arith.cmpi ne, %rem3A_56, %ne3A_57 : i32
      %and3A_59 = arith.andi %ne3A, %ne3A_58 : i1
      %sub3A = arith.constant 1 : i32
      %sub3A_60 = arith.subi %div3A, %sub3A : i32
      %select_n3A = arith.select %and3A_59, %sub3A_60, %div3A : i32
      %rem3A_61 = arith.constant 0 : i32
      %rem3A_62 = arith.constant 16 : i32
      %rem3A_63 = arith.remsi %rem3A_61, %rem3A_62 : i32
      %mul3A = arith.constant 1024 : i32
      %mul3A_64 = arith.muli %rem3A_63, %mul3A : i32
      %add3A_65 = arith.constant 16384 : i32
      %add3A_66 = arith.addi %add3A_65, %mul3A_64 : i32
      %dma_start3A = arith.constant 0 : i32
      %dma_start3A_67 = arith.constant 0 : i32
      %dma_start3A_68 = arith.constant 0 : i32
      %dma_start3A_69 = arith.constant 0 : i32
      %dma_start3A_70 = tpu.memref_slice %arg6[%dma_start3A_69] : memref<4x!tpu.dma_semaphore, #tpu.memory_space<semaphore_mem>> -> memref<1x!tpu.dma_semaphore, #tpu.memory_space<semaphore_mem>>
      %dma_start3A_71 = tpu.memref_squeeze %dma_start3A_70 : memref<1x!tpu.dma_semaphore, #tpu.memory_space<semaphore_mem>> -> memref<!tpu.dma_semaphore, #tpu.memory_space<semaphore_mem>>
      %dma_start3A_72 = arith.constant 0 : i32
      %dma_start3A_73 = arith.constant 0 : i32
      %dma_start3A_74 = tpu.memref_slice %arg4[%dma_start3A_67, %dma_start3A_68, %dma_start3A_72, %dma_start3A_73] : memref<4x4x1024x128xf32, #tpu.memory_space<vmem>> -> memref<1x1x1024x128xf32, #tpu.memory_space<vmem>>
      %dma_start3A_75 = tpu.memref_squeeze %dma_start3A_74 : memref<1x1x1024x128xf32, #tpu.memory_space<vmem>> -> memref<1024x128xf32, #tpu.memory_space<vmem>>
      %dma_start3A_76 = arith.constant 0 : i32
      %dma_start3A_77 = tpu.memref_slice %arg1[%select_n3A, %dma_start3A, %add3A_66, %dma_start3A_76] : memref<2x4x32768x128xf32, #tpu.memory_space<any>> -> memref<1x1x1024x128xf32, #tpu.memory_space<any>>
      %dma_start3A_78 = tpu.memref_squeeze %dma_start3A_77 : memref<1x1x1024x128xf32, #tpu.memory_space<any>> -> memref<1024x128xf32, #tpu.memory_space<any>>
      tpu.enqueue_dma source(%dma_start3A_78 : memref<1024x128xf32, #tpu.memory_space<any>>) target(%dma_start3A_75 : memref<1024x128xf32, #tpu.memory_space<vmem>>) target_semaphore(%dma_start3A_71 : memref<!tpu.dma_semaphore, #tpu.memory_space<semaphore_mem>>)
      %dma_start3A_79 = arith.constant 1 : i32
      %dma_start3A_80 = arith.constant 0 : i32
      %dma_start3A_81 = arith.constant 1 : i32
      %dma_start3A_82 = arith.constant 0 : i32
      %dma_start3A_83 = tpu.memref_slice %arg6[%dma_start3A_82] : memref<4x!tpu.dma_semaphore, #tpu.memory_space<semaphore_mem>> -> memref<1x!tpu.dma_semaphore, #tpu.memory_space<semaphore_mem>>
      %dma_start3A_84 = tpu.memref_squeeze %dma_start3A_83 : memref<1x!tpu.dma_semaphore, #tpu.memory_space<semaphore_mem>> -> memref<!tpu.dma_semaphore, #tpu.memory_space<semaphore_mem>>
      %dma_start3A_85 = arith.constant 0 : i32
      %dma_start3A_86 = arith.constant 0 : i32
      %dma_start3A_87 = tpu.memref_slice %arg4[%dma_start3A_80, %dma_start3A_81, %dma_start3A_85, %dma_start3A_86] : memref<4x4x1024x128xf32, #tpu.memory_space<vmem>> -> memref<1x1x1024x128xf32, #tpu.memory_space<vmem>>
      %dma_start3A_88 = tpu.memref_squeeze %dma_start3A_87 : memref<1x1x1024x128xf32, #tpu.memory_space<vmem>> -> memref<1024x128xf32, #tpu.memory_space<vmem>>
      %dma_start3A_89 = arith.constant 0 : i32
      %dma_start3A_90 = tpu.memref_slice %arg1[%select_n3A, %dma_start3A_79, %add3A_66, %dma_start3A_89] : memref<2x4x32768x128xf32, #tpu.memory_space<any>> -> memref<1x1x1024x128xf32, #tpu.memory_space<any>>
      %dma_start3A_91 = tpu.memref_squeeze %dma_start3A_90 : memref<1x1x1024x128xf32, #tpu.memory_space<any>> -> memref<1024x128xf32, #tpu.memory_space<any>>
      tpu.enqueue_dma source(%dma_start3A_91 : memref<1024x128xf32, #tpu.memory_space<any>>) target(%dma_start3A_88 : memref<1024x128xf32, #tpu.memory_space<vmem>>) target_semaphore(%dma_start3A_84 : memref<!tpu.dma_semaphore, #tpu.memory_space<semaphore_mem>>)
      %dma_start3A_92 = arith.constant 2 : i32
      %dma_start3A_93 = arith.constant 0 : i32
      %dma_start3A_94 = arith.constant 2 : i32
      %dma_start3A_95 = arith.constant 0 : i32
      %dma_start3A_96 = tpu.memref_slice %arg6[%dma_start3A_95] : memref<4x!tpu.dma_semaphore, #tpu.memory_space<semaphore_mem>> -> memref<1x!tpu.dma_semaphore, #tpu.memory_space<semaphore_mem>>
      %dma_start3A_97 = tpu.memref_squeeze %dma_start3A_96 : memref<1x!tpu.dma_semaphore, #tpu.memory_space<semaphore_mem>> -> memref<!tpu.dma_semaphore, #tpu.memory_space<semaphore_mem>>
      %dma_start3A_98 = arith.constant 0 : i32
      %dma_start3A_99 = arith.constant 0 : i32
      %dma_start3A_100 = tpu.memref_slice %arg4[%dma_start3A_93, %dma_start3A_94, %dma_start3A_98, %dma_start3A_99] : memref<4x4x1024x128xf32, #tpu.memory_space<vmem>> -> memref<1x1x1024x128xf32, #tpu.memory_space<vmem>>
      %dma_start3A_101 = tpu.memref_squeeze %dma_start3A_100 : memref<1x1x1024x128xf32, #tpu.memory_space<vmem>> -> memref<1024x128xf32, #tpu.memory_space<vmem>>
      %dma_start3A_102 = arith.constant 0 : i32
      %dma_start3A_103 = tpu.memref_slice %arg1[%select_n3A, %dma_start3A_92, %add3A_66, %dma_start3A_102] : memref<2x4x32768x128xf32, #tpu.memory_space<any>> -> memref<1x1x1024x128xf32, #tpu.memory_space<any>>
      %dma_start3A_104 = tpu.memref_squeeze %dma_start3A_103 : memref<1x1x1024x128xf32, #tpu.memory_space<any>> -> memref<1024x128xf32, #tpu.memory_space<any>>
      tpu.enqueue_dma source(%dma_start3A_104 : memref<1024x128xf32, #tpu.memory_space<any>>) target(%dma_start3A_101 : memref<1024x128xf32, #tpu.memory_space<vmem>>) target_semaphore(%dma_start3A_97 : memref<!tpu.dma_semaphore, #tpu.memory_space<semaphore_mem>>)
      %dma_start3A_105 = arith.constant 3 : i32
      %dma_start3A_106 = arith.constant 0 : i32
      %dma_start3A_107 = arith.constant 3 : i32
      %dma_start3A_108 = arith.constant 0 : i32
      %dma_start3A_109 = tpu.memref_slice %arg6[%dma_start3A_108] : memref<4x!tpu.dma_semaphore, #tpu.memory_space<semaphore_mem>> -> memref<1x!tpu.dma_semaphore, #tpu.memory_space<semaphore_mem>>
      %dma_start3A_110 = tpu.memref_squeeze %dma_start3A_109 : memref<1x!tpu.dma_semaphore, #tpu.memory_space<semaphore_mem>> -> memref<!tpu.dma_semaphore, #tpu.memory_space<semaphore_mem>>
      %dma_start3A_111 = arith.constant 0 : i32
      %dma_start3A_112 = arith.constant 0 : i32
      %dma_start3A_113 = tpu.memref_slice %arg4[%dma_start3A_106, %dma_start3A_107, %dma_start3A_111, %dma_start3A_112] : memref<4x4x1024x128xf32, #tpu.memory_space<vmem>> -> memref<1x1x1024x128xf32, #tpu.memory_space<vmem>>
      %dma_start3A_114 = tpu.memref_squeeze %dma_start3A_113 : memref<1x1x1024x128xf32, #tpu.memory_space<vmem>> -> memref<1024x128xf32, #tpu.memory_space<vmem>>
      %dma_start3A_115 = arith.constant 0 : i32
      %dma_start3A_116 = tpu.memref_slice %arg1[%select_n3A, %dma_start3A_105, %add3A_66, %dma_start3A_115] : memref<2x4x32768x128xf32, #tpu.memory_space<any>> -> memref<1x1x1024x128xf32, #tpu.memory_space<any>>
      %dma_start3A_117 = tpu.memref_squeeze %dma_start3A_116 : memref<1x1x1024x128xf32, #tpu.memory_space<any>> -> memref<1024x128xf32, #tpu.memory_space<any>>
      tpu.enqueue_dma source(%dma_start3A_117 : memref<1024x128xf32, #tpu.memory_space<any>>) target(%dma_start3A_114 : memref<1024x128xf32, #tpu.memory_space<vmem>>) target_semaphore(%dma_start3A_110 : memref<!tpu.dma_semaphore, #tpu.memory_space<semaphore_mem>>)
      %dma_start3A_118 = arith.constant 0 : i32
      %dma_start3A_119 = arith.constant 0 : i32
      %dma_start3A_120 = tpu.memref_slice %arg6[%dma_start3A_119] : memref<4x!tpu.dma_semaphore, #tpu.memory_space<semaphore_mem>> -> memref<1x!tpu.dma_semaphore, #tpu.memory_space<semaphore_mem>>
      %dma_start3A_121 = tpu.memref_squeeze %dma_start3A_120 : memref<1x!tpu.dma_semaphore, #tpu.memory_space<semaphore_mem>> -> memref<!tpu.dma_semaphore, #tpu.memory_space<semaphore_mem>>
      %dma_start3A_122 = arith.constant 0 : i32
      %dma_start3A_123 = arith.constant 0 : i32
      %dma_start3A_124 = tpu.memref_slice %arg5[%dma_start3A_118, %dma_start3A_122, %dma_start3A_123] : memref<4x1024x128xi32, #tpu.memory_space<vmem>> -> memref<1x1024x128xi32, #tpu.memory_space<vmem>>
      %dma_start3A_125 = tpu.memref_squeeze %dma_start3A_124 : memref<1x1024x128xi32, #tpu.memory_space<vmem>> -> memref<1024x128xi32, #tpu.memory_space<vmem>>
      %dma_start3A_126 = arith.constant 0 : i32
      %dma_start3A_127 = tpu.memref_slice %arg2[%select_n3A, %add3A_66, %dma_start3A_126] : memref<2x32768x128xi32, #tpu.memory_space<any>> -> memref<1x1024x128xi32, #tpu.memory_space<any>>
      %dma_start3A_128 = tpu.memref_squeeze %dma_start3A_127 : memref<1x1024x128xi32, #tpu.memory_space<any>> -> memref<1024x128xi32, #tpu.memory_space<any>>
      tpu.enqueue_dma source(%dma_start3A_128 : memref<1024x128xi32, #tpu.memory_space<any>>) target(%dma_start3A_125 : memref<1024x128xi32, #tpu.memory_space<vmem>>) target_semaphore(%dma_start3A_121 : memref<!tpu.dma_semaphore, #tpu.memory_space<semaphore_mem>>)
      %jit3A_129 = arith.constant 1 : i32
      %jit3A_130 = arith.constant 16 : i32
      %div3A_131 = arith.divsi %jit3A_129, %jit3A_130 : i32
      %sign3A_132 = arith.constant 0 : i32
      %sign3A_133 = arith.cmpi sgt, %jit3A_129, %sign3A_132 : i32
      %sign3A_134 = arith.extui %sign3A_133 : i1 to i32
      %sign3A_135 = arith.constant 0 : i32
      %sign3A_136 = arith.cmpi slt, %jit3A_129, %sign3A_135 : i32
      %sign3A_137 = arith.extui %sign3A_136 : i1 to i32
      %sign3A_138 = arith.subi %sign3A_134, %sign3A_137 : i32
      %sign3A_139 = arith.constant 0 : i32
      %sign3A_140 = arith.cmpi sgt, %jit3A_130, %sign3A_139 : i32
      %sign3A_141 = arith.extui %sign3A_140 : i1 to i32
      %sign3A_142 = arith.constant 0 : i32
      %sign3A_143 = arith.cmpi slt, %jit3A_130, %sign3A_142 : i32
      %sign3A_144 = arith.extui %sign3A_143 : i1 to i32
      %sign3A_145 = arith.subi %sign3A_141, %sign3A_144 : i32
      %ne3A_146 = arith.cmpi ne, %sign3A_138, %sign3A_145 : i32
      %rem3A_147 = arith.remsi %jit3A_129, %jit3A_130 : i32
      %ne3A_148 = arith.constant 0 : i32
      %ne3A_149 = arith.cmpi ne, %rem3A_147, %ne3A_148 : i32
      %and3A_150 = arith.andi %ne3A_146, %ne3A_149 : i1
      %sub3A_151 = arith.constant 1 : i32
      %sub3A_152 = arith.subi %div3A_131, %sub3A_151 : i32
      %select_n3A_153 = arith.select %and3A_150, %sub3A_152, %div3A_131 : i32
      %rem3A_154 = arith.constant 1 : i32
      %rem3A_155 = arith.constant 16 : i32
      %rem3A_156 = arith.remsi %rem3A_154, %rem3A_155 : i32
      %mul3A_157 = arith.constant 1024 : i32
      %mul3A_158 = arith.muli %rem3A_156, %mul3A_157 : i32
      %add3A_159 = arith.constant 16384 : i32
      %add3A_160 = arith.addi %add3A_159, %mul3A_158 : i32
      %dma_start3A_161 = arith.constant 0 : i32
      %dma_start3A_162 = arith.constant 1 : i32
      %dma_start3A_163 = arith.constant 0 : i32
      %dma_start3A_164 = arith.constant 1 : i32
      %dma_start3A_165 = tpu.memref_slice %arg6[%dma_start3A_164] : memref<4x!tpu.dma_semaphore, #tpu.memory_space<semaphore_mem>> -> memref<1x!tpu.dma_semaphore, #tpu.memory_space<semaphore_mem>>
      %dma_start3A_166 = tpu.memref_squeeze %dma_start3A_165 : memref<1x!tpu.dma_semaphore, #tpu.memory_space<semaphore_mem>> -> memref<!tpu.dma_semaphore, #tpu.memory_space<semaphore_mem>>
      %dma_start3A_167 = arith.constant 0 : i32
      %dma_start3A_168 = arith.constant 0 : i32
      %dma_start3A_169 = tpu.memref_slice %arg4[%dma_start3A_162, %dma_start3A_163, %dma_start3A_167, %dma_start3A_168] : memref<4x4x1024x128xf32, #tpu.memory_space<vmem>> -> memref<1x1x1024x128xf32, #tpu.memory_space<vmem>>
      %dma_start3A_170 = tpu.memref_squeeze %dma_start3A_169 : memref<1x1x1024x128xf32, #tpu.memory_space<vmem>> -> memref<1024x128xf32, #tpu.memory_space<vmem>>
      %dma_start3A_171 = arith.constant 0 : i32
      %dma_start3A_172 = tpu.memref_slice %arg1[%select_n3A_153, %dma_start3A_161, %add3A_160, %dma_start3A_171] : memref<2x4x32768x128xf32, #tpu.memory_space<any>> -> memref<1x1x1024x128xf32, #tpu.memory_space<any>>
      %dma_start3A_173 = tpu.memref_squeeze %dma_start3A_172 : memref<1x1x1024x128xf32, #tpu.memory_space<any>> -> memref<1024x128xf32, #tpu.memory_space<any>>
      tpu.enqueue_dma source(%dma_start3A_173 : memref<1024x128xf32, #tpu.memory_space<any>>) target(%dma_start3A_170 : memref<1024x128xf32, #tpu.memory_space<vmem>>) target_semaphore(%dma_start3A_166 : memref<!tpu.dma_semaphore, #tpu.memory_space<semaphore_mem>>)
      %dma_start3A_174 = arith.constant 1 : i32
      %dma_start3A_175 = arith.constant 1 : i32
      %dma_start3A_176 = arith.constant 1 : i32
      %dma_start3A_177 = arith.constant 1 : i32
      %dma_start3A_178 = tpu.memref_slice %arg6[%dma_start3A_177] : memref<4x!tpu.dma_semaphore, #tpu.memory_space<semaphore_mem>> -> memref<1x!tpu.dma_semaphore, #tpu.memory_space<semaphore_mem>>
      %dma_start3A_179 = tpu.memref_squeeze %dma_start3A_178 : memref<1x!tpu.dma_semaphore, #tpu.memory_space<semaphore_mem>> -> memref<!tpu.dma_semaphore, #tpu.memory_space<semaphore_mem>>
      %dma_start3A_180 = arith.constant 0 : i32
      %dma_start3A_181 = arith.constant 0 : i32
      %dma_start3A_182 = tpu.memref_slice %arg4[%dma_start3A_175, %dma_start3A_176, %dma_start3A_180, %dma_start3A_181] : memref<4x4x1024x128xf32, #tpu.memory_space<vmem>> -> memref<1x1x1024x128xf32, #tpu.memory_space<vmem>>
      %dma_start3A_183 = tpu.memref_squeeze %dma_start3A_182 : memref<1x1x1024x128xf32, #tpu.memory_space<vmem>> -> memref<1024x128xf32, #tpu.memory_space<vmem>>
      %dma_start3A_184 = arith.constant 0 : i32
      %dma_start3A_185 = tpu.memref_slice %arg1[%select_n3A_153, %dma_start3A_174, %add3A_160, %dma_start3A_184] : memref<2x4x32768x128xf32, #tpu.memory_space<any>> -> memref<1x1x1024x128xf32, #tpu.memory_space<any>>
      %dma_start3A_186 = tpu.memref_squeeze %dma_start3A_185 : memref<1x1x1024x128xf32, #tpu.memory_space<any>> -> memref<1024x128xf32, #tpu.memory_space<any>>
      tpu.enqueue_dma source(%dma_start3A_186 : memref<1024x128xf32, #tpu.memory_space<any>>) target(%dma_start3A_183 : memref<1024x128xf32, #tpu.memory_space<vmem>>) target_semaphore(%dma_start3A_179 : memref<!tpu.dma_semaphore, #tpu.memory_space<semaphore_mem>>)
      %dma_start3A_187 = arith.constant 2 : i32
      %dma_start3A_188 = arith.constant 1 : i32
      %dma_start3A_189 = arith.constant 2 : i32
      %dma_start3A_190 = arith.constant 1 : i32
      %dma_start3A_191 = tpu.memref_slice %arg6[%dma_start3A_190] : memref<4x!tpu.dma_semaphore, #tpu.memory_space<semaphore_mem>> -> memref<1x!tpu.dma_semaphore, #tpu.memory_space<semaphore_mem>>
      %dma_start3A_192 = tpu.memref_squeeze %dma_start3A_191 : memref<1x!tpu.dma_semaphore, #tpu.memory_space<semaphore_mem>> -> memref<!tpu.dma_semaphore, #tpu.memory_space<semaphore_mem>>
      %dma_start3A_193 = arith.constant 0 : i32
      %dma_start3A_194 = arith.constant 0 : i32
      %dma_start3A_195 = tpu.memref_slice %arg4[%dma_start3A_188, %dma_start3A_189, %dma_start3A_193, %dma_start3A_194] : memref<4x4x1024x128xf32, #tpu.memory_space<vmem>> -> memref<1x1x1024x128xf32, #tpu.memory_space<vmem>>
      %dma_start3A_196 = tpu.memref_squeeze %dma_start3A_195 : memref<1x1x1024x128xf32, #tpu.memory_space<vmem>> -> memref<1024x128xf32, #tpu.memory_space<vmem>>
      %dma_start3A_197 = arith.constant 0 : i32
      %dma_start3A_198 = tpu.memref_slice %arg1[%select_n3A_153, %dma_start3A_187, %add3A_160, %dma_start3A_197] : memref<2x4x32768x128xf32, #tpu.memory_space<any>> -> memref<1x1x1024x128xf32, #tpu.memory_space<any>>
      %dma_start3A_199 = tpu.memref_squeeze %dma_start3A_198 : memref<1x1x1024x128xf32, #tpu.memory_space<any>> -> memref<1024x128xf32, #tpu.memory_space<any>>
      tpu.enqueue_dma source(%dma_start3A_199 : memref<1024x128xf32, #tpu.memory_space<any>>) target(%dma_start3A_196 : memref<1024x128xf32, #tpu.memory_space<vmem>>) target_semaphore(%dma_start3A_192 : memref<!tpu.dma_semaphore, #tpu.memory_space<semaphore_mem>>)
      %dma_start3A_200 = arith.constant 3 : i32
      %dma_start3A_201 = arith.constant 1 : i32
      %dma_start3A_202 = arith.constant 3 : i32
      %dma_start3A_203 = arith.constant 1 : i32
      %dma_start3A_204 = tpu.memref_slice %arg6[%dma_start3A_203] : memref<4x!tpu.dma_semaphore, #tpu.memory_space<semaphore_mem>> -> memref<1x!tpu.dma_semaphore, #tpu.memory_space<semaphore_mem>>
      %dma_start3A_205 = tpu.memref_squeeze %dma_start3A_204 : memref<1x!tpu.dma_semaphore, #tpu.memory_space<semaphore_mem>> -> memref<!tpu.dma_semaphore, #tpu.memory_space<semaphore_mem>>
      %dma_start3A_206 = arith.constant 0 : i32
      %dma_start3A_207 = arith.constant 0 : i32
      %dma_start3A_208 = tpu.memref_slice %arg4[%dma_start3A_201, %dma_start3A_202, %dma_start3A_206, %dma_start3A_207] : memref<4x4x1024x128xf32, #tpu.memory_space<vmem>> -> memref<1x1x1024x128xf32, #tpu.memory_space<vmem>>
      %dma_start3A_209 = tpu.memref_squeeze %dma_start3A_208 : memref<1x1x1024x128xf32, #tpu.memory_space<vmem>> -> memref<1024x128xf32, #tpu.memory_space<vmem>>
      %dma_start3A_210 = arith.constant 0 : i32
      %dma_start3A_211 = tpu.memref_slice %arg1[%select_n3A_153, %dma_start3A_200, %add3A_160, %dma_start3A_210] : memref<2x4x32768x128xf32, #tpu.memory_space<any>> -> memref<1x1x1024x128xf32, #tpu.memory_space<any>>
      %dma_start3A_212 = tpu.memref_squeeze %dma_start3A_211 : memref<1x1x1024x128xf32, #tpu.memory_space<any>> -> memref<1024x128xf32, #tpu.memory_space<any>>
      tpu.enqueue_dma source(%dma_start3A_212 : memref<1024x128xf32, #tpu.memory_space<any>>) target(%dma_start3A_209 : memref<1024x128xf32, #tpu.memory_space<vmem>>) target_semaphore(%dma_start3A_205 : memref<!tpu.dma_semaphore, #tpu.memory_space<semaphore_mem>>)
      %dma_start3A_213 = arith.constant 1 : i32
      %dma_start3A_214 = arith.constant 1 : i32
      %dma_start3A_215 = tpu.memref_slice %arg6[%dma_start3A_214] : memref<4x!tpu.dma_semaphore, #tpu.memory_space<semaphore_mem>> -> memref<1x!tpu.dma_semaphore, #tpu.memory_space<semaphore_mem>>
      %dma_start3A_216 = tpu.memref_squeeze %dma_start3A_215 : memref<1x!tpu.dma_semaphore, #tpu.memory_space<semaphore_mem>> -> memref<!tpu.dma_semaphore, #tpu.memory_space<semaphore_mem>>
      %dma_start3A_217 = arith.constant 0 : i32
      %dma_start3A_218 = arith.constant 0 : i32
      %dma_start3A_219 = tpu.memref_slice %arg5[%dma_start3A_213, %dma_start3A_217, %dma_start3A_218] : memref<4x1024x128xi32, #tpu.memory_space<vmem>> -> memref<1x1024x128xi32, #tpu.memory_space<vmem>>
      %dma_start3A_220 = tpu.memref_squeeze %dma_start3A_219 : memref<1x1024x128xi32, #tpu.memory_space<vmem>> -> memref<1024x128xi32, #tpu.memory_space<vmem>>
      %dma_start3A_221 = arith.constant 0 : i32
      %dma_start3A_222 = tpu.memref_slice %arg2[%select_n3A_153, %add3A_160, %dma_start3A_221] : memref<2x32768x128xi32, #tpu.memory_space<any>> -> memref<1x1024x128xi32, #tpu.memory_space<any>>
      %dma_start3A_223 = tpu.memref_squeeze %dma_start3A_222 : memref<1x1024x128xi32, #tpu.memory_space<any>> -> memref<1024x128xi32, #tpu.memory_space<any>>
      tpu.enqueue_dma source(%dma_start3A_223 : memref<1024x128xi32, #tpu.memory_space<any>>) target(%dma_start3A_220 : memref<1024x128xi32, #tpu.memory_space<vmem>>) target_semaphore(%dma_start3A_216 : memref<!tpu.dma_semaphore, #tpu.memory_space<semaphore_mem>>)
      %jit3A_224 = arith.constant 2 : i32
      %jit3A_225 = arith.constant 16 : i32
      %div3A_226 = arith.divsi %jit3A_224, %jit3A_225 : i32
      %sign3A_227 = arith.constant 0 : i32
      %sign3A_228 = arith.cmpi sgt, %jit3A_224, %sign3A_227 : i32
      %sign3A_229 = arith.extui %sign3A_228 : i1 to i32
      %sign3A_230 = arith.constant 0 : i32
      %sign3A_231 = arith.cmpi slt, %jit3A_224, %sign3A_230 : i32
      %sign3A_232 = arith.extui %sign3A_231 : i1 to i32
      %sign3A_233 = arith.subi %sign3A_229, %sign3A_232 : i32
      %sign3A_234 = arith.constant 0 : i32
      %sign3A_235 = arith.cmpi sgt, %jit3A_225, %sign3A_234 : i32
      %sign3A_236 = arith.extui %sign3A_235 : i1 to i32
      %sign3A_237 = arith.constant 0 : i32
      %sign3A_238 = arith.cmpi slt, %jit3A_225, %sign3A_237 : i32
      %sign3A_239 = arith.extui %sign3A_238 : i1 to i32
      %sign3A_240 = arith.subi %sign3A_236, %sign3A_239 : i32
      %ne3A_241 = arith.cmpi ne, %sign3A_233, %sign3A_240 : i32
      %rem3A_242 = arith.remsi %jit3A_224, %jit3A_225 : i32
      %ne3A_243 = arith.constant 0 : i32
      %ne3A_244 = arith.cmpi ne, %rem3A_242, %ne3A_243 : i32
      %and3A_245 = arith.andi %ne3A_241, %ne3A_244 : i1
      %sub3A_246 = arith.constant 1 : i32
      %sub3A_247 = arith.subi %div3A_226, %sub3A_246 : i32
      %select_n3A_248 = arith.select %and3A_245, %sub3A_247, %div3A_226 : i32
      %rem3A_249 = arith.constant 2 : i32
      %rem3A_250 = arith.constant 16 : i32
      %rem3A_251 = arith.remsi %rem3A_249, %rem3A_250 : i32
      %mul3A_252 = arith.constant 1024 : i32
      %mul3A_253 = arith.muli %rem3A_251, %mul3A_252 : i32
      %add3A_254 = arith.constant 16384 : i32
      %add3A_255 = arith.addi %add3A_254, %mul3A_253 : i32
      %dma_start3A_256 = arith.constant 0 : i32
      %dma_start3A_257 = arith.constant 2 : i32
      %dma_start3A_258 = arith.constant 0 : i32
      %dma_start3A_259 = arith.constant 2 : i32
      %dma_start3A_260 = tpu.memref_slice %arg6[%dma_start3A_259] : memref<4x!tpu.dma_semaphore, #tpu.memory_space<semaphore_mem>> -> memref<1x!tpu.dma_semaphore, #tpu.memory_space<semaphore_mem>>
      %dma_start3A_261 = tpu.memref_squeeze %dma_start3A_260 : memref<1x!tpu.dma_semaphore, #tpu.memory_space<semaphore_mem>> -> memref<!tpu.dma_semaphore, #tpu.memory_space<semaphore_mem>>
      %dma_start3A_262 = arith.constant 0 : i32
      %dma_start3A_263 = arith.constant 0 : i32
      %dma_start3A_264 = tpu.memref_slice %arg4[%dma_start3A_257, %dma_start3A_258, %dma_start3A_262, %dma_start3A_263] : memref<4x4x1024x128xf32, #tpu.memory_space<vmem>> -> memref<1x1x1024x128xf32, #tpu.memory_space<vmem>>
      %dma_start3A_265 = tpu.memref_squeeze %dma_start3A_264 : memref<1x1x1024x128xf32, #tpu.memory_space<vmem>> -> memref<1024x128xf32, #tpu.memory_space<vmem>>
      %dma_start3A_266 = arith.constant 0 : i32
      %dma_start3A_267 = tpu.memref_slice %arg1[%select_n3A_248, %dma_start3A_256, %add3A_255, %dma_start3A_266] : memref<2x4x32768x128xf32, #tpu.memory_space<any>> -> memref<1x1x1024x128xf32, #tpu.memory_space<any>>
      %dma_start3A_268 = tpu.memref_squeeze %dma_start3A_267 : memref<1x1x1024x128xf32, #tpu.memory_space<any>> -> memref<1024x128xf32, #tpu.memory_space<any>>
      tpu.enqueue_dma source(%dma_start3A_268 : memref<1024x128xf32, #tpu.memory_space<any>>) target(%dma_start3A_265 : memref<1024x128xf32, #tpu.memory_space<vmem>>) target_semaphore(%dma_start3A_261 : memref<!tpu.dma_semaphore, #tpu.memory_space<semaphore_mem>>)
      %dma_start3A_269 = arith.constant 1 : i32
      %dma_start3A_270 = arith.constant 2 : i32
      %dma_start3A_271 = arith.constant 1 : i32
      %dma_start3A_272 = arith.constant 2 : i32
      %dma_start3A_273 = tpu.memref_slice %arg6[%dma_start3A_272] : memref<4x!tpu.dma_semaphore, #tpu.memory_space<semaphore_mem>> -> memref<1x!tpu.dma_semaphore, #tpu.memory_space<semaphore_mem>>
      %dma_start3A_274 = tpu.memref_squeeze %dma_start3A_273 : memref<1x!tpu.dma_semaphore, #tpu.memory_space<semaphore_mem>> -> memref<!tpu.dma_semaphore, #tpu.memory_space<semaphore_mem>>
      %dma_start3A_275 = arith.constant 0 : i32
      %dma_start3A_276 = arith.constant 0 : i32
      %dma_start3A_277 = tpu.memref_slice %arg4[%dma_start3A_270, %dma_start3A_271, %dma_start3A_275, %dma_start3A_276] : memref<4x4x1024x128xf32, #tpu.memory_space<vmem>> -> memref<1x1x1024x128xf32, #tpu.memory_space<vmem>>
      %dma_start3A_278 = tpu.memref_squeeze %dma_start3A_277 : memref<1x1x1024x128xf32, #tpu.memory_space<vmem>> -> memref<1024x128xf32, #tpu.memory_space<vmem>>
      %dma_start3A_279 = arith.constant 0 : i32
      %dma_start3A_280 = tpu.memref_slice %arg1[%select_n3A_248, %dma_start3A_269, %add3A_255, %dma_start3A_279] : memref<2x4x32768x128xf32, #tpu.memory_space<any>> -> memref<1x1x1024x128xf32, #tpu.memory_space<any>>
      %dma_start3A_281 = tpu.memref_squeeze %dma_start3A_280 : memref<1x1x1024x128xf32, #tpu.memory_space<any>> -> memref<1024x128xf32, #tpu.memory_space<any>>
      tpu.enqueue_dma source(%dma_start3A_281 : memref<1024x128xf32, #tpu.memory_space<any>>) target(%dma_start3A_278 : memref<1024x128xf32, #tpu.memory_space<vmem>>) target_semaphore(%dma_start3A_274 : memref<!tpu.dma_semaphore, #tpu.memory_space<semaphore_mem>>)
      %dma_start3A_282 = arith.constant 2 : i32
      %dma_start3A_283 = arith.constant 2 : i32
      %dma_start3A_284 = arith.constant 2 : i32
      %dma_start3A_285 = arith.constant 2 : i32
      %dma_start3A_286 = tpu.memref_slice %arg6[%dma_start3A_285] : memref<4x!tpu.dma_semaphore, #tpu.memory_space<semaphore_mem>> -> memref<1x!tpu.dma_semaphore, #tpu.memory_space<semaphore_mem>>
      %dma_start3A_287 = tpu.memref_squeeze %dma_start3A_286 : memref<1x!tpu.dma_semaphore, #tpu.memory_space<semaphore_mem>> -> memref<!tpu.dma_semaphore, #tpu.memory_space<semaphore_mem>>
      %dma_start3A_288 = arith.constant 0 : i32
      %dma_start3A_289 = arith.constant 0 : i32
      %dma_start3A_290 = tpu.memref_slice %arg4[%dma_start3A_283, %dma_start3A_284, %dma_start3A_288, %dma_start3A_289] : memref<4x4x1024x128xf32, #tpu.memory_space<vmem>> -> memref<1x1x1024x128xf32, #tpu.memory_space<vmem>>
      %dma_start3A_291 = tpu.memref_squeeze %dma_start3A_290 : memref<1x1x1024x128xf32, #tpu.memory_space<vmem>> -> memref<1024x128xf32, #tpu.memory_space<vmem>>
      %dma_start3A_292 = arith.constant 0 : i32
      %dma_start3A_293 = tpu.memref_slice %arg1[%select_n3A_248, %dma_start3A_282, %add3A_255, %dma_start3A_292] : memref<2x4x32768x128xf32, #tpu.memory_space<any>> -> memref<1x1x1024x128xf32, #tpu.memory_space<any>>
      %dma_start3A_294 = tpu.memref_squeeze %dma_start3A_293 : memref<1x1x1024x128xf32, #tpu.memory_space<any>> -> memref<1024x128xf32, #tpu.memory_space<any>>
      tpu.enqueue_dma source(%dma_start3A_294 : memref<1024x128xf32, #tpu.memory_space<any>>) target(%dma_start3A_291 : memref<1024x128xf32, #tpu.memory_space<vmem>>) target_semaphore(%dma_start3A_287 : memref<!tpu.dma_semaphore, #tpu.memory_space<semaphore_mem>>)
      %dma_start3A_295 = arith.constant 3 : i32
      %dma_start3A_296 = arith.constant 2 : i32
      %dma_start3A_297 = arith.constant 3 : i32
      %dma_start3A_298 = arith.constant 2 : i32
      %dma_start3A_299 = tpu.memref_slice %arg6[%dma_start3A_298] : memref<4x!tpu.dma_semaphore, #tpu.memory_space<semaphore_mem>> -> memref<1x!tpu.dma_semaphore, #tpu.memory_space<semaphore_mem>>
      %dma_start3A_300 = tpu.memref_squeeze %dma_start3A_299 : memref<1x!tpu.dma_semaphore, #tpu.memory_space<semaphore_mem>> -> memref<!tpu.dma_semaphore, #tpu.memory_space<semaphore_mem>>
      %dma_start3A_301 = arith.constant 0 : i32
      %dma_start3A_302 = arith.constant 0 : i32
      %dma_start3A_303 = tpu.memref_slice %arg4[%dma_start3A_296, %dma_start3A_297, %dma_start3A_301, %dma_start3A_302] : memref<4x4x1024x128xf32, #tpu.memory_space<vmem>> -> memref<1x1x1024x128xf32, #tpu.memory_space<vmem>>
      %dma_start3A_304 = tpu.memref_squeeze %dma_start3A_303 : memref<1x1x1024x128xf32, #tpu.memory_space<vmem>> -> memref<1024x128xf32, #tpu.memory_space<vmem>>
      %dma_start3A_305 = arith.constant 0 : i32
      %dma_start3A_306 = tpu.memref_slice %arg1[%select_n3A_248, %dma_start3A_295, %add3A_255, %dma_start3A_305] : memref<2x4x32768x128xf32, #tpu.memory_space<any>> -> memref<1x1x1024x128xf32, #tpu.memory_space<any>>
      %dma_start3A_307 = tpu.memref_squeeze %dma_start3A_306 : memref<1x1x1024x128xf32, #tpu.memory_space<any>> -> memref<1024x128xf32, #tpu.memory_space<any>>
      tpu.enqueue_dma source(%dma_start3A_307 : memref<1024x128xf32, #tpu.memory_space<any>>) target(%dma_start3A_304 : memref<1024x128xf32, #tpu.memory_space<vmem>>) target_semaphore(%dma_start3A_300 : memref<!tpu.dma_semaphore, #tpu.memory_space<semaphore_mem>>)
      %dma_start3A_308 = arith.constant 2 : i32
      %dma_start3A_309 = arith.constant 2 : i32
      %dma_start3A_310 = tpu.memref_slice %arg6[%dma_start3A_309] : memref<4x!tpu.dma_semaphore, #tpu.memory_space<semaphore_mem>> -> memref<1x!tpu.dma_semaphore, #tpu.memory_space<semaphore_mem>>
      %dma_start3A_311 = tpu.memref_squeeze %dma_start3A_310 : memref<1x!tpu.dma_semaphore, #tpu.memory_space<semaphore_mem>> -> memref<!tpu.dma_semaphore, #tpu.memory_space<semaphore_mem>>
      %dma_start3A_312 = arith.constant 0 : i32
      %dma_start3A_313 = arith.constant 0 : i32
      %dma_start3A_314 = tpu.memref_slice %arg5[%dma_start3A_308, %dma_start3A_312, %dma_start3A_313] : memref<4x1024x128xi32, #tpu.memory_space<vmem>> -> memref<1x1024x128xi32, #tpu.memory_space<vmem>>
      %dma_start3A_315 = tpu.memref_squeeze %dma_start3A_314 : memref<1x1024x128xi32, #tpu.memory_space<vmem>> -> memref<1024x128xi32, #tpu.memory_space<vmem>>
      %dma_start3A_316 = arith.constant 0 : i32
      %dma_start3A_317 = tpu.memref_slice %arg2[%select_n3A_248, %add3A_255, %dma_start3A_316] : memref<2x32768x128xi32, #tpu.memory_space<any>> -> memref<1x1024x128xi32, #tpu.memory_space<any>>
      %dma_start3A_318 = tpu.memref_squeeze %dma_start3A_317 : memref<1x1024x128xi32, #tpu.memory_space<any>> -> memref<1024x128xi32, #tpu.memory_space<any>>
      tpu.enqueue_dma source(%dma_start3A_318 : memref<1024x128xi32, #tpu.memory_space<any>>) target(%dma_start3A_315 : memref<1024x128xi32, #tpu.memory_space<vmem>>) target_semaphore(%dma_start3A_311 : memref<!tpu.dma_semaphore, #tpu.memory_space<semaphore_mem>>)
      %jit3A_319 = arith.constant 3 : i32
      %jit3A_320 = arith.constant 16 : i32
      %div3A_321 = arith.divsi %jit3A_319, %jit3A_320 : i32
      %sign3A_322 = arith.constant 0 : i32
      %sign3A_323 = arith.cmpi sgt, %jit3A_319, %sign3A_322 : i32
      %sign3A_324 = arith.extui %sign3A_323 : i1 to i32
      %sign3A_325 = arith.constant 0 : i32
      %sign3A_326 = arith.cmpi slt, %jit3A_319, %sign3A_325 : i32
      %sign3A_327 = arith.extui %sign3A_326 : i1 to i32
      %sign3A_328 = arith.subi %sign3A_324, %sign3A_327 : i32
      %sign3A_329 = arith.constant 0 : i32
      %sign3A_330 = arith.cmpi sgt, %jit3A_320, %sign3A_329 : i32
      %sign3A_331 = arith.extui %sign3A_330 : i1 to i32
      %sign3A_332 = arith.constant 0 : i32
      %sign3A_333 = arith.cmpi slt, %jit3A_320, %sign3A_332 : i32
      %sign3A_334 = arith.extui %sign3A_333 : i1 to i32
      %sign3A_335 = arith.subi %sign3A_331, %sign3A_334 : i32
      %ne3A_336 = arith.cmpi ne, %sign3A_328, %sign3A_335 : i32
      %rem3A_337 = arith.remsi %jit3A_319, %jit3A_320 : i32
      %ne3A_338 = arith.constant 0 : i32
      %ne3A_339 = arith.cmpi ne, %rem3A_337, %ne3A_338 : i32
      %and3A_340 = arith.andi %ne3A_336, %ne3A_339 : i1
      %sub3A_341 = arith.constant 1 : i32
      %sub3A_342 = arith.subi %div3A_321, %sub3A_341 : i32
      %select_n3A_343 = arith.select %and3A_340, %sub3A_342, %div3A_321 : i32
      %rem3A_344 = arith.constant 3 : i32
      %rem3A_345 = arith.constant 16 : i32
      %rem3A_346 = arith.remsi %rem3A_344, %rem3A_345 : i32
      %mul3A_347 = arith.constant 1024 : i32
      %mul3A_348 = arith.muli %rem3A_346, %mul3A_347 : i32
      %add3A_349 = arith.constant 16384 : i32
      %add3A_350 = arith.addi %add3A_349, %mul3A_348 : i32
      %dma_start3A_351 = arith.constant 0 : i32
      %dma_start3A_352 = arith.constant 3 : i32
      %dma_start3A_353 = arith.constant 0 : i32
      %dma_start3A_354 = arith.constant 3 : i32
      %dma_start3A_355 = tpu.memref_slice %arg6[%dma_start3A_354] : memref<4x!tpu.dma_semaphore, #tpu.memory_space<semaphore_mem>> -> memref<1x!tpu.dma_semaphore, #tpu.memory_space<semaphore_mem>>
      %dma_start3A_356 = tpu.memref_squeeze %dma_start3A_355 : memref<1x!tpu.dma_semaphore, #tpu.memory_space<semaphore_mem>> -> memref<!tpu.dma_semaphore, #tpu.memory_space<semaphore_mem>>
      %dma_start3A_357 = arith.constant 0 : i32
      %dma_start3A_358 = arith.constant 0 : i32
      %dma_start3A_359 = tpu.memref_slice %arg4[%dma_start3A_352, %dma_start3A_353, %dma_start3A_357, %dma_start3A_358] : memref<4x4x1024x128xf32, #tpu.memory_space<vmem>> -> memref<1x1x1024x128xf32, #tpu.memory_space<vmem>>
      %dma_start3A_360 = tpu.memref_squeeze %dma_start3A_359 : memref<1x1x1024x128xf32, #tpu.memory_space<vmem>> -> memref<1024x128xf32, #tpu.memory_space<vmem>>
      %dma_start3A_361 = arith.constant 0 : i32
      %dma_start3A_362 = tpu.memref_slice %arg1[%select_n3A_343, %dma_start3A_351, %add3A_350, %dma_start3A_361] : memref<2x4x32768x128xf32, #tpu.memory_space<any>> -> memref<1x1x1024x128xf32, #tpu.memory_space<any>>
      %dma_start3A_363 = tpu.memref_squeeze %dma_start3A_362 : memref<1x1x1024x128xf32, #tpu.memory_space<any>> -> memref<1024x128xf32, #tpu.memory_space<any>>
      tpu.enqueue_dma source(%dma_start3A_363 : memref<1024x128xf32, #tpu.memory_space<any>>) target(%dma_start3A_360 : memref<1024x128xf32, #tpu.memory_space<vmem>>) target_semaphore(%dma_start3A_356 : memref<!tpu.dma_semaphore, #tpu.memory_space<semaphore_mem>>)
      %dma_start3A_364 = arith.constant 1 : i32
      %dma_start3A_365 = arith.constant 3 : i32
      %dma_start3A_366 = arith.constant 1 : i32
      %dma_start3A_367 = arith.constant 3 : i32
      %dma_start3A_368 = tpu.memref_slice %arg6[%dma_start3A_367] : memref<4x!tpu.dma_semaphore, #tpu.memory_space<semaphore_mem>> -> memref<1x!tpu.dma_semaphore, #tpu.memory_space<semaphore_mem>>
      %dma_start3A_369 = tpu.memref_squeeze %dma_start3A_368 : memref<1x!tpu.dma_semaphore, #tpu.memory_space<semaphore_mem>> -> memref<!tpu.dma_semaphore, #tpu.memory_space<semaphore_mem>>
      %dma_start3A_370 = arith.constant 0 : i32
      %dma_start3A_371 = arith.constant 0 : i32
      %dma_start3A_372 = tpu.memref_slice %arg4[%dma_start3A_365, %dma_start3A_366, %dma_start3A_370, %dma_start3A_371] : memref<4x4x1024x128xf32, #tpu.memory_space<vmem>> -> memref<1x1x1024x128xf32, #tpu.memory_space<vmem>>
      %dma_start3A_373 = tpu.memref_squeeze %dma_start3A_372 : memref<1x1x1024x128xf32, #tpu.memory_space<vmem>> -> memref<1024x128xf32, #tpu.memory_space<vmem>>
      %dma_start3A_374 = arith.constant 0 : i32
      %dma_start3A_375 = tpu.memref_slice %arg1[%select_n3A_343, %dma_start3A_364, %add3A_350, %dma_start3A_374] : memref<2x4x32768x128xf32, #tpu.memory_space<any>> -> memref<1x1x1024x128xf32, #tpu.memory_space<any>>
      %dma_start3A_376 = tpu.memref_squeeze %dma_start3A_375 : memref<1x1x1024x128xf32, #tpu.memory_space<any>> -> memref<1024x128xf32, #tpu.memory_space<any>>
      tpu.enqueue_dma source(%dma_start3A_376 : memref<1024x128xf32, #tpu.memory_space<any>>) target(%dma_start3A_373 : memref<1024x128xf32, #tpu.memory_space<vmem>>) target_semaphore(%dma_start3A_369 : memref<!tpu.dma_semaphore, #tpu.memory_space<semaphore_mem>>)
      %dma_start3A_377 = arith.constant 2 : i32
      %dma_start3A_378 = arith.constant 3 : i32
      %dma_start3A_379 = arith.constant 2 : i32
      %dma_start3A_380 = arith.constant 3 : i32
      %dma_start3A_381 = tpu.memref_slice %arg6[%dma_start3A_380] : memref<4x!tpu.dma_semaphore, #tpu.memory_space<semaphore_mem>> -> memref<1x!tpu.dma_semaphore, #tpu.memory_space<semaphore_mem>>
      %dma_start3A_382 = tpu.memref_squeeze %dma_start3A_381 : memref<1x!tpu.dma_semaphore, #tpu.memory_space<semaphore_mem>> -> memref<!tpu.dma_semaphore, #tpu.memory_space<semaphore_mem>>
      %dma_start3A_383 = arith.constant 0 : i32
      %dma_start3A_384 = arith.constant 0 : i32
      %dma_start3A_385 = tpu.memref_slice %arg4[%dma_start3A_378, %dma_start3A_379, %dma_start3A_383, %dma_start3A_384] : memref<4x4x1024x128xf32, #tpu.memory_space<vmem>> -> memref<1x1x1024x128xf32, #tpu.memory_space<vmem>>
      %dma_start3A_386 = tpu.memref_squeeze %dma_start3A_385 : memref<1x1x1024x128xf32, #tpu.memory_space<vmem>> -> memref<1024x128xf32, #tpu.memory_space<vmem>>
      %dma_start3A_387 = arith.constant 0 : i32
      %dma_start3A_388 = tpu.memref_slice %arg1[%select_n3A_343, %dma_start3A_377, %add3A_350, %dma_start3A_387] : memref<2x4x32768x128xf32, #tpu.memory_space<any>> -> memref<1x1x1024x128xf32, #tpu.memory_space<any>>
      %dma_start3A_389 = tpu.memref_squeeze %dma_start3A_388 : memref<1x1x1024x128xf32, #tpu.memory_space<any>> -> memref<1024x128xf32, #tpu.memory_space<any>>
      tpu.enqueue_dma source(%dma_start3A_389 : memref<1024x128xf32, #tpu.memory_space<any>>) target(%dma_start3A_386 : memref<1024x128xf32, #tpu.memory_space<vmem>>) target_semaphore(%dma_start3A_382 : memref<!tpu.dma_semaphore, #tpu.memory_space<semaphore_mem>>)
      %dma_start3A_390 = arith.constant 3 : i32
      %dma_start3A_391 = arith.constant 3 : i32
      %dma_start3A_392 = arith.constant 3 : i32
      %dma_start3A_393 = arith.constant 3 : i32
      %dma_start3A_394 = tpu.memref_slice %arg6[%dma_start3A_393] : memref<4x!tpu.dma_semaphore, #tpu.memory_space<semaphore_mem>> -> memref<1x!tpu.dma_semaphore, #tpu.memory_space<semaphore_mem>>
      %dma_start3A_395 = tpu.memref_squeeze %dma_start3A_394 : memref<1x!tpu.dma_semaphore, #tpu.memory_space<semaphore_mem>> -> memref<!tpu.dma_semaphore, #tpu.memory_space<semaphore_mem>>
      %dma_start3A_396 = arith.constant 0 : i32
      %dma_start3A_397 = arith.constant 0 : i32
      %dma_start3A_398 = tpu.memref_slice %arg4[%dma_start3A_391, %dma_start3A_392, %dma_start3A_396, %dma_start3A_397] : memref<4x4x1024x128xf32, #tpu.memory_space<vmem>> -> memref<1x1x1024x128xf32, #tpu.memory_space<vmem>>
      %dma_start3A_399 = tpu.memref_squeeze %dma_start3A_398 : memref<1x1x1024x128xf32, #tpu.memory_space<vmem>> -> memref<1024x128xf32, #tpu.memory_space<vmem>>
      %dma_start3A_400 = arith.constant 0 : i32
      %dma_start3A_401 = tpu.memref_slice %arg1[%select_n3A_343, %dma_start3A_390, %add3A_350, %dma_start3A_400] : memref<2x4x32768x128xf32, #tpu.memory_space<any>> -> memref<1x1x1024x128xf32, #tpu.memory_space<any>>
      %dma_start3A_402 = tpu.memref_squeeze %dma_start3A_401 : memref<1x1x1024x128xf32, #tpu.memory_space<any>> -> memref<1024x128xf32, #tpu.memory_space<any>>
      tpu.enqueue_dma source(%dma_start3A_402 : memref<1024x128xf32, #tpu.memory_space<any>>) target(%dma_start3A_399 : memref<1024x128xf32, #tpu.memory_space<vmem>>) target_semaphore(%dma_start3A_395 : memref<!tpu.dma_semaphore, #tpu.memory_space<semaphore_mem>>)
      %dma_start3A_403 = arith.constant 3 : i32
      %dma_start3A_404 = arith.constant 3 : i32
      %dma_start3A_405 = tpu.memref_slice %arg6[%dma_start3A_404] : memref<4x!tpu.dma_semaphore, #tpu.memory_space<semaphore_mem>> -> memref<1x!tpu.dma_semaphore, #tpu.memory_space<semaphore_mem>>
      %dma_start3A_406 = tpu.memref_squeeze %dma_start3A_405 : memref<1x!tpu.dma_semaphore, #tpu.memory_space<semaphore_mem>> -> memref<!tpu.dma_semaphore, #tpu.memory_space<semaphore_mem>>
      %dma_start3A_407 = arith.constant 0 : i32
      %dma_start3A_408 = arith.constant 0 : i32
      %dma_start3A_409 = tpu.memref_slice %arg5[%dma_start3A_403, %dma_start3A_407, %dma_start3A_408] : memref<4x1024x128xi32, #tpu.memory_space<vmem>> -> memref<1x1024x128xi32, #tpu.memory_space<vmem>>
      %dma_start3A_410 = tpu.memref_squeeze %dma_start3A_409 : memref<1x1024x128xi32, #tpu.memory_space<vmem>> -> memref<1024x128xi32, #tpu.memory_space<vmem>>
      %dma_start3A_411 = arith.constant 0 : i32
      %dma_start3A_412 = tpu.memref_slice %arg2[%select_n3A_343, %add3A_350, %dma_start3A_411] : memref<2x32768x128xi32, #tpu.memory_space<any>> -> memref<1x1024x128xi32, #tpu.memory_space<any>>
      %dma_start3A_413 = tpu.memref_squeeze %dma_start3A_412 : memref<1x1024x128xi32, #tpu.memory_space<any>> -> memref<1024x128xi32, #tpu.memory_space<any>>
      tpu.enqueue_dma source(%dma_start3A_413 : memref<1024x128xi32, #tpu.memory_space<any>>) target(%dma_start3A_410 : memref<1024x128xi32, #tpu.memory_space<vmem>>) target_semaphore(%dma_start3A_406 : memref<!tpu.dma_semaphore, #tpu.memory_space<semaphore_mem>>)
    } else {
    }
    %gt3A = arith.constant 0 : i32
    %gt3A_2 = arith.cmpi sgt, %arg0, %gt3A : i32
    %add3A = arith.constant 4 : i32
    %add3A_3 = arith.addi %arg0, %add3A : i32
    %le3A = arith.constant 32 : i32
    %le3A_4 = arith.cmpi sle, %add3A_3, %le3A : i32
    %and3A = arith.andi %gt3A_2, %le3A_4 : i1
    %convert_element_type3A_5 = arith.extui %and3A : i1 to i32
    %cond3A_6 = arith.constant 0 : i32
    %cond3A_7 = arith.cmpi ne, %convert_element_type3A_5, %cond3A_6 : i32
    scf.if %cond3A_7 {
      %add3A_42 = arith.constant 4 : i32
      %add3A_43 = arith.addi %arg0, %add3A_42 : i32
      %sub3A = arith.constant 1 : i32
      %sub3A_44 = arith.subi %add3A_43, %sub3A : i32
      %rem3A_45 = arith.constant 4 : i32
      %rem3A_46 = arith.remsi %sub3A_44, %rem3A_45 : i32
      %eq3A_47 = arith.constant 0 : i32
      %eq3A_48 = arith.cmpi eq, %rem3A_46, %eq3A_47 : i32
      %convert_element_type3A_49 = arith.extui %eq3A_48 : i1 to i32
      %cond3A_50 = arith.constant 0 : i32
      %cond3A_51 = arith.cmpi ne, %convert_element_type3A_49, %cond3A_50 : i32
      scf.if %cond3A_51 {
        %jit3A = arith.constant 16 : i32
        %div3A = arith.divsi %sub3A_44, %jit3A : i32
        %sign3A = arith.constant 0 : i32
        %sign3A_73 = arith.cmpi sgt, %sub3A_44, %sign3A : i32
        %sign3A_74 = arith.extui %sign3A_73 : i1 to i32
        %sign3A_75 = arith.constant 0 : i32
        %sign3A_76 = arith.cmpi slt, %sub3A_44, %sign3A_75 : i32
        %sign3A_77 = arith.extui %sign3A_76 : i1 to i32
        %sign3A_78 = arith.subi %sign3A_74, %sign3A_77 : i32
        %sign3A_79 = arith.constant 0 : i32
        %sign3A_80 = arith.cmpi sgt, %jit3A, %sign3A_79 : i32
        %sign3A_81 = arith.extui %sign3A_80 : i1 to i32
        %sign3A_82 = arith.constant 0 : i32
        %sign3A_83 = arith.cmpi slt, %jit3A, %sign3A_82 : i32
        %sign3A_84 = arith.extui %sign3A_83 : i1 to i32
        %sign3A_85 = arith.subi %sign3A_81, %sign3A_84 : i32
        %ne3A = arith.cmpi ne, %sign3A_78, %sign3A_85 : i32
        %rem3A_86 = arith.remsi %sub3A_44, %jit3A : i32
        %ne3A_87 = arith.constant 0 : i32
        %ne3A_88 = arith.cmpi ne, %rem3A_86, %ne3A_87 : i32
        %and3A_89 = arith.andi %ne3A, %ne3A_88 : i1
        %sub3A_90 = arith.constant 1 : i32
        %sub3A_91 = arith.subi %div3A, %sub3A_90 : i32
        %select_n3A = arith.select %and3A_89, %sub3A_91, %div3A : i32
        %rem3A_92 = arith.constant 16 : i32
        %rem3A_93 = arith.remsi %sub3A_44, %rem3A_92 : i32
        %mul3A = arith.constant 1024 : i32
        %mul3A_94 = arith.muli %rem3A_93, %mul3A : i32
        %add3A_95 = arith.constant 16384 : i32
        %add3A_96 = arith.addi %add3A_95, %mul3A_94 : i32
        %dma_start3A = arith.constant 0 : i32
        %dma_start3A_97 = arith.constant 0 : i32
        %dma_start3A_98 = arith.constant 0 : i32
        %dma_start3A_99 = arith.constant 0 : i32
        %dma_start3A_100 = tpu.memref_slice %arg6[%dma_start3A_99] : memref<4x!tpu.dma_semaphore, #tpu.memory_space<semaphore_mem>> -> memref<1x!tpu.dma_semaphore, #tpu.memory_space<semaphore_mem>>
        %dma_start3A_101 = tpu.memref_squeeze %dma_start3A_100 : memref<1x!tpu.dma_semaphore, #tpu.memory_space<semaphore_mem>> -> memref<!tpu.dma_semaphore, #tpu.memory_space<semaphore_mem>>
        %dma_start3A_102 = arith.constant 0 : i32
        %dma_start3A_103 = arith.constant 0 : i32
        %dma_start3A_104 = tpu.memref_slice %arg4[%dma_start3A_97, %dma_start3A_98, %dma_start3A_102, %dma_start3A_103] : memref<4x4x1024x128xf32, #tpu.memory_space<vmem>> -> memref<1x1x1024x128xf32, #tpu.memory_space<vmem>>
        %dma_start3A_105 = tpu.memref_squeeze %dma_start3A_104 : memref<1x1x1024x128xf32, #tpu.memory_space<vmem>> -> memref<1024x128xf32, #tpu.memory_space<vmem>>
        %dma_start3A_106 = arith.constant 0 : i32
        %dma_start3A_107 = tpu.memref_slice %arg1[%select_n3A, %dma_start3A, %add3A_96, %dma_start3A_106] : memref<2x4x32768x128xf32, #tpu.memory_space<any>> -> memref<1x1x1024x128xf32, #tpu.memory_space<any>>
        %dma_start3A_108 = tpu.memref_squeeze %dma_start3A_107 : memref<1x1x1024x128xf32, #tpu.memory_space<any>> -> memref<1024x128xf32, #tpu.memory_space<any>>
        tpu.enqueue_dma source(%dma_start3A_108 : memref<1024x128xf32, #tpu.memory_space<any>>) target(%dma_start3A_105 : memref<1024x128xf32, #tpu.memory_space<vmem>>) target_semaphore(%dma_start3A_101 : memref<!tpu.dma_semaphore, #tpu.memory_space<semaphore_mem>>)
        %dma_start3A_109 = arith.constant 1 : i32
        %dma_start3A_110 = arith.constant 0 : i32
        %dma_start3A_111 = arith.constant 1 : i32
        %dma_start3A_112 = arith.constant 0 : i32
        %dma_start3A_113 = tpu.memref_slice %arg6[%dma_start3A_112] : memref<4x!tpu.dma_semaphore, #tpu.memory_space<semaphore_mem>> -> memref<1x!tpu.dma_semaphore, #tpu.memory_space<semaphore_mem>>
        %dma_start3A_114 = tpu.memref_squeeze %dma_start3A_113 : memref<1x!tpu.dma_semaphore, #tpu.memory_space<semaphore_mem>> -> memref<!tpu.dma_semaphore, #tpu.memory_space<semaphore_mem>>
        %dma_start3A_115 = arith.constant 0 : i32
        %dma_start3A_116 = arith.constant 0 : i32
        %dma_start3A_117 = tpu.memref_slice %arg4[%dma_start3A_110, %dma_start3A_111, %dma_start3A_115, %dma_start3A_116] : memref<4x4x1024x128xf32, #tpu.memory_space<vmem>> -> memref<1x1x1024x128xf32, #tpu.memory_space<vmem>>
        %dma_start3A_118 = tpu.memref_squeeze %dma_start3A_117 : memref<1x1x1024x128xf32, #tpu.memory_space<vmem>> -> memref<1024x128xf32, #tpu.memory_space<vmem>>
        %dma_start3A_119 = arith.constant 0 : i32
        %dma_start3A_120 = tpu.memref_slice %arg1[%select_n3A, %dma_start3A_109, %add3A_96, %dma_start3A_119] : memref<2x4x32768x128xf32, #tpu.memory_space<any>> -> memref<1x1x1024x128xf32, #tpu.memory_space<any>>
        %dma_start3A_121 = tpu.memref_squeeze %dma_start3A_120 : memref<1x1x1024x128xf32, #tpu.memory_space<any>> -> memref<1024x128xf32, #tpu.memory_space<any>>
        tpu.enqueue_dma source(%dma_start3A_121 : memref<1024x128xf32, #tpu.memory_space<any>>) target(%dma_start3A_118 : memref<1024x128xf32, #tpu.memory_space<vmem>>) target_semaphore(%dma_start3A_114 : memref<!tpu.dma_semaphore, #tpu.memory_space<semaphore_mem>>)
        %dma_start3A_122 = arith.constant 2 : i32
        %dma_start3A_123 = arith.constant 0 : i32
        %dma_start3A_124 = arith.constant 2 : i32
        %dma_start3A_125 = arith.constant 0 : i32
        %dma_start3A_126 = tpu.memref_slice %arg6[%dma_start3A_125] : memref<4x!tpu.dma_semaphore, #tpu.memory_space<semaphore_mem>> -> memref<1x!tpu.dma_semaphore, #tpu.memory_space<semaphore_mem>>
        %dma_start3A_127 = tpu.memref_squeeze %dma_start3A_126 : memref<1x!tpu.dma_semaphore, #tpu.memory_space<semaphore_mem>> -> memref<!tpu.dma_semaphore, #tpu.memory_space<semaphore_mem>>
        %dma_start3A_128 = arith.constant 0 : i32
        %dma_start3A_129 = arith.constant 0 : i32
        %dma_start3A_130 = tpu.memref_slice %arg4[%dma_start3A_123, %dma_start3A_124, %dma_start3A_128, %dma_start3A_129] : memref<4x4x1024x128xf32, #tpu.memory_space<vmem>> -> memref<1x1x1024x128xf32, #tpu.memory_space<vmem>>
        %dma_start3A_131 = tpu.memref_squeeze %dma_start3A_130 : memref<1x1x1024x128xf32, #tpu.memory_space<vmem>> -> memref<1024x128xf32, #tpu.memory_space<vmem>>
        %dma_start3A_132 = arith.constant 0 : i32
        %dma_start3A_133 = tpu.memref_slice %arg1[%select_n3A, %dma_start3A_122, %add3A_96, %dma_start3A_132] : memref<2x4x32768x128xf32, #tpu.memory_space<any>> -> memref<1x1x1024x128xf32, #tpu.memory_space<any>>
        %dma_start3A_134 = tpu.memref_squeeze %dma_start3A_133 : memref<1x1x1024x128xf32, #tpu.memory_space<any>> -> memref<1024x128xf32, #tpu.memory_space<any>>
        tpu.enqueue_dma source(%dma_start3A_134 : memref<1024x128xf32, #tpu.memory_space<any>>) target(%dma_start3A_131 : memref<1024x128xf32, #tpu.memory_space<vmem>>) target_semaphore(%dma_start3A_127 : memref<!tpu.dma_semaphore, #tpu.memory_space<semaphore_mem>>)
        %dma_start3A_135 = arith.constant 3 : i32
        %dma_start3A_136 = arith.constant 0 : i32
        %dma_start3A_137 = arith.constant 3 : i32
        %dma_start3A_138 = arith.constant 0 : i32
        %dma_start3A_139 = tpu.memref_slice %arg6[%dma_start3A_138] : memref<4x!tpu.dma_semaphore, #tpu.memory_space<semaphore_mem>> -> memref<1x!tpu.dma_semaphore, #tpu.memory_space<semaphore_mem>>
        %dma_start3A_140 = tpu.memref_squeeze %dma_start3A_139 : memref<1x!tpu.dma_semaphore, #tpu.memory_space<semaphore_mem>> -> memref<!tpu.dma_semaphore, #tpu.memory_space<semaphore_mem>>
        %dma_start3A_141 = arith.constant 0 : i32
        %dma_start3A_142 = arith.constant 0 : i32
        %dma_start3A_143 = tpu.memref_slice %arg4[%dma_start3A_136, %dma_start3A_137, %dma_start3A_141, %dma_start3A_142] : memref<4x4x1024x128xf32, #tpu.memory_space<vmem>> -> memref<1x1x1024x128xf32, #tpu.memory_space<vmem>>
        %dma_start3A_144 = tpu.memref_squeeze %dma_start3A_143 : memref<1x1x1024x128xf32, #tpu.memory_space<vmem>> -> memref<1024x128xf32, #tpu.memory_space<vmem>>
        %dma_start3A_145 = arith.constant 0 : i32
        %dma_start3A_146 = tpu.memref_slice %arg1[%select_n3A, %dma_start3A_135, %add3A_96, %dma_start3A_145] : memref<2x4x32768x128xf32, #tpu.memory_space<any>> -> memref<1x1x1024x128xf32, #tpu.memory_space<any>>
        %dma_start3A_147 = tpu.memref_squeeze %dma_start3A_146 : memref<1x1x1024x128xf32, #tpu.memory_space<any>> -> memref<1024x128xf32, #tpu.memory_space<any>>
        tpu.enqueue_dma source(%dma_start3A_147 : memref<1024x128xf32, #tpu.memory_space<any>>) target(%dma_start3A_144 : memref<1024x128xf32, #tpu.memory_space<vmem>>) target_semaphore(%dma_start3A_140 : memref<!tpu.dma_semaphore, #tpu.memory_space<semaphore_mem>>)
        %dma_start3A_148 = arith.constant 0 : i32
        %dma_start3A_149 = arith.constant 0 : i32
        %dma_start3A_150 = tpu.memref_slice %arg6[%dma_start3A_149] : memref<4x!tpu.dma_semaphore, #tpu.memory_space<semaphore_mem>> -> memref<1x!tpu.dma_semaphore, #tpu.memory_space<semaphore_mem>>
        %dma_start3A_151 = tpu.memref_squeeze %dma_start3A_150 : memref<1x!tpu.dma_semaphore, #tpu.memory_space<semaphore_mem>> -> memref<!tpu.dma_semaphore, #tpu.memory_space<semaphore_mem>>
        %dma_start3A_152 = arith.constant 0 : i32
        %dma_start3A_153 = arith.constant 0 : i32
        %dma_start3A_154 = tpu.memref_slice %arg5[%dma_start3A_148, %dma_start3A_152, %dma_start3A_153] : memref<4x1024x128xi32, #tpu.memory_space<vmem>> -> memref<1x1024x128xi32, #tpu.memory_space<vmem>>
        %dma_start3A_155 = tpu.memref_squeeze %dma_start3A_154 : memref<1x1024x128xi32, #tpu.memory_space<vmem>> -> memref<1024x128xi32, #tpu.memory_space<vmem>>
        %dma_start3A_156 = arith.constant 0 : i32
        %dma_start3A_157 = tpu.memref_slice %arg2[%select_n3A, %add3A_96, %dma_start3A_156] : memref<2x32768x128xi32, #tpu.memory_space<any>> -> memref<1x1024x128xi32, #tpu.memory_space<any>>
        %dma_start3A_158 = tpu.memref_squeeze %dma_start3A_157 : memref<1x1024x128xi32, #tpu.memory_space<any>> -> memref<1024x128xi32, #tpu.memory_space<any>>
        tpu.enqueue_dma source(%dma_start3A_158 : memref<1024x128xi32, #tpu.memory_space<any>>) target(%dma_start3A_155 : memref<1024x128xi32, #tpu.memory_space<vmem>>) target_semaphore(%dma_start3A_151 : memref<!tpu.dma_semaphore, #tpu.memory_space<semaphore_mem>>)
      } else {
      }
      %rem3A_52 = arith.constant 4 : i32
      %rem3A_53 = arith.remsi %sub3A_44, %rem3A_52 : i32
      %eq3A_54 = arith.constant 1 : i32
      %eq3A_55 = arith.cmpi eq, %rem3A_53, %eq3A_54 : i32
      %convert_element_type3A_56 = arith.extui %eq3A_55 : i1 to i32
      %cond3A_57 = arith.constant 0 : i32
      %cond3A_58 = arith.cmpi ne, %convert_element_type3A_56, %cond3A_57 : i32
      scf.if %cond3A_58 {
        %jit3A = arith.constant 16 : i32
        %div3A = arith.divsi %sub3A_44, %jit3A : i32
        %sign3A = arith.constant 0 : i32
        %sign3A_73 = arith.cmpi sgt, %sub3A_44, %sign3A : i32
        %sign3A_74 = arith.extui %sign3A_73 : i1 to i32
        %sign3A_75 = arith.constant 0 : i32
        %sign3A_76 = arith.cmpi slt, %sub3A_44, %sign3A_75 : i32
        %sign3A_77 = arith.extui %sign3A_76 : i1 to i32
        %sign3A_78 = arith.subi %sign3A_74, %sign3A_77 : i32
        %sign3A_79 = arith.constant 0 : i32
        %sign3A_80 = arith.cmpi sgt, %jit3A, %sign3A_79 : i32
        %sign3A_81 = arith.extui %sign3A_80 : i1 to i32
        %sign3A_82 = arith.constant 0 : i32
        %sign3A_83 = arith.cmpi slt, %jit3A, %sign3A_82 : i32
        %sign3A_84 = arith.extui %sign3A_83 : i1 to i32
        %sign3A_85 = arith.subi %sign3A_81, %sign3A_84 : i32
        %ne3A = arith.cmpi ne, %sign3A_78, %sign3A_85 : i32
        %rem3A_86 = arith.remsi %sub3A_44, %jit3A : i32
        %ne3A_87 = arith.constant 0 : i32
        %ne3A_88 = arith.cmpi ne, %rem3A_86, %ne3A_87 : i32
        %and3A_89 = arith.andi %ne3A, %ne3A_88 : i1
        %sub3A_90 = arith.constant 1 : i32
        %sub3A_91 = arith.subi %div3A, %sub3A_90 : i32
        %select_n3A = arith.select %and3A_89, %sub3A_91, %div3A : i32
        %rem3A_92 = arith.constant 16 : i32
        %rem3A_93 = arith.remsi %sub3A_44, %rem3A_92 : i32
        %mul3A = arith.constant 1024 : i32
        %mul3A_94 = arith.muli %rem3A_93, %mul3A : i32
        %add3A_95 = arith.constant 16384 : i32
        %add3A_96 = arith.addi %add3A_95, %mul3A_94 : i32
        %dma_start3A = arith.constant 0 : i32
        %dma_start3A_97 = arith.constant 1 : i32
        %dma_start3A_98 = arith.constant 0 : i32
        %dma_start3A_99 = arith.constant 1 : i32
        %dma_start3A_100 = tpu.memref_slice %arg6[%dma_start3A_99] : memref<4x!tpu.dma_semaphore, #tpu.memory_space<semaphore_mem>> -> memref<1x!tpu.dma_semaphore, #tpu.memory_space<semaphore_mem>>
        %dma_start3A_101 = tpu.memref_squeeze %dma_start3A_100 : memref<1x!tpu.dma_semaphore, #tpu.memory_space<semaphore_mem>> -> memref<!tpu.dma_semaphore, #tpu.memory_space<semaphore_mem>>
        %dma_start3A_102 = arith.constant 0 : i32
        %dma_start3A_103 = arith.constant 0 : i32
        %dma_start3A_104 = tpu.memref_slice %arg4[%dma_start3A_97, %dma_start3A_98, %dma_start3A_102, %dma_start3A_103] : memref<4x4x1024x128xf32, #tpu.memory_space<vmem>> -> memref<1x1x1024x128xf32, #tpu.memory_space<vmem>>
        %dma_start3A_105 = tpu.memref_squeeze %dma_start3A_104 : memref<1x1x1024x128xf32, #tpu.memory_space<vmem>> -> memref<1024x128xf32, #tpu.memory_space<vmem>>
        %dma_start3A_106 = arith.constant 0 : i32
        %dma_start3A_107 = tpu.memref_slice %arg1[%select_n3A, %dma_start3A, %add3A_96, %dma_start3A_106] : memref<2x4x32768x128xf32, #tpu.memory_space<any>> -> memref<1x1x1024x128xf32, #tpu.memory_space<any>>
        %dma_start3A_108 = tpu.memref_squeeze %dma_start3A_107 : memref<1x1x1024x128xf32, #tpu.memory_space<any>> -> memref<1024x128xf32, #tpu.memory_space<any>>
        tpu.enqueue_dma source(%dma_start3A_108 : memref<1024x128xf32, #tpu.memory_space<any>>) target(%dma_start3A_105 : memref<1024x128xf32, #tpu.memory_space<vmem>>) target_semaphore(%dma_start3A_101 : memref<!tpu.dma_semaphore, #tpu.memory_space<semaphore_mem>>)
        %dma_start3A_109 = arith.constant 1 : i32
        %dma_start3A_110 = arith.constant 1 : i32
        %dma_start3A_111 = arith.constant 1 : i32
        %dma_start3A_112 = arith.constant 1 : i32
        %dma_start3A_113 = tpu.memref_slice %arg6[%dma_start3A_112] : memref<4x!tpu.dma_semaphore, #tpu.memory_space<semaphore_mem>> -> memref<1x!tpu.dma_semaphore, #tpu.memory_space<semaphore_mem>>
        %dma_start3A_114 = tpu.memref_squeeze %dma_start3A_113 : memref<1x!tpu.dma_semaphore, #tpu.memory_space<semaphore_mem>> -> memref<!tpu.dma_semaphore, #tpu.memory_space<semaphore_mem>>
        %dma_start3A_115 = arith.constant 0 : i32
        %dma_start3A_116 = arith.constant 0 : i32
        %dma_start3A_117 = tpu.memref_slice %arg4[%dma_start3A_110, %dma_start3A_111, %dma_start3A_115, %dma_start3A_116] : memref<4x4x1024x128xf32, #tpu.memory_space<vmem>> -> memref<1x1x1024x128xf32, #tpu.memory_space<vmem>>
        %dma_start3A_118 = tpu.memref_squeeze %dma_start3A_117 : memref<1x1x1024x128xf32, #tpu.memory_space<vmem>> -> memref<1024x128xf32, #tpu.memory_space<vmem>>
        %dma_start3A_119 = arith.constant 0 : i32
        %dma_start3A_120 = tpu.memref_slice %arg1[%select_n3A, %dma_start3A_109, %add3A_96, %dma_start3A_119] : memref<2x4x32768x128xf32, #tpu.memory_space<any>> -> memref<1x1x1024x128xf32, #tpu.memory_space<any>>
        %dma_start3A_121 = tpu.memref_squeeze %dma_start3A_120 : memref<1x1x1024x128xf32, #tpu.memory_space<any>> -> memref<1024x128xf32, #tpu.memory_space<any>>
        tpu.enqueue_dma source(%dma_start3A_121 : memref<1024x128xf32, #tpu.memory_space<any>>) target(%dma_start3A_118 : memref<1024x128xf32, #tpu.memory_space<vmem>>) target_semaphore(%dma_start3A_114 : memref<!tpu.dma_semaphore, #tpu.memory_space<semaphore_mem>>)
        %dma_start3A_122 = arith.constant 2 : i32
        %dma_start3A_123 = arith.constant 1 : i32
        %dma_start3A_124 = arith.constant 2 : i32
        %dma_start3A_125 = arith.constant 1 : i32
        %dma_start3A_126 = tpu.memref_slice %arg6[%dma_start3A_125] : memref<4x!tpu.dma_semaphore, #tpu.memory_space<semaphore_mem>> -> memref<1x!tpu.dma_semaphore, #tpu.memory_space<semaphore_mem>>
        %dma_start3A_127 = tpu.memref_squeeze %dma_start3A_126 : memref<1x!tpu.dma_semaphore, #tpu.memory_space<semaphore_mem>> -> memref<!tpu.dma_semaphore, #tpu.memory_space<semaphore_mem>>
        %dma_start3A_128 = arith.constant 0 : i32
        %dma_start3A_129 = arith.constant 0 : i32
        %dma_start3A_130 = tpu.memref_slice %arg4[%dma_start3A_123, %dma_start3A_124, %dma_start3A_128, %dma_start3A_129] : memref<4x4x1024x128xf32, #tpu.memory_space<vmem>> -> memref<1x1x1024x128xf32, #tpu.memory_space<vmem>>
        %dma_start3A_131 = tpu.memref_squeeze %dma_start3A_130 : memref<1x1x1024x128xf32, #tpu.memory_space<vmem>> -> memref<1024x128xf32, #tpu.memory_space<vmem>>
        %dma_start3A_132 = arith.constant 0 : i32
        %dma_start3A_133 = tpu.memref_slice %arg1[%select_n3A, %dma_start3A_122, %add3A_96, %dma_start3A_132] : memref<2x4x32768x128xf32, #tpu.memory_space<any>> -> memref<1x1x1024x128xf32, #tpu.memory_space<any>>
        %dma_start3A_134 = tpu.memref_squeeze %dma_start3A_133 : memref<1x1x1024x128xf32, #tpu.memory_space<any>> -> memref<1024x128xf32, #tpu.memory_space<any>>
        tpu.enqueue_dma source(%dma_start3A_134 : memref<1024x128xf32, #tpu.memory_space<any>>) target(%dma_start3A_131 : memref<1024x128xf32, #tpu.memory_space<vmem>>) target_semaphore(%dma_start3A_127 : memref<!tpu.dma_semaphore, #tpu.memory_space<semaphore_mem>>)
        %dma_start3A_135 = arith.constant 3 : i32
        %dma_start3A_136 = arith.constant 1 : i32
        %dma_start3A_137 = arith.constant 3 : i32
        %dma_start3A_138 = arith.constant 1 : i32
        %dma_start3A_139 = tpu.memref_slice %arg6[%dma_start3A_138] : memref<4x!tpu.dma_semaphore, #tpu.memory_space<semaphore_mem>> -> memref<1x!tpu.dma_semaphore, #tpu.memory_space<semaphore_mem>>
        %dma_start3A_140 = tpu.memref_squeeze %dma_start3A_139 : memref<1x!tpu.dma_semaphore, #tpu.memory_space<semaphore_mem>> -> memref<!tpu.dma_semaphore, #tpu.memory_space<semaphore_mem>>
        %dma_start3A_141 = arith.constant 0 : i32
        %dma_start3A_142 = arith.constant 0 : i32
        %dma_start3A_143 = tpu.memref_slice %arg4[%dma_start3A_136, %dma_start3A_137, %dma_start3A_141, %dma_start3A_142] : memref<4x4x1024x128xf32, #tpu.memory_space<vmem>> -> memref<1x1x1024x128xf32, #tpu.memory_space<vmem>>
        %dma_start3A_144 = tpu.memref_squeeze %dma_start3A_143 : memref<1x1x1024x128xf32, #tpu.memory_space<vmem>> -> memref<1024x128xf32, #tpu.memory_space<vmem>>
        %dma_start3A_145 = arith.constant 0 : i32
        %dma_start3A_146 = tpu.memref_slice %arg1[%select_n3A, %dma_start3A_135, %add3A_96, %dma_start3A_145] : memref<2x4x32768x128xf32, #tpu.memory_space<any>> -> memref<1x1x1024x128xf32, #tpu.memory_space<any>>
        %dma_start3A_147 = tpu.memref_squeeze %dma_start3A_146 : memref<1x1x1024x128xf32, #tpu.memory_space<any>> -> memref<1024x128xf32, #tpu.memory_space<any>>
        tpu.enqueue_dma source(%dma_start3A_147 : memref<1024x128xf32, #tpu.memory_space<any>>) target(%dma_start3A_144 : memref<1024x128xf32, #tpu.memory_space<vmem>>) target_semaphore(%dma_start3A_140 : memref<!tpu.dma_semaphore, #tpu.memory_space<semaphore_mem>>)
        %dma_start3A_148 = arith.constant 1 : i32
        %dma_start3A_149 = arith.constant 1 : i32
        %dma_start3A_150 = tpu.memref_slice %arg6[%dma_start3A_149] : memref<4x!tpu.dma_semaphore, #tpu.memory_space<semaphore_mem>> -> memref<1x!tpu.dma_semaphore, #tpu.memory_space<semaphore_mem>>
        %dma_start3A_151 = tpu.memref_squeeze %dma_start3A_150 : memref<1x!tpu.dma_semaphore, #tpu.memory_space<semaphore_mem>> -> memref<!tpu.dma_semaphore, #tpu.memory_space<semaphore_mem>>
        %dma_start3A_152 = arith.constant 0 : i32
        %dma_start3A_153 = arith.constant 0 : i32
        %dma_start3A_154 = tpu.memref_slice %arg5[%dma_start3A_148, %dma_start3A_152, %dma_start3A_153] : memref<4x1024x128xi32, #tpu.memory_space<vmem>> -> memref<1x1024x128xi32, #tpu.memory_space<vmem>>
        %dma_start3A_155 = tpu.memref_squeeze %dma_start3A_154 : memref<1x1024x128xi32, #tpu.memory_space<vmem>> -> memref<1024x128xi32, #tpu.memory_space<vmem>>
        %dma_start3A_156 = arith.constant 0 : i32
        %dma_start3A_157 = tpu.memref_slice %arg2[%select_n3A, %add3A_96, %dma_start3A_156] : memref<2x32768x128xi32, #tpu.memory_space<any>> -> memref<1x1024x128xi32, #tpu.memory_space<any>>
        %dma_start3A_158 = tpu.memref_squeeze %dma_start3A_157 : memref<1x1024x128xi32, #tpu.memory_space<any>> -> memref<1024x128xi32, #tpu.memory_space<any>>
        tpu.enqueue_dma source(%dma_start3A_158 : memref<1024x128xi32, #tpu.memory_space<any>>) target(%dma_start3A_155 : memref<1024x128xi32, #tpu.memory_space<vmem>>) target_semaphore(%dma_start3A_151 : memref<!tpu.dma_semaphore, #tpu.memory_space<semaphore_mem>>)
      } else {
      }
      %rem3A_59 = arith.constant 4 : i32
      %rem3A_60 = arith.remsi %sub3A_44, %rem3A_59 : i32
      %eq3A_61 = arith.constant 2 : i32
      %eq3A_62 = arith.cmpi eq, %rem3A_60, %eq3A_61 : i32
      %convert_element_type3A_63 = arith.extui %eq3A_62 : i1 to i32
      %cond3A_64 = arith.constant 0 : i32
      %cond3A_65 = arith.cmpi ne, %convert_element_type3A_63, %cond3A_64 : i32
      scf.if %cond3A_65 {
        %jit3A = arith.constant 16 : i32
        %div3A = arith.divsi %sub3A_44, %jit3A : i32
        %sign3A = arith.constant 0 : i32
        %sign3A_73 = arith.cmpi sgt, %sub3A_44, %sign3A : i32
        %sign3A_74 = arith.extui %sign3A_73 : i1 to i32
        %sign3A_75 = arith.constant 0 : i32
        %sign3A_76 = arith.cmpi slt, %sub3A_44, %sign3A_75 : i32
        %sign3A_77 = arith.extui %sign3A_76 : i1 to i32
        %sign3A_78 = arith.subi %sign3A_74, %sign3A_77 : i32
        %sign3A_79 = arith.constant 0 : i32
        %sign3A_80 = arith.cmpi sgt, %jit3A, %sign3A_79 : i32
        %sign3A_81 = arith.extui %sign3A_80 : i1 to i32
        %sign3A_82 = arith.constant 0 : i32
        %sign3A_83 = arith.cmpi slt, %jit3A, %sign3A_82 : i32
        %sign3A_84 = arith.extui %sign3A_83 : i1 to i32
        %sign3A_85 = arith.subi %sign3A_81, %sign3A_84 : i32
        %ne3A = arith.cmpi ne, %sign3A_78, %sign3A_85 : i32
        %rem3A_86 = arith.remsi %sub3A_44, %jit3A : i32
        %ne3A_87 = arith.constant 0 : i32
        %ne3A_88 = arith.cmpi ne, %rem3A_86, %ne3A_87 : i32
        %and3A_89 = arith.andi %ne3A, %ne3A_88 : i1
        %sub3A_90 = arith.constant 1 : i32
        %sub3A_91 = arith.subi %div3A, %sub3A_90 : i32
        %select_n3A = arith.select %and3A_89, %sub3A_91, %div3A : i32
        %rem3A_92 = arith.constant 16 : i32
        %rem3A_93 = arith.remsi %sub3A_44, %rem3A_92 : i32
        %mul3A = arith.constant 1024 : i32
        %mul3A_94 = arith.muli %rem3A_93, %mul3A : i32
        %add3A_95 = arith.constant 16384 : i32
        %add3A_96 = arith.addi %add3A_95, %mul3A_94 : i32
        %dma_start3A = arith.constant 0 : i32
        %dma_start3A_97 = arith.constant 2 : i32
        %dma_start3A_98 = arith.constant 0 : i32
        %dma_start3A_99 = arith.constant 2 : i32
        %dma_start3A_100 = tpu.memref_slice %arg6[%dma_start3A_99] : memref<4x!tpu.dma_semaphore, #tpu.memory_space<semaphore_mem>> -> memref<1x!tpu.dma_semaphore, #tpu.memory_space<semaphore_mem>>
        %dma_start3A_101 = tpu.memref_squeeze %dma_start3A_100 : memref<1x!tpu.dma_semaphore, #tpu.memory_space<semaphore_mem>> -> memref<!tpu.dma_semaphore, #tpu.memory_space<semaphore_mem>>
        %dma_start3A_102 = arith.constant 0 : i32
        %dma_start3A_103 = arith.constant 0 : i32
        %dma_start3A_104 = tpu.memref_slice %arg4[%dma_start3A_97, %dma_start3A_98, %dma_start3A_102, %dma_start3A_103] : memref<4x4x1024x128xf32, #tpu.memory_space<vmem>> -> memref<1x1x1024x128xf32, #tpu.memory_space<vmem>>
        %dma_start3A_105 = tpu.memref_squeeze %dma_start3A_104 : memref<1x1x1024x128xf32, #tpu.memory_space<vmem>> -> memref<1024x128xf32, #tpu.memory_space<vmem>>
        %dma_start3A_106 = arith.constant 0 : i32
        %dma_start3A_107 = tpu.memref_slice %arg1[%select_n3A, %dma_start3A, %add3A_96, %dma_start3A_106] : memref<2x4x32768x128xf32, #tpu.memory_space<any>> -> memref<1x1x1024x128xf32, #tpu.memory_space<any>>
        %dma_start3A_108 = tpu.memref_squeeze %dma_start3A_107 : memref<1x1x1024x128xf32, #tpu.memory_space<any>> -> memref<1024x128xf32, #tpu.memory_space<any>>
        tpu.enqueue_dma source(%dma_start3A_108 : memref<1024x128xf32, #tpu.memory_space<any>>) target(%dma_start3A_105 : memref<1024x128xf32, #tpu.memory_space<vmem>>) target_semaphore(%dma_start3A_101 : memref<!tpu.dma_semaphore, #tpu.memory_space<semaphore_mem>>)
        %dma_start3A_109 = arith.constant 1 : i32
        %dma_start3A_110 = arith.constant 2 : i32
        %dma_start3A_111 = arith.constant 1 : i32
        %dma_start3A_112 = arith.constant 2 : i32
        %dma_start3A_113 = tpu.memref_slice %arg6[%dma_start3A_112] : memref<4x!tpu.dma_semaphore, #tpu.memory_space<semaphore_mem>> -> memref<1x!tpu.dma_semaphore, #tpu.memory_space<semaphore_mem>>
        %dma_start3A_114 = tpu.memref_squeeze %dma_start3A_113 : memref<1x!tpu.dma_semaphore, #tpu.memory_space<semaphore_mem>> -> memref<!tpu.dma_semaphore, #tpu.memory_space<semaphore_mem>>
        %dma_start3A_115 = arith.constant 0 : i32
        %dma_start3A_116 = arith.constant 0 : i32
        %dma_start3A_117 = tpu.memref_slice %arg4[%dma_start3A_110, %dma_start3A_111, %dma_start3A_115, %dma_start3A_116] : memref<4x4x1024x128xf32, #tpu.memory_space<vmem>> -> memref<1x1x1024x128xf32, #tpu.memory_space<vmem>>
        %dma_start3A_118 = tpu.memref_squeeze %dma_start3A_117 : memref<1x1x1024x128xf32, #tpu.memory_space<vmem>> -> memref<1024x128xf32, #tpu.memory_space<vmem>>
        %dma_start3A_119 = arith.constant 0 : i32
        %dma_start3A_120 = tpu.memref_slice %arg1[%select_n3A, %dma_start3A_109, %add3A_96, %dma_start3A_119] : memref<2x4x32768x128xf32, #tpu.memory_space<any>> -> memref<1x1x1024x128xf32, #tpu.memory_space<any>>
        %dma_start3A_121 = tpu.memref_squeeze %dma_start3A_120 : memref<1x1x1024x128xf32, #tpu.memory_space<any>> -> memref<1024x128xf32, #tpu.memory_space<any>>
        tpu.enqueue_dma source(%dma_start3A_121 : memref<1024x128xf32, #tpu.memory_space<any>>) target(%dma_start3A_118 : memref<1024x128xf32, #tpu.memory_space<vmem>>) target_semaphore(%dma_start3A_114 : memref<!tpu.dma_semaphore, #tpu.memory_space<semaphore_mem>>)
        %dma_start3A_122 = arith.constant 2 : i32
        %dma_start3A_123 = arith.constant 2 : i32
        %dma_start3A_124 = arith.constant 2 : i32
        %dma_start3A_125 = arith.constant 2 : i32
        %dma_start3A_126 = tpu.memref_slice %arg6[%dma_start3A_125] : memref<4x!tpu.dma_semaphore, #tpu.memory_space<semaphore_mem>> -> memref<1x!tpu.dma_semaphore, #tpu.memory_space<semaphore_mem>>
        %dma_start3A_127 = tpu.memref_squeeze %dma_start3A_126 : memref<1x!tpu.dma_semaphore, #tpu.memory_space<semaphore_mem>> -> memref<!tpu.dma_semaphore, #tpu.memory_space<semaphore_mem>>
        %dma_start3A_128 = arith.constant 0 : i32
        %dma_start3A_129 = arith.constant 0 : i32
        %dma_start3A_130 = tpu.memref_slice %arg4[%dma_start3A_123, %dma_start3A_124, %dma_start3A_128, %dma_start3A_129] : memref<4x4x1024x128xf32, #tpu.memory_space<vmem>> -> memref<1x1x1024x128xf32, #tpu.memory_space<vmem>>
        %dma_start3A_131 = tpu.memref_squeeze %dma_start3A_130 : memref<1x1x1024x128xf32, #tpu.memory_space<vmem>> -> memref<1024x128xf32, #tpu.memory_space<vmem>>
        %dma_start3A_132 = arith.constant 0 : i32
        %dma_start3A_133 = tpu.memref_slice %arg1[%select_n3A, %dma_start3A_122, %add3A_96, %dma_start3A_132] : memref<2x4x32768x128xf32, #tpu.memory_space<any>> -> memref<1x1x1024x128xf32, #tpu.memory_space<any>>
        %dma_start3A_134 = tpu.memref_squeeze %dma_start3A_133 : memref<1x1x1024x128xf32, #tpu.memory_space<any>> -> memref<1024x128xf32, #tpu.memory_space<any>>
        tpu.enqueue_dma source(%dma_start3A_134 : memref<1024x128xf32, #tpu.memory_space<any>>) target(%dma_start3A_131 : memref<1024x128xf32, #tpu.memory_space<vmem>>) target_semaphore(%dma_start3A_127 : memref<!tpu.dma_semaphore, #tpu.memory_space<semaphore_mem>>)
        %dma_start3A_135 = arith.constant 3 : i32
        %dma_start3A_136 = arith.constant 2 : i32
        %dma_start3A_137 = arith.constant 3 : i32
        %dma_start3A_138 = arith.constant 2 : i32
        %dma_start3A_139 = tpu.memref_slice %arg6[%dma_start3A_138] : memref<4x!tpu.dma_semaphore, #tpu.memory_space<semaphore_mem>> -> memref<1x!tpu.dma_semaphore, #tpu.memory_space<semaphore_mem>>
        %dma_start3A_140 = tpu.memref_squeeze %dma_start3A_139 : memref<1x!tpu.dma_semaphore, #tpu.memory_space<semaphore_mem>> -> memref<!tpu.dma_semaphore, #tpu.memory_space<semaphore_mem>>
        %dma_start3A_141 = arith.constant 0 : i32
        %dma_start3A_142 = arith.constant 0 : i32
        %dma_start3A_143 = tpu.memref_slice %arg4[%dma_start3A_136, %dma_start3A_137, %dma_start3A_141, %dma_start3A_142] : memref<4x4x1024x128xf32, #tpu.memory_space<vmem>> -> memref<1x1x1024x128xf32, #tpu.memory_space<vmem>>
        %dma_start3A_144 = tpu.memref_squeeze %dma_start3A_143 : memref<1x1x1024x128xf32, #tpu.memory_space<vmem>> -> memref<1024x128xf32, #tpu.memory_space<vmem>>
        %dma_start3A_145 = arith.constant 0 : i32
        %dma_start3A_146 = tpu.memref_slice %arg1[%select_n3A, %dma_start3A_135, %add3A_96, %dma_start3A_145] : memref<2x4x32768x128xf32, #tpu.memory_space<any>> -> memref<1x1x1024x128xf32, #tpu.memory_space<any>>
        %dma_start3A_147 = tpu.memref_squeeze %dma_start3A_146 : memref<1x1x1024x128xf32, #tpu.memory_space<any>> -> memref<1024x128xf32, #tpu.memory_space<any>>
        tpu.enqueue_dma source(%dma_start3A_147 : memref<1024x128xf32, #tpu.memory_space<any>>) target(%dma_start3A_144 : memref<1024x128xf32, #tpu.memory_space<vmem>>) target_semaphore(%dma_start3A_140 : memref<!tpu.dma_semaphore, #tpu.memory_space<semaphore_mem>>)
        %dma_start3A_148 = arith.constant 2 : i32
        %dma_start3A_149 = arith.constant 2 : i32
        %dma_start3A_150 = tpu.memref_slice %arg6[%dma_start3A_149] : memref<4x!tpu.dma_semaphore, #tpu.memory_space<semaphore_mem>> -> memref<1x!tpu.dma_semaphore, #tpu.memory_space<semaphore_mem>>
        %dma_start3A_151 = tpu.memref_squeeze %dma_start3A_150 : memref<1x!tpu.dma_semaphore, #tpu.memory_space<semaphore_mem>> -> memref<!tpu.dma_semaphore, #tpu.memory_space<semaphore_mem>>
        %dma_start3A_152 = arith.constant 0 : i32
        %dma_start3A_153 = arith.constant 0 : i32
        %dma_start3A_154 = tpu.memref_slice %arg5[%dma_start3A_148, %dma_start3A_152, %dma_start3A_153] : memref<4x1024x128xi32, #tpu.memory_space<vmem>> -> memref<1x1024x128xi32, #tpu.memory_space<vmem>>
        %dma_start3A_155 = tpu.memref_squeeze %dma_start3A_154 : memref<1x1024x128xi32, #tpu.memory_space<vmem>> -> memref<1024x128xi32, #tpu.memory_space<vmem>>
        %dma_start3A_156 = arith.constant 0 : i32
        %dma_start3A_157 = tpu.memref_slice %arg2[%select_n3A, %add3A_96, %dma_start3A_156] : memref<2x32768x128xi32, #tpu.memory_space<any>> -> memref<1x1024x128xi32, #tpu.memory_space<any>>
        %dma_start3A_158 = tpu.memref_squeeze %dma_start3A_157 : memref<1x1024x128xi32, #tpu.memory_space<any>> -> memref<1024x128xi32, #tpu.memory_space<any>>
        tpu.enqueue_dma source(%dma_start3A_158 : memref<1024x128xi32, #tpu.memory_space<any>>) target(%dma_start3A_155 : memref<1024x128xi32, #tpu.memory_space<vmem>>) target_semaphore(%dma_start3A_151 : memref<!tpu.dma_semaphore, #tpu.memory_space<semaphore_mem>>)
      } else {
      }
      %rem3A_66 = arith.constant 4 : i32
      %rem3A_67 = arith.remsi %sub3A_44, %rem3A_66 : i32
      %eq3A_68 = arith.constant 3 : i32
      %eq3A_69 = arith.cmpi eq, %rem3A_67, %eq3A_68 : i32
      %convert_element_type3A_70 = arith.extui %eq3A_69 : i1 to i32
      %cond3A_71 = arith.constant 0 : i32
      %cond3A_72 = arith.cmpi ne, %convert_element_type3A_70, %cond3A_71 : i32
      scf.if %cond3A_72 {
        %jit3A = arith.constant 16 : i32
        %div3A = arith.divsi %sub3A_44, %jit3A : i32
        %sign3A = arith.constant 0 : i32
        %sign3A_73 = arith.cmpi sgt, %sub3A_44, %sign3A : i32
        %sign3A_74 = arith.extui %sign3A_73 : i1 to i32
        %sign3A_75 = arith.constant 0 : i32
        %sign3A_76 = arith.cmpi slt, %sub3A_44, %sign3A_75 : i32
        %sign3A_77 = arith.extui %sign3A_76 : i1 to i32
        %sign3A_78 = arith.subi %sign3A_74, %sign3A_77 : i32
        %sign3A_79 = arith.constant 0 : i32
        %sign3A_80 = arith.cmpi sgt, %jit3A, %sign3A_79 : i32
        %sign3A_81 = arith.extui %sign3A_80 : i1 to i32
        %sign3A_82 = arith.constant 0 : i32
        %sign3A_83 = arith.cmpi slt, %jit3A, %sign3A_82 : i32
        %sign3A_84 = arith.extui %sign3A_83 : i1 to i32
        %sign3A_85 = arith.subi %sign3A_81, %sign3A_84 : i32
        %ne3A = arith.cmpi ne, %sign3A_78, %sign3A_85 : i32
        %rem3A_86 = arith.remsi %sub3A_44, %jit3A : i32
        %ne3A_87 = arith.constant 0 : i32
        %ne3A_88 = arith.cmpi ne, %rem3A_86, %ne3A_87 : i32
        %and3A_89 = arith.andi %ne3A, %ne3A_88 : i1
        %sub3A_90 = arith.constant 1 : i32
        %sub3A_91 = arith.subi %div3A, %sub3A_90 : i32
        %select_n3A = arith.select %and3A_89, %sub3A_91, %div3A : i32
        %rem3A_92 = arith.constant 16 : i32
        %rem3A_93 = arith.remsi %sub3A_44, %rem3A_92 : i32
        %mul3A = arith.constant 1024 : i32
        %mul3A_94 = arith.muli %rem3A_93, %mul3A : i32
        %add3A_95 = arith.constant 16384 : i32
        %add3A_96 = arith.addi %add3A_95, %mul3A_94 : i32
        %dma_start3A = arith.constant 0 : i32
        %dma_start3A_97 = arith.constant 3 : i32
        %dma_start3A_98 = arith.constant 0 : i32
        %dma_start3A_99 = arith.constant 3 : i32
        %dma_start3A_100 = tpu.memref_slice %arg6[%dma_start3A_99] : memref<4x!tpu.dma_semaphore, #tpu.memory_space<semaphore_mem>> -> memref<1x!tpu.dma_semaphore, #tpu.memory_space<semaphore_mem>>
        %dma_start3A_101 = tpu.memref_squeeze %dma_start3A_100 : memref<1x!tpu.dma_semaphore, #tpu.memory_space<semaphore_mem>> -> memref<!tpu.dma_semaphore, #tpu.memory_space<semaphore_mem>>
        %dma_start3A_102 = arith.constant 0 : i32
        %dma_start3A_103 = arith.constant 0 : i32
        %dma_start3A_104 = tpu.memref_slice %arg4[%dma_start3A_97, %dma_start3A_98, %dma_start3A_102, %dma_start3A_103] : memref<4x4x1024x128xf32, #tpu.memory_space<vmem>> -> memref<1x1x1024x128xf32, #tpu.memory_space<vmem>>
        %dma_start3A_105 = tpu.memref_squeeze %dma_start3A_104 : memref<1x1x1024x128xf32, #tpu.memory_space<vmem>> -> memref<1024x128xf32, #tpu.memory_space<vmem>>
        %dma_start3A_106 = arith.constant 0 : i32
        %dma_start3A_107 = tpu.memref_slice %arg1[%select_n3A, %dma_start3A, %add3A_96, %dma_start3A_106] : memref<2x4x32768x128xf32, #tpu.memory_space<any>> -> memref<1x1x1024x128xf32, #tpu.memory_space<any>>
        %dma_start3A_108 = tpu.memref_squeeze %dma_start3A_107 : memref<1x1x1024x128xf32, #tpu.memory_space<any>> -> memref<1024x128xf32, #tpu.memory_space<any>>
        tpu.enqueue_dma source(%dma_start3A_108 : memref<1024x128xf32, #tpu.memory_space<any>>) target(%dma_start3A_105 : memref<1024x128xf32, #tpu.memory_space<vmem>>) target_semaphore(%dma_start3A_101 : memref<!tpu.dma_semaphore, #tpu.memory_space<semaphore_mem>>)
        %dma_start3A_109 = arith.constant 1 : i32
        %dma_start3A_110 = arith.constant 3 : i32
        %dma_start3A_111 = arith.constant 1 : i32
        %dma_start3A_112 = arith.constant 3 : i32
        %dma_start3A_113 = tpu.memref_slice %arg6[%dma_start3A_112] : memref<4x!tpu.dma_semaphore, #tpu.memory_space<semaphore_mem>> -> memref<1x!tpu.dma_semaphore, #tpu.memory_space<semaphore_mem>>
        %dma_start3A_114 = tpu.memref_squeeze %dma_start3A_113 : memref<1x!tpu.dma_semaphore, #tpu.memory_space<semaphore_mem>> -> memref<!tpu.dma_semaphore, #tpu.memory_space<semaphore_mem>>
        %dma_start3A_115 = arith.constant 0 : i32
        %dma_start3A_116 = arith.constant 0 : i32
        %dma_start3A_117 = tpu.memref_slice %arg4[%dma_start3A_110, %dma_start3A_111, %dma_start3A_115, %dma_start3A_116] : memref<4x4x1024x128xf32, #tpu.memory_space<vmem>> -> memref<1x1x1024x128xf32, #tpu.memory_space<vmem>>
        %dma_start3A_118 = tpu.memref_squeeze %dma_start3A_117 : memref<1x1x1024x128xf32, #tpu.memory_space<vmem>> -> memref<1024x128xf32, #tpu.memory_space<vmem>>
        %dma_start3A_119 = arith.constant 0 : i32
        %dma_start3A_120 = tpu.memref_slice %arg1[%select_n3A, %dma_start3A_109, %add3A_96, %dma_start3A_119] : memref<2x4x32768x128xf32, #tpu.memory_space<any>> -> memref<1x1x1024x128xf32, #tpu.memory_space<any>>
        %dma_start3A_121 = tpu.memref_squeeze %dma_start3A_120 : memref<1x1x1024x128xf32, #tpu.memory_space<any>> -> memref<1024x128xf32, #tpu.memory_space<any>>
        tpu.enqueue_dma source(%dma_start3A_121 : memref<1024x128xf32, #tpu.memory_space<any>>) target(%dma_start3A_118 : memref<1024x128xf32, #tpu.memory_space<vmem>>) target_semaphore(%dma_start3A_114 : memref<!tpu.dma_semaphore, #tpu.memory_space<semaphore_mem>>)
        %dma_start3A_122 = arith.constant 2 : i32
        %dma_start3A_123 = arith.constant 3 : i32
        %dma_start3A_124 = arith.constant 2 : i32
        %dma_start3A_125 = arith.constant 3 : i32
        %dma_start3A_126 = tpu.memref_slice %arg6[%dma_start3A_125] : memref<4x!tpu.dma_semaphore, #tpu.memory_space<semaphore_mem>> -> memref<1x!tpu.dma_semaphore, #tpu.memory_space<semaphore_mem>>
        %dma_start3A_127 = tpu.memref_squeeze %dma_start3A_126 : memref<1x!tpu.dma_semaphore, #tpu.memory_space<semaphore_mem>> -> memref<!tpu.dma_semaphore, #tpu.memory_space<semaphore_mem>>
        %dma_start3A_128 = arith.constant 0 : i32
        %dma_start3A_129 = arith.constant 0 : i32
        %dma_start3A_130 = tpu.memref_slice %arg4[%dma_start3A_123, %dma_start3A_124, %dma_start3A_128, %dma_start3A_129] : memref<4x4x1024x128xf32, #tpu.memory_space<vmem>> -> memref<1x1x1024x128xf32, #tpu.memory_space<vmem>>
        %dma_start3A_131 = tpu.memref_squeeze %dma_start3A_130 : memref<1x1x1024x128xf32, #tpu.memory_space<vmem>> -> memref<1024x128xf32, #tpu.memory_space<vmem>>
        %dma_start3A_132 = arith.constant 0 : i32
        %dma_start3A_133 = tpu.memref_slice %arg1[%select_n3A, %dma_start3A_122, %add3A_96, %dma_start3A_132] : memref<2x4x32768x128xf32, #tpu.memory_space<any>> -> memref<1x1x1024x128xf32, #tpu.memory_space<any>>
        %dma_start3A_134 = tpu.memref_squeeze %dma_start3A_133 : memref<1x1x1024x128xf32, #tpu.memory_space<any>> -> memref<1024x128xf32, #tpu.memory_space<any>>
        tpu.enqueue_dma source(%dma_start3A_134 : memref<1024x128xf32, #tpu.memory_space<any>>) target(%dma_start3A_131 : memref<1024x128xf32, #tpu.memory_space<vmem>>) target_semaphore(%dma_start3A_127 : memref<!tpu.dma_semaphore, #tpu.memory_space<semaphore_mem>>)
        %dma_start3A_135 = arith.constant 3 : i32
        %dma_start3A_136 = arith.constant 3 : i32
        %dma_start3A_137 = arith.constant 3 : i32
        %dma_start3A_138 = arith.constant 3 : i32
        %dma_start3A_139 = tpu.memref_slice %arg6[%dma_start3A_138] : memref<4x!tpu.dma_semaphore, #tpu.memory_space<semaphore_mem>> -> memref<1x!tpu.dma_semaphore, #tpu.memory_space<semaphore_mem>>
        %dma_start3A_140 = tpu.memref_squeeze %dma_start3A_139 : memref<1x!tpu.dma_semaphore, #tpu.memory_space<semaphore_mem>> -> memref<!tpu.dma_semaphore, #tpu.memory_space<semaphore_mem>>
        %dma_start3A_141 = arith.constant 0 : i32
        %dma_start3A_142 = arith.constant 0 : i32
        %dma_start3A_143 = tpu.memref_slice %arg4[%dma_start3A_136, %dma_start3A_137, %dma_start3A_141, %dma_start3A_142] : memref<4x4x1024x128xf32, #tpu.memory_space<vmem>> -> memref<1x1x1024x128xf32, #tpu.memory_space<vmem>>
        %dma_start3A_144 = tpu.memref_squeeze %dma_start3A_143 : memref<1x1x1024x128xf32, #tpu.memory_space<vmem>> -> memref<1024x128xf32, #tpu.memory_space<vmem>>
        %dma_start3A_145 = arith.constant 0 : i32
        %dma_start3A_146 = tpu.memref_slice %arg1[%select_n3A, %dma_start3A_135, %add3A_96, %dma_start3A_145] : memref<2x4x32768x128xf32, #tpu.memory_space<any>> -> memref<1x1x1024x128xf32, #tpu.memory_space<any>>
        %dma_start3A_147 = tpu.memref_squeeze %dma_start3A_146 : memref<1x1x1024x128xf32, #tpu.memory_space<any>> -> memref<1024x128xf32, #tpu.memory_space<any>>
        tpu.enqueue_dma source(%dma_start3A_147 : memref<1024x128xf32, #tpu.memory_space<any>>) target(%dma_start3A_144 : memref<1024x128xf32, #tpu.memory_space<vmem>>) target_semaphore(%dma_start3A_140 : memref<!tpu.dma_semaphore, #tpu.memory_space<semaphore_mem>>)
        %dma_start3A_148 = arith.constant 3 : i32
        %dma_start3A_149 = arith.constant 3 : i32
        %dma_start3A_150 = tpu.memref_slice %arg6[%dma_start3A_149] : memref<4x!tpu.dma_semaphore, #tpu.memory_space<semaphore_mem>> -> memref<1x!tpu.dma_semaphore, #tpu.memory_space<semaphore_mem>>
        %dma_start3A_151 = tpu.memref_squeeze %dma_start3A_150 : memref<1x!tpu.dma_semaphore, #tpu.memory_space<semaphore_mem>> -> memref<!tpu.dma_semaphore, #tpu.memory_space<semaphore_mem>>
        %dma_start3A_152 = arith.constant 0 : i32
        %dma_start3A_153 = arith.constant 0 : i32
        %dma_start3A_154 = tpu.memref_slice %arg5[%dma_start3A_148, %dma_start3A_152, %dma_start3A_153] : memref<4x1024x128xi32, #tpu.memory_space<vmem>> -> memref<1x1024x128xi32, #tpu.memory_space<vmem>>
        %dma_start3A_155 = tpu.memref_squeeze %dma_start3A_154 : memref<1x1024x128xi32, #tpu.memory_space<vmem>> -> memref<1024x128xi32, #tpu.memory_space<vmem>>
        %dma_start3A_156 = arith.constant 0 : i32
        %dma_start3A_157 = tpu.memref_slice %arg2[%select_n3A, %add3A_96, %dma_start3A_156] : memref<2x32768x128xi32, #tpu.memory_space<any>> -> memref<1x1024x128xi32, #tpu.memory_space<any>>
        %dma_start3A_158 = tpu.memref_squeeze %dma_start3A_157 : memref<1x1024x128xi32, #tpu.memory_space<any>> -> memref<1024x128xi32, #tpu.memory_space<any>>
        tpu.enqueue_dma source(%dma_start3A_158 : memref<1024x128xi32, #tpu.memory_space<any>>) target(%dma_start3A_155 : memref<1024x128xi32, #tpu.memory_space<vmem>>) target_semaphore(%dma_start3A_151 : memref<!tpu.dma_semaphore, #tpu.memory_space<semaphore_mem>>)
      } else {
      }
    } else {
    }
    %rem3A = arith.constant 16 : i32
    %rem3A_8 = arith.remsi %arg0, %rem3A : i32
    %eq3A_9 = arith.constant 0 : i32
    %eq3A_10 = arith.cmpi eq, %rem3A_8, %eq3A_9 : i32
    %convert_element_type3A_11 = arith.extui %eq3A_10 : i1 to i32
    %cond3A_12 = arith.constant 0 : i32
    %cond3A_13 = arith.cmpi ne, %convert_element_type3A_11, %cond3A_12 : i32
    scf.if %cond3A_13 {
      %broadcast_in_dim3A = arith.constant 0.000000e+00 : f32
      %broadcast_in_dim3A_42 = vector.broadcast %broadcast_in_dim3A : f32 to vector<16x128xf32>
      %swap3A = arith.constant 0 : index
      %swap3A_43 = arith.constant 0 : index
      %swap3A_44 = arith.constant 0 : index
      %swap3A_45 = vector.load %arg3[%swap3A, %swap3A_43, %swap3A_44] : memref<1x16x128xf32, #tpu.memory_space<vmem>>, vector<1x16x128xf32>
      %swap3A_46 = vector.shape_cast %swap3A_45 : vector<1x16x128xf32> to vector<16x128xf32>
      %swap3A_47 = vector.shape_cast %broadcast_in_dim3A_42 : vector<16x128xf32> to vector<1x16x128xf32>
      tpu.vector_store %arg3[%swap3A, %swap3A_43, %swap3A_44], %swap3A_47 {strides = array<i32>} : memref<1x16x128xf32, #tpu.memory_space<vmem>>, vector<1x16x128xf32>,
    } else {
    }
    %rem3A_14 = arith.constant 4 : i32
    %rem3A_15 = arith.remsi %arg0, %rem3A_14 : i32
    %eq3A_16 = arith.constant 0 : i32
    %eq3A_17 = arith.cmpi eq, %rem3A_15, %eq3A_16 : i32
    %convert_element_type3A_18 = arith.extui %eq3A_17 : i1 to i32
    %cond3A_19 = arith.constant 0 : i32
    %cond3A_20 = arith.cmpi ne, %convert_element_type3A_18, %cond3A_19 : i32
    scf.if %cond3A_20 {
      %jit3A = arith.constant 16 : i32
      %div3A = arith.divsi %arg0, %jit3A : i32
      %sign3A = arith.constant 0 : i32
      %sign3A_42 = arith.cmpi sgt, %arg0, %sign3A : i32
      %sign3A_43 = arith.extui %sign3A_42 : i1 to i32
      %sign3A_44 = arith.constant 0 : i32
      %sign3A_45 = arith.cmpi slt, %arg0, %sign3A_44 : i32
      %sign3A_46 = arith.extui %sign3A_45 : i1 to i32
      %sign3A_47 = arith.subi %sign3A_43, %sign3A_46 : i32
      %sign3A_48 = arith.constant 0 : i32
      %sign3A_49 = arith.cmpi sgt, %jit3A, %sign3A_48 : i32
      %sign3A_50 = arith.extui %sign3A_49 : i1 to i32
      %sign3A_51 = arith.constant 0 : i32
      %sign3A_52 = arith.cmpi slt, %jit3A, %sign3A_51 : i32
      %sign3A_53 = arith.extui %sign3A_52 : i1 to i32
      %sign3A_54 = arith.subi %sign3A_50, %sign3A_53 : i32
      %ne3A = arith.cmpi ne, %sign3A_47, %sign3A_54 : i32
      %rem3A_55 = arith.remsi %arg0, %jit3A : i32
      %ne3A_56 = arith.constant 0 : i32
      %ne3A_57 = arith.cmpi ne, %rem3A_55, %ne3A_56 : i32
      %and3A_58 = arith.andi %ne3A, %ne3A_57 : i1
      %sub3A = arith.constant 1 : i32
      %sub3A_59 = arith.subi %div3A, %sub3A : i32
      %select_n3A = arith.select %and3A_58, %sub3A_59, %div3A : i32
      %rem3A_60 = arith.constant 16 : i32
      %rem3A_61 = arith.remsi %arg0, %rem3A_60 : i32
      %mul3A = arith.constant 1024 : i32
      %mul3A_62 = arith.muli %rem3A_61, %mul3A : i32
      %add3A_63 = arith.constant 16384 : i32
      %add3A_64 = arith.addi %add3A_63, %mul3A_62 : i32
      %dma_wait3A = arith.constant 0 : i32
      %dma_wait3A_65 = arith.constant 0 : i32
      %dma_wait3A_66 = arith.constant 0 : i32
      %dma_wait3A_67 = arith.constant 0 : i32
      %dma_wait3A_68 = tpu.memref_slice %arg6[%dma_wait3A_67] : memref<4x!tpu.dma_semaphore, #tpu.memory_space<semaphore_mem>> -> memref<1x!tpu.dma_semaphore, #tpu.memory_space<semaphore_mem>>
      %dma_wait3A_69 = tpu.memref_squeeze %dma_wait3A_68 : memref<1x!tpu.dma_semaphore, #tpu.memory_space<semaphore_mem>> -> memref<!tpu.dma_semaphore, #tpu.memory_space<semaphore_mem>>
      %dma_wait3A_70 = arith.constant 0 : i32
      %dma_wait3A_71 = arith.constant 0 : i32
      %dma_wait3A_72 = tpu.memref_slice %arg4[%dma_wait3A_65, %dma_wait3A_66, %dma_wait3A_70, %dma_wait3A_71] : memref<4x4x1024x128xf32, #tpu.memory_space<vmem>> -> memref<1x1x1024x128xf32, #tpu.memory_space<vmem>>
      %dma_wait3A_73 = tpu.memref_squeeze %dma_wait3A_72 : memref<1x1x1024x128xf32, #tpu.memory_space<vmem>> -> memref<1024x128xf32, #tpu.memory_space<vmem>>
      %dma_wait3A_74 = arith.constant 0 : i32
      %dma_wait3A_75 = tpu.memref_slice %arg1[%select_n3A, %dma_wait3A, %add3A_64, %dma_wait3A_74] : memref<2x4x32768x128xf32, #tpu.memory_space<any>> -> memref<1x1x1024x128xf32, #tpu.memory_space<any>>
      %dma_wait3A_76 = tpu.memref_squeeze %dma_wait3A_75 : memref<1x1x1024x128xf32, #tpu.memory_space<any>> -> memref<1024x128xf32, #tpu.memory_space<any>>
      tpu.wait_dma2 semaphore(%dma_wait3A_69 : memref<!tpu.dma_semaphore, #tpu.memory_space<semaphore_mem>>) src(%dma_wait3A_76 : memref<1024x128xf32, #tpu.memory_space<any>>) dst(%dma_wait3A_73 : memref<1024x128xf32, #tpu.memory_space<vmem>>)
      %dma_wait3A_77 = arith.constant 1 : i32
      %dma_wait3A_78 = arith.constant 0 : i32
      %dma_wait3A_79 = arith.constant 1 : i32
      %dma_wait3A_80 = arith.constant 0 : i32
      %dma_wait3A_81 = tpu.memref_slice %arg6[%dma_wait3A_80] : memref<4x!tpu.dma_semaphore, #tpu.memory_space<semaphore_mem>> -> memref<1x!tpu.dma_semaphore, #tpu.memory_space<semaphore_mem>>
      %dma_wait3A_82 = tpu.memref_squeeze %dma_wait3A_81 : memref<1x!tpu.dma_semaphore, #tpu.memory_space<semaphore_mem>> -> memref<!tpu.dma_semaphore, #tpu.memory_space<semaphore_mem>>
      %dma_wait3A_83 = arith.constant 0 : i32
      %dma_wait3A_84 = arith.constant 0 : i32
      %dma_wait3A_85 = tpu.memref_slice %arg4[%dma_wait3A_78, %dma_wait3A_79, %dma_wait3A_83, %dma_wait3A_84] : memref<4x4x1024x128xf32, #tpu.memory_space<vmem>> -> memref<1x1x1024x128xf32, #tpu.memory_space<vmem>>
      %dma_wait3A_86 = tpu.memref_squeeze %dma_wait3A_85 : memref<1x1x1024x128xf32, #tpu.memory_space<vmem>> -> memref<1024x128xf32, #tpu.memory_space<vmem>>
      %dma_wait3A_87 = arith.constant 0 : i32
      %dma_wait3A_88 = tpu.memref_slice %arg1[%select_n3A, %dma_wait3A_77, %add3A_64, %dma_wait3A_87] : memref<2x4x32768x128xf32, #tpu.memory_space<any>> -> memref<1x1x1024x128xf32, #tpu.memory_space<any>>
      %dma_wait3A_89 = tpu.memref_squeeze %dma_wait3A_88 : memref<1x1x1024x128xf32, #tpu.memory_space<any>> -> memref<1024x128xf32, #tpu.memory_space<any>>
      tpu.wait_dma2 semaphore(%dma_wait3A_82 : memref<!tpu.dma_semaphore, #tpu.memory_space<semaphore_mem>>) src(%dma_wait3A_89 : memref<1024x128xf32, #tpu.memory_space<any>>) dst(%dma_wait3A_86 : memref<1024x128xf32, #tpu.memory_space<vmem>>)
      %dma_wait3A_90 = arith.constant 2 : i32
      %dma_wait3A_91 = arith.constant 0 : i32
      %dma_wait3A_92 = arith.constant 2 : i32
      %dma_wait3A_93 = arith.constant 0 : i32
      %dma_wait3A_94 = tpu.memref_slice %arg6[%dma_wait3A_93] : memref<4x!tpu.dma_semaphore, #tpu.memory_space<semaphore_mem>> -> memref<1x!tpu.dma_semaphore, #tpu.memory_space<semaphore_mem>>
      %dma_wait3A_95 = tpu.memref_squeeze %dma_wait3A_94 : memref<1x!tpu.dma_semaphore, #tpu.memory_space<semaphore_mem>> -> memref<!tpu.dma_semaphore, #tpu.memory_space<semaphore_mem>>
      %dma_wait3A_96 = arith.constant 0 : i32
      %dma_wait3A_97 = arith.constant 0 : i32
      %dma_wait3A_98 = tpu.memref_slice %arg4[%dma_wait3A_91, %dma_wait3A_92, %dma_wait3A_96, %dma_wait3A_97] : memref<4x4x1024x128xf32, #tpu.memory_space<vmem>> -> memref<1x1x1024x128xf32, #tpu.memory_space<vmem>>
      %dma_wait3A_99 = tpu.memref_squeeze %dma_wait3A_98 : memref<1x1x1024x128xf32, #tpu.memory_space<vmem>> -> memref<1024x128xf32, #tpu.memory_space<vmem>>
      %dma_wait3A_100 = arith.constant 0 : i32
      %dma_wait3A_101 = tpu.memref_slice %arg1[%select_n3A, %dma_wait3A_90, %add3A_64, %dma_wait3A_100] : memref<2x4x32768x128xf32, #tpu.memory_space<any>> -> memref<1x1x1024x128xf32, #tpu.memory_space<any>>
      %dma_wait3A_102 = tpu.memref_squeeze %dma_wait3A_101 : memref<1x1x1024x128xf32, #tpu.memory_space<any>> -> memref<1024x128xf32, #tpu.memory_space<any>>
      tpu.wait_dma2 semaphore(%dma_wait3A_95 : memref<!tpu.dma_semaphore, #tpu.memory_space<semaphore_mem>>) src(%dma_wait3A_102 : memref<1024x128xf32, #tpu.memory_space<any>>) dst(%dma_wait3A_99 : memref<1024x128xf32, #tpu.memory_space<vmem>>)
      %dma_wait3A_103 = arith.constant 3 : i32
      %dma_wait3A_104 = arith.constant 0 : i32
      %dma_wait3A_105 = arith.constant 3 : i32
      %dma_wait3A_106 = arith.constant 0 : i32
      %dma_wait3A_107 = tpu.memref_slice %arg6[%dma_wait3A_106] : memref<4x!tpu.dma_semaphore, #tpu.memory_space<semaphore_mem>> -> memref<1x!tpu.dma_semaphore, #tpu.memory_space<semaphore_mem>>
      %dma_wait3A_108 = tpu.memref_squeeze %dma_wait3A_107 : memref<1x!tpu.dma_semaphore, #tpu.memory_space<semaphore_mem>> -> memref<!tpu.dma_semaphore, #tpu.memory_space<semaphore_mem>>
      %dma_wait3A_109 = arith.constant 0 : i32
      %dma_wait3A_110 = arith.constant 0 : i32
      %dma_wait3A_111 = tpu.memref_slice %arg4[%dma_wait3A_104, %dma_wait3A_105, %dma_wait3A_109, %dma_wait3A_110] : memref<4x4x1024x128xf32, #tpu.memory_space<vmem>> -> memref<1x1x1024x128xf32, #tpu.memory_space<vmem>>
      %dma_wait3A_112 = tpu.memref_squeeze %dma_wait3A_111 : memref<1x1x1024x128xf32, #tpu.memory_space<vmem>> -> memref<1024x128xf32, #tpu.memory_space<vmem>>
      %dma_wait3A_113 = arith.constant 0 : i32
      %dma_wait3A_114 = tpu.memref_slice %arg1[%select_n3A, %dma_wait3A_103, %add3A_64, %dma_wait3A_113] : memref<2x4x32768x128xf32, #tpu.memory_space<any>> -> memref<1x1x1024x128xf32, #tpu.memory_space<any>>
      %dma_wait3A_115 = tpu.memref_squeeze %dma_wait3A_114 : memref<1x1x1024x128xf32, #tpu.memory_space<any>> -> memref<1024x128xf32, #tpu.memory_space<any>>
      tpu.wait_dma2 semaphore(%dma_wait3A_108 : memref<!tpu.dma_semaphore, #tpu.memory_space<semaphore_mem>>) src(%dma_wait3A_115 : memref<1024x128xf32, #tpu.memory_space<any>>) dst(%dma_wait3A_112 : memref<1024x128xf32, #tpu.memory_space<vmem>>)
      %dma_wait3A_116 = arith.constant 0 : i32
      %dma_wait3A_117 = arith.constant 0 : i32
      %dma_wait3A_118 = tpu.memref_slice %arg6[%dma_wait3A_117] : memref<4x!tpu.dma_semaphore, #tpu.memory_space<semaphore_mem>> -> memref<1x!tpu.dma_semaphore, #tpu.memory_space<semaphore_mem>>
      %dma_wait3A_119 = tpu.memref_squeeze %dma_wait3A_118 : memref<1x!tpu.dma_semaphore, #tpu.memory_space<semaphore_mem>> -> memref<!tpu.dma_semaphore, #tpu.memory_space<semaphore_mem>>
      %dma_wait3A_120 = arith.constant 0 : i32
      %dma_wait3A_121 = arith.constant 0 : i32
      %dma_wait3A_122 = tpu.memref_slice %arg5[%dma_wait3A_116, %dma_wait3A_120, %dma_wait3A_121] : memref<4x1024x128xi32, #tpu.memory_space<vmem>> -> memref<1x1024x128xi32, #tpu.memory_space<vmem>>
      %dma_wait3A_123 = tpu.memref_squeeze %dma_wait3A_122 : memref<1x1024x128xi32, #tpu.memory_space<vmem>> -> memref<1024x128xi32, #tpu.memory_space<vmem>>
      %dma_wait3A_124 = arith.constant 0 : i32
      %dma_wait3A_125 = tpu.memref_slice %arg2[%select_n3A, %add3A_64, %dma_wait3A_124] : memref<2x32768x128xi32, #tpu.memory_space<any>> -> memref<1x1024x128xi32, #tpu.memory_space<any>>
      %dma_wait3A_126 = tpu.memref_squeeze %dma_wait3A_125 : memref<1x1024x128xi32, #tpu.memory_space<any>> -> memref<1024x128xi32, #tpu.memory_space<any>>
      tpu.wait_dma2 semaphore(%dma_wait3A_119 : memref<!tpu.dma_semaphore, #tpu.memory_space<semaphore_mem>>) src(%dma_wait3A_126 : memref<1024x128xi32, #tpu.memory_space<any>>) dst(%dma_wait3A_123 : memref<1024x128xi32, #tpu.memory_space<vmem>>)
      %get3A = arith.constant 0 : index
      %get3A_127 = arith.constant 0 : index
      %get3A_128 = arith.constant 0 : index
      %get3A_129 = arith.constant 0 : index
      %get3A_130 = vector.load %arg4[%get3A, %get3A_127, %get3A_128, %get3A_129] : memref<4x4x1024x128xf32, #tpu.memory_space<vmem>>, vector<1x1x1024x128xf32>
      %get3A_131 = vector.shape_cast %get3A_130 : vector<1x1x1024x128xf32> to vector<1024x128xf32>
      %get3A_132 = arith.constant 0 : index
      %get3A_133 = arith.constant 1 : index
      %get3A_134 = arith.constant 0 : index
      %get3A_135 = arith.constant 0 : index
      %get3A_136 = vector.load %arg4[%get3A_132, %get3A_133, %get3A_134, %get3A_135] : memref<4x4x1024x128xf32, #tpu.memory_space<vmem>>, vector<1x1x1024x128xf32>
      %get3A_137 = vector.shape_cast %get3A_136 : vector<1x1x1024x128xf32> to vector<1024x128xf32>
      %get3A_138 = arith.constant 0 : index
      %get3A_139 = arith.constant 2 : index
      %get3A_140 = arith.constant 0 : index
      %get3A_141 = arith.constant 0 : index
      %get3A_142 = vector.load %arg4[%get3A_138, %get3A_139, %get3A_140, %get3A_141] : memref<4x4x1024x128xf32, #tpu.memory_space<vmem>>, vector<1x1x1024x128xf32>
      %get3A_143 = vector.shape_cast %get3A_142 : vector<1x1x1024x128xf32> to vector<1024x128xf32>
      %get3A_144 = arith.constant 0 : index
      %get3A_145 = arith.constant 3 : index
      %get3A_146 = arith.constant 0 : index
      %get3A_147 = arith.constant 0 : index
      %get3A_148 = vector.load %arg4[%get3A_144, %get3A_145, %get3A_146, %get3A_147] : memref<4x4x1024x128xf32, #tpu.memory_space<vmem>>, vector<1x1x1024x128xf32>
      %get3A_149 = vector.shape_cast %get3A_148 : vector<1x1x1024x128xf32> to vector<1024x128xf32>
      %get3A_150 = arith.constant 0 : index
      %get3A_151 = arith.constant 0 : index
      %get3A_152 = arith.constant 0 : index
      %get3A_153 = vector.load %arg5[%get3A_150, %get3A_151, %get3A_152] : memref<4x1024x128xi32, #tpu.memory_space<vmem>>, vector<1x1024x128xi32>
      %get3A_154 = vector.shape_cast %get3A_153 : vector<1x1024x128xi32> to vector<1024x128xi32>
      %max3A = arith.maximumf %get3A_131, %get3A_137 : vector<1024x128xf32>
      %max3A_155 = arith.maximumf %get3A_143, %get3A_149 : vector<1024x128xf32>
      %gt3A_156 = arith.cmpf ogt, %get3A_137, %get3A_131 : vector<1024x128xf32>
      %broadcast_in_dim3A = arith.constant 1 : i32
      %broadcast_in_dim3A_157 = vector.broadcast %broadcast_in_dim3A : i32 to vector<1024x128xi32>
      %broadcast_in_dim3A_158 = arith.constant 0 : i32
      %broadcast_in_dim3A_159 = vector.broadcast %broadcast_in_dim3A_158 : i32 to vector<1024x128xi32>
      %select_n3A_160 = arith.select %gt3A_156, %broadcast_in_dim3A_157, %broadcast_in_dim3A_159 : vector<1024x128xi1>, vector<1024x128xi32>
      %gt3A_161 = arith.cmpf ogt, %get3A_149, %get3A_143 : vector<1024x128xf32>
      %broadcast_in_dim3A_162 = arith.constant 3 : i32
      %broadcast_in_dim3A_163 = vector.broadcast %broadcast_in_dim3A_162 : i32 to vector<1024x128xi32>
      %broadcast_in_dim3A_164 = arith.constant 2 : i32
      %broadcast_in_dim3A_165 = vector.broadcast %broadcast_in_dim3A_164 : i32 to vector<1024x128xi32>
      %select_n3A_166 = arith.select %gt3A_161, %broadcast_in_dim3A_163, %broadcast_in_dim3A_165 : vector<1024x128xi1>, vector<1024x128xi32>
      %gt3A_167 = arith.cmpf ogt, %max3A_155, %max3A : vector<1024x128xf32>
      %select_n3A_168 = arith.select %gt3A_167, %select_n3A_166, %select_n3A_160 : vector<1024x128xi1>, vector<1024x128xi32>
      %broadcast_in_dim3A_169 = arith.constant 1.000000e+00 : f32
      %broadcast_in_dim3A_170 = vector.broadcast %broadcast_in_dim3A_169 : f32 to vector<1024x128xf32>
      %broadcast_in_dim3A_171 = arith.constant 0.000000e+00 : f32
      %broadcast_in_dim3A_172 = vector.broadcast %broadcast_in_dim3A_171 : f32 to vector<1024x128xf32>
      %eq3A_173 = arith.constant 0 : i32
      %eq3A_174 = vector.broadcast %eq3A_173 : i32 to vector<1024x128xi32>
      %eq3A_175 = arith.cmpi eq, %select_n3A_168, %eq3A_174 : vector<1024x128xi32>
      %eq3A_176 = arith.constant 0 : i32
      %eq3A_177 = vector.broadcast %eq3A_176 : i32 to vector<1024x128xi32>
      %eq3A_178 = arith.cmpi eq, %get3A_154, %eq3A_177 : vector<1024x128xi32>
      %and3A_179 = arith.andi %eq3A_175, %eq3A_178 : vector<1024x128xi1>
      %select_n3A_180 = arith.select %eq3A_175, %broadcast_in_dim3A_170, %broadcast_in_dim3A_172 : vector<1024x128xi1>, vector<1024x128xf32>
      %reduce_sum3A = arith.constant dense<0.000000e+00> : vector<128xf32>
      %reduce_sum3A_181 = vector.multi_reduction <add>, %select_n3A_180, %reduce_sum3A [0] : vector<1024x128xf32> to vector<128xf32>
      %broadcast_in_dim3A_182 = vector.shape_cast %reduce_sum3A_181 : vector<128xf32> to vector<1x128xf32>
      %get3A_183 = arith.constant 0 : index
      %get3A_184 = arith.constant 0 : index
      %get3A_185 = arith.constant 0 : index
      %get3A_186 = vector.load %arg3[%get3A_183, %get3A_184, %get3A_185] : memref<1x16x128xf32, #tpu.memory_space<vmem>>, vector<1x1x128xf32>
      %get3A_187 = vector.shape_cast %get3A_186 : vector<1x1x128xf32> to vector<1x128xf32>
      %add3A_188 = arith.addf %get3A_187, %broadcast_in_dim3A_182 : vector<1x128xf32>
      %swap3A = arith.constant 0 : index
      %swap3A_189 = arith.constant 0 : index
      %swap3A_190 = arith.constant 0 : index
      %swap3A_191 = vector.load %arg3[%swap3A, %swap3A_189, %swap3A_190] : memref<1x16x128xf32, #tpu.memory_space<vmem>>, vector<1x1x128xf32>
      %swap3A_192 = vector.shape_cast %swap3A_191 : vector<1x1x128xf32> to vector<1x128xf32>
      %swap3A_193 = vector.shape_cast %add3A_188 : vector<1x128xf32> to vector<1x1x128xf32>
      tpu.vector_store %arg3[%swap3A, %swap3A_189, %swap3A_190], %swap3A_193 {strides = array<i32>} : memref<1x16x128xf32, #tpu.memory_space<vmem>>, vector<1x1x128xf32>,
      %select_n3A_194 = arith.select %eq3A_178, %broadcast_in_dim3A_170, %broadcast_in_dim3A_172 : vector<1024x128xi1>, vector<1024x128xf32>
      %reduce_sum3A_195 = arith.constant dense<0.000000e+00> : vector<128xf32>
      %reduce_sum3A_196 = vector.multi_reduction <add>, %select_n3A_194, %reduce_sum3A_195 [0] : vector<1024x128xf32> to vector<128xf32>
      %broadcast_in_dim3A_197 = vector.shape_cast %reduce_sum3A_196 : vector<128xf32> to vector<1x128xf32>
      %get3A_198 = arith.constant 0 : index
      %get3A_199 = arith.constant 1 : index
      %get3A_200 = arith.constant 0 : index
      %get3A_201 = vector.load %arg3[%get3A_198, %get3A_199, %get3A_200] : memref<1x16x128xf32, #tpu.memory_space<vmem>>, vector<1x1x128xf32>
      %get3A_202 = vector.shape_cast %get3A_201 : vector<1x1x128xf32> to vector<1x128xf32>
      %add3A_203 = arith.addf %get3A_202, %broadcast_in_dim3A_197 : vector<1x128xf32>
      %swap3A_204 = arith.constant 0 : index
      %swap3A_205 = arith.constant 1 : index
      %swap3A_206 = arith.constant 0 : index
      %swap3A_207 = vector.load %arg3[%swap3A_204, %swap3A_205, %swap3A_206] : memref<1x16x128xf32, #tpu.memory_space<vmem>>, vector<1x1x128xf32>
      %swap3A_208 = vector.shape_cast %swap3A_207 : vector<1x1x128xf32> to vector<1x128xf32>
      %swap3A_209 = vector.shape_cast %add3A_203 : vector<1x128xf32> to vector<1x1x128xf32>
      tpu.vector_store %arg3[%swap3A_204, %swap3A_205, %swap3A_206], %swap3A_209 {strides = array<i32>} : memref<1x16x128xf32, #tpu.memory_space<vmem>>, vector<1x1x128xf32>,
      %select_n3A_210 = arith.select %and3A_179, %broadcast_in_dim3A_170, %broadcast_in_dim3A_172 : vector<1024x128xi1>, vector<1024x128xf32>
      %reduce_sum3A_211 = arith.constant dense<0.000000e+00> : vector<128xf32>
      %reduce_sum3A_212 = vector.multi_reduction <add>, %select_n3A_210, %reduce_sum3A_211 [0] : vector<1024x128xf32> to vector<128xf32>
      %broadcast_in_dim3A_213 = vector.shape_cast %reduce_sum3A_212 : vector<128xf32> to vector<1x128xf32>
      %get3A_214 = arith.constant 0 : index
      %get3A_215 = arith.constant 2 : index
      %get3A_216 = arith.constant 0 : index
      %get3A_217 = vector.load %arg3[%get3A_214, %get3A_215, %get3A_216] : memref<1x16x128xf32, #tpu.memory_space<vmem>>, vector<1x1x128xf32>
      %get3A_218 = vector.shape_cast %get3A_217 : vector<1x1x128xf32> to vector<1x128xf32>
      %add3A_219 = arith.addf %get3A_218, %broadcast_in_dim3A_213 : vector<1x128xf32>
      %swap3A_220 = arith.constant 0 : index
      %swap3A_221 = arith.constant 2 : index
      %swap3A_222 = arith.constant 0 : index
      %swap3A_223 = vector.load %arg3[%swap3A_220, %swap3A_221, %swap3A_222] : memref<1x16x128xf32, #tpu.memory_space<vmem>>, vector<1x1x128xf32>
      %swap3A_224 = vector.shape_cast %swap3A_223 : vector<1x1x128xf32> to vector<1x128xf32>
      %swap3A_225 = vector.shape_cast %add3A_219 : vector<1x128xf32> to vector<1x1x128xf32>
      tpu.vector_store %arg3[%swap3A_220, %swap3A_221, %swap3A_222], %swap3A_225 {strides = array<i32>} : memref<1x16x128xf32, #tpu.memory_space<vmem>>, vector<1x1x128xf32>,
      %eq3A_226 = arith.constant 1 : i32
      %eq3A_227 = vector.broadcast %eq3A_226 : i32 to vector<1024x128xi32>
      %eq3A_228 = arith.cmpi eq, %select_n3A_168, %eq3A_227 : vector<1024x128xi32>
      %eq3A_229 = arith.constant 1 : i32
      %eq3A_230 = vector.broadcast %eq3A_229 : i32 to vector<1024x128xi32>
      %eq3A_231 = arith.cmpi eq, %get3A_154, %eq3A_230 : vector<1024x128xi32>
      %and3A_232 = arith.andi %eq3A_228, %eq3A_231 : vector<1024x128xi1>
      %select_n3A_233 = arith.select %eq3A_228, %broadcast_in_dim3A_170, %broadcast_in_dim3A_172 : vector<1024x128xi1>, vector<1024x128xf32>
      %reduce_sum3A_234 = arith.constant dense<0.000000e+00> : vector<128xf32>
      %reduce_sum3A_235 = vector.multi_reduction <add>, %select_n3A_233, %reduce_sum3A_234 [0] : vector<1024x128xf32> to vector<128xf32>
      %broadcast_in_dim3A_236 = vector.shape_cast %reduce_sum3A_235 : vector<128xf32> to vector<1x128xf32>
      %get3A_237 = arith.constant 0 : index
      %get3A_238 = arith.constant 3 : index
      %get3A_239 = arith.constant 0 : index
      %get3A_240 = vector.load %arg3[%get3A_237, %get3A_238, %get3A_239] : memref<1x16x128xf32, #tpu.memory_space<vmem>>, vector<1x1x128xf32>
      %get3A_241 = vector.shape_cast %get3A_240 : vector<1x1x128xf32> to vector<1x128xf32>
      %add3A_242 = arith.addf %get3A_241, %broadcast_in_dim3A_236 : vector<1x128xf32>
      %swap3A_243 = arith.constant 0 : index
      %swap3A_244 = arith.constant 3 : index
      %swap3A_245 = arith.constant 0 : index
      %swap3A_246 = vector.load %arg3[%swap3A_243, %swap3A_244, %swap3A_245] : memref<1x16x128xf32, #tpu.memory_space<vmem>>, vector<1x1x128xf32>
      %swap3A_247 = vector.shape_cast %swap3A_246 : vector<1x1x128xf32> to vector<1x128xf32>
      %swap3A_248 = vector.shape_cast %add3A_242 : vector<1x128xf32> to vector<1x1x128xf32>
      tpu.vector_store %arg3[%swap3A_243, %swap3A_244, %swap3A_245], %swap3A_248 {strides = array<i32>} : memref<1x16x128xf32, #tpu.memory_space<vmem>>, vector<1x1x128xf32>,
      %select_n3A_249 = arith.select %eq3A_231, %broadcast_in_dim3A_170, %broadcast_in_dim3A_172 : vector<1024x128xi1>, vector<1024x128xf32>
      %reduce_sum3A_250 = arith.constant dense<0.000000e+00> : vector<128xf32>
      %reduce_sum3A_251 = vector.multi_reduction <add>, %select_n3A_249, %reduce_sum3A_250 [0] : vector<1024x128xf32> to vector<128xf32>
      %broadcast_in_dim3A_252 = vector.shape_cast %reduce_sum3A_251 : vector<128xf32> to vector<1x128xf32>
      %get3A_253 = arith.constant 0 : index
      %get3A_254 = arith.constant 4 : index
      %get3A_255 = arith.constant 0 : index
      %get3A_256 = vector.load %arg3[%get3A_253, %get3A_254, %get3A_255] : memref<1x16x128xf32, #tpu.memory_space<vmem>>, vector<1x1x128xf32>
      %get3A_257 = vector.shape_cast %get3A_256 : vector<1x1x128xf32> to vector<1x128xf32>
      %add3A_258 = arith.addf %get3A_257, %broadcast_in_dim3A_252 : vector<1x128xf32>
      %swap3A_259 = arith.constant 0 : index
      %swap3A_260 = arith.constant 4 : index
      %swap3A_261 = arith.constant 0 : index
      %swap3A_262 = vector.load %arg3[%swap3A_259, %swap3A_260, %swap3A_261] : memref<1x16x128xf32, #tpu.memory_space<vmem>>, vector<1x1x128xf32>
      %swap3A_263 = vector.shape_cast %swap3A_262 : vector<1x1x128xf32> to vector<1x128xf32>
      %swap3A_264 = vector.shape_cast %add3A_258 : vector<1x128xf32> to vector<1x1x128xf32>
      tpu.vector_store %arg3[%swap3A_259, %swap3A_260, %swap3A_261], %swap3A_264 {strides = array<i32>} : memref<1x16x128xf32, #tpu.memory_space<vmem>>, vector<1x1x128xf32>,
      %select_n3A_265 = arith.select %and3A_232, %broadcast_in_dim3A_170, %broadcast_in_dim3A_172 : vector<1024x128xi1>, vector<1024x128xf32>
      %reduce_sum3A_266 = arith.constant dense<0.000000e+00> : vector<128xf32>
      %reduce_sum3A_267 = vector.multi_reduction <add>, %select_n3A_265, %reduce_sum3A_266 [0] : vector<1024x128xf32> to vector<128xf32>
      %broadcast_in_dim3A_268 = vector.shape_cast %reduce_sum3A_267 : vector<128xf32> to vector<1x128xf32>
      %get3A_269 = arith.constant 0 : index
      %get3A_270 = arith.constant 5 : index
      %get3A_271 = arith.constant 0 : index
      %get3A_272 = vector.load %arg3[%get3A_269, %get3A_270, %get3A_271] : memref<1x16x128xf32, #tpu.memory_space<vmem>>, vector<1x1x128xf32>
      %get3A_273 = vector.shape_cast %get3A_272 : vector<1x1x128xf32> to vector<1x128xf32>
      %add3A_274 = arith.addf %get3A_273, %broadcast_in_dim3A_268 : vector<1x128xf32>
      %swap3A_275 = arith.constant 0 : index
      %swap3A_276 = arith.constant 5 : index
      %swap3A_277 = arith.constant 0 : index
      %swap3A_278 = vector.load %arg3[%swap3A_275, %swap3A_276, %swap3A_277] : memref<1x16x128xf32, #tpu.memory_space<vmem>>, vector<1x1x128xf32>
      %swap3A_279 = vector.shape_cast %swap3A_278 : vector<1x1x128xf32> to vector<1x128xf32>
      %swap3A_280 = vector.shape_cast %add3A_274 : vector<1x128xf32> to vector<1x1x128xf32>
      tpu.vector_store %arg3[%swap3A_275, %swap3A_276, %swap3A_277], %swap3A_280 {strides = array<i32>} : memref<1x16x128xf32, #tpu.memory_space<vmem>>, vector<1x1x128xf32>,
      %eq3A_281 = arith.constant 2 : i32
      %eq3A_282 = vector.broadcast %eq3A_281 : i32 to vector<1024x128xi32>
      %eq3A_283 = arith.cmpi eq, %select_n3A_168, %eq3A_282 : vector<1024x128xi32>
      %eq3A_284 = arith.constant 2 : i32
      %eq3A_285 = vector.broadcast %eq3A_284 : i32 to vector<1024x128xi32>
      %eq3A_286 = arith.cmpi eq, %get3A_154, %eq3A_285 : vector<1024x128xi32>
      %and3A_287 = arith.andi %eq3A_283, %eq3A_286 : vector<1024x128xi1>
      %select_n3A_288 = arith.select %eq3A_283, %broadcast_in_dim3A_170, %broadcast_in_dim3A_172 : vector<1024x128xi1>, vector<1024x128xf32>
      %reduce_sum3A_289 = arith.constant dense<0.000000e+00> : vector<128xf32>
      %reduce_sum3A_290 = vector.multi_reduction <add>, %select_n3A_288, %reduce_sum3A_289 [0] : vector<1024x128xf32> to vector<128xf32>
      %broadcast_in_dim3A_291 = vector.shape_cast %reduce_sum3A_290 : vector<128xf32> to vector<1x128xf32>
      %get3A_292 = arith.constant 0 : index
      %get3A_293 = arith.constant 6 : index
      %get3A_294 = arith.constant 0 : index
      %get3A_295 = vector.load %arg3[%get3A_292, %get3A_293, %get3A_294] : memref<1x16x128xf32, #tpu.memory_space<vmem>>, vector<1x1x128xf32>
      %get3A_296 = vector.shape_cast %get3A_295 : vector<1x1x128xf32> to vector<1x128xf32>
      %add3A_297 = arith.addf %get3A_296, %broadcast_in_dim3A_291 : vector<1x128xf32>
      %swap3A_298 = arith.constant 0 : index
      %swap3A_299 = arith.constant 6 : index
      %swap3A_300 = arith.constant 0 : index
      %swap3A_301 = vector.load %arg3[%swap3A_298, %swap3A_299, %swap3A_300] : memref<1x16x128xf32, #tpu.memory_space<vmem>>, vector<1x1x128xf32>
      %swap3A_302 = vector.shape_cast %swap3A_301 : vector<1x1x128xf32> to vector<1x128xf32>
      %swap3A_303 = vector.shape_cast %add3A_297 : vector<1x128xf32> to vector<1x1x128xf32>
      tpu.vector_store %arg3[%swap3A_298, %swap3A_299, %swap3A_300], %swap3A_303 {strides = array<i32>} : memref<1x16x128xf32, #tpu.memory_space<vmem>>, vector<1x1x128xf32>,
      %select_n3A_304 = arith.select %eq3A_286, %broadcast_in_dim3A_170, %broadcast_in_dim3A_172 : vector<1024x128xi1>, vector<1024x128xf32>
      %reduce_sum3A_305 = arith.constant dense<0.000000e+00> : vector<128xf32>
      %reduce_sum3A_306 = vector.multi_reduction <add>, %select_n3A_304, %reduce_sum3A_305 [0] : vector<1024x128xf32> to vector<128xf32>
      %broadcast_in_dim3A_307 = vector.shape_cast %reduce_sum3A_306 : vector<128xf32> to vector<1x128xf32>
      %get3A_308 = arith.constant 0 : index
      %get3A_309 = arith.constant 7 : index
      %get3A_310 = arith.constant 0 : index
      %get3A_311 = vector.load %arg3[%get3A_308, %get3A_309, %get3A_310] : memref<1x16x128xf32, #tpu.memory_space<vmem>>, vector<1x1x128xf32>
      %get3A_312 = vector.shape_cast %get3A_311 : vector<1x1x128xf32> to vector<1x128xf32>
      %add3A_313 = arith.addf %get3A_312, %broadcast_in_dim3A_307 : vector<1x128xf32>
      %swap3A_314 = arith.constant 0 : index
      %swap3A_315 = arith.constant 7 : index
      %swap3A_316 = arith.constant 0 : index
      %swap3A_317 = vector.load %arg3[%swap3A_314, %swap3A_315, %swap3A_316] : memref<1x16x128xf32, #tpu.memory_space<vmem>>, vector<1x1x128xf32>
      %swap3A_318 = vector.shape_cast %swap3A_317 : vector<1x1x128xf32> to vector<1x128xf32>
      %swap3A_319 = vector.shape_cast %add3A_313 : vector<1x128xf32> to vector<1x1x128xf32>
      tpu.vector_store %arg3[%swap3A_314, %swap3A_315, %swap3A_316], %swap3A_319 {strides = array<i32>} : memref<1x16x128xf32, #tpu.memory_space<vmem>>, vector<1x1x128xf32>,
      %select_n3A_320 = arith.select %and3A_287, %broadcast_in_dim3A_170, %broadcast_in_dim3A_172 : vector<1024x128xi1>, vector<1024x128xf32>
      %reduce_sum3A_321 = arith.constant dense<0.000000e+00> : vector<128xf32>
      %reduce_sum3A_322 = vector.multi_reduction <add>, %select_n3A_320, %reduce_sum3A_321 [0] : vector<1024x128xf32> to vector<128xf32>
      %broadcast_in_dim3A_323 = vector.shape_cast %reduce_sum3A_322 : vector<128xf32> to vector<1x128xf32>
      %get3A_324 = arith.constant 0 : index
      %get3A_325 = arith.constant 8 : index
      %get3A_326 = arith.constant 0 : index
      %get3A_327 = vector.load %arg3[%get3A_324, %get3A_325, %get3A_326] : memref<1x16x128xf32, #tpu.memory_space<vmem>>, vector<1x1x128xf32>
      %get3A_328 = vector.shape_cast %get3A_327 : vector<1x1x128xf32> to vector<1x128xf32>
      %add3A_329 = arith.addf %get3A_328, %broadcast_in_dim3A_323 : vector<1x128xf32>
      %swap3A_330 = arith.constant 0 : index
      %swap3A_331 = arith.constant 8 : index
      %swap3A_332 = arith.constant 0 : index
      %swap3A_333 = vector.load %arg3[%swap3A_330, %swap3A_331, %swap3A_332] : memref<1x16x128xf32, #tpu.memory_space<vmem>>, vector<1x1x128xf32>
      %swap3A_334 = vector.shape_cast %swap3A_333 : vector<1x1x128xf32> to vector<1x128xf32>
      %swap3A_335 = vector.shape_cast %add3A_329 : vector<1x128xf32> to vector<1x1x128xf32>
      tpu.vector_store %arg3[%swap3A_330, %swap3A_331, %swap3A_332], %swap3A_335 {strides = array<i32>} : memref<1x16x128xf32, #tpu.memory_space<vmem>>, vector<1x1x128xf32>,
      %eq3A_336 = arith.constant 3 : i32
      %eq3A_337 = vector.broadcast %eq3A_336 : i32 to vector<1024x128xi32>
      %eq3A_338 = arith.cmpi eq, %select_n3A_168, %eq3A_337 : vector<1024x128xi32>
      %eq3A_339 = arith.constant 3 : i32
      %eq3A_340 = vector.broadcast %eq3A_339 : i32 to vector<1024x128xi32>
      %eq3A_341 = arith.cmpi eq, %get3A_154, %eq3A_340 : vector<1024x128xi32>
      %and3A_342 = arith.andi %eq3A_338, %eq3A_341 : vector<1024x128xi1>
      %select_n3A_343 = arith.select %eq3A_338, %broadcast_in_dim3A_170, %broadcast_in_dim3A_172 : vector<1024x128xi1>, vector<1024x128xf32>
      %reduce_sum3A_344 = arith.constant dense<0.000000e+00> : vector<128xf32>
      %reduce_sum3A_345 = vector.multi_reduction <add>, %select_n3A_343, %reduce_sum3A_344 [0] : vector<1024x128xf32> to vector<128xf32>
      %broadcast_in_dim3A_346 = vector.shape_cast %reduce_sum3A_345 : vector<128xf32> to vector<1x128xf32>
      %get3A_347 = arith.constant 0 : index
      %get3A_348 = arith.constant 9 : index
      %get3A_349 = arith.constant 0 : index
      %get3A_350 = vector.load %arg3[%get3A_347, %get3A_348, %get3A_349] : memref<1x16x128xf32, #tpu.memory_space<vmem>>, vector<1x1x128xf32>
      %get3A_351 = vector.shape_cast %get3A_350 : vector<1x1x128xf32> to vector<1x128xf32>
      %add3A_352 = arith.addf %get3A_351, %broadcast_in_dim3A_346 : vector<1x128xf32>
      %swap3A_353 = arith.constant 0 : index
      %swap3A_354 = arith.constant 9 : index
      %swap3A_355 = arith.constant 0 : index
      %swap3A_356 = vector.load %arg3[%swap3A_353, %swap3A_354, %swap3A_355] : memref<1x16x128xf32, #tpu.memory_space<vmem>>, vector<1x1x128xf32>
      %swap3A_357 = vector.shape_cast %swap3A_356 : vector<1x1x128xf32> to vector<1x128xf32>
      %swap3A_358 = vector.shape_cast %add3A_352 : vector<1x128xf32> to vector<1x1x128xf32>
      tpu.vector_store %arg3[%swap3A_353, %swap3A_354, %swap3A_355], %swap3A_358 {strides = array<i32>} : memref<1x16x128xf32, #tpu.memory_space<vmem>>, vector<1x1x128xf32>,
      %select_n3A_359 = arith.select %eq3A_341, %broadcast_in_dim3A_170, %broadcast_in_dim3A_172 : vector<1024x128xi1>, vector<1024x128xf32>
      %reduce_sum3A_360 = arith.constant dense<0.000000e+00> : vector<128xf32>
      %reduce_sum3A_361 = vector.multi_reduction <add>, %select_n3A_359, %reduce_sum3A_360 [0] : vector<1024x128xf32> to vector<128xf32>
      %broadcast_in_dim3A_362 = vector.shape_cast %reduce_sum3A_361 : vector<128xf32> to vector<1x128xf32>
      %get3A_363 = arith.constant 0 : index
      %get3A_364 = arith.constant 10 : index
      %get3A_365 = arith.constant 0 : index
      %get3A_366 = vector.load %arg3[%get3A_363, %get3A_364, %get3A_365] : memref<1x16x128xf32, #tpu.memory_space<vmem>>, vector<1x1x128xf32>
      %get3A_367 = vector.shape_cast %get3A_366 : vector<1x1x128xf32> to vector<1x128xf32>
      %add3A_368 = arith.addf %get3A_367, %broadcast_in_dim3A_362 : vector<1x128xf32>
      %swap3A_369 = arith.constant 0 : index
      %swap3A_370 = arith.constant 10 : index
      %swap3A_371 = arith.constant 0 : index
      %swap3A_372 = vector.load %arg3[%swap3A_369, %swap3A_370, %swap3A_371] : memref<1x16x128xf32, #tpu.memory_space<vmem>>, vector<1x1x128xf32>
      %swap3A_373 = vector.shape_cast %swap3A_372 : vector<1x1x128xf32> to vector<1x128xf32>
      %swap3A_374 = vector.shape_cast %add3A_368 : vector<1x128xf32> to vector<1x1x128xf32>
      tpu.vector_store %arg3[%swap3A_369, %swap3A_370, %swap3A_371], %swap3A_374 {strides = array<i32>} : memref<1x16x128xf32, #tpu.memory_space<vmem>>, vector<1x1x128xf32>,
      %select_n3A_375 = arith.select %and3A_342, %broadcast_in_dim3A_170, %broadcast_in_dim3A_172 : vector<1024x128xi1>, vector<1024x128xf32>
      %reduce_sum3A_376 = arith.constant dense<0.000000e+00> : vector<128xf32>
      %reduce_sum3A_377 = vector.multi_reduction <add>, %select_n3A_375, %reduce_sum3A_376 [0] : vector<1024x128xf32> to vector<128xf32>
      %broadcast_in_dim3A_378 = vector.shape_cast %reduce_sum3A_377 : vector<128xf32> to vector<1x128xf32>
      %get3A_379 = arith.constant 0 : index
      %get3A_380 = arith.constant 11 : index
      %get3A_381 = arith.constant 0 : index
      %get3A_382 = vector.load %arg3[%get3A_379, %get3A_380, %get3A_381] : memref<1x16x128xf32, #tpu.memory_space<vmem>>, vector<1x1x128xf32>
      %get3A_383 = vector.shape_cast %get3A_382 : vector<1x1x128xf32> to vector<1x128xf32>
      %add3A_384 = arith.addf %get3A_383, %broadcast_in_dim3A_378 : vector<1x128xf32>
      %swap3A_385 = arith.constant 0 : index
      %swap3A_386 = arith.constant 11 : index
      %swap3A_387 = arith.constant 0 : index
      %swap3A_388 = vector.load %arg3[%swap3A_385, %swap3A_386, %swap3A_387] : memref<1x16x128xf32, #tpu.memory_space<vmem>>, vector<1x1x128xf32>
      %swap3A_389 = vector.shape_cast %swap3A_388 : vector<1x1x128xf32> to vector<1x128xf32>
      %swap3A_390 = vector.shape_cast %add3A_384 : vector<1x128xf32> to vector<1x1x128xf32>
      tpu.vector_store %arg3[%swap3A_385, %swap3A_386, %swap3A_387], %swap3A_390 {strides = array<i32>} : memref<1x16x128xf32, #tpu.memory_space<vmem>>, vector<1x1x128xf32>,
    } else {
    }
    %rem3A_21 = arith.constant 4 : i32
    %rem3A_22 = arith.remsi %arg0, %rem3A_21 : i32
    %eq3A_23 = arith.constant 1 : i32
    %eq3A_24 = arith.cmpi eq, %rem3A_22, %eq3A_23 : i32
    %convert_element_type3A_25 = arith.extui %eq3A_24 : i1 to i32
    %cond3A_26 = arith.constant 0 : i32
    %cond3A_27 = arith.cmpi ne, %convert_element_type3A_25, %cond3A_26 : i32
    scf.if %cond3A_27 {
      %jit3A = arith.constant 16 : i32
      %div3A = arith.divsi %arg0, %jit3A : i32
      %sign3A = arith.constant 0 : i32
      %sign3A_42 = arith.cmpi sgt, %arg0, %sign3A : i32
      %sign3A_43 = arith.extui %sign3A_42 : i1 to i32
      %sign3A_44 = arith.constant 0 : i32
      %sign3A_45 = arith.cmpi slt, %arg0, %sign3A_44 : i32
      %sign3A_46 = arith.extui %sign3A_45 : i1 to i32
      %sign3A_47 = arith.subi %sign3A_43, %sign3A_46 : i32
      %sign3A_48 = arith.constant 0 : i32
      %sign3A_49 = arith.cmpi sgt, %jit3A, %sign3A_48 : i32
      %sign3A_50 = arith.extui %sign3A_49 : i1 to i32
      %sign3A_51 = arith.constant 0 : i32
      %sign3A_52 = arith.cmpi slt, %jit3A, %sign3A_51 : i32
      %sign3A_53 = arith.extui %sign3A_52 : i1 to i32
      %sign3A_54 = arith.subi %sign3A_50, %sign3A_53 : i32
      %ne3A = arith.cmpi ne, %sign3A_47, %sign3A_54 : i32
      %rem3A_55 = arith.remsi %arg0, %jit3A : i32
      %ne3A_56 = arith.constant 0 : i32
      %ne3A_57 = arith.cmpi ne, %rem3A_55, %ne3A_56 : i32
      %and3A_58 = arith.andi %ne3A, %ne3A_57 : i1
      %sub3A = arith.constant 1 : i32
      %sub3A_59 = arith.subi %div3A, %sub3A : i32
      %select_n3A = arith.select %and3A_58, %sub3A_59, %div3A : i32
      %rem3A_60 = arith.constant 16 : i32
      %rem3A_61 = arith.remsi %arg0, %rem3A_60 : i32
      %mul3A = arith.constant 1024 : i32
      %mul3A_62 = arith.muli %rem3A_61, %mul3A : i32
      %add3A_63 = arith.constant 16384 : i32
      %add3A_64 = arith.addi %add3A_63, %mul3A_62 : i32
      %dma_wait3A = arith.constant 0 : i32
      %dma_wait3A_65 = arith.constant 1 : i32
      %dma_wait3A_66 = arith.constant 0 : i32
      %dma_wait3A_67 = arith.constant 1 : i32
      %dma_wait3A_68 = tpu.memref_slice %arg6[%dma_wait3A_67] : memref<4x!tpu.dma_semaphore, #tpu.memory_space<semaphore_mem>> -> memref<1x!tpu.dma_semaphore, #tpu.memory_space<semaphore_mem>>
      %dma_wait3A_69 = tpu.memref_squeeze %dma_wait3A_68 : memref<1x!tpu.dma_semaphore, #tpu.memory_space<semaphore_mem>> -> memref<!tpu.dma_semaphore, #tpu.memory_space<semaphore_mem>>
      %dma_wait3A_70 = arith.constant 0 : i32
      %dma_wait3A_71 = arith.constant 0 : i32
      %dma_wait3A_72 = tpu.memref_slice %arg4[%dma_wait3A_65, %dma_wait3A_66, %dma_wait3A_70, %dma_wait3A_71] : memref<4x4x1024x128xf32, #tpu.memory_space<vmem>> -> memref<1x1x1024x128xf32, #tpu.memory_space<vmem>>
      %dma_wait3A_73 = tpu.memref_squeeze %dma_wait3A_72 : memref<1x1x1024x128xf32, #tpu.memory_space<vmem>> -> memref<1024x128xf32, #tpu.memory_space<vmem>>
      %dma_wait3A_74 = arith.constant 0 : i32
      %dma_wait3A_75 = tpu.memref_slice %arg1[%select_n3A, %dma_wait3A, %add3A_64, %dma_wait3A_74] : memref<2x4x32768x128xf32, #tpu.memory_space<any>> -> memref<1x1x1024x128xf32, #tpu.memory_space<any>>
      %dma_wait3A_76 = tpu.memref_squeeze %dma_wait3A_75 : memref<1x1x1024x128xf32, #tpu.memory_space<any>> -> memref<1024x128xf32, #tpu.memory_space<any>>
      tpu.wait_dma2 semaphore(%dma_wait3A_69 : memref<!tpu.dma_semaphore, #tpu.memory_space<semaphore_mem>>) src(%dma_wait3A_76 : memref<1024x128xf32, #tpu.memory_space<any>>) dst(%dma_wait3A_73 : memref<1024x128xf32, #tpu.memory_space<vmem>>)
      %dma_wait3A_77 = arith.constant 1 : i32
      %dma_wait3A_78 = arith.constant 1 : i32
      %dma_wait3A_79 = arith.constant 1 : i32
      %dma_wait3A_80 = arith.constant 1 : i32
      %dma_wait3A_81 = tpu.memref_slice %arg6[%dma_wait3A_80] : memref<4x!tpu.dma_semaphore, #tpu.memory_space<semaphore_mem>> -> memref<1x!tpu.dma_semaphore, #tpu.memory_space<semaphore_mem>>
      %dma_wait3A_82 = tpu.memref_squeeze %dma_wait3A_81 : memref<1x!tpu.dma_semaphore, #tpu.memory_space<semaphore_mem>> -> memref<!tpu.dma_semaphore, #tpu.memory_space<semaphore_mem>>
      %dma_wait3A_83 = arith.constant 0 : i32
      %dma_wait3A_84 = arith.constant 0 : i32
      %dma_wait3A_85 = tpu.memref_slice %arg4[%dma_wait3A_78, %dma_wait3A_79, %dma_wait3A_83, %dma_wait3A_84] : memref<4x4x1024x128xf32, #tpu.memory_space<vmem>> -> memref<1x1x1024x128xf32, #tpu.memory_space<vmem>>
      %dma_wait3A_86 = tpu.memref_squeeze %dma_wait3A_85 : memref<1x1x1024x128xf32, #tpu.memory_space<vmem>> -> memref<1024x128xf32, #tpu.memory_space<vmem>>
      %dma_wait3A_87 = arith.constant 0 : i32
      %dma_wait3A_88 = tpu.memref_slice %arg1[%select_n3A, %dma_wait3A_77, %add3A_64, %dma_wait3A_87] : memref<2x4x32768x128xf32, #tpu.memory_space<any>> -> memref<1x1x1024x128xf32, #tpu.memory_space<any>>
      %dma_wait3A_89 = tpu.memref_squeeze %dma_wait3A_88 : memref<1x1x1024x128xf32, #tpu.memory_space<any>> -> memref<1024x128xf32, #tpu.memory_space<any>>
      tpu.wait_dma2 semaphore(%dma_wait3A_82 : memref<!tpu.dma_semaphore, #tpu.memory_space<semaphore_mem>>) src(%dma_wait3A_89 : memref<1024x128xf32, #tpu.memory_space<any>>) dst(%dma_wait3A_86 : memref<1024x128xf32, #tpu.memory_space<vmem>>)
      %dma_wait3A_90 = arith.constant 2 : i32
      %dma_wait3A_91 = arith.constant 1 : i32
      %dma_wait3A_92 = arith.constant 2 : i32
      %dma_wait3A_93 = arith.constant 1 : i32
      %dma_wait3A_94 = tpu.memref_slice %arg6[%dma_wait3A_93] : memref<4x!tpu.dma_semaphore, #tpu.memory_space<semaphore_mem>> -> memref<1x!tpu.dma_semaphore, #tpu.memory_space<semaphore_mem>>
      %dma_wait3A_95 = tpu.memref_squeeze %dma_wait3A_94 : memref<1x!tpu.dma_semaphore, #tpu.memory_space<semaphore_mem>> -> memref<!tpu.dma_semaphore, #tpu.memory_space<semaphore_mem>>
      %dma_wait3A_96 = arith.constant 0 : i32
      %dma_wait3A_97 = arith.constant 0 : i32
      %dma_wait3A_98 = tpu.memref_slice %arg4[%dma_wait3A_91, %dma_wait3A_92, %dma_wait3A_96, %dma_wait3A_97] : memref<4x4x1024x128xf32, #tpu.memory_space<vmem>> -> memref<1x1x1024x128xf32, #tpu.memory_space<vmem>>
      %dma_wait3A_99 = tpu.memref_squeeze %dma_wait3A_98 : memref<1x1x1024x128xf32, #tpu.memory_space<vmem>> -> memref<1024x128xf32, #tpu.memory_space<vmem>>
      %dma_wait3A_100 = arith.constant 0 : i32
      %dma_wait3A_101 = tpu.memref_slice %arg1[%select_n3A, %dma_wait3A_90, %add3A_64, %dma_wait3A_100] : memref<2x4x32768x128xf32, #tpu.memory_space<any>> -> memref<1x1x1024x128xf32, #tpu.memory_space<any>>
      %dma_wait3A_102 = tpu.memref_squeeze %dma_wait3A_101 : memref<1x1x1024x128xf32, #tpu.memory_space<any>> -> memref<1024x128xf32, #tpu.memory_space<any>>
      tpu.wait_dma2 semaphore(%dma_wait3A_95 : memref<!tpu.dma_semaphore, #tpu.memory_space<semaphore_mem>>) src(%dma_wait3A_102 : memref<1024x128xf32, #tpu.memory_space<any>>) dst(%dma_wait3A_99 : memref<1024x128xf32, #tpu.memory_space<vmem>>)
      %dma_wait3A_103 = arith.constant 3 : i32
      %dma_wait3A_104 = arith.constant 1 : i32
      %dma_wait3A_105 = arith.constant 3 : i32
      %dma_wait3A_106 = arith.constant 1 : i32
      %dma_wait3A_107 = tpu.memref_slice %arg6[%dma_wait3A_106] : memref<4x!tpu.dma_semaphore, #tpu.memory_space<semaphore_mem>> -> memref<1x!tpu.dma_semaphore, #tpu.memory_space<semaphore_mem>>
      %dma_wait3A_108 = tpu.memref_squeeze %dma_wait3A_107 : memref<1x!tpu.dma_semaphore, #tpu.memory_space<semaphore_mem>> -> memref<!tpu.dma_semaphore, #tpu.memory_space<semaphore_mem>>
      %dma_wait3A_109 = arith.constant 0 : i32
      %dma_wait3A_110 = arith.constant 0 : i32
      %dma_wait3A_111 = tpu.memref_slice %arg4[%dma_wait3A_104, %dma_wait3A_105, %dma_wait3A_109, %dma_wait3A_110] : memref<4x4x1024x128xf32, #tpu.memory_space<vmem>> -> memref<1x1x1024x128xf32, #tpu.memory_space<vmem>>
      %dma_wait3A_112 = tpu.memref_squeeze %dma_wait3A_111 : memref<1x1x1024x128xf32, #tpu.memory_space<vmem>> -> memref<1024x128xf32, #tpu.memory_space<vmem>>
      %dma_wait3A_113 = arith.constant 0 : i32
      %dma_wait3A_114 = tpu.memref_slice %arg1[%select_n3A, %dma_wait3A_103, %add3A_64, %dma_wait3A_113] : memref<2x4x32768x128xf32, #tpu.memory_space<any>> -> memref<1x1x1024x128xf32, #tpu.memory_space<any>>
      %dma_wait3A_115 = tpu.memref_squeeze %dma_wait3A_114 : memref<1x1x1024x128xf32, #tpu.memory_space<any>> -> memref<1024x128xf32, #tpu.memory_space<any>>
      tpu.wait_dma2 semaphore(%dma_wait3A_108 : memref<!tpu.dma_semaphore, #tpu.memory_space<semaphore_mem>>) src(%dma_wait3A_115 : memref<1024x128xf32, #tpu.memory_space<any>>) dst(%dma_wait3A_112 : memref<1024x128xf32, #tpu.memory_space<vmem>>)
      %dma_wait3A_116 = arith.constant 1 : i32
      %dma_wait3A_117 = arith.constant 1 : i32
      %dma_wait3A_118 = tpu.memref_slice %arg6[%dma_wait3A_117] : memref<4x!tpu.dma_semaphore, #tpu.memory_space<semaphore_mem>> -> memref<1x!tpu.dma_semaphore, #tpu.memory_space<semaphore_mem>>
      %dma_wait3A_119 = tpu.memref_squeeze %dma_wait3A_118 : memref<1x!tpu.dma_semaphore, #tpu.memory_space<semaphore_mem>> -> memref<!tpu.dma_semaphore, #tpu.memory_space<semaphore_mem>>
      %dma_wait3A_120 = arith.constant 0 : i32
      %dma_wait3A_121 = arith.constant 0 : i32
      %dma_wait3A_122 = tpu.memref_slice %arg5[%dma_wait3A_116, %dma_wait3A_120, %dma_wait3A_121] : memref<4x1024x128xi32, #tpu.memory_space<vmem>> -> memref<1x1024x128xi32, #tpu.memory_space<vmem>>
      %dma_wait3A_123 = tpu.memref_squeeze %dma_wait3A_122 : memref<1x1024x128xi32, #tpu.memory_space<vmem>> -> memref<1024x128xi32, #tpu.memory_space<vmem>>
      %dma_wait3A_124 = arith.constant 0 : i32
      %dma_wait3A_125 = tpu.memref_slice %arg2[%select_n3A, %add3A_64, %dma_wait3A_124] : memref<2x32768x128xi32, #tpu.memory_space<any>> -> memref<1x1024x128xi32, #tpu.memory_space<any>>
      %dma_wait3A_126 = tpu.memref_squeeze %dma_wait3A_125 : memref<1x1024x128xi32, #tpu.memory_space<any>> -> memref<1024x128xi32, #tpu.memory_space<any>>
      tpu.wait_dma2 semaphore(%dma_wait3A_119 : memref<!tpu.dma_semaphore, #tpu.memory_space<semaphore_mem>>) src(%dma_wait3A_126 : memref<1024x128xi32, #tpu.memory_space<any>>) dst(%dma_wait3A_123 : memref<1024x128xi32, #tpu.memory_space<vmem>>)
      %get3A = arith.constant 1 : index
      %get3A_127 = arith.constant 0 : index
      %get3A_128 = arith.constant 0 : index
      %get3A_129 = arith.constant 0 : index
      %get3A_130 = vector.load %arg4[%get3A, %get3A_127, %get3A_128, %get3A_129] : memref<4x4x1024x128xf32, #tpu.memory_space<vmem>>, vector<1x1x1024x128xf32>
      %get3A_131 = vector.shape_cast %get3A_130 : vector<1x1x1024x128xf32> to vector<1024x128xf32>
      %get3A_132 = arith.constant 1 : index
      %get3A_133 = arith.constant 1 : index
      %get3A_134 = arith.constant 0 : index
      %get3A_135 = arith.constant 0 : index
      %get3A_136 = vector.load %arg4[%get3A_132, %get3A_133, %get3A_134, %get3A_135] : memref<4x4x1024x128xf32, #tpu.memory_space<vmem>>, vector<1x1x1024x128xf32>
      %get3A_137 = vector.shape_cast %get3A_136 : vector<1x1x1024x128xf32> to vector<1024x128xf32>
      %get3A_138 = arith.constant 1 : index
      %get3A_139 = arith.constant 2 : index
      %get3A_140 = arith.constant 0 : index
      %get3A_141 = arith.constant 0 : index
      %get3A_142 = vector.load %arg4[%get3A_138, %get3A_139, %get3A_140, %get3A_141] : memref<4x4x1024x128xf32, #tpu.memory_space<vmem>>, vector<1x1x1024x128xf32>
      %get3A_143 = vector.shape_cast %get3A_142 : vector<1x1x1024x128xf32> to vector<1024x128xf32>
      %get3A_144 = arith.constant 1 : index
      %get3A_145 = arith.constant 3 : index
      %get3A_146 = arith.constant 0 : index
      %get3A_147 = arith.constant 0 : index
      %get3A_148 = vector.load %arg4[%get3A_144, %get3A_145, %get3A_146, %get3A_147] : memref<4x4x1024x128xf32, #tpu.memory_space<vmem>>, vector<1x1x1024x128xf32>
      %get3A_149 = vector.shape_cast %get3A_148 : vector<1x1x1024x128xf32> to vector<1024x128xf32>
      %get3A_150 = arith.constant 1 : index
      %get3A_151 = arith.constant 0 : index
      %get3A_152 = arith.constant 0 : index
      %get3A_153 = vector.load %arg5[%get3A_150, %get3A_151, %get3A_152] : memref<4x1024x128xi32, #tpu.memory_space<vmem>>, vector<1x1024x128xi32>
      %get3A_154 = vector.shape_cast %get3A_153 : vector<1x1024x128xi32> to vector<1024x128xi32>
      %max3A = arith.maximumf %get3A_131, %get3A_137 : vector<1024x128xf32>
      %max3A_155 = arith.maximumf %get3A_143, %get3A_149 : vector<1024x128xf32>
      %gt3A_156 = arith.cmpf ogt, %get3A_137, %get3A_131 : vector<1024x128xf32>
      %broadcast_in_dim3A = arith.constant 1 : i32
      %broadcast_in_dim3A_157 = vector.broadcast %broadcast_in_dim3A : i32 to vector<1024x128xi32>
      %broadcast_in_dim3A_158 = arith.constant 0 : i32
      %broadcast_in_dim3A_159 = vector.broadcast %broadcast_in_dim3A_158 : i32 to vector<1024x128xi32>
      %select_n3A_160 = arith.select %gt3A_156, %broadcast_in_dim3A_157, %broadcast_in_dim3A_159 : vector<1024x128xi1>, vector<1024x128xi32>
      %gt3A_161 = arith.cmpf ogt, %get3A_149, %get3A_143 : vector<1024x128xf32>
      %broadcast_in_dim3A_162 = arith.constant 3 : i32
      %broadcast_in_dim3A_163 = vector.broadcast %broadcast_in_dim3A_162 : i32 to vector<1024x128xi32>
      %broadcast_in_dim3A_164 = arith.constant 2 : i32
      %broadcast_in_dim3A_165 = vector.broadcast %broadcast_in_dim3A_164 : i32 to vector<1024x128xi32>
      %select_n3A_166 = arith.select %gt3A_161, %broadcast_in_dim3A_163, %broadcast_in_dim3A_165 : vector<1024x128xi1>, vector<1024x128xi32>
      %gt3A_167 = arith.cmpf ogt, %max3A_155, %max3A : vector<1024x128xf32>
      %select_n3A_168 = arith.select %gt3A_167, %select_n3A_166, %select_n3A_160 : vector<1024x128xi1>, vector<1024x128xi32>
      %broadcast_in_dim3A_169 = arith.constant 1.000000e+00 : f32
      %broadcast_in_dim3A_170 = vector.broadcast %broadcast_in_dim3A_169 : f32 to vector<1024x128xf32>
      %broadcast_in_dim3A_171 = arith.constant 0.000000e+00 : f32
      %broadcast_in_dim3A_172 = vector.broadcast %broadcast_in_dim3A_171 : f32 to vector<1024x128xf32>
      %eq3A_173 = arith.constant 0 : i32
      %eq3A_174 = vector.broadcast %eq3A_173 : i32 to vector<1024x128xi32>
      %eq3A_175 = arith.cmpi eq, %select_n3A_168, %eq3A_174 : vector<1024x128xi32>
      %eq3A_176 = arith.constant 0 : i32
      %eq3A_177 = vector.broadcast %eq3A_176 : i32 to vector<1024x128xi32>
      %eq3A_178 = arith.cmpi eq, %get3A_154, %eq3A_177 : vector<1024x128xi32>
      %and3A_179 = arith.andi %eq3A_175, %eq3A_178 : vector<1024x128xi1>
      %select_n3A_180 = arith.select %eq3A_175, %broadcast_in_dim3A_170, %broadcast_in_dim3A_172 : vector<1024x128xi1>, vector<1024x128xf32>
      %reduce_sum3A = arith.constant dense<0.000000e+00> : vector<128xf32>
      %reduce_sum3A_181 = vector.multi_reduction <add>, %select_n3A_180, %reduce_sum3A [0] : vector<1024x128xf32> to vector<128xf32>
      %broadcast_in_dim3A_182 = vector.shape_cast %reduce_sum3A_181 : vector<128xf32> to vector<1x128xf32>
      %get3A_183 = arith.constant 0 : index
      %get3A_184 = arith.constant 0 : index
      %get3A_185 = arith.constant 0 : index
      %get3A_186 = vector.load %arg3[%get3A_183, %get3A_184, %get3A_185] : memref<1x16x128xf32, #tpu.memory_space<vmem>>, vector<1x1x128xf32>
      %get3A_187 = vector.shape_cast %get3A_186 : vector<1x1x128xf32> to vector<1x128xf32>
      %add3A_188 = arith.addf %get3A_187, %broadcast_in_dim3A_182 : vector<1x128xf32>
      %swap3A = arith.constant 0 : index
      %swap3A_189 = arith.constant 0 : index
      %swap3A_190 = arith.constant 0 : index
      %swap3A_191 = vector.load %arg3[%swap3A, %swap3A_189, %swap3A_190] : memref<1x16x128xf32, #tpu.memory_space<vmem>>, vector<1x1x128xf32>
      %swap3A_192 = vector.shape_cast %swap3A_191 : vector<1x1x128xf32> to vector<1x128xf32>
      %swap3A_193 = vector.shape_cast %add3A_188 : vector<1x128xf32> to vector<1x1x128xf32>
      tpu.vector_store %arg3[%swap3A, %swap3A_189, %swap3A_190], %swap3A_193 {strides = array<i32>} : memref<1x16x128xf32, #tpu.memory_space<vmem>>, vector<1x1x128xf32>,
      %select_n3A_194 = arith.select %eq3A_178, %broadcast_in_dim3A_170, %broadcast_in_dim3A_172 : vector<1024x128xi1>, vector<1024x128xf32>
      %reduce_sum3A_195 = arith.constant dense<0.000000e+00> : vector<128xf32>
      %reduce_sum3A_196 = vector.multi_reduction <add>, %select_n3A_194, %reduce_sum3A_195 [0] : vector<1024x128xf32> to vector<128xf32>
      %broadcast_in_dim3A_197 = vector.shape_cast %reduce_sum3A_196 : vector<128xf32> to vector<1x128xf32>
      %get3A_198 = arith.constant 0 : index
      %get3A_199 = arith.constant 1 : index
      %get3A_200 = arith.constant 0 : index
      %get3A_201 = vector.load %arg3[%get3A_198, %get3A_199, %get3A_200] : memref<1x16x128xf32, #tpu.memory_space<vmem>>, vector<1x1x128xf32>
      %get3A_202 = vector.shape_cast %get3A_201 : vector<1x1x128xf32> to vector<1x128xf32>
      %add3A_203 = arith.addf %get3A_202, %broadcast_in_dim3A_197 : vector<1x128xf32>
      %swap3A_204 = arith.constant 0 : index
      %swap3A_205 = arith.constant 1 : index
      %swap3A_206 = arith.constant 0 : index
      %swap3A_207 = vector.load %arg3[%swap3A_204, %swap3A_205, %swap3A_206] : memref<1x16x128xf32, #tpu.memory_space<vmem>>, vector<1x1x128xf32>
      %swap3A_208 = vector.shape_cast %swap3A_207 : vector<1x1x128xf32> to vector<1x128xf32>
      %swap3A_209 = vector.shape_cast %add3A_203 : vector<1x128xf32> to vector<1x1x128xf32>
      tpu.vector_store %arg3[%swap3A_204, %swap3A_205, %swap3A_206], %swap3A_209 {strides = array<i32>} : memref<1x16x128xf32, #tpu.memory_space<vmem>>, vector<1x1x128xf32>,
      %select_n3A_210 = arith.select %and3A_179, %broadcast_in_dim3A_170, %broadcast_in_dim3A_172 : vector<1024x128xi1>, vector<1024x128xf32>
      %reduce_sum3A_211 = arith.constant dense<0.000000e+00> : vector<128xf32>
      %reduce_sum3A_212 = vector.multi_reduction <add>, %select_n3A_210, %reduce_sum3A_211 [0] : vector<1024x128xf32> to vector<128xf32>
      %broadcast_in_dim3A_213 = vector.shape_cast %reduce_sum3A_212 : vector<128xf32> to vector<1x128xf32>
      %get3A_214 = arith.constant 0 : index
      %get3A_215 = arith.constant 2 : index
      %get3A_216 = arith.constant 0 : index
      %get3A_217 = vector.load %arg3[%get3A_214, %get3A_215, %get3A_216] : memref<1x16x128xf32, #tpu.memory_space<vmem>>, vector<1x1x128xf32>
      %get3A_218 = vector.shape_cast %get3A_217 : vector<1x1x128xf32> to vector<1x128xf32>
      %add3A_219 = arith.addf %get3A_218, %broadcast_in_dim3A_213 : vector<1x128xf32>
      %swap3A_220 = arith.constant 0 : index
      %swap3A_221 = arith.constant 2 : index
      %swap3A_222 = arith.constant 0 : index
      %swap3A_223 = vector.load %arg3[%swap3A_220, %swap3A_221, %swap3A_222] : memref<1x16x128xf32, #tpu.memory_space<vmem>>, vector<1x1x128xf32>
      %swap3A_224 = vector.shape_cast %swap3A_223 : vector<1x1x128xf32> to vector<1x128xf32>
      %swap3A_225 = vector.shape_cast %add3A_219 : vector<1x128xf32> to vector<1x1x128xf32>
      tpu.vector_store %arg3[%swap3A_220, %swap3A_221, %swap3A_222], %swap3A_225 {strides = array<i32>} : memref<1x16x128xf32, #tpu.memory_space<vmem>>, vector<1x1x128xf32>,
      %eq3A_226 = arith.constant 1 : i32
      %eq3A_227 = vector.broadcast %eq3A_226 : i32 to vector<1024x128xi32>
      %eq3A_228 = arith.cmpi eq, %select_n3A_168, %eq3A_227 : vector<1024x128xi32>
      %eq3A_229 = arith.constant 1 : i32
      %eq3A_230 = vector.broadcast %eq3A_229 : i32 to vector<1024x128xi32>
      %eq3A_231 = arith.cmpi eq, %get3A_154, %eq3A_230 : vector<1024x128xi32>
      %and3A_232 = arith.andi %eq3A_228, %eq3A_231 : vector<1024x128xi1>
      %select_n3A_233 = arith.select %eq3A_228, %broadcast_in_dim3A_170, %broadcast_in_dim3A_172 : vector<1024x128xi1>, vector<1024x128xf32>
      %reduce_sum3A_234 = arith.constant dense<0.000000e+00> : vector<128xf32>
      %reduce_sum3A_235 = vector.multi_reduction <add>, %select_n3A_233, %reduce_sum3A_234 [0] : vector<1024x128xf32> to vector<128xf32>
      %broadcast_in_dim3A_236 = vector.shape_cast %reduce_sum3A_235 : vector<128xf32> to vector<1x128xf32>
      %get3A_237 = arith.constant 0 : index
      %get3A_238 = arith.constant 3 : index
      %get3A_239 = arith.constant 0 : index
      %get3A_240 = vector.load %arg3[%get3A_237, %get3A_238, %get3A_239] : memref<1x16x128xf32, #tpu.memory_space<vmem>>, vector<1x1x128xf32>
      %get3A_241 = vector.shape_cast %get3A_240 : vector<1x1x128xf32> to vector<1x128xf32>
      %add3A_242 = arith.addf %get3A_241, %broadcast_in_dim3A_236 : vector<1x128xf32>
      %swap3A_243 = arith.constant 0 : index
      %swap3A_244 = arith.constant 3 : index
      %swap3A_245 = arith.constant 0 : index
      %swap3A_246 = vector.load %arg3[%swap3A_243, %swap3A_244, %swap3A_245] : memref<1x16x128xf32, #tpu.memory_space<vmem>>, vector<1x1x128xf32>
      %swap3A_247 = vector.shape_cast %swap3A_246 : vector<1x1x128xf32> to vector<1x128xf32>
      %swap3A_248 = vector.shape_cast %add3A_242 : vector<1x128xf32> to vector<1x1x128xf32>
      tpu.vector_store %arg3[%swap3A_243, %swap3A_244, %swap3A_245], %swap3A_248 {strides = array<i32>} : memref<1x16x128xf32, #tpu.memory_space<vmem>>, vector<1x1x128xf32>,
      %select_n3A_249 = arith.select %eq3A_231, %broadcast_in_dim3A_170, %broadcast_in_dim3A_172 : vector<1024x128xi1>, vector<1024x128xf32>
      %reduce_sum3A_250 = arith.constant dense<0.000000e+00> : vector<128xf32>
      %reduce_sum3A_251 = vector.multi_reduction <add>, %select_n3A_249, %reduce_sum3A_250 [0] : vector<1024x128xf32> to vector<128xf32>
      %broadcast_in_dim3A_252 = vector.shape_cast %reduce_sum3A_251 : vector<128xf32> to vector<1x128xf32>
      %get3A_253 = arith.constant 0 : index
      %get3A_254 = arith.constant 4 : index
      %get3A_255 = arith.constant 0 : index
      %get3A_256 = vector.load %arg3[%get3A_253, %get3A_254, %get3A_255] : memref<1x16x128xf32, #tpu.memory_space<vmem>>, vector<1x1x128xf32>
      %get3A_257 = vector.shape_cast %get3A_256 : vector<1x1x128xf32> to vector<1x128xf32>
      %add3A_258 = arith.addf %get3A_257, %broadcast_in_dim3A_252 : vector<1x128xf32>
      %swap3A_259 = arith.constant 0 : index
      %swap3A_260 = arith.constant 4 : index
      %swap3A_261 = arith.constant 0 : index
      %swap3A_262 = vector.load %arg3[%swap3A_259, %swap3A_260, %swap3A_261] : memref<1x16x128xf32, #tpu.memory_space<vmem>>, vector<1x1x128xf32>
      %swap3A_263 = vector.shape_cast %swap3A_262 : vector<1x1x128xf32> to vector<1x128xf32>
      %swap3A_264 = vector.shape_cast %add3A_258 : vector<1x128xf32> to vector<1x1x128xf32>
      tpu.vector_store %arg3[%swap3A_259, %swap3A_260, %swap3A_261], %swap3A_264 {strides = array<i32>} : memref<1x16x128xf32, #tpu.memory_space<vmem>>, vector<1x1x128xf32>,
      %select_n3A_265 = arith.select %and3A_232, %broadcast_in_dim3A_170, %broadcast_in_dim3A_172 : vector<1024x128xi1>, vector<1024x128xf32>
      %reduce_sum3A_266 = arith.constant dense<0.000000e+00> : vector<128xf32>
      %reduce_sum3A_267 = vector.multi_reduction <add>, %select_n3A_265, %reduce_sum3A_266 [0] : vector<1024x128xf32> to vector<128xf32>
      %broadcast_in_dim3A_268 = vector.shape_cast %reduce_sum3A_267 : vector<128xf32> to vector<1x128xf32>
      %get3A_269 = arith.constant 0 : index
      %get3A_270 = arith.constant 5 : index
      %get3A_271 = arith.constant 0 : index
      %get3A_272 = vector.load %arg3[%get3A_269, %get3A_270, %get3A_271] : memref<1x16x128xf32, #tpu.memory_space<vmem>>, vector<1x1x128xf32>
      %get3A_273 = vector.shape_cast %get3A_272 : vector<1x1x128xf32> to vector<1x128xf32>
      %add3A_274 = arith.addf %get3A_273, %broadcast_in_dim3A_268 : vector<1x128xf32>
      %swap3A_275 = arith.constant 0 : index
      %swap3A_276 = arith.constant 5 : index
      %swap3A_277 = arith.constant 0 : index
      %swap3A_278 = vector.load %arg3[%swap3A_275, %swap3A_276, %swap3A_277] : memref<1x16x128xf32, #tpu.memory_space<vmem>>, vector<1x1x128xf32>
      %swap3A_279 = vector.shape_cast %swap3A_278 : vector<1x1x128xf32> to vector<1x128xf32>
      %swap3A_280 = vector.shape_cast %add3A_274 : vector<1x128xf32> to vector<1x1x128xf32>
      tpu.vector_store %arg3[%swap3A_275, %swap3A_276, %swap3A_277], %swap3A_280 {strides = array<i32>} : memref<1x16x128xf32, #tpu.memory_space<vmem>>, vector<1x1x128xf32>,
      %eq3A_281 = arith.constant 2 : i32
      %eq3A_282 = vector.broadcast %eq3A_281 : i32 to vector<1024x128xi32>
      %eq3A_283 = arith.cmpi eq, %select_n3A_168, %eq3A_282 : vector<1024x128xi32>
      %eq3A_284 = arith.constant 2 : i32
      %eq3A_285 = vector.broadcast %eq3A_284 : i32 to vector<1024x128xi32>
      %eq3A_286 = arith.cmpi eq, %get3A_154, %eq3A_285 : vector<1024x128xi32>
      %and3A_287 = arith.andi %eq3A_283, %eq3A_286 : vector<1024x128xi1>
      %select_n3A_288 = arith.select %eq3A_283, %broadcast_in_dim3A_170, %broadcast_in_dim3A_172 : vector<1024x128xi1>, vector<1024x128xf32>
      %reduce_sum3A_289 = arith.constant dense<0.000000e+00> : vector<128xf32>
      %reduce_sum3A_290 = vector.multi_reduction <add>, %select_n3A_288, %reduce_sum3A_289 [0] : vector<1024x128xf32> to vector<128xf32>
      %broadcast_in_dim3A_291 = vector.shape_cast %reduce_sum3A_290 : vector<128xf32> to vector<1x128xf32>
      %get3A_292 = arith.constant 0 : index
      %get3A_293 = arith.constant 6 : index
      %get3A_294 = arith.constant 0 : index
      %get3A_295 = vector.load %arg3[%get3A_292, %get3A_293, %get3A_294] : memref<1x16x128xf32, #tpu.memory_space<vmem>>, vector<1x1x128xf32>
      %get3A_296 = vector.shape_cast %get3A_295 : vector<1x1x128xf32> to vector<1x128xf32>
      %add3A_297 = arith.addf %get3A_296, %broadcast_in_dim3A_291 : vector<1x128xf32>
      %swap3A_298 = arith.constant 0 : index
      %swap3A_299 = arith.constant 6 : index
      %swap3A_300 = arith.constant 0 : index
      %swap3A_301 = vector.load %arg3[%swap3A_298, %swap3A_299, %swap3A_300] : memref<1x16x128xf32, #tpu.memory_space<vmem>>, vector<1x1x128xf32>
      %swap3A_302 = vector.shape_cast %swap3A_301 : vector<1x1x128xf32> to vector<1x128xf32>
      %swap3A_303 = vector.shape_cast %add3A_297 : vector<1x128xf32> to vector<1x1x128xf32>
      tpu.vector_store %arg3[%swap3A_298, %swap3A_299, %swap3A_300], %swap3A_303 {strides = array<i32>} : memref<1x16x128xf32, #tpu.memory_space<vmem>>, vector<1x1x128xf32>,
      %select_n3A_304 = arith.select %eq3A_286, %broadcast_in_dim3A_170, %broadcast_in_dim3A_172 : vector<1024x128xi1>, vector<1024x128xf32>
      %reduce_sum3A_305 = arith.constant dense<0.000000e+00> : vector<128xf32>
      %reduce_sum3A_306 = vector.multi_reduction <add>, %select_n3A_304, %reduce_sum3A_305 [0] : vector<1024x128xf32> to vector<128xf32>
      %broadcast_in_dim3A_307 = vector.shape_cast %reduce_sum3A_306 : vector<128xf32> to vector<1x128xf32>
      %get3A_308 = arith.constant 0 : index
      %get3A_309 = arith.constant 7 : index
      %get3A_310 = arith.constant 0 : index
      %get3A_311 = vector.load %arg3[%get3A_308, %get3A_309, %get3A_310] : memref<1x16x128xf32, #tpu.memory_space<vmem>>, vector<1x1x128xf32>
      %get3A_312 = vector.shape_cast %get3A_311 : vector<1x1x128xf32> to vector<1x128xf32>
      %add3A_313 = arith.addf %get3A_312, %broadcast_in_dim3A_307 : vector<1x128xf32>
      %swap3A_314 = arith.constant 0 : index
      %swap3A_315 = arith.constant 7 : index
      %swap3A_316 = arith.constant 0 : index
      %swap3A_317 = vector.load %arg3[%swap3A_314, %swap3A_315, %swap3A_316] : memref<1x16x128xf32, #tpu.memory_space<vmem>>, vector<1x1x128xf32>
      %swap3A_318 = vector.shape_cast %swap3A_317 : vector<1x1x128xf32> to vector<1x128xf32>
      %swap3A_319 = vector.shape_cast %add3A_313 : vector<1x128xf32> to vector<1x1x128xf32>
      tpu.vector_store %arg3[%swap3A_314, %swap3A_315, %swap3A_316], %swap3A_319 {strides = array<i32>} : memref<1x16x128xf32, #tpu.memory_space<vmem>>, vector<1x1x128xf32>,
      %select_n3A_320 = arith.select %and3A_287, %broadcast_in_dim3A_170, %broadcast_in_dim3A_172 : vector<1024x128xi1>, vector<1024x128xf32>
      %reduce_sum3A_321 = arith.constant dense<0.000000e+00> : vector<128xf32>
      %reduce_sum3A_322 = vector.multi_reduction <add>, %select_n3A_320, %reduce_sum3A_321 [0] : vector<1024x128xf32> to vector<128xf32>
      %broadcast_in_dim3A_323 = vector.shape_cast %reduce_sum3A_322 : vector<128xf32> to vector<1x128xf32>
      %get3A_324 = arith.constant 0 : index
      %get3A_325 = arith.constant 8 : index
      %get3A_326 = arith.constant 0 : index
      %get3A_327 = vector.load %arg3[%get3A_324, %get3A_325, %get3A_326] : memref<1x16x128xf32, #tpu.memory_space<vmem>>, vector<1x1x128xf32>
      %get3A_328 = vector.shape_cast %get3A_327 : vector<1x1x128xf32> to vector<1x128xf32>
      %add3A_329 = arith.addf %get3A_328, %broadcast_in_dim3A_323 : vector<1x128xf32>
      %swap3A_330 = arith.constant 0 : index
      %swap3A_331 = arith.constant 8 : index
      %swap3A_332 = arith.constant 0 : index
      %swap3A_333 = vector.load %arg3[%swap3A_330, %swap3A_331, %swap3A_332] : memref<1x16x128xf32, #tpu.memory_space<vmem>>, vector<1x1x128xf32>
      %swap3A_334 = vector.shape_cast %swap3A_333 : vector<1x1x128xf32> to vector<1x128xf32>
      %swap3A_335 = vector.shape_cast %add3A_329 : vector<1x128xf32> to vector<1x1x128xf32>
      tpu.vector_store %arg3[%swap3A_330, %swap3A_331, %swap3A_332], %swap3A_335 {strides = array<i32>} : memref<1x16x128xf32, #tpu.memory_space<vmem>>, vector<1x1x128xf32>,
      %eq3A_336 = arith.constant 3 : i32
      %eq3A_337 = vector.broadcast %eq3A_336 : i32 to vector<1024x128xi32>
      %eq3A_338 = arith.cmpi eq, %select_n3A_168, %eq3A_337 : vector<1024x128xi32>
      %eq3A_339 = arith.constant 3 : i32
      %eq3A_340 = vector.broadcast %eq3A_339 : i32 to vector<1024x128xi32>
      %eq3A_341 = arith.cmpi eq, %get3A_154, %eq3A_340 : vector<1024x128xi32>
      %and3A_342 = arith.andi %eq3A_338, %eq3A_341 : vector<1024x128xi1>
      %select_n3A_343 = arith.select %eq3A_338, %broadcast_in_dim3A_170, %broadcast_in_dim3A_172 : vector<1024x128xi1>, vector<1024x128xf32>
      %reduce_sum3A_344 = arith.constant dense<0.000000e+00> : vector<128xf32>
      %reduce_sum3A_345 = vector.multi_reduction <add>, %select_n3A_343, %reduce_sum3A_344 [0] : vector<1024x128xf32> to vector<128xf32>
      %broadcast_in_dim3A_346 = vector.shape_cast %reduce_sum3A_345 : vector<128xf32> to vector<1x128xf32>
      %get3A_347 = arith.constant 0 : index
      %get3A_348 = arith.constant 9 : index
      %get3A_349 = arith.constant 0 : index
      %get3A_350 = vector.load %arg3[%get3A_347, %get3A_348, %get3A_349] : memref<1x16x128xf32, #tpu.memory_space<vmem>>, vector<1x1x128xf32>
      %get3A_351 = vector.shape_cast %get3A_350 : vector<1x1x128xf32> to vector<1x128xf32>
      %add3A_352 = arith.addf %get3A_351, %broadcast_in_dim3A_346 : vector<1x128xf32>
      %swap3A_353 = arith.constant 0 : index
      %swap3A_354 = arith.constant 9 : index
      %swap3A_355 = arith.constant 0 : index
      %swap3A_356 = vector.load %arg3[%swap3A_353, %swap3A_354, %swap3A_355] : memref<1x16x128xf32, #tpu.memory_space<vmem>>, vector<1x1x128xf32>
      %swap3A_357 = vector.shape_cast %swap3A_356 : vector<1x1x128xf32> to vector<1x128xf32>
      %swap3A_358 = vector.shape_cast %add3A_352 : vector<1x128xf32> to vector<1x1x128xf32>
      tpu.vector_store %arg3[%swap3A_353, %swap3A_354, %swap3A_355], %swap3A_358 {strides = array<i32>} : memref<1x16x128xf32, #tpu.memory_space<vmem>>, vector<1x1x128xf32>,
      %select_n3A_359 = arith.select %eq3A_341, %broadcast_in_dim3A_170, %broadcast_in_dim3A_172 : vector<1024x128xi1>, vector<1024x128xf32>
      %reduce_sum3A_360 = arith.constant dense<0.000000e+00> : vector<128xf32>
      %reduce_sum3A_361 = vector.multi_reduction <add>, %select_n3A_359, %reduce_sum3A_360 [0] : vector<1024x128xf32> to vector<128xf32>
      %broadcast_in_dim3A_362 = vector.shape_cast %reduce_sum3A_361 : vector<128xf32> to vector<1x128xf32>
      %get3A_363 = arith.constant 0 : index
      %get3A_364 = arith.constant 10 : index
      %get3A_365 = arith.constant 0 : index
      %get3A_366 = vector.load %arg3[%get3A_363, %get3A_364, %get3A_365] : memref<1x16x128xf32, #tpu.memory_space<vmem>>, vector<1x1x128xf32>
      %get3A_367 = vector.shape_cast %get3A_366 : vector<1x1x128xf32> to vector<1x128xf32>
      %add3A_368 = arith.addf %get3A_367, %broadcast_in_dim3A_362 : vector<1x128xf32>
      %swap3A_369 = arith.constant 0 : index
      %swap3A_370 = arith.constant 10 : index
      %swap3A_371 = arith.constant 0 : index
      %swap3A_372 = vector.load %arg3[%swap3A_369, %swap3A_370, %swap3A_371] : memref<1x16x128xf32, #tpu.memory_space<vmem>>, vector<1x1x128xf32>
      %swap3A_373 = vector.shape_cast %swap3A_372 : vector<1x1x128xf32> to vector<1x128xf32>
      %swap3A_374 = vector.shape_cast %add3A_368 : vector<1x128xf32> to vector<1x1x128xf32>
      tpu.vector_store %arg3[%swap3A_369, %swap3A_370, %swap3A_371], %swap3A_374 {strides = array<i32>} : memref<1x16x128xf32, #tpu.memory_space<vmem>>, vector<1x1x128xf32>,
      %select_n3A_375 = arith.select %and3A_342, %broadcast_in_dim3A_170, %broadcast_in_dim3A_172 : vector<1024x128xi1>, vector<1024x128xf32>
      %reduce_sum3A_376 = arith.constant dense<0.000000e+00> : vector<128xf32>
      %reduce_sum3A_377 = vector.multi_reduction <add>, %select_n3A_375, %reduce_sum3A_376 [0] : vector<1024x128xf32> to vector<128xf32>
      %broadcast_in_dim3A_378 = vector.shape_cast %reduce_sum3A_377 : vector<128xf32> to vector<1x128xf32>
      %get3A_379 = arith.constant 0 : index
      %get3A_380 = arith.constant 11 : index
      %get3A_381 = arith.constant 0 : index
      %get3A_382 = vector.load %arg3[%get3A_379, %get3A_380, %get3A_381] : memref<1x16x128xf32, #tpu.memory_space<vmem>>, vector<1x1x128xf32>
      %get3A_383 = vector.shape_cast %get3A_382 : vector<1x1x128xf32> to vector<1x128xf32>
      %add3A_384 = arith.addf %get3A_383, %broadcast_in_dim3A_378 : vector<1x128xf32>
      %swap3A_385 = arith.constant 0 : index
      %swap3A_386 = arith.constant 11 : index
      %swap3A_387 = arith.constant 0 : index
      %swap3A_388 = vector.load %arg3[%swap3A_385, %swap3A_386, %swap3A_387] : memref<1x16x128xf32, #tpu.memory_space<vmem>>, vector<1x1x128xf32>
      %swap3A_389 = vector.shape_cast %swap3A_388 : vector<1x1x128xf32> to vector<1x128xf32>
      %swap3A_390 = vector.shape_cast %add3A_384 : vector<1x128xf32> to vector<1x1x128xf32>
      tpu.vector_store %arg3[%swap3A_385, %swap3A_386, %swap3A_387], %swap3A_390 {strides = array<i32>} : memref<1x16x128xf32, #tpu.memory_space<vmem>>, vector<1x1x128xf32>,
    } else {
    }
    %rem3A_28 = arith.constant 4 : i32
    %rem3A_29 = arith.remsi %arg0, %rem3A_28 : i32
    %eq3A_30 = arith.constant 2 : i32
    %eq3A_31 = arith.cmpi eq, %rem3A_29, %eq3A_30 : i32
    %convert_element_type3A_32 = arith.extui %eq3A_31 : i1 to i32
    %cond3A_33 = arith.constant 0 : i32
    %cond3A_34 = arith.cmpi ne, %convert_element_type3A_32, %cond3A_33 : i32
    scf.if %cond3A_34 {
      %jit3A = arith.constant 16 : i32
      %div3A = arith.divsi %arg0, %jit3A : i32
      %sign3A = arith.constant 0 : i32
      %sign3A_42 = arith.cmpi sgt, %arg0, %sign3A : i32
      %sign3A_43 = arith.extui %sign3A_42 : i1 to i32
      %sign3A_44 = arith.constant 0 : i32
      %sign3A_45 = arith.cmpi slt, %arg0, %sign3A_44 : i32
      %sign3A_46 = arith.extui %sign3A_45 : i1 to i32
      %sign3A_47 = arith.subi %sign3A_43, %sign3A_46 : i32
      %sign3A_48 = arith.constant 0 : i32
      %sign3A_49 = arith.cmpi sgt, %jit3A, %sign3A_48 : i32
      %sign3A_50 = arith.extui %sign3A_49 : i1 to i32
      %sign3A_51 = arith.constant 0 : i32
      %sign3A_52 = arith.cmpi slt, %jit3A, %sign3A_51 : i32
      %sign3A_53 = arith.extui %sign3A_52 : i1 to i32
      %sign3A_54 = arith.subi %sign3A_50, %sign3A_53 : i32
      %ne3A = arith.cmpi ne, %sign3A_47, %sign3A_54 : i32
      %rem3A_55 = arith.remsi %arg0, %jit3A : i32
      %ne3A_56 = arith.constant 0 : i32
      %ne3A_57 = arith.cmpi ne, %rem3A_55, %ne3A_56 : i32
      %and3A_58 = arith.andi %ne3A, %ne3A_57 : i1
      %sub3A = arith.constant 1 : i32
      %sub3A_59 = arith.subi %div3A, %sub3A : i32
      %select_n3A = arith.select %and3A_58, %sub3A_59, %div3A : i32
      %rem3A_60 = arith.constant 16 : i32
      %rem3A_61 = arith.remsi %arg0, %rem3A_60 : i32
      %mul3A = arith.constant 1024 : i32
      %mul3A_62 = arith.muli %rem3A_61, %mul3A : i32
      %add3A_63 = arith.constant 16384 : i32
      %add3A_64 = arith.addi %add3A_63, %mul3A_62 : i32
      %dma_wait3A = arith.constant 0 : i32
      %dma_wait3A_65 = arith.constant 2 : i32
      %dma_wait3A_66 = arith.constant 0 : i32
      %dma_wait3A_67 = arith.constant 2 : i32
      %dma_wait3A_68 = tpu.memref_slice %arg6[%dma_wait3A_67] : memref<4x!tpu.dma_semaphore, #tpu.memory_space<semaphore_mem>> -> memref<1x!tpu.dma_semaphore, #tpu.memory_space<semaphore_mem>>
      %dma_wait3A_69 = tpu.memref_squeeze %dma_wait3A_68 : memref<1x!tpu.dma_semaphore, #tpu.memory_space<semaphore_mem>> -> memref<!tpu.dma_semaphore, #tpu.memory_space<semaphore_mem>>
      %dma_wait3A_70 = arith.constant 0 : i32
      %dma_wait3A_71 = arith.constant 0 : i32
      %dma_wait3A_72 = tpu.memref_slice %arg4[%dma_wait3A_65, %dma_wait3A_66, %dma_wait3A_70, %dma_wait3A_71] : memref<4x4x1024x128xf32, #tpu.memory_space<vmem>> -> memref<1x1x1024x128xf32, #tpu.memory_space<vmem>>
      %dma_wait3A_73 = tpu.memref_squeeze %dma_wait3A_72 : memref<1x1x1024x128xf32, #tpu.memory_space<vmem>> -> memref<1024x128xf32, #tpu.memory_space<vmem>>
      %dma_wait3A_74 = arith.constant 0 : i32
      %dma_wait3A_75 = tpu.memref_slice %arg1[%select_n3A, %dma_wait3A, %add3A_64, %dma_wait3A_74] : memref<2x4x32768x128xf32, #tpu.memory_space<any>> -> memref<1x1x1024x128xf32, #tpu.memory_space<any>>
      %dma_wait3A_76 = tpu.memref_squeeze %dma_wait3A_75 : memref<1x1x1024x128xf32, #tpu.memory_space<any>> -> memref<1024x128xf32, #tpu.memory_space<any>>
      tpu.wait_dma2 semaphore(%dma_wait3A_69 : memref<!tpu.dma_semaphore, #tpu.memory_space<semaphore_mem>>) src(%dma_wait3A_76 : memref<1024x128xf32, #tpu.memory_space<any>>) dst(%dma_wait3A_73 : memref<1024x128xf32, #tpu.memory_space<vmem>>)
      %dma_wait3A_77 = arith.constant 1 : i32
      %dma_wait3A_78 = arith.constant 2 : i32
      %dma_wait3A_79 = arith.constant 1 : i32
      %dma_wait3A_80 = arith.constant 2 : i32
      %dma_wait3A_81 = tpu.memref_slice %arg6[%dma_wait3A_80] : memref<4x!tpu.dma_semaphore, #tpu.memory_space<semaphore_mem>> -> memref<1x!tpu.dma_semaphore, #tpu.memory_space<semaphore_mem>>
      %dma_wait3A_82 = tpu.memref_squeeze %dma_wait3A_81 : memref<1x!tpu.dma_semaphore, #tpu.memory_space<semaphore_mem>> -> memref<!tpu.dma_semaphore, #tpu.memory_space<semaphore_mem>>
      %dma_wait3A_83 = arith.constant 0 : i32
      %dma_wait3A_84 = arith.constant 0 : i32
      %dma_wait3A_85 = tpu.memref_slice %arg4[%dma_wait3A_78, %dma_wait3A_79, %dma_wait3A_83, %dma_wait3A_84] : memref<4x4x1024x128xf32, #tpu.memory_space<vmem>> -> memref<1x1x1024x128xf32, #tpu.memory_space<vmem>>
      %dma_wait3A_86 = tpu.memref_squeeze %dma_wait3A_85 : memref<1x1x1024x128xf32, #tpu.memory_space<vmem>> -> memref<1024x128xf32, #tpu.memory_space<vmem>>
      %dma_wait3A_87 = arith.constant 0 : i32
      %dma_wait3A_88 = tpu.memref_slice %arg1[%select_n3A, %dma_wait3A_77, %add3A_64, %dma_wait3A_87] : memref<2x4x32768x128xf32, #tpu.memory_space<any>> -> memref<1x1x1024x128xf32, #tpu.memory_space<any>>
      %dma_wait3A_89 = tpu.memref_squeeze %dma_wait3A_88 : memref<1x1x1024x128xf32, #tpu.memory_space<any>> -> memref<1024x128xf32, #tpu.memory_space<any>>
      tpu.wait_dma2 semaphore(%dma_wait3A_82 : memref<!tpu.dma_semaphore, #tpu.memory_space<semaphore_mem>>) src(%dma_wait3A_89 : memref<1024x128xf32, #tpu.memory_space<any>>) dst(%dma_wait3A_86 : memref<1024x128xf32, #tpu.memory_space<vmem>>)
      %dma_wait3A_90 = arith.constant 2 : i32
      %dma_wait3A_91 = arith.constant 2 : i32
      %dma_wait3A_92 = arith.constant 2 : i32
      %dma_wait3A_93 = arith.constant 2 : i32
      %dma_wait3A_94 = tpu.memref_slice %arg6[%dma_wait3A_93] : memref<4x!tpu.dma_semaphore, #tpu.memory_space<semaphore_mem>> -> memref<1x!tpu.dma_semaphore, #tpu.memory_space<semaphore_mem>>
      %dma_wait3A_95 = tpu.memref_squeeze %dma_wait3A_94 : memref<1x!tpu.dma_semaphore, #tpu.memory_space<semaphore_mem>> -> memref<!tpu.dma_semaphore, #tpu.memory_space<semaphore_mem>>
      %dma_wait3A_96 = arith.constant 0 : i32
      %dma_wait3A_97 = arith.constant 0 : i32
      %dma_wait3A_98 = tpu.memref_slice %arg4[%dma_wait3A_91, %dma_wait3A_92, %dma_wait3A_96, %dma_wait3A_97] : memref<4x4x1024x128xf32, #tpu.memory_space<vmem>> -> memref<1x1x1024x128xf32, #tpu.memory_space<vmem>>
      %dma_wait3A_99 = tpu.memref_squeeze %dma_wait3A_98 : memref<1x1x1024x128xf32, #tpu.memory_space<vmem>> -> memref<1024x128xf32, #tpu.memory_space<vmem>>
      %dma_wait3A_100 = arith.constant 0 : i32
      %dma_wait3A_101 = tpu.memref_slice %arg1[%select_n3A, %dma_wait3A_90, %add3A_64, %dma_wait3A_100] : memref<2x4x32768x128xf32, #tpu.memory_space<any>> -> memref<1x1x1024x128xf32, #tpu.memory_space<any>>
      %dma_wait3A_102 = tpu.memref_squeeze %dma_wait3A_101 : memref<1x1x1024x128xf32, #tpu.memory_space<any>> -> memref<1024x128xf32, #tpu.memory_space<any>>
      tpu.wait_dma2 semaphore(%dma_wait3A_95 : memref<!tpu.dma_semaphore, #tpu.memory_space<semaphore_mem>>) src(%dma_wait3A_102 : memref<1024x128xf32, #tpu.memory_space<any>>) dst(%dma_wait3A_99 : memref<1024x128xf32, #tpu.memory_space<vmem>>)
      %dma_wait3A_103 = arith.constant 3 : i32
      %dma_wait3A_104 = arith.constant 2 : i32
      %dma_wait3A_105 = arith.constant 3 : i32
      %dma_wait3A_106 = arith.constant 2 : i32
      %dma_wait3A_107 = tpu.memref_slice %arg6[%dma_wait3A_106] : memref<4x!tpu.dma_semaphore, #tpu.memory_space<semaphore_mem>> -> memref<1x!tpu.dma_semaphore, #tpu.memory_space<semaphore_mem>>
      %dma_wait3A_108 = tpu.memref_squeeze %dma_wait3A_107 : memref<1x!tpu.dma_semaphore, #tpu.memory_space<semaphore_mem>> -> memref<!tpu.dma_semaphore, #tpu.memory_space<semaphore_mem>>
      %dma_wait3A_109 = arith.constant 0 : i32
      %dma_wait3A_110 = arith.constant 0 : i32
      %dma_wait3A_111 = tpu.memref_slice %arg4[%dma_wait3A_104, %dma_wait3A_105, %dma_wait3A_109, %dma_wait3A_110] : memref<4x4x1024x128xf32, #tpu.memory_space<vmem>> -> memref<1x1x1024x128xf32, #tpu.memory_space<vmem>>
      %dma_wait3A_112 = tpu.memref_squeeze %dma_wait3A_111 : memref<1x1x1024x128xf32, #tpu.memory_space<vmem>> -> memref<1024x128xf32, #tpu.memory_space<vmem>>
      %dma_wait3A_113 = arith.constant 0 : i32
      %dma_wait3A_114 = tpu.memref_slice %arg1[%select_n3A, %dma_wait3A_103, %add3A_64, %dma_wait3A_113] : memref<2x4x32768x128xf32, #tpu.memory_space<any>> -> memref<1x1x1024x128xf32, #tpu.memory_space<any>>
      %dma_wait3A_115 = tpu.memref_squeeze %dma_wait3A_114 : memref<1x1x1024x128xf32, #tpu.memory_space<any>> -> memref<1024x128xf32, #tpu.memory_space<any>>
      tpu.wait_dma2 semaphore(%dma_wait3A_108 : memref<!tpu.dma_semaphore, #tpu.memory_space<semaphore_mem>>) src(%dma_wait3A_115 : memref<1024x128xf32, #tpu.memory_space<any>>) dst(%dma_wait3A_112 : memref<1024x128xf32, #tpu.memory_space<vmem>>)
      %dma_wait3A_116 = arith.constant 2 : i32
      %dma_wait3A_117 = arith.constant 2 : i32
      %dma_wait3A_118 = tpu.memref_slice %arg6[%dma_wait3A_117] : memref<4x!tpu.dma_semaphore, #tpu.memory_space<semaphore_mem>> -> memref<1x!tpu.dma_semaphore, #tpu.memory_space<semaphore_mem>>
      %dma_wait3A_119 = tpu.memref_squeeze %dma_wait3A_118 : memref<1x!tpu.dma_semaphore, #tpu.memory_space<semaphore_mem>> -> memref<!tpu.dma_semaphore, #tpu.memory_space<semaphore_mem>>
      %dma_wait3A_120 = arith.constant 0 : i32
      %dma_wait3A_121 = arith.constant 0 : i32
      %dma_wait3A_122 = tpu.memref_slice %arg5[%dma_wait3A_116, %dma_wait3A_120, %dma_wait3A_121] : memref<4x1024x128xi32, #tpu.memory_space<vmem>> -> memref<1x1024x128xi32, #tpu.memory_space<vmem>>
      %dma_wait3A_123 = tpu.memref_squeeze %dma_wait3A_122 : memref<1x1024x128xi32, #tpu.memory_space<vmem>> -> memref<1024x128xi32, #tpu.memory_space<vmem>>
      %dma_wait3A_124 = arith.constant 0 : i32
      %dma_wait3A_125 = tpu.memref_slice %arg2[%select_n3A, %add3A_64, %dma_wait3A_124] : memref<2x32768x128xi32, #tpu.memory_space<any>> -> memref<1x1024x128xi32, #tpu.memory_space<any>>
      %dma_wait3A_126 = tpu.memref_squeeze %dma_wait3A_125 : memref<1x1024x128xi32, #tpu.memory_space<any>> -> memref<1024x128xi32, #tpu.memory_space<any>>
      tpu.wait_dma2 semaphore(%dma_wait3A_119 : memref<!tpu.dma_semaphore, #tpu.memory_space<semaphore_mem>>) src(%dma_wait3A_126 : memref<1024x128xi32, #tpu.memory_space<any>>) dst(%dma_wait3A_123 : memref<1024x128xi32, #tpu.memory_space<vmem>>)
      %get3A = arith.constant 2 : index
      %get3A_127 = arith.constant 0 : index
      %get3A_128 = arith.constant 0 : index
      %get3A_129 = arith.constant 0 : index
      %get3A_130 = vector.load %arg4[%get3A, %get3A_127, %get3A_128, %get3A_129] : memref<4x4x1024x128xf32, #tpu.memory_space<vmem>>, vector<1x1x1024x128xf32>
      %get3A_131 = vector.shape_cast %get3A_130 : vector<1x1x1024x128xf32> to vector<1024x128xf32>
      %get3A_132 = arith.constant 2 : index
      %get3A_133 = arith.constant 1 : index
      %get3A_134 = arith.constant 0 : index
      %get3A_135 = arith.constant 0 : index
      %get3A_136 = vector.load %arg4[%get3A_132, %get3A_133, %get3A_134, %get3A_135] : memref<4x4x1024x128xf32, #tpu.memory_space<vmem>>, vector<1x1x1024x128xf32>
      %get3A_137 = vector.shape_cast %get3A_136 : vector<1x1x1024x128xf32> to vector<1024x128xf32>
      %get3A_138 = arith.constant 2 : index
      %get3A_139 = arith.constant 2 : index
      %get3A_140 = arith.constant 0 : index
      %get3A_141 = arith.constant 0 : index
      %get3A_142 = vector.load %arg4[%get3A_138, %get3A_139, %get3A_140, %get3A_141] : memref<4x4x1024x128xf32, #tpu.memory_space<vmem>>, vector<1x1x1024x128xf32>
      %get3A_143 = vector.shape_cast %get3A_142 : vector<1x1x1024x128xf32> to vector<1024x128xf32>
      %get3A_144 = arith.constant 2 : index
      %get3A_145 = arith.constant 3 : index
      %get3A_146 = arith.constant 0 : index
      %get3A_147 = arith.constant 0 : index
      %get3A_148 = vector.load %arg4[%get3A_144, %get3A_145, %get3A_146, %get3A_147] : memref<4x4x1024x128xf32, #tpu.memory_space<vmem>>, vector<1x1x1024x128xf32>
      %get3A_149 = vector.shape_cast %get3A_148 : vector<1x1x1024x128xf32> to vector<1024x128xf32>
      %get3A_150 = arith.constant 2 : index
      %get3A_151 = arith.constant 0 : index
      %get3A_152 = arith.constant 0 : index
      %get3A_153 = vector.load %arg5[%get3A_150, %get3A_151, %get3A_152] : memref<4x1024x128xi32, #tpu.memory_space<vmem>>, vector<1x1024x128xi32>
      %get3A_154 = vector.shape_cast %get3A_153 : vector<1x1024x128xi32> to vector<1024x128xi32>
      %max3A = arith.maximumf %get3A_131, %get3A_137 : vector<1024x128xf32>
      %max3A_155 = arith.maximumf %get3A_143, %get3A_149 : vector<1024x128xf32>
      %gt3A_156 = arith.cmpf ogt, %get3A_137, %get3A_131 : vector<1024x128xf32>
      %broadcast_in_dim3A = arith.constant 1 : i32
      %broadcast_in_dim3A_157 = vector.broadcast %broadcast_in_dim3A : i32 to vector<1024x128xi32>
      %broadcast_in_dim3A_158 = arith.constant 0 : i32
      %broadcast_in_dim3A_159 = vector.broadcast %broadcast_in_dim3A_158 : i32 to vector<1024x128xi32>
      %select_n3A_160 = arith.select %gt3A_156, %broadcast_in_dim3A_157, %broadcast_in_dim3A_159 : vector<1024x128xi1>, vector<1024x128xi32>
      %gt3A_161 = arith.cmpf ogt, %get3A_149, %get3A_143 : vector<1024x128xf32>
      %broadcast_in_dim3A_162 = arith.constant 3 : i32
      %broadcast_in_dim3A_163 = vector.broadcast %broadcast_in_dim3A_162 : i32 to vector<1024x128xi32>
      %broadcast_in_dim3A_164 = arith.constant 2 : i32
      %broadcast_in_dim3A_165 = vector.broadcast %broadcast_in_dim3A_164 : i32 to vector<1024x128xi32>
      %select_n3A_166 = arith.select %gt3A_161, %broadcast_in_dim3A_163, %broadcast_in_dim3A_165 : vector<1024x128xi1>, vector<1024x128xi32>
      %gt3A_167 = arith.cmpf ogt, %max3A_155, %max3A : vector<1024x128xf32>
      %select_n3A_168 = arith.select %gt3A_167, %select_n3A_166, %select_n3A_160 : vector<1024x128xi1>, vector<1024x128xi32>
      %broadcast_in_dim3A_169 = arith.constant 1.000000e+00 : f32
      %broadcast_in_dim3A_170 = vector.broadcast %broadcast_in_dim3A_169 : f32 to vector<1024x128xf32>
      %broadcast_in_dim3A_171 = arith.constant 0.000000e+00 : f32
      %broadcast_in_dim3A_172 = vector.broadcast %broadcast_in_dim3A_171 : f32 to vector<1024x128xf32>
      %eq3A_173 = arith.constant 0 : i32
      %eq3A_174 = vector.broadcast %eq3A_173 : i32 to vector<1024x128xi32>
      %eq3A_175 = arith.cmpi eq, %select_n3A_168, %eq3A_174 : vector<1024x128xi32>
      %eq3A_176 = arith.constant 0 : i32
      %eq3A_177 = vector.broadcast %eq3A_176 : i32 to vector<1024x128xi32>
      %eq3A_178 = arith.cmpi eq, %get3A_154, %eq3A_177 : vector<1024x128xi32>
      %and3A_179 = arith.andi %eq3A_175, %eq3A_178 : vector<1024x128xi1>
      %select_n3A_180 = arith.select %eq3A_175, %broadcast_in_dim3A_170, %broadcast_in_dim3A_172 : vector<1024x128xi1>, vector<1024x128xf32>
      %reduce_sum3A = arith.constant dense<0.000000e+00> : vector<128xf32>
      %reduce_sum3A_181 = vector.multi_reduction <add>, %select_n3A_180, %reduce_sum3A [0] : vector<1024x128xf32> to vector<128xf32>
      %broadcast_in_dim3A_182 = vector.shape_cast %reduce_sum3A_181 : vector<128xf32> to vector<1x128xf32>
      %get3A_183 = arith.constant 0 : index
      %get3A_184 = arith.constant 0 : index
      %get3A_185 = arith.constant 0 : index
      %get3A_186 = vector.load %arg3[%get3A_183, %get3A_184, %get3A_185] : memref<1x16x128xf32, #tpu.memory_space<vmem>>, vector<1x1x128xf32>
      %get3A_187 = vector.shape_cast %get3A_186 : vector<1x1x128xf32> to vector<1x128xf32>
      %add3A_188 = arith.addf %get3A_187, %broadcast_in_dim3A_182 : vector<1x128xf32>
      %swap3A = arith.constant 0 : index
      %swap3A_189 = arith.constant 0 : index
      %swap3A_190 = arith.constant 0 : index
      %swap3A_191 = vector.load %arg3[%swap3A, %swap3A_189, %swap3A_190] : memref<1x16x128xf32, #tpu.memory_space<vmem>>, vector<1x1x128xf32>
      %swap3A_192 = vector.shape_cast %swap3A_191 : vector<1x1x128xf32> to vector<1x128xf32>
      %swap3A_193 = vector.shape_cast %add3A_188 : vector<1x128xf32> to vector<1x1x128xf32>
      tpu.vector_store %arg3[%swap3A, %swap3A_189, %swap3A_190], %swap3A_193 {strides = array<i32>} : memref<1x16x128xf32, #tpu.memory_space<vmem>>, vector<1x1x128xf32>,
      %select_n3A_194 = arith.select %eq3A_178, %broadcast_in_dim3A_170, %broadcast_in_dim3A_172 : vector<1024x128xi1>, vector<1024x128xf32>
      %reduce_sum3A_195 = arith.constant dense<0.000000e+00> : vector<128xf32>
      %reduce_sum3A_196 = vector.multi_reduction <add>, %select_n3A_194, %reduce_sum3A_195 [0] : vector<1024x128xf32> to vector<128xf32>
      %broadcast_in_dim3A_197 = vector.shape_cast %reduce_sum3A_196 : vector<128xf32> to vector<1x128xf32>
      %get3A_198 = arith.constant 0 : index
      %get3A_199 = arith.constant 1 : index
      %get3A_200 = arith.constant 0 : index
      %get3A_201 = vector.load %arg3[%get3A_198, %get3A_199, %get3A_200] : memref<1x16x128xf32, #tpu.memory_space<vmem>>, vector<1x1x128xf32>
      %get3A_202 = vector.shape_cast %get3A_201 : vector<1x1x128xf32> to vector<1x128xf32>
      %add3A_203 = arith.addf %get3A_202, %broadcast_in_dim3A_197 : vector<1x128xf32>
      %swap3A_204 = arith.constant 0 : index
      %swap3A_205 = arith.constant 1 : index
      %swap3A_206 = arith.constant 0 : index
      %swap3A_207 = vector.load %arg3[%swap3A_204, %swap3A_205, %swap3A_206] : memref<1x16x128xf32, #tpu.memory_space<vmem>>, vector<1x1x128xf32>
      %swap3A_208 = vector.shape_cast %swap3A_207 : vector<1x1x128xf32> to vector<1x128xf32>
      %swap3A_209 = vector.shape_cast %add3A_203 : vector<1x128xf32> to vector<1x1x128xf32>
      tpu.vector_store %arg3[%swap3A_204, %swap3A_205, %swap3A_206], %swap3A_209 {strides = array<i32>} : memref<1x16x128xf32, #tpu.memory_space<vmem>>, vector<1x1x128xf32>,
      %select_n3A_210 = arith.select %and3A_179, %broadcast_in_dim3A_170, %broadcast_in_dim3A_172 : vector<1024x128xi1>, vector<1024x128xf32>
      %reduce_sum3A_211 = arith.constant dense<0.000000e+00> : vector<128xf32>
      %reduce_sum3A_212 = vector.multi_reduction <add>, %select_n3A_210, %reduce_sum3A_211 [0] : vector<1024x128xf32> to vector<128xf32>
      %broadcast_in_dim3A_213 = vector.shape_cast %reduce_sum3A_212 : vector<128xf32> to vector<1x128xf32>
      %get3A_214 = arith.constant 0 : index
      %get3A_215 = arith.constant 2 : index
      %get3A_216 = arith.constant 0 : index
      %get3A_217 = vector.load %arg3[%get3A_214, %get3A_215, %get3A_216] : memref<1x16x128xf32, #tpu.memory_space<vmem>>, vector<1x1x128xf32>
      %get3A_218 = vector.shape_cast %get3A_217 : vector<1x1x128xf32> to vector<1x128xf32>
      %add3A_219 = arith.addf %get3A_218, %broadcast_in_dim3A_213 : vector<1x128xf32>
      %swap3A_220 = arith.constant 0 : index
      %swap3A_221 = arith.constant 2 : index
      %swap3A_222 = arith.constant 0 : index
      %swap3A_223 = vector.load %arg3[%swap3A_220, %swap3A_221, %swap3A_222] : memref<1x16x128xf32, #tpu.memory_space<vmem>>, vector<1x1x128xf32>
      %swap3A_224 = vector.shape_cast %swap3A_223 : vector<1x1x128xf32> to vector<1x128xf32>
      %swap3A_225 = vector.shape_cast %add3A_219 : vector<1x128xf32> to vector<1x1x128xf32>
      tpu.vector_store %arg3[%swap3A_220, %swap3A_221, %swap3A_222], %swap3A_225 {strides = array<i32>} : memref<1x16x128xf32, #tpu.memory_space<vmem>>, vector<1x1x128xf32>,
      %eq3A_226 = arith.constant 1 : i32
      %eq3A_227 = vector.broadcast %eq3A_226 : i32 to vector<1024x128xi32>
      %eq3A_228 = arith.cmpi eq, %select_n3A_168, %eq3A_227 : vector<1024x128xi32>
      %eq3A_229 = arith.constant 1 : i32
      %eq3A_230 = vector.broadcast %eq3A_229 : i32 to vector<1024x128xi32>
      %eq3A_231 = arith.cmpi eq, %get3A_154, %eq3A_230 : vector<1024x128xi32>
      %and3A_232 = arith.andi %eq3A_228, %eq3A_231 : vector<1024x128xi1>
      %select_n3A_233 = arith.select %eq3A_228, %broadcast_in_dim3A_170, %broadcast_in_dim3A_172 : vector<1024x128xi1>, vector<1024x128xf32>
      %reduce_sum3A_234 = arith.constant dense<0.000000e+00> : vector<128xf32>
      %reduce_sum3A_235 = vector.multi_reduction <add>, %select_n3A_233, %reduce_sum3A_234 [0] : vector<1024x128xf32> to vector<128xf32>
      %broadcast_in_dim3A_236 = vector.shape_cast %reduce_sum3A_235 : vector<128xf32> to vector<1x128xf32>
      %get3A_237 = arith.constant 0 : index
      %get3A_238 = arith.constant 3 : index
      %get3A_239 = arith.constant 0 : index
      %get3A_240 = vector.load %arg3[%get3A_237, %get3A_238, %get3A_239] : memref<1x16x128xf32, #tpu.memory_space<vmem>>, vector<1x1x128xf32>
      %get3A_241 = vector.shape_cast %get3A_240 : vector<1x1x128xf32> to vector<1x128xf32>
      %add3A_242 = arith.addf %get3A_241, %broadcast_in_dim3A_236 : vector<1x128xf32>
      %swap3A_243 = arith.constant 0 : index
      %swap3A_244 = arith.constant 3 : index
      %swap3A_245 = arith.constant 0 : index
      %swap3A_246 = vector.load %arg3[%swap3A_243, %swap3A_244, %swap3A_245] : memref<1x16x128xf32, #tpu.memory_space<vmem>>, vector<1x1x128xf32>
      %swap3A_247 = vector.shape_cast %swap3A_246 : vector<1x1x128xf32> to vector<1x128xf32>
      %swap3A_248 = vector.shape_cast %add3A_242 : vector<1x128xf32> to vector<1x1x128xf32>
      tpu.vector_store %arg3[%swap3A_243, %swap3A_244, %swap3A_245], %swap3A_248 {strides = array<i32>} : memref<1x16x128xf32, #tpu.memory_space<vmem>>, vector<1x1x128xf32>,
      %select_n3A_249 = arith.select %eq3A_231, %broadcast_in_dim3A_170, %broadcast_in_dim3A_172 : vector<1024x128xi1>, vector<1024x128xf32>
      %reduce_sum3A_250 = arith.constant dense<0.000000e+00> : vector<128xf32>
      %reduce_sum3A_251 = vector.multi_reduction <add>, %select_n3A_249, %reduce_sum3A_250 [0] : vector<1024x128xf32> to vector<128xf32>
      %broadcast_in_dim3A_252 = vector.shape_cast %reduce_sum3A_251 : vector<128xf32> to vector<1x128xf32>
      %get3A_253 = arith.constant 0 : index
      %get3A_254 = arith.constant 4 : index
      %get3A_255 = arith.constant 0 : index
      %get3A_256 = vector.load %arg3[%get3A_253, %get3A_254, %get3A_255] : memref<1x16x128xf32, #tpu.memory_space<vmem>>, vector<1x1x128xf32>
      %get3A_257 = vector.shape_cast %get3A_256 : vector<1x1x128xf32> to vector<1x128xf32>
      %add3A_258 = arith.addf %get3A_257, %broadcast_in_dim3A_252 : vector<1x128xf32>
      %swap3A_259 = arith.constant 0 : index
      %swap3A_260 = arith.constant 4 : index
      %swap3A_261 = arith.constant 0 : index
      %swap3A_262 = vector.load %arg3[%swap3A_259, %swap3A_260, %swap3A_261] : memref<1x16x128xf32, #tpu.memory_space<vmem>>, vector<1x1x128xf32>
      %swap3A_263 = vector.shape_cast %swap3A_262 : vector<1x1x128xf32> to vector<1x128xf32>
      %swap3A_264 = vector.shape_cast %add3A_258 : vector<1x128xf32> to vector<1x1x128xf32>
      tpu.vector_store %arg3[%swap3A_259, %swap3A_260, %swap3A_261], %swap3A_264 {strides = array<i32>} : memref<1x16x128xf32, #tpu.memory_space<vmem>>, vector<1x1x128xf32>,
      %select_n3A_265 = arith.select %and3A_232, %broadcast_in_dim3A_170, %broadcast_in_dim3A_172 : vector<1024x128xi1>, vector<1024x128xf32>
      %reduce_sum3A_266 = arith.constant dense<0.000000e+00> : vector<128xf32>
      %reduce_sum3A_267 = vector.multi_reduction <add>, %select_n3A_265, %reduce_sum3A_266 [0] : vector<1024x128xf32> to vector<128xf32>
      %broadcast_in_dim3A_268 = vector.shape_cast %reduce_sum3A_267 : vector<128xf32> to vector<1x128xf32>
      %get3A_269 = arith.constant 0 : index
      %get3A_270 = arith.constant 5 : index
      %get3A_271 = arith.constant 0 : index
      %get3A_272 = vector.load %arg3[%get3A_269, %get3A_270, %get3A_271] : memref<1x16x128xf32, #tpu.memory_space<vmem>>, vector<1x1x128xf32>
      %get3A_273 = vector.shape_cast %get3A_272 : vector<1x1x128xf32> to vector<1x128xf32>
      %add3A_274 = arith.addf %get3A_273, %broadcast_in_dim3A_268 : vector<1x128xf32>
      %swap3A_275 = arith.constant 0 : index
      %swap3A_276 = arith.constant 5 : index
      %swap3A_277 = arith.constant 0 : index
      %swap3A_278 = vector.load %arg3[%swap3A_275, %swap3A_276, %swap3A_277] : memref<1x16x128xf32, #tpu.memory_space<vmem>>, vector<1x1x128xf32>
      %swap3A_279 = vector.shape_cast %swap3A_278 : vector<1x1x128xf32> to vector<1x128xf32>
      %swap3A_280 = vector.shape_cast %add3A_274 : vector<1x128xf32> to vector<1x1x128xf32>
      tpu.vector_store %arg3[%swap3A_275, %swap3A_276, %swap3A_277], %swap3A_280 {strides = array<i32>} : memref<1x16x128xf32, #tpu.memory_space<vmem>>, vector<1x1x128xf32>,
      %eq3A_281 = arith.constant 2 : i32
      %eq3A_282 = vector.broadcast %eq3A_281 : i32 to vector<1024x128xi32>
      %eq3A_283 = arith.cmpi eq, %select_n3A_168, %eq3A_282 : vector<1024x128xi32>
      %eq3A_284 = arith.constant 2 : i32
      %eq3A_285 = vector.broadcast %eq3A_284 : i32 to vector<1024x128xi32>
      %eq3A_286 = arith.cmpi eq, %get3A_154, %eq3A_285 : vector<1024x128xi32>
      %and3A_287 = arith.andi %eq3A_283, %eq3A_286 : vector<1024x128xi1>
      %select_n3A_288 = arith.select %eq3A_283, %broadcast_in_dim3A_170, %broadcast_in_dim3A_172 : vector<1024x128xi1>, vector<1024x128xf32>
      %reduce_sum3A_289 = arith.constant dense<0.000000e+00> : vector<128xf32>
      %reduce_sum3A_290 = vector.multi_reduction <add>, %select_n3A_288, %reduce_sum3A_289 [0] : vector<1024x128xf32> to vector<128xf32>
      %broadcast_in_dim3A_291 = vector.shape_cast %reduce_sum3A_290 : vector<128xf32> to vector<1x128xf32>
      %get3A_292 = arith.constant 0 : index
      %get3A_293 = arith.constant 6 : index
      %get3A_294 = arith.constant 0 : index
      %get3A_295 = vector.load %arg3[%get3A_292, %get3A_293, %get3A_294] : memref<1x16x128xf32, #tpu.memory_space<vmem>>, vector<1x1x128xf32>
      %get3A_296 = vector.shape_cast %get3A_295 : vector<1x1x128xf32> to vector<1x128xf32>
      %add3A_297 = arith.addf %get3A_296, %broadcast_in_dim3A_291 : vector<1x128xf32>
      %swap3A_298 = arith.constant 0 : index
      %swap3A_299 = arith.constant 6 : index
      %swap3A_300 = arith.constant 0 : index
      %swap3A_301 = vector.load %arg3[%swap3A_298, %swap3A_299, %swap3A_300] : memref<1x16x128xf32, #tpu.memory_space<vmem>>, vector<1x1x128xf32>
      %swap3A_302 = vector.shape_cast %swap3A_301 : vector<1x1x128xf32> to vector<1x128xf32>
      %swap3A_303 = vector.shape_cast %add3A_297 : vector<1x128xf32> to vector<1x1x128xf32>
      tpu.vector_store %arg3[%swap3A_298, %swap3A_299, %swap3A_300], %swap3A_303 {strides = array<i32>} : memref<1x16x128xf32, #tpu.memory_space<vmem>>, vector<1x1x128xf32>,
      %select_n3A_304 = arith.select %eq3A_286, %broadcast_in_dim3A_170, %broadcast_in_dim3A_172 : vector<1024x128xi1>, vector<1024x128xf32>
      %reduce_sum3A_305 = arith.constant dense<0.000000e+00> : vector<128xf32>
      %reduce_sum3A_306 = vector.multi_reduction <add>, %select_n3A_304, %reduce_sum3A_305 [0] : vector<1024x128xf32> to vector<128xf32>
      %broadcast_in_dim3A_307 = vector.shape_cast %reduce_sum3A_306 : vector<128xf32> to vector<1x128xf32>
      %get3A_308 = arith.constant 0 : index
      %get3A_309 = arith.constant 7 : index
      %get3A_310 = arith.constant 0 : index
      %get3A_311 = vector.load %arg3[%get3A_308, %get3A_309, %get3A_310] : memref<1x16x128xf32, #tpu.memory_space<vmem>>, vector<1x1x128xf32>
      %get3A_312 = vector.shape_cast %get3A_311 : vector<1x1x128xf32> to vector<1x128xf32>
      %add3A_313 = arith.addf %get3A_312, %broadcast_in_dim3A_307 : vector<1x128xf32>
      %swap3A_314 = arith.constant 0 : index
      %swap3A_315 = arith.constant 7 : index
      %swap3A_316 = arith.constant 0 : index
      %swap3A_317 = vector.load %arg3[%swap3A_314, %swap3A_315, %swap3A_316] : memref<1x16x128xf32, #tpu.memory_space<vmem>>, vector<1x1x128xf32>
      %swap3A_318 = vector.shape_cast %swap3A_317 : vector<1x1x128xf32> to vector<1x128xf32>
      %swap3A_319 = vector.shape_cast %add3A_313 : vector<1x128xf32> to vector<1x1x128xf32>
      tpu.vector_store %arg3[%swap3A_314, %swap3A_315, %swap3A_316], %swap3A_319 {strides = array<i32>} : memref<1x16x128xf32, #tpu.memory_space<vmem>>, vector<1x1x128xf32>,
      %select_n3A_320 = arith.select %and3A_287, %broadcast_in_dim3A_170, %broadcast_in_dim3A_172 : vector<1024x128xi1>, vector<1024x128xf32>
      %reduce_sum3A_321 = arith.constant dense<0.000000e+00> : vector<128xf32>
      %reduce_sum3A_322 = vector.multi_reduction <add>, %select_n3A_320, %reduce_sum3A_321 [0] : vector<1024x128xf32> to vector<128xf32>
      %broadcast_in_dim3A_323 = vector.shape_cast %reduce_sum3A_322 : vector<128xf32> to vector<1x128xf32>
      %get3A_324 = arith.constant 0 : index
      %get3A_325 = arith.constant 8 : index
      %get3A_326 = arith.constant 0 : index
      %get3A_327 = vector.load %arg3[%get3A_324, %get3A_325, %get3A_326] : memref<1x16x128xf32, #tpu.memory_space<vmem>>, vector<1x1x128xf32>
      %get3A_328 = vector.shape_cast %get3A_327 : vector<1x1x128xf32> to vector<1x128xf32>
      %add3A_329 = arith.addf %get3A_328, %broadcast_in_dim3A_323 : vector<1x128xf32>
      %swap3A_330 = arith.constant 0 : index
      %swap3A_331 = arith.constant 8 : index
      %swap3A_332 = arith.constant 0 : index
      %swap3A_333 = vector.load %arg3[%swap3A_330, %swap3A_331, %swap3A_332] : memref<1x16x128xf32, #tpu.memory_space<vmem>>, vector<1x1x128xf32>
      %swap3A_334 = vector.shape_cast %swap3A_333 : vector<1x1x128xf32> to vector<1x128xf32>
      %swap3A_335 = vector.shape_cast %add3A_329 : vector<1x128xf32> to vector<1x1x128xf32>
      tpu.vector_store %arg3[%swap3A_330, %swap3A_331, %swap3A_332], %swap3A_335 {strides = array<i32>} : memref<1x16x128xf32, #tpu.memory_space<vmem>>, vector<1x1x128xf32>,
      %eq3A_336 = arith.constant 3 : i32
      %eq3A_337 = vector.broadcast %eq3A_336 : i32 to vector<1024x128xi32>
      %eq3A_338 = arith.cmpi eq, %select_n3A_168, %eq3A_337 : vector<1024x128xi32>
      %eq3A_339 = arith.constant 3 : i32
      %eq3A_340 = vector.broadcast %eq3A_339 : i32 to vector<1024x128xi32>
      %eq3A_341 = arith.cmpi eq, %get3A_154, %eq3A_340 : vector<1024x128xi32>
      %and3A_342 = arith.andi %eq3A_338, %eq3A_341 : vector<1024x128xi1>
      %select_n3A_343 = arith.select %eq3A_338, %broadcast_in_dim3A_170, %broadcast_in_dim3A_172 : vector<1024x128xi1>, vector<1024x128xf32>
      %reduce_sum3A_344 = arith.constant dense<0.000000e+00> : vector<128xf32>
      %reduce_sum3A_345 = vector.multi_reduction <add>, %select_n3A_343, %reduce_sum3A_344 [0] : vector<1024x128xf32> to vector<128xf32>
      %broadcast_in_dim3A_346 = vector.shape_cast %reduce_sum3A_345 : vector<128xf32> to vector<1x128xf32>
      %get3A_347 = arith.constant 0 : index
      %get3A_348 = arith.constant 9 : index
      %get3A_349 = arith.constant 0 : index
      %get3A_350 = vector.load %arg3[%get3A_347, %get3A_348, %get3A_349] : memref<1x16x128xf32, #tpu.memory_space<vmem>>, vector<1x1x128xf32>
      %get3A_351 = vector.shape_cast %get3A_350 : vector<1x1x128xf32> to vector<1x128xf32>
      %add3A_352 = arith.addf %get3A_351, %broadcast_in_dim3A_346 : vector<1x128xf32>
      %swap3A_353 = arith.constant 0 : index
      %swap3A_354 = arith.constant 9 : index
      %swap3A_355 = arith.constant 0 : index
      %swap3A_356 = vector.load %arg3[%swap3A_353, %swap3A_354, %swap3A_355] : memref<1x16x128xf32, #tpu.memory_space<vmem>>, vector<1x1x128xf32>
      %swap3A_357 = vector.shape_cast %swap3A_356 : vector<1x1x128xf32> to vector<1x128xf32>
      %swap3A_358 = vector.shape_cast %add3A_352 : vector<1x128xf32> to vector<1x1x128xf32>
      tpu.vector_store %arg3[%swap3A_353, %swap3A_354, %swap3A_355], %swap3A_358 {strides = array<i32>} : memref<1x16x128xf32, #tpu.memory_space<vmem>>, vector<1x1x128xf32>,
      %select_n3A_359 = arith.select %eq3A_341, %broadcast_in_dim3A_170, %broadcast_in_dim3A_172 : vector<1024x128xi1>, vector<1024x128xf32>
      %reduce_sum3A_360 = arith.constant dense<0.000000e+00> : vector<128xf32>
      %reduce_sum3A_361 = vector.multi_reduction <add>, %select_n3A_359, %reduce_sum3A_360 [0] : vector<1024x128xf32> to vector<128xf32>
      %broadcast_in_dim3A_362 = vector.shape_cast %reduce_sum3A_361 : vector<128xf32> to vector<1x128xf32>
      %get3A_363 = arith.constant 0 : index
      %get3A_364 = arith.constant 10 : index
      %get3A_365 = arith.constant 0 : index
      %get3A_366 = vector.load %arg3[%get3A_363, %get3A_364, %get3A_365] : memref<1x16x128xf32, #tpu.memory_space<vmem>>, vector<1x1x128xf32>
      %get3A_367 = vector.shape_cast %get3A_366 : vector<1x1x128xf32> to vector<1x128xf32>
      %add3A_368 = arith.addf %get3A_367, %broadcast_in_dim3A_362 : vector<1x128xf32>
      %swap3A_369 = arith.constant 0 : index
      %swap3A_370 = arith.constant 10 : index
      %swap3A_371 = arith.constant 0 : index
      %swap3A_372 = vector.load %arg3[%swap3A_369, %swap3A_370, %swap3A_371] : memref<1x16x128xf32, #tpu.memory_space<vmem>>, vector<1x1x128xf32>
      %swap3A_373 = vector.shape_cast %swap3A_372 : vector<1x1x128xf32> to vector<1x128xf32>
      %swap3A_374 = vector.shape_cast %add3A_368 : vector<1x128xf32> to vector<1x1x128xf32>
      tpu.vector_store %arg3[%swap3A_369, %swap3A_370, %swap3A_371], %swap3A_374 {strides = array<i32>} : memref<1x16x128xf32, #tpu.memory_space<vmem>>, vector<1x1x128xf32>,
      %select_n3A_375 = arith.select %and3A_342, %broadcast_in_dim3A_170, %broadcast_in_dim3A_172 : vector<1024x128xi1>, vector<1024x128xf32>
      %reduce_sum3A_376 = arith.constant dense<0.000000e+00> : vector<128xf32>
      %reduce_sum3A_377 = vector.multi_reduction <add>, %select_n3A_375, %reduce_sum3A_376 [0] : vector<1024x128xf32> to vector<128xf32>
      %broadcast_in_dim3A_378 = vector.shape_cast %reduce_sum3A_377 : vector<128xf32> to vector<1x128xf32>
      %get3A_379 = arith.constant 0 : index
      %get3A_380 = arith.constant 11 : index
      %get3A_381 = arith.constant 0 : index
      %get3A_382 = vector.load %arg3[%get3A_379, %get3A_380, %get3A_381] : memref<1x16x128xf32, #tpu.memory_space<vmem>>, vector<1x1x128xf32>
      %get3A_383 = vector.shape_cast %get3A_382 : vector<1x1x128xf32> to vector<1x128xf32>
      %add3A_384 = arith.addf %get3A_383, %broadcast_in_dim3A_378 : vector<1x128xf32>
      %swap3A_385 = arith.constant 0 : index
      %swap3A_386 = arith.constant 11 : index
      %swap3A_387 = arith.constant 0 : index
      %swap3A_388 = vector.load %arg3[%swap3A_385, %swap3A_386, %swap3A_387] : memref<1x16x128xf32, #tpu.memory_space<vmem>>, vector<1x1x128xf32>
      %swap3A_389 = vector.shape_cast %swap3A_388 : vector<1x1x128xf32> to vector<1x128xf32>
      %swap3A_390 = vector.shape_cast %add3A_384 : vector<1x128xf32> to vector<1x1x128xf32>
      tpu.vector_store %arg3[%swap3A_385, %swap3A_386, %swap3A_387], %swap3A_390 {strides = array<i32>} : memref<1x16x128xf32, #tpu.memory_space<vmem>>, vector<1x1x128xf32>,
    } else {
    }
    %rem3A_35 = arith.constant 4 : i32
    %rem3A_36 = arith.remsi %arg0, %rem3A_35 : i32
    %eq3A_37 = arith.constant 3 : i32
    %eq3A_38 = arith.cmpi eq, %rem3A_36, %eq3A_37 : i32
    %convert_element_type3A_39 = arith.extui %eq3A_38 : i1 to i32
    %cond3A_40 = arith.constant 0 : i32
    %cond3A_41 = arith.cmpi ne, %convert_element_type3A_39, %cond3A_40 : i32
    scf.if %cond3A_41 {
      %jit3A = arith.constant 16 : i32
      %div3A = arith.divsi %arg0, %jit3A : i32
      %sign3A = arith.constant 0 : i32
      %sign3A_42 = arith.cmpi sgt, %arg0, %sign3A : i32
      %sign3A_43 = arith.extui %sign3A_42 : i1 to i32
      %sign3A_44 = arith.constant 0 : i32
      %sign3A_45 = arith.cmpi slt, %arg0, %sign3A_44 : i32
      %sign3A_46 = arith.extui %sign3A_45 : i1 to i32
      %sign3A_47 = arith.subi %sign3A_43, %sign3A_46 : i32
      %sign3A_48 = arith.constant 0 : i32
      %sign3A_49 = arith.cmpi sgt, %jit3A, %sign3A_48 : i32
      %sign3A_50 = arith.extui %sign3A_49 : i1 to i32
      %sign3A_51 = arith.constant 0 : i32
      %sign3A_52 = arith.cmpi slt, %jit3A, %sign3A_51 : i32
      %sign3A_53 = arith.extui %sign3A_52 : i1 to i32
      %sign3A_54 = arith.subi %sign3A_50, %sign3A_53 : i32
      %ne3A = arith.cmpi ne, %sign3A_47, %sign3A_54 : i32
      %rem3A_55 = arith.remsi %arg0, %jit3A : i32
      %ne3A_56 = arith.constant 0 : i32
      %ne3A_57 = arith.cmpi ne, %rem3A_55, %ne3A_56 : i32
      %and3A_58 = arith.andi %ne3A, %ne3A_57 : i1
      %sub3A = arith.constant 1 : i32
      %sub3A_59 = arith.subi %div3A, %sub3A : i32
      %select_n3A = arith.select %and3A_58, %sub3A_59, %div3A : i32
      %rem3A_60 = arith.constant 16 : i32
      %rem3A_61 = arith.remsi %arg0, %rem3A_60 : i32
      %mul3A = arith.constant 1024 : i32
      %mul3A_62 = arith.muli %rem3A_61, %mul3A : i32
      %add3A_63 = arith.constant 16384 : i32
      %add3A_64 = arith.addi %add3A_63, %mul3A_62 : i32
      %dma_wait3A = arith.constant 0 : i32
      %dma_wait3A_65 = arith.constant 3 : i32
      %dma_wait3A_66 = arith.constant 0 : i32
      %dma_wait3A_67 = arith.constant 3 : i32
      %dma_wait3A_68 = tpu.memref_slice %arg6[%dma_wait3A_67] : memref<4x!tpu.dma_semaphore, #tpu.memory_space<semaphore_mem>> -> memref<1x!tpu.dma_semaphore, #tpu.memory_space<semaphore_mem>>
      %dma_wait3A_69 = tpu.memref_squeeze %dma_wait3A_68 : memref<1x!tpu.dma_semaphore, #tpu.memory_space<semaphore_mem>> -> memref<!tpu.dma_semaphore, #tpu.memory_space<semaphore_mem>>
      %dma_wait3A_70 = arith.constant 0 : i32
      %dma_wait3A_71 = arith.constant 0 : i32
      %dma_wait3A_72 = tpu.memref_slice %arg4[%dma_wait3A_65, %dma_wait3A_66, %dma_wait3A_70, %dma_wait3A_71] : memref<4x4x1024x128xf32, #tpu.memory_space<vmem>> -> memref<1x1x1024x128xf32, #tpu.memory_space<vmem>>
      %dma_wait3A_73 = tpu.memref_squeeze %dma_wait3A_72 : memref<1x1x1024x128xf32, #tpu.memory_space<vmem>> -> memref<1024x128xf32, #tpu.memory_space<vmem>>
      %dma_wait3A_74 = arith.constant 0 : i32
      %dma_wait3A_75 = tpu.memref_slice %arg1[%select_n3A, %dma_wait3A, %add3A_64, %dma_wait3A_74] : memref<2x4x32768x128xf32, #tpu.memory_space<any>> -> memref<1x1x1024x128xf32, #tpu.memory_space<any>>
      %dma_wait3A_76 = tpu.memref_squeeze %dma_wait3A_75 : memref<1x1x1024x128xf32, #tpu.memory_space<any>> -> memref<1024x128xf32, #tpu.memory_space<any>>
      tpu.wait_dma2 semaphore(%dma_wait3A_69 : memref<!tpu.dma_semaphore, #tpu.memory_space<semaphore_mem>>) src(%dma_wait3A_76 : memref<1024x128xf32, #tpu.memory_space<any>>) dst(%dma_wait3A_73 : memref<1024x128xf32, #tpu.memory_space<vmem>>)
      %dma_wait3A_77 = arith.constant 1 : i32
      %dma_wait3A_78 = arith.constant 3 : i32
      %dma_wait3A_79 = arith.constant 1 : i32
      %dma_wait3A_80 = arith.constant 3 : i32
      %dma_wait3A_81 = tpu.memref_slice %arg6[%dma_wait3A_80] : memref<4x!tpu.dma_semaphore, #tpu.memory_space<semaphore_mem>> -> memref<1x!tpu.dma_semaphore, #tpu.memory_space<semaphore_mem>>
      %dma_wait3A_82 = tpu.memref_squeeze %dma_wait3A_81 : memref<1x!tpu.dma_semaphore, #tpu.memory_space<semaphore_mem>> -> memref<!tpu.dma_semaphore, #tpu.memory_space<semaphore_mem>>
      %dma_wait3A_83 = arith.constant 0 : i32
      %dma_wait3A_84 = arith.constant 0 : i32
      %dma_wait3A_85 = tpu.memref_slice %arg4[%dma_wait3A_78, %dma_wait3A_79, %dma_wait3A_83, %dma_wait3A_84] : memref<4x4x1024x128xf32, #tpu.memory_space<vmem>> -> memref<1x1x1024x128xf32, #tpu.memory_space<vmem>>
      %dma_wait3A_86 = tpu.memref_squeeze %dma_wait3A_85 : memref<1x1x1024x128xf32, #tpu.memory_space<vmem>> -> memref<1024x128xf32, #tpu.memory_space<vmem>>
      %dma_wait3A_87 = arith.constant 0 : i32
      %dma_wait3A_88 = tpu.memref_slice %arg1[%select_n3A, %dma_wait3A_77, %add3A_64, %dma_wait3A_87] : memref<2x4x32768x128xf32, #tpu.memory_space<any>> -> memref<1x1x1024x128xf32, #tpu.memory_space<any>>
      %dma_wait3A_89 = tpu.memref_squeeze %dma_wait3A_88 : memref<1x1x1024x128xf32, #tpu.memory_space<any>> -> memref<1024x128xf32, #tpu.memory_space<any>>
      tpu.wait_dma2 semaphore(%dma_wait3A_82 : memref<!tpu.dma_semaphore, #tpu.memory_space<semaphore_mem>>) src(%dma_wait3A_89 : memref<1024x128xf32, #tpu.memory_space<any>>) dst(%dma_wait3A_86 : memref<1024x128xf32, #tpu.memory_space<vmem>>)
      %dma_wait3A_90 = arith.constant 2 : i32
      %dma_wait3A_91 = arith.constant 3 : i32
      %dma_wait3A_92 = arith.constant 2 : i32
      %dma_wait3A_93 = arith.constant 3 : i32
      %dma_wait3A_94 = tpu.memref_slice %arg6[%dma_wait3A_93] : memref<4x!tpu.dma_semaphore, #tpu.memory_space<semaphore_mem>> -> memref<1x!tpu.dma_semaphore, #tpu.memory_space<semaphore_mem>>
      %dma_wait3A_95 = tpu.memref_squeeze %dma_wait3A_94 : memref<1x!tpu.dma_semaphore, #tpu.memory_space<semaphore_mem>> -> memref<!tpu.dma_semaphore, #tpu.memory_space<semaphore_mem>>
      %dma_wait3A_96 = arith.constant 0 : i32
      %dma_wait3A_97 = arith.constant 0 : i32
      %dma_wait3A_98 = tpu.memref_slice %arg4[%dma_wait3A_91, %dma_wait3A_92, %dma_wait3A_96, %dma_wait3A_97] : memref<4x4x1024x128xf32, #tpu.memory_space<vmem>> -> memref<1x1x1024x128xf32, #tpu.memory_space<vmem>>
      %dma_wait3A_99 = tpu.memref_squeeze %dma_wait3A_98 : memref<1x1x1024x128xf32, #tpu.memory_space<vmem>> -> memref<1024x128xf32, #tpu.memory_space<vmem>>
      %dma_wait3A_100 = arith.constant 0 : i32
      %dma_wait3A_101 = tpu.memref_slice %arg1[%select_n3A, %dma_wait3A_90, %add3A_64, %dma_wait3A_100] : memref<2x4x32768x128xf32, #tpu.memory_space<any>> -> memref<1x1x1024x128xf32, #tpu.memory_space<any>>
      %dma_wait3A_102 = tpu.memref_squeeze %dma_wait3A_101 : memref<1x1x1024x128xf32, #tpu.memory_space<any>> -> memref<1024x128xf32, #tpu.memory_space<any>>
      tpu.wait_dma2 semaphore(%dma_wait3A_95 : memref<!tpu.dma_semaphore, #tpu.memory_space<semaphore_mem>>) src(%dma_wait3A_102 : memref<1024x128xf32, #tpu.memory_space<any>>) dst(%dma_wait3A_99 : memref<1024x128xf32, #tpu.memory_space<vmem>>)
      %dma_wait3A_103 = arith.constant 3 : i32
      %dma_wait3A_104 = arith.constant 3 : i32
      %dma_wait3A_105 = arith.constant 3 : i32
      %dma_wait3A_106 = arith.constant 3 : i32
      %dma_wait3A_107 = tpu.memref_slice %arg6[%dma_wait3A_106] : memref<4x!tpu.dma_semaphore, #tpu.memory_space<semaphore_mem>> -> memref<1x!tpu.dma_semaphore, #tpu.memory_space<semaphore_mem>>
      %dma_wait3A_108 = tpu.memref_squeeze %dma_wait3A_107 : memref<1x!tpu.dma_semaphore, #tpu.memory_space<semaphore_mem>> -> memref<!tpu.dma_semaphore, #tpu.memory_space<semaphore_mem>>
      %dma_wait3A_109 = arith.constant 0 : i32
      %dma_wait3A_110 = arith.constant 0 : i32
      %dma_wait3A_111 = tpu.memref_slice %arg4[%dma_wait3A_104, %dma_wait3A_105, %dma_wait3A_109, %dma_wait3A_110] : memref<4x4x1024x128xf32, #tpu.memory_space<vmem>> -> memref<1x1x1024x128xf32, #tpu.memory_space<vmem>>
      %dma_wait3A_112 = tpu.memref_squeeze %dma_wait3A_111 : memref<1x1x1024x128xf32, #tpu.memory_space<vmem>> -> memref<1024x128xf32, #tpu.memory_space<vmem>>
      %dma_wait3A_113 = arith.constant 0 : i32
      %dma_wait3A_114 = tpu.memref_slice %arg1[%select_n3A, %dma_wait3A_103, %add3A_64, %dma_wait3A_113] : memref<2x4x32768x128xf32, #tpu.memory_space<any>> -> memref<1x1x1024x128xf32, #tpu.memory_space<any>>
      %dma_wait3A_115 = tpu.memref_squeeze %dma_wait3A_114 : memref<1x1x1024x128xf32, #tpu.memory_space<any>> -> memref<1024x128xf32, #tpu.memory_space<any>>
      tpu.wait_dma2 semaphore(%dma_wait3A_108 : memref<!tpu.dma_semaphore, #tpu.memory_space<semaphore_mem>>) src(%dma_wait3A_115 : memref<1024x128xf32, #tpu.memory_space<any>>) dst(%dma_wait3A_112 : memref<1024x128xf32, #tpu.memory_space<vmem>>)
      %dma_wait3A_116 = arith.constant 3 : i32
      %dma_wait3A_117 = arith.constant 3 : i32
      %dma_wait3A_118 = tpu.memref_slice %arg6[%dma_wait3A_117] : memref<4x!tpu.dma_semaphore, #tpu.memory_space<semaphore_mem>> -> memref<1x!tpu.dma_semaphore, #tpu.memory_space<semaphore_mem>>
      %dma_wait3A_119 = tpu.memref_squeeze %dma_wait3A_118 : memref<1x!tpu.dma_semaphore, #tpu.memory_space<semaphore_mem>> -> memref<!tpu.dma_semaphore, #tpu.memory_space<semaphore_mem>>
      %dma_wait3A_120 = arith.constant 0 : i32
      %dma_wait3A_121 = arith.constant 0 : i32
      %dma_wait3A_122 = tpu.memref_slice %arg5[%dma_wait3A_116, %dma_wait3A_120, %dma_wait3A_121] : memref<4x1024x128xi32, #tpu.memory_space<vmem>> -> memref<1x1024x128xi32, #tpu.memory_space<vmem>>
      %dma_wait3A_123 = tpu.memref_squeeze %dma_wait3A_122 : memref<1x1024x128xi32, #tpu.memory_space<vmem>> -> memref<1024x128xi32, #tpu.memory_space<vmem>>
      %dma_wait3A_124 = arith.constant 0 : i32
      %dma_wait3A_125 = tpu.memref_slice %arg2[%select_n3A, %add3A_64, %dma_wait3A_124] : memref<2x32768x128xi32, #tpu.memory_space<any>> -> memref<1x1024x128xi32, #tpu.memory_space<any>>
      %dma_wait3A_126 = tpu.memref_squeeze %dma_wait3A_125 : memref<1x1024x128xi32, #tpu.memory_space<any>> -> memref<1024x128xi32, #tpu.memory_space<any>>
      tpu.wait_dma2 semaphore(%dma_wait3A_119 : memref<!tpu.dma_semaphore, #tpu.memory_space<semaphore_mem>>) src(%dma_wait3A_126 : memref<1024x128xi32, #tpu.memory_space<any>>) dst(%dma_wait3A_123 : memref<1024x128xi32, #tpu.memory_space<vmem>>)
      %get3A = arith.constant 3 : index
      %get3A_127 = arith.constant 0 : index
      %get3A_128 = arith.constant 0 : index
      %get3A_129 = arith.constant 0 : index
      %get3A_130 = vector.load %arg4[%get3A, %get3A_127, %get3A_128, %get3A_129] : memref<4x4x1024x128xf32, #tpu.memory_space<vmem>>, vector<1x1x1024x128xf32>
      %get3A_131 = vector.shape_cast %get3A_130 : vector<1x1x1024x128xf32> to vector<1024x128xf32>
      %get3A_132 = arith.constant 3 : index
      %get3A_133 = arith.constant 1 : index
      %get3A_134 = arith.constant 0 : index
      %get3A_135 = arith.constant 0 : index
      %get3A_136 = vector.load %arg4[%get3A_132, %get3A_133, %get3A_134, %get3A_135] : memref<4x4x1024x128xf32, #tpu.memory_space<vmem>>, vector<1x1x1024x128xf32>
      %get3A_137 = vector.shape_cast %get3A_136 : vector<1x1x1024x128xf32> to vector<1024x128xf32>
      %get3A_138 = arith.constant 3 : index
      %get3A_139 = arith.constant 2 : index
      %get3A_140 = arith.constant 0 : index
      %get3A_141 = arith.constant 0 : index
      %get3A_142 = vector.load %arg4[%get3A_138, %get3A_139, %get3A_140, %get3A_141] : memref<4x4x1024x128xf32, #tpu.memory_space<vmem>>, vector<1x1x1024x128xf32>
      %get3A_143 = vector.shape_cast %get3A_142 : vector<1x1x1024x128xf32> to vector<1024x128xf32>
      %get3A_144 = arith.constant 3 : index
      %get3A_145 = arith.constant 3 : index
      %get3A_146 = arith.constant 0 : index
      %get3A_147 = arith.constant 0 : index
      %get3A_148 = vector.load %arg4[%get3A_144, %get3A_145, %get3A_146, %get3A_147] : memref<4x4x1024x128xf32, #tpu.memory_space<vmem>>, vector<1x1x1024x128xf32>
      %get3A_149 = vector.shape_cast %get3A_148 : vector<1x1x1024x128xf32> to vector<1024x128xf32>
      %get3A_150 = arith.constant 3 : index
      %get3A_151 = arith.constant 0 : index
      %get3A_152 = arith.constant 0 : index
      %get3A_153 = vector.load %arg5[%get3A_150, %get3A_151, %get3A_152] : memref<4x1024x128xi32, #tpu.memory_space<vmem>>, vector<1x1024x128xi32>
      %get3A_154 = vector.shape_cast %get3A_153 : vector<1x1024x128xi32> to vector<1024x128xi32>
      %max3A = arith.maximumf %get3A_131, %get3A_137 : vector<1024x128xf32>
      %max3A_155 = arith.maximumf %get3A_143, %get3A_149 : vector<1024x128xf32>
      %gt3A_156 = arith.cmpf ogt, %get3A_137, %get3A_131 : vector<1024x128xf32>
      %broadcast_in_dim3A = arith.constant 1 : i32
      %broadcast_in_dim3A_157 = vector.broadcast %broadcast_in_dim3A : i32 to vector<1024x128xi32>
      %broadcast_in_dim3A_158 = arith.constant 0 : i32
      %broadcast_in_dim3A_159 = vector.broadcast %broadcast_in_dim3A_158 : i32 to vector<1024x128xi32>
      %select_n3A_160 = arith.select %gt3A_156, %broadcast_in_dim3A_157, %broadcast_in_dim3A_159 : vector<1024x128xi1>, vector<1024x128xi32>
      %gt3A_161 = arith.cmpf ogt, %get3A_149, %get3A_143 : vector<1024x128xf32>
      %broadcast_in_dim3A_162 = arith.constant 3 : i32
      %broadcast_in_dim3A_163 = vector.broadcast %broadcast_in_dim3A_162 : i32 to vector<1024x128xi32>
      %broadcast_in_dim3A_164 = arith.constant 2 : i32
      %broadcast_in_dim3A_165 = vector.broadcast %broadcast_in_dim3A_164 : i32 to vector<1024x128xi32>
      %select_n3A_166 = arith.select %gt3A_161, %broadcast_in_dim3A_163, %broadcast_in_dim3A_165 : vector<1024x128xi1>, vector<1024x128xi32>
      %gt3A_167 = arith.cmpf ogt, %max3A_155, %max3A : vector<1024x128xf32>
      %select_n3A_168 = arith.select %gt3A_167, %select_n3A_166, %select_n3A_160 : vector<1024x128xi1>, vector<1024x128xi32>
      %broadcast_in_dim3A_169 = arith.constant 1.000000e+00 : f32
      %broadcast_in_dim3A_170 = vector.broadcast %broadcast_in_dim3A_169 : f32 to vector<1024x128xf32>
      %broadcast_in_dim3A_171 = arith.constant 0.000000e+00 : f32
      %broadcast_in_dim3A_172 = vector.broadcast %broadcast_in_dim3A_171 : f32 to vector<1024x128xf32>
      %eq3A_173 = arith.constant 0 : i32
      %eq3A_174 = vector.broadcast %eq3A_173 : i32 to vector<1024x128xi32>
      %eq3A_175 = arith.cmpi eq, %select_n3A_168, %eq3A_174 : vector<1024x128xi32>
      %eq3A_176 = arith.constant 0 : i32
      %eq3A_177 = vector.broadcast %eq3A_176 : i32 to vector<1024x128xi32>
      %eq3A_178 = arith.cmpi eq, %get3A_154, %eq3A_177 : vector<1024x128xi32>
      %and3A_179 = arith.andi %eq3A_175, %eq3A_178 : vector<1024x128xi1>
      %select_n3A_180 = arith.select %eq3A_175, %broadcast_in_dim3A_170, %broadcast_in_dim3A_172 : vector<1024x128xi1>, vector<1024x128xf32>
      %reduce_sum3A = arith.constant dense<0.000000e+00> : vector<128xf32>
      %reduce_sum3A_181 = vector.multi_reduction <add>, %select_n3A_180, %reduce_sum3A [0] : vector<1024x128xf32> to vector<128xf32>
      %broadcast_in_dim3A_182 = vector.shape_cast %reduce_sum3A_181 : vector<128xf32> to vector<1x128xf32>
      %get3A_183 = arith.constant 0 : index
      %get3A_184 = arith.constant 0 : index
      %get3A_185 = arith.constant 0 : index
      %get3A_186 = vector.load %arg3[%get3A_183, %get3A_184, %get3A_185] : memref<1x16x128xf32, #tpu.memory_space<vmem>>, vector<1x1x128xf32>
      %get3A_187 = vector.shape_cast %get3A_186 : vector<1x1x128xf32> to vector<1x128xf32>
      %add3A_188 = arith.addf %get3A_187, %broadcast_in_dim3A_182 : vector<1x128xf32>
      %swap3A = arith.constant 0 : index
      %swap3A_189 = arith.constant 0 : index
      %swap3A_190 = arith.constant 0 : index
      %swap3A_191 = vector.load %arg3[%swap3A, %swap3A_189, %swap3A_190] : memref<1x16x128xf32, #tpu.memory_space<vmem>>, vector<1x1x128xf32>
      %swap3A_192 = vector.shape_cast %swap3A_191 : vector<1x1x128xf32> to vector<1x128xf32>
      %swap3A_193 = vector.shape_cast %add3A_188 : vector<1x128xf32> to vector<1x1x128xf32>
      tpu.vector_store %arg3[%swap3A, %swap3A_189, %swap3A_190], %swap3A_193 {strides = array<i32>} : memref<1x16x128xf32, #tpu.memory_space<vmem>>, vector<1x1x128xf32>,
      %select_n3A_194 = arith.select %eq3A_178, %broadcast_in_dim3A_170, %broadcast_in_dim3A_172 : vector<1024x128xi1>, vector<1024x128xf32>
      %reduce_sum3A_195 = arith.constant dense<0.000000e+00> : vector<128xf32>
      %reduce_sum3A_196 = vector.multi_reduction <add>, %select_n3A_194, %reduce_sum3A_195 [0] : vector<1024x128xf32> to vector<128xf32>
      %broadcast_in_dim3A_197 = vector.shape_cast %reduce_sum3A_196 : vector<128xf32> to vector<1x128xf32>
      %get3A_198 = arith.constant 0 : index
      %get3A_199 = arith.constant 1 : index
      %get3A_200 = arith.constant 0 : index
      %get3A_201 = vector.load %arg3[%get3A_198, %get3A_199, %get3A_200] : memref<1x16x128xf32, #tpu.memory_space<vmem>>, vector<1x1x128xf32>
      %get3A_202 = vector.shape_cast %get3A_201 : vector<1x1x128xf32> to vector<1x128xf32>
      %add3A_203 = arith.addf %get3A_202, %broadcast_in_dim3A_197 : vector<1x128xf32>
      %swap3A_204 = arith.constant 0 : index
      %swap3A_205 = arith.constant 1 : index
      %swap3A_206 = arith.constant 0 : index
      %swap3A_207 = vector.load %arg3[%swap3A_204, %swap3A_205, %swap3A_206] : memref<1x16x128xf32, #tpu.memory_space<vmem>>, vector<1x1x128xf32>
      %swap3A_208 = vector.shape_cast %swap3A_207 : vector<1x1x128xf32> to vector<1x128xf32>
      %swap3A_209 = vector.shape_cast %add3A_203 : vector<1x128xf32> to vector<1x1x128xf32>
      tpu.vector_store %arg3[%swap3A_204, %swap3A_205, %swap3A_206], %swap3A_209 {strides = array<i32>} : memref<1x16x128xf32, #tpu.memory_space<vmem>>, vector<1x1x128xf32>,
      %select_n3A_210 = arith.select %and3A_179, %broadcast_in_dim3A_170, %broadcast_in_dim3A_172 : vector<1024x128xi1>, vector<1024x128xf32>
      %reduce_sum3A_211 = arith.constant dense<0.000000e+00> : vector<128xf32>
      %reduce_sum3A_212 = vector.multi_reduction <add>, %select_n3A_210, %reduce_sum3A_211 [0] : vector<1024x128xf32> to vector<128xf32>
      %broadcast_in_dim3A_213 = vector.shape_cast %reduce_sum3A_212 : vector<128xf32> to vector<1x128xf32>
      %get3A_214 = arith.constant 0 : index
      %get3A_215 = arith.constant 2 : index
      %get3A_216 = arith.constant 0 : index
      %get3A_217 = vector.load %arg3[%get3A_214, %get3A_215, %get3A_216] : memref<1x16x128xf32, #tpu.memory_space<vmem>>, vector<1x1x128xf32>
      %get3A_218 = vector.shape_cast %get3A_217 : vector<1x1x128xf32> to vector<1x128xf32>
      %add3A_219 = arith.addf %get3A_218, %broadcast_in_dim3A_213 : vector<1x128xf32>
      %swap3A_220 = arith.constant 0 : index
      %swap3A_221 = arith.constant 2 : index
      %swap3A_222 = arith.constant 0 : index
      %swap3A_223 = vector.load %arg3[%swap3A_220, %swap3A_221, %swap3A_222] : memref<1x16x128xf32, #tpu.memory_space<vmem>>, vector<1x1x128xf32>
      %swap3A_224 = vector.shape_cast %swap3A_223 : vector<1x1x128xf32> to vector<1x128xf32>
      %swap3A_225 = vector.shape_cast %add3A_219 : vector<1x128xf32> to vector<1x1x128xf32>
      tpu.vector_store %arg3[%swap3A_220, %swap3A_221, %swap3A_222], %swap3A_225 {strides = array<i32>} : memref<1x16x128xf32, #tpu.memory_space<vmem>>, vector<1x1x128xf32>,
      %eq3A_226 = arith.constant 1 : i32
      %eq3A_227 = vector.broadcast %eq3A_226 : i32 to vector<1024x128xi32>
      %eq3A_228 = arith.cmpi eq, %select_n3A_168, %eq3A_227 : vector<1024x128xi32>
      %eq3A_229 = arith.constant 1 : i32
      %eq3A_230 = vector.broadcast %eq3A_229 : i32 to vector<1024x128xi32>
      %eq3A_231 = arith.cmpi eq, %get3A_154, %eq3A_230 : vector<1024x128xi32>
      %and3A_232 = arith.andi %eq3A_228, %eq3A_231 : vector<1024x128xi1>
      %select_n3A_233 = arith.select %eq3A_228, %broadcast_in_dim3A_170, %broadcast_in_dim3A_172 : vector<1024x128xi1>, vector<1024x128xf32>
      %reduce_sum3A_234 = arith.constant dense<0.000000e+00> : vector<128xf32>
      %reduce_sum3A_235 = vector.multi_reduction <add>, %select_n3A_233, %reduce_sum3A_234 [0] : vector<1024x128xf32> to vector<128xf32>
      %broadcast_in_dim3A_236 = vector.shape_cast %reduce_sum3A_235 : vector<128xf32> to vector<1x128xf32>
      %get3A_237 = arith.constant 0 : index
      %get3A_238 = arith.constant 3 : index
      %get3A_239 = arith.constant 0 : index
      %get3A_240 = vector.load %arg3[%get3A_237, %get3A_238, %get3A_239] : memref<1x16x128xf32, #tpu.memory_space<vmem>>, vector<1x1x128xf32>
      %get3A_241 = vector.shape_cast %get3A_240 : vector<1x1x128xf32> to vector<1x128xf32>
      %add3A_242 = arith.addf %get3A_241, %broadcast_in_dim3A_236 : vector<1x128xf32>
      %swap3A_243 = arith.constant 0 : index
      %swap3A_244 = arith.constant 3 : index
      %swap3A_245 = arith.constant 0 : index
      %swap3A_246 = vector.load %arg3[%swap3A_243, %swap3A_244, %swap3A_245] : memref<1x16x128xf32, #tpu.memory_space<vmem>>, vector<1x1x128xf32>
      %swap3A_247 = vector.shape_cast %swap3A_246 : vector<1x1x128xf32> to vector<1x128xf32>
      %swap3A_248 = vector.shape_cast %add3A_242 : vector<1x128xf32> to vector<1x1x128xf32>
      tpu.vector_store %arg3[%swap3A_243, %swap3A_244, %swap3A_245], %swap3A_248 {strides = array<i32>} : memref<1x16x128xf32, #tpu.memory_space<vmem>>, vector<1x1x128xf32>,
      %select_n3A_249 = arith.select %eq3A_231, %broadcast_in_dim3A_170, %broadcast_in_dim3A_172 : vector<1024x128xi1>, vector<1024x128xf32>
      %reduce_sum3A_250 = arith.constant dense<0.000000e+00> : vector<128xf32>
      %reduce_sum3A_251 = vector.multi_reduction <add>, %select_n3A_249, %reduce_sum3A_250 [0] : vector<1024x128xf32> to vector<128xf32>
      %broadcast_in_dim3A_252 = vector.shape_cast %reduce_sum3A_251 : vector<128xf32> to vector<1x128xf32>
      %get3A_253 = arith.constant 0 : index
      %get3A_254 = arith.constant 4 : index
      %get3A_255 = arith.constant 0 : index
      %get3A_256 = vector.load %arg3[%get3A_253, %get3A_254, %get3A_255] : memref<1x16x128xf32, #tpu.memory_space<vmem>>, vector<1x1x128xf32>
      %get3A_257 = vector.shape_cast %get3A_256 : vector<1x1x128xf32> to vector<1x128xf32>
      %add3A_258 = arith.addf %get3A_257, %broadcast_in_dim3A_252 : vector<1x128xf32>
      %swap3A_259 = arith.constant 0 : index
      %swap3A_260 = arith.constant 4 : index
      %swap3A_261 = arith.constant 0 : index
      %swap3A_262 = vector.load %arg3[%swap3A_259, %swap3A_260, %swap3A_261] : memref<1x16x128xf32, #tpu.memory_space<vmem>>, vector<1x1x128xf32>
      %swap3A_263 = vector.shape_cast %swap3A_262 : vector<1x1x128xf32> to vector<1x128xf32>
      %swap3A_264 = vector.shape_cast %add3A_258 : vector<1x128xf32> to vector<1x1x128xf32>
      tpu.vector_store %arg3[%swap3A_259, %swap3A_260, %swap3A_261], %swap3A_264 {strides = array<i32>} : memref<1x16x128xf32, #tpu.memory_space<vmem>>, vector<1x1x128xf32>,
      %select_n3A_265 = arith.select %and3A_232, %broadcast_in_dim3A_170, %broadcast_in_dim3A_172 : vector<1024x128xi1>, vector<1024x128xf32>
      %reduce_sum3A_266 = arith.constant dense<0.000000e+00> : vector<128xf32>
      %reduce_sum3A_267 = vector.multi_reduction <add>, %select_n3A_265, %reduce_sum3A_266 [0] : vector<1024x128xf32> to vector<128xf32>
      %broadcast_in_dim3A_268 = vector.shape_cast %reduce_sum3A_267 : vector<128xf32> to vector<1x128xf32>
      %get3A_269 = arith.constant 0 : index
      %get3A_270 = arith.constant 5 : index
      %get3A_271 = arith.constant 0 : index
      %get3A_272 = vector.load %arg3[%get3A_269, %get3A_270, %get3A_271] : memref<1x16x128xf32, #tpu.memory_space<vmem>>, vector<1x1x128xf32>
      %get3A_273 = vector.shape_cast %get3A_272 : vector<1x1x128xf32> to vector<1x128xf32>
      %add3A_274 = arith.addf %get3A_273, %broadcast_in_dim3A_268 : vector<1x128xf32>
      %swap3A_275 = arith.constant 0 : index
      %swap3A_276 = arith.constant 5 : index
      %swap3A_277 = arith.constant 0 : index
      %swap3A_278 = vector.load %arg3[%swap3A_275, %swap3A_276, %swap3A_277] : memref<1x16x128xf32, #tpu.memory_space<vmem>>, vector<1x1x128xf32>
      %swap3A_279 = vector.shape_cast %swap3A_278 : vector<1x1x128xf32> to vector<1x128xf32>
      %swap3A_280 = vector.shape_cast %add3A_274 : vector<1x128xf32> to vector<1x1x128xf32>
      tpu.vector_store %arg3[%swap3A_275, %swap3A_276, %swap3A_277], %swap3A_280 {strides = array<i32>} : memref<1x16x128xf32, #tpu.memory_space<vmem>>, vector<1x1x128xf32>,
      %eq3A_281 = arith.constant 2 : i32
      %eq3A_282 = vector.broadcast %eq3A_281 : i32 to vector<1024x128xi32>
      %eq3A_283 = arith.cmpi eq, %select_n3A_168, %eq3A_282 : vector<1024x128xi32>
      %eq3A_284 = arith.constant 2 : i32
      %eq3A_285 = vector.broadcast %eq3A_284 : i32 to vector<1024x128xi32>
      %eq3A_286 = arith.cmpi eq, %get3A_154, %eq3A_285 : vector<1024x128xi32>
      %and3A_287 = arith.andi %eq3A_283, %eq3A_286 : vector<1024x128xi1>
      %select_n3A_288 = arith.select %eq3A_283, %broadcast_in_dim3A_170, %broadcast_in_dim3A_172 : vector<1024x128xi1>, vector<1024x128xf32>
      %reduce_sum3A_289 = arith.constant dense<0.000000e+00> : vector<128xf32>
      %reduce_sum3A_290 = vector.multi_reduction <add>, %select_n3A_288, %reduce_sum3A_289 [0] : vector<1024x128xf32> to vector<128xf32>
      %broadcast_in_dim3A_291 = vector.shape_cast %reduce_sum3A_290 : vector<128xf32> to vector<1x128xf32>
      %get3A_292 = arith.constant 0 : index
      %get3A_293 = arith.constant 6 : index
      %get3A_294 = arith.constant 0 : index
      %get3A_295 = vector.load %arg3[%get3A_292, %get3A_293, %get3A_294] : memref<1x16x128xf32, #tpu.memory_space<vmem>>, vector<1x1x128xf32>
      %get3A_296 = vector.shape_cast %get3A_295 : vector<1x1x128xf32> to vector<1x128xf32>
      %add3A_297 = arith.addf %get3A_296, %broadcast_in_dim3A_291 : vector<1x128xf32>
      %swap3A_298 = arith.constant 0 : index
      %swap3A_299 = arith.constant 6 : index
      %swap3A_300 = arith.constant 0 : index
      %swap3A_301 = vector.load %arg3[%swap3A_298, %swap3A_299, %swap3A_300] : memref<1x16x128xf32, #tpu.memory_space<vmem>>, vector<1x1x128xf32>
      %swap3A_302 = vector.shape_cast %swap3A_301 : vector<1x1x128xf32> to vector<1x128xf32>
      %swap3A_303 = vector.shape_cast %add3A_297 : vector<1x128xf32> to vector<1x1x128xf32>
      tpu.vector_store %arg3[%swap3A_298, %swap3A_299, %swap3A_300], %swap3A_303 {strides = array<i32>} : memref<1x16x128xf32, #tpu.memory_space<vmem>>, vector<1x1x128xf32>,
      %select_n3A_304 = arith.select %eq3A_286, %broadcast_in_dim3A_170, %broadcast_in_dim3A_172 : vector<1024x128xi1>, vector<1024x128xf32>
      %reduce_sum3A_305 = arith.constant dense<0.000000e+00> : vector<128xf32>
      %reduce_sum3A_306 = vector.multi_reduction <add>, %select_n3A_304, %reduce_sum3A_305 [0] : vector<1024x128xf32> to vector<128xf32>
      %broadcast_in_dim3A_307 = vector.shape_cast %reduce_sum3A_306 : vector<128xf32> to vector<1x128xf32>
      %get3A_308 = arith.constant 0 : index
      %get3A_309 = arith.constant 7 : index
      %get3A_310 = arith.constant 0 : index
      %get3A_311 = vector.load %arg3[%get3A_308, %get3A_309, %get3A_310] : memref<1x16x128xf32, #tpu.memory_space<vmem>>, vector<1x1x128xf32>
      %get3A_312 = vector.shape_cast %get3A_311 : vector<1x1x128xf32> to vector<1x128xf32>
      %add3A_313 = arith.addf %get3A_312, %broadcast_in_dim3A_307 : vector<1x128xf32>
      %swap3A_314 = arith.constant 0 : index
      %swap3A_315 = arith.constant 7 : index
      %swap3A_316 = arith.constant 0 : index
      %swap3A_317 = vector.load %arg3[%swap3A_314, %swap3A_315, %swap3A_316] : memref<1x16x128xf32, #tpu.memory_space<vmem>>, vector<1x1x128xf32>
      %swap3A_318 = vector.shape_cast %swap3A_317 : vector<1x1x128xf32> to vector<1x128xf32>
      %swap3A_319 = vector.shape_cast %add3A_313 : vector<1x128xf32> to vector<1x1x128xf32>
      tpu.vector_store %arg3[%swap3A_314, %swap3A_315, %swap3A_316], %swap3A_319 {strides = array<i32>} : memref<1x16x128xf32, #tpu.memory_space<vmem>>, vector<1x1x128xf32>,
      %select_n3A_320 = arith.select %and3A_287, %broadcast_in_dim3A_170, %broadcast_in_dim3A_172 : vector<1024x128xi1>, vector<1024x128xf32>
      %reduce_sum3A_321 = arith.constant dense<0.000000e+00> : vector<128xf32>
      %reduce_sum3A_322 = vector.multi_reduction <add>, %select_n3A_320, %reduce_sum3A_321 [0] : vector<1024x128xf32> to vector<128xf32>
      %broadcast_in_dim3A_323 = vector.shape_cast %reduce_sum3A_322 : vector<128xf32> to vector<1x128xf32>
      %get3A_324 = arith.constant 0 : index
      %get3A_325 = arith.constant 8 : index
      %get3A_326 = arith.constant 0 : index
      %get3A_327 = vector.load %arg3[%get3A_324, %get3A_325, %get3A_326] : memref<1x16x128xf32, #tpu.memory_space<vmem>>, vector<1x1x128xf32>
      %get3A_328 = vector.shape_cast %get3A_327 : vector<1x1x128xf32> to vector<1x128xf32>
      %add3A_329 = arith.addf %get3A_328, %broadcast_in_dim3A_323 : vector<1x128xf32>
      %swap3A_330 = arith.constant 0 : index
      %swap3A_331 = arith.constant 8 : index
      %swap3A_332 = arith.constant 0 : index
      %swap3A_333 = vector.load %arg3[%swap3A_330, %swap3A_331, %swap3A_332] : memref<1x16x128xf32, #tpu.memory_space<vmem>>, vector<1x1x128xf32>
      %swap3A_334 = vector.shape_cast %swap3A_333 : vector<1x1x128xf32> to vector<1x128xf32>
      %swap3A_335 = vector.shape_cast %add3A_329 : vector<1x128xf32> to vector<1x1x128xf32>
      tpu.vector_store %arg3[%swap3A_330, %swap3A_331, %swap3A_332], %swap3A_335 {strides = array<i32>} : memref<1x16x128xf32, #tpu.memory_space<vmem>>, vector<1x1x128xf32>,
      %eq3A_336 = arith.constant 3 : i32
      %eq3A_337 = vector.broadcast %eq3A_336 : i32 to vector<1024x128xi32>
      %eq3A_338 = arith.cmpi eq, %select_n3A_168, %eq3A_337 : vector<1024x128xi32>
      %eq3A_339 = arith.constant 3 : i32
      %eq3A_340 = vector.broadcast %eq3A_339 : i32 to vector<1024x128xi32>
      %eq3A_341 = arith.cmpi eq, %get3A_154, %eq3A_340 : vector<1024x128xi32>
      %and3A_342 = arith.andi %eq3A_338, %eq3A_341 : vector<1024x128xi1>
      %select_n3A_343 = arith.select %eq3A_338, %broadcast_in_dim3A_170, %broadcast_in_dim3A_172 : vector<1024x128xi1>, vector<1024x128xf32>
      %reduce_sum3A_344 = arith.constant dense<0.000000e+00> : vector<128xf32>
      %reduce_sum3A_345 = vector.multi_reduction <add>, %select_n3A_343, %reduce_sum3A_344 [0] : vector<1024x128xf32> to vector<128xf32>
      %broadcast_in_dim3A_346 = vector.shape_cast %reduce_sum3A_345 : vector<128xf32> to vector<1x128xf32>
      %get3A_347 = arith.constant 0 : index
      %get3A_348 = arith.constant 9 : index
      %get3A_349 = arith.constant 0 : index
      %get3A_350 = vector.load %arg3[%get3A_347, %get3A_348, %get3A_349] : memref<1x16x128xf32, #tpu.memory_space<vmem>>, vector<1x1x128xf32>
      %get3A_351 = vector.shape_cast %get3A_350 : vector<1x1x128xf32> to vector<1x128xf32>
      %add3A_352 = arith.addf %get3A_351, %broadcast_in_dim3A_346 : vector<1x128xf32>
      %swap3A_353 = arith.constant 0 : index
      %swap3A_354 = arith.constant 9 : index
      %swap3A_355 = arith.constant 0 : index
      %swap3A_356 = vector.load %arg3[%swap3A_353, %swap3A_354, %swap3A_355] : memref<1x16x128xf32, #tpu.memory_space<vmem>>, vector<1x1x128xf32>
      %swap3A_357 = vector.shape_cast %swap3A_356 : vector<1x1x128xf32> to vector<1x128xf32>
      %swap3A_358 = vector.shape_cast %add3A_352 : vector<1x128xf32> to vector<1x1x128xf32>
      tpu.vector_store %arg3[%swap3A_353, %swap3A_354, %swap3A_355], %swap3A_358 {strides = array<i32>} : memref<1x16x128xf32, #tpu.memory_space<vmem>>, vector<1x1x128xf32>,
      %select_n3A_359 = arith.select %eq3A_341, %broadcast_in_dim3A_170, %broadcast_in_dim3A_172 : vector<1024x128xi1>, vector<1024x128xf32>
      %reduce_sum3A_360 = arith.constant dense<0.000000e+00> : vector<128xf32>
      %reduce_sum3A_361 = vector.multi_reduction <add>, %select_n3A_359, %reduce_sum3A_360 [0] : vector<1024x128xf32> to vector<128xf32>
      %broadcast_in_dim3A_362 = vector.shape_cast %reduce_sum3A_361 : vector<128xf32> to vector<1x128xf32>
      %get3A_363 = arith.constant 0 : index
      %get3A_364 = arith.constant 10 : index
      %get3A_365 = arith.constant 0 : index
      %get3A_366 = vector.load %arg3[%get3A_363, %get3A_364, %get3A_365] : memref<1x16x128xf32, #tpu.memory_space<vmem>>, vector<1x1x128xf32>
      %get3A_367 = vector.shape_cast %get3A_366 : vector<1x1x128xf32> to vector<1x128xf32>
      %add3A_368 = arith.addf %get3A_367, %broadcast_in_dim3A_362 : vector<1x128xf32>
      %swap3A_369 = arith.constant 0 : index
      %swap3A_370 = arith.constant 10 : index
      %swap3A_371 = arith.constant 0 : index
      %swap3A_372 = vector.load %arg3[%swap3A_369, %swap3A_370, %swap3A_371] : memref<1x16x128xf32, #tpu.memory_space<vmem>>, vector<1x1x128xf32>
      %swap3A_373 = vector.shape_cast %swap3A_372 : vector<1x1x128xf32> to vector<1x128xf32>
      %swap3A_374 = vector.shape_cast %add3A_368 : vector<1x128xf32> to vector<1x1x128xf32>
      tpu.vector_store %arg3[%swap3A_369, %swap3A_370, %swap3A_371], %swap3A_374 {strides = array<i32>} : memref<1x16x128xf32, #tpu.memory_space<vmem>>, vector<1x1x128xf32>,
      %select_n3A_375 = arith.select %and3A_342, %broadcast_in_dim3A_170, %broadcast_in_dim3A_172 : vector<1024x128xi1>, vector<1024x128xf32>
      %reduce_sum3A_376 = arith.constant dense<0.000000e+00> : vector<128xf32>
      %reduce_sum3A_377 = vector.multi_reduction <add>, %select_n3A_375, %reduce_sum3A_376 [0] : vector<1024x128xf32> to vector<128xf32>
      %broadcast_in_dim3A_378 = vector.shape_cast %reduce_sum3A_377 : vector<128xf32> to vector<1x128xf32>
      %get3A_379 = arith.constant 0 : index
      %get3A_380 = arith.constant 11 : index
      %get3A_381 = arith.constant 0 : index
      %get3A_382 = vector.load %arg3[%get3A_379, %get3A_380, %get3A_381] : memref<1x16x128xf32, #tpu.memory_space<vmem>>, vector<1x1x128xf32>
      %get3A_383 = vector.shape_cast %get3A_382 : vector<1x1x128xf32> to vector<1x128xf32>
      %add3A_384 = arith.addf %get3A_383, %broadcast_in_dim3A_378 : vector<1x128xf32>
      %swap3A_385 = arith.constant 0 : index
      %swap3A_386 = arith.constant 11 : index
      %swap3A_387 = arith.constant 0 : index
      %swap3A_388 = vector.load %arg3[%swap3A_385, %swap3A_386, %swap3A_387] : memref<1x16x128xf32, #tpu.memory_space<vmem>>, vector<1x1x128xf32>
      %swap3A_389 = vector.shape_cast %swap3A_388 : vector<1x1x128xf32> to vector<1x128xf32>
      %swap3A_390 = vector.shape_cast %add3A_384 : vector<1x128xf32> to vector<1x1x128xf32>
      tpu.vector_store %arg3[%swap3A_385, %swap3A_386, %swap3A_387], %swap3A_390 {strides = array<i32>} : memref<1x16x128xf32, #tpu.memory_space<vmem>>, vector<1x1x128xf32>,
    } else {
    }
    return
  }
  func.func @transform_2(%arg0: i32) -> (i32, i32, i32) {
    %jit3A = arith.constant 16 : i32
    %div3A = arith.divsi %arg0, %jit3A : i32
    %sign3A = arith.constant 0 : i32
    %sign3A_0 = arith.cmpi sgt, %arg0, %sign3A : i32
    %sign3A_1 = arith.extui %sign3A_0 : i1 to i32
    %sign3A_2 = arith.constant 0 : i32
    %sign3A_3 = arith.cmpi slt, %arg0, %sign3A_2 : i32
    %sign3A_4 = arith.extui %sign3A_3 : i1 to i32
    %sign3A_5 = arith.subi %sign3A_1, %sign3A_4 : i32
    %sign3A_6 = arith.constant 0 : i32
    %sign3A_7 = arith.cmpi sgt, %jit3A, %sign3A_6 : i32
    %sign3A_8 = arith.extui %sign3A_7 : i1 to i32
    %sign3A_9 = arith.constant 0 : i32
    %sign3A_10 = arith.cmpi slt, %jit3A, %sign3A_9 : i32
    %sign3A_11 = arith.extui %sign3A_10 : i1 to i32
    %sign3A_12 = arith.subi %sign3A_8, %sign3A_11 : i32
    %ne3A = arith.cmpi ne, %sign3A_5, %sign3A_12 : i32
    %rem3A = arith.remsi %arg0, %jit3A : i32
    %ne3A_13 = arith.constant 0 : i32
    %ne3A_14 = arith.cmpi ne, %rem3A, %ne3A_13 : i32
    %and3A = arith.andi %ne3A, %ne3A_14 : i1
    %sub3A = arith.constant 1 : i32
    %sub3A_15 = arith.subi %div3A, %sub3A : i32
    %select_n3A = arith.select %and3A, %sub3A_15, %div3A : i32
    %c0_i32 = arith.constant 0 : i32
    %c0_i32_16 = arith.constant 0 : i32
    %c0_i32_17 = arith.constant 0 : i32
    return %select_n3A, %c0_i32, %c0_i32_16 : i32, i32, i32
  }
}

</mosaic_0001>

<sc_bundles>
// kernel: kernel.4.cloned.1.call-start
scs
__scs_entry_jumppad:
0x0: {  	(pc) =	sbr.rel $0x88, $3  }
0x1: {  	(tag) =	ssettag $0x0;
	lr =	simm.s32 $0x1  }
0x2: {  	[smem:$0x3F9F] =	sst lr;
	_ =	strace $0xD0000000  }
0x3: {  	_ = 	snop  }
0x4: {  	_ = 	snop  }
0x5: {  	_ = 	snop  }
0x6: {  	_ = 	snop  }
0x7: {  	_ = 	snop  }
__scs_overlays_trampoline_lowered:
0x8: {  	[smem:$0x3FAE] =	sst s0  }
0x9: {  	[smem:$0x3FAF] =	sst s1  }
0xa: {  	[smem:$0x3FB0] =	sst s2  }
0xb: {  	[smem:$0x3FB1] =	sst s3  }
0xc: {  	[smem:$0x3FB2] =	sst s4  }
0xd: {  	[smem:$0x3FB3] =	sst s5  }
0xe: {  	[smem:$0x3FB4] =	sst s6  }
0xf: {  	[smem:$0x3FB5] =	sst s7  }
0x10: {  	[smem:$0x3FB6] =	sst s8  }
0x11: {  	[smem:$0x3FB7] =	sst s9;
	s0 =	simm.s32 @!p0 $0x0  }
0x12: {  	s1 =	sld [smem:$0x3F9D];
	s0 =	simm.s32 @p0 $0x1  }
0x13: {  	[smem:$0x3FB8] =	sst s0;
	s0 =	simm.s32 @!p1 $0x0  }
0x14: {  	s2 =	sld [smem:$0x3F9C];
	s0 =	simm.s32 @p1 $0x1  }
0x15: {  	[smem:$0x3FB9] =	sst s0;
	s0 =	simm.s32 @!p2 $0x0  }
0x16: {  	s3 =	sld [smem:$0x3FDB];
	s0 =	simm.s32 @p2 $0x1  }
0x17: {  	s4 =	simm.s32 $0x1BF5;
	[smem:$0x3FBB] =	sst s0  }
0x18: {  	s0 =	sld [smem:$0x3F9E];
	_ =	swait.ge [sflag:s4], $0x0  }
0x19: {  	s7 =	sld [smem:$0x3F9F]  }
0x1a: {  	s8 =	sadd.s32 $0xFFFFE003, lr  }
0x1b: {  	s9 =	sadd.s32 $0xFFFFFEF7, lr;
	s5 =	simm.s32 $0xFFFFFFFF;
	p2 =	slt.u32 s8, $0xFFFFF086  }
0x1c: {  	p1 =	slt.u32 s9, $0xF7A;
	s5 =	simm.s32 @!p2 $0x0  }
0x1d: {  	s5 =	simm.s32 @p1 $0x1;
	p0 =	seq.s32 s7, s2  }
0x1e: {  	s7 =	smul.u32 @!p0 $0xF7A, s2;
	p2 =	seq.s32 @!p0 s5, $0x0  }
0x1f: {  	s9 =	smul.u32 $0xF7A, s1;
	s8 =	simm.s32 @!p0 $0x1BF5;
	p2 =	por !p2, p0  }
0x20: {  	[sflag:s8] =	ssyncset.s32 @!p0 $0xFFFFF086;
	s6 =	sadd.s32 @!p0 s3, s7;
	s7 =	simm.s32 @!p0 $0x108  }
0x21: {  	s3 =	sadd.s32 s3, s9;
	s6 =	sadd.s32 @!p0 $0x88, s6;
	s7 =	simm.s32 @p2 $0x1082  }
0x22: {  	[simem:s7], [sflag:s8] =	dma.local @!p0 [hbm:s6], $0xF7A  }
0x23: {  	s9 =	sor.u32 $0xD0000000, s2;
	s6 =	simm.s32 $0x108;
	_ =	swait.ge @!p0 [sflag:s8], $0x0  }
0x24: {  	s3 =	sadd.s32 $0x88, s3;
	s6 =	simm.s32 @!p1 $0x1082;
	[sflag:s4] =	ssyncset.s32 $0xFFFFF086  }
0x25: {  	[simem:s6], [sflag:s4] =	dma.local [hbm:s3], $0xF7A  }
0x26: {  	[smem:$0x3F9F] =	sst s1;
	(tag) =	ssettag s2;
	_ =	strace s9  }
0x27: {  	s1 =	sld [smem:$0x3FAF]  }
0x28: {  	s2 =	sld [smem:$0x3FB0]  }
0x29: {  	s4 =	sld [smem:$0x3FB2]  }
0x2a: {  	p0 =	seq.s32 s5, $0x0;
	s5 =	sld [smem:$0x3FB3]  }
0x2b: {  	s6 =	sld [smem:$0x3FB4]  }
0x2c: {  	s7 =	sld [smem:$0x3FB5]  }
0x2d: {  	s3 =	simm.s32 $0x108;
	s8 =	sld [smem:$0x3FB6]  }
0x2e: {  	s3 =	simm.s32 @!p0 $0x1082;
	s9 =	sld [smem:$0x3FB7]  }
0x2f: {  	lr =	sadd.s32 s0, s3;
	s0 =	sld [smem:$0x3FAE]  }
0x30: {  	s3 =	sld [smem:$0x3FB1]  }
0x31: {  	[smem:$0x3FBA] =	sst s10  }
0x32: {  	s10 =	sld [smem:$0x3FB8];
	_ =	sdelay $0x3  }
0x33: {  	p0 =	seq.s32 s10, $0x1;
	s10 =	sld [smem:$0x3FBA];
	_ =	sdelay $0x3  }
0x34: {  	[smem:$0x3FBA] =	sst s10  }
0x35: {  	s10 =	sld [smem:$0x3FB9];
	_ =	sdelay $0x3  }
0x36: {  	p1 =	seq.s32 s10, $0x1;
	s10 =	sld [smem:$0x3FBA];
	_ =	sdelay $0x3  }
0x37: {  	[smem:$0x3FBA] =	sst s10  }
0x38: {  	s10 =	sld [smem:$0x3FBB]  }
0x39: {  	_ = 	snop;
	(pc) =	sbr.ind lr, $3  }
0x3a: {  	_ = 	snop  }
0x3b: {  	_ = 	snop  }
0x3c: {  	p2 =	seq.s32 s10, $0x1;
	s10 =	sld [smem:$0x3FBA]  }
0x3d: {  	_ =	shalt  }
0x3e: {  	_ =	shalt  }
0x3f: {  	_ =	shalt  }
0x40: {  	_ =	shalt  }
0x41: {  	_ =	shalt  }
0x42: {  	_ =	shalt  }
0x43: {  	_ =	shalt  }
0x44: {  	_ =	shalt  }
0x45: {  	_ =	shalt  }
0x46: {  	_ =	shalt  }
0x47: {  	_ =	shalt  }
0x48: {  	_ =	shalt  }
0x49: {  	_ =	shalt  }
0x4a: {  	_ =	shalt  }
0x4b: {  	_ =	shalt  }
0x4c: {  	_ =	shalt  }
0x4d: {  	_ =	shalt  }
0x4e: {  	_ =	shalt  }
0x4f: {  	_ =	shalt  }
0x50: {  	_ =	shalt  }
0x51: {  	_ =	shalt  }
0x52: {  	_ =	shalt  }
0x53: {  	_ =	shalt  }
0x54: {  	_ =	shalt  }
0x55: {  	_ =	shalt  }
0x56: {  	_ =	shalt  }
0x57: {  	_ =	shalt  }
0x58: {  	_ =	shalt  }
0x59: {  	_ =	shalt  }
0x5a: {  	_ =	shalt  }
0x5b: {  	_ =	shalt  }
0x5c: {  	_ =	shalt  }
0x5d: {  	_ =	shalt  }
0x5e: {  	_ =	shalt  }
0x5f: {  	_ =	shalt  }
0x60: {  	_ =	shalt  }
0x61: {  	_ =	shalt  }
0x62: {  	_ =	shalt  }
0x63: {  	_ =	shalt  }
0x64: {  	_ =	shalt  }
0x65: {  	_ =	shalt  }
0x66: {  	_ =	shalt  }
0x67: {  	_ =	shalt  }
0x68: {  	_ =	shalt  }
0x69: {  	_ =	shalt  }
0x6a: {  	_ =	shalt  }
0x6b: {  	_ =	shalt  }
0x6c: {  	_ =	shalt  }
0x6d: {  	_ =	shalt  }
0x6e: {  	_ =	shalt  }
0x6f: {  	_ =	shalt  }
0x70: {  	_ =	shalt  }
0x71: {  	_ =	shalt  }
0x72: {  	_ =	shalt  }
0x73: {  	_ =	shalt  }
0x74: {  	_ =	shalt  }
0x75: {  	_ =	shalt  }
0x76: {  	_ =	shalt  }
0x77: {  	_ =	shalt  }
0x78: {  	_ =	shalt  }
0x79: {  	_ =	shalt  }
0x7a: {  	_ =	shalt  }
0x7b: {  	_ =	shalt  }
0x7c: {  	_ =	shalt  }
0x7d: {  	_ =	shalt  }
0x7e: {  	_ =	shalt  }
0x7f: {  	_ =	shalt  }
0x80: {  	_ =	shalt  }
0x81: {  	_ =	shalt  }
0x82: {  	_ =	shalt  }
0x83: {  	_ =	shalt  }
0x84: {  	_ =	shalt  }
0x85: {  	_ =	shalt  }
0x86: {  	_ =	shalt  }
0x87: {  	_ =	shalt  }
.Lfunc_end0:
.L_simem_size_0:
called_computation.2_lowered:
.L_overlay_start_0:
0x88: {  	s2 =	sld [smem:$0x3FD9]  }
0x89: {  	s3 =	sld [smem:$0x3FFE];
	_ =	sdelay $0x1  }
0x8a: {  	s1 =	srdreg.scid  }
0x8b: {  	s0 =	sand.u32 $0x1, s1  }
0x8c: {  	s16 =	sshll.u32 s0, $0xA;
	s2 =	sadd.s32 s3, s2  }
0x8d: {  	s2 =	sadd.s32 s2, s16  }
0x8e: {  	[smem:$0x3FC6] =	sst s2  }
0x8f: {  	_ = 	snop  }
0x90: {  	(tm) =	ssettm $0x1  }
0x91: {  	s17 =	sld [smem:$0x3FFB];
	_ =	sdelay $0x3  }
0x92: {  	_ =	strace s17  }
0x93: {  	s2 =	sld [smem:$0x3FFC];
	_ =	sdelay $0x3  }
0x94: {  	_ =	strace s2  }
0x95: {  	s2 =	sld [smem:$0x3FFD];
	_ =	sdelay $0x3  }
0x96: {  	_ =	strace s2  }
0x97: {  	_ =	strace $0x8FFFFFFF  }
0x98: {  	s18 =	sld [smem:$0x3FDB];
	_ =	sdelay $0x1  }
0x99: {  	s19 =	simm.s32 $_scs_section_size  }
0x9a: {  	s4 =	simm.s32 $_size__tile_overlayer_lowered;
	s5 =	simm.s32 $_tile_overlayer_lowered  }
0x9b: {  	s22 =	simm.s32 $0x1BFF;
	s21 =	sshll.u32 s5, $0x1;
	s2 =	sadd.s32 s19, s18  }
0x9c: {  	s6 =	simm.s32 $0x0;
	s20 =	sshll.u32 s4, $0x1;
	s4 =	sadd.s32 s21, s2  }
0x9d: {  	[timem:s6], [sflag:s22] =	dma.local [hbm:s4], s20  }
0x9e: {  	_ =	swait.ge [sflag:s22], s20  }
0x9f: {  	s3 =	ssub.s32 $0x0, s20;
	[sflag:s22] =	ssyncset.done $0x0  }
0xa0: {  	[sflag:s22] =	ssyncadd.s32 s3;
	_ =	sdelay $0x1  }
0xa1: {  	s23 =	simm.s32 $0x1B8B  }
0xa2: {  	_ =	swait.ge [sflag:s23], $0x1  }
0xa3: {  	[sflag:s23] =	ssyncset.done $0x0  }
0xa4: {  	s25 =	simm.s32 $0x1B8E;
	s24 =	sld [smem:$0x3FFE];
	[sflag:s23] =	ssyncadd.s32 $0xFFFFFFFF  }
0xa5: {  	s26 =	simm.s32 $execute0_lowered;
	[smem:$0x3FD2] =	sst s25  }
0xa6: {  	s4 =	sshll.u32 s26, $0x1;
	_ =	strace $0x8000004C;
	[dreg:$0x1] =	wrdreg $0xFFFFFFFF  }
0xa7: {  	s28 =	simm.s32 $_size_execute0_lowered;
	s2 =	sadd.s32 s2, s4;
	[dreg:$0x0] =	wrdreg $0x0  }
0xa8: {  	s4 =	sshll.u32 s28, $0x1;
	[dreg:$0x2] =	wrdreg s2  }
0xa9: {  	[dreg:$0x3] =	wrdreg s4  }
0xaa: {  	[dreg:$0x4] =	wrdreg $0xC0  }
0xab: {  	_ =	task [dreg:s6], $0x5FFFF  }
0xac: {  	[dreg:$0x1] =	wrdreg $0xFFFFFFFF  }
0xad: {  	[dreg:$0x0] =	wrdreg $0x60  }
0xae: {  	[dreg:$0x2] =	wrdreg s24  }
0xaf: {  	[dreg:$0x3] =	wrdreg $0x9  }
0xb0: {  	_ =	task.clear_ibuf [dreg:s6], $0x4FFFF;
	_ =	strace $0x9000004C  }
0xb1: {  	s29 =	simm.s32 $0x9;
	_ =	strace $0x8000004E  }
0xb2: {  	_ =	swait.ge [sflag:s29], $0x1  }
0xb3: {  	[sflag:s29] =	ssyncadd.s32 $0xFFFFFFFF  }
0xb4: {  	_ =	strace $0x9000004E  }
0xb5: {  	_ =	sfence  }
0xb6: {  	s30 =	sld [smem:$0x0];
	_ =	sdelay $0x2  }
0xb7: {  	s31 =	sshll.u32 s1, $0xD;
	s1 =	sshrl.u32 s1, $0x2  }
0xb8: {  	s3 =	sand.u32 $0x4000, s31;
	s1 =	sadd.s32 s1, s30  }
0xb9: {  	s0 =	sor.u32 s3, s0;
	s1 =	sshll.u32 s1, $0x11  }
0xba: {  	s0 =	sor.u32 s1, s0  }
0xbb: {  	s0 =	sadd.s32 $0x8F2B, s0  }
0xbc: {  	[sflag:s0] =	ssyncadd.remote.s32 $0x1  }
0xbd: {  	_ =	sfence.sel $0xFFFF  }
0xbe: {  	[dreg:$0x0] =	wrdreg $0xFFFFFFFF;
	(pc) =	sbr.abs _section_cstart, $3  }
0xbf: {  	[dreg:$0x1] =	wrdreg $0xFFFFFFFF  }
0xc0: {  	_ =	task.clear_ibuf [dreg:s6], $0x2FFFF;
	_ =	strace $0x9FFFFFFF  }
0xc1: {  	(tm) =	ssettm $0x7FFFFFFF  }
tec
execute0_lowered:
.L_overlay_start_1:
0x0: {  	(tag) =	ssettag $0x1  }
0x1: {  	s1 =	rddreg [dreg:$0x0];
	s3 =	simm.s32 $0x0  }
0x2: {  	s6 =	stileid.u32;
	s0 =	srdreg.scid;
	s18 =	simm.s32 $0xA000  }
0x3: {  	s19 =	simm.s32 $0xC000;
	s20 =	simm.s32 $0xE000;
	s21 =	simm.s32 $0x10000  }
0x4: {  	s22 =	simm.s32 $0x12000;
	s23 =	simm.s32 $0x1;
	s24 =	simm.s32 $0x14000  }
0x5: {  	s25 =	simm.s32 $0x2;
	s28 =	simm.s32 $0x400;
	s29 =	simm.s32 $0x3  }
0x6: {  	s30 =	simm.s32 $0x0;
	[smem:$0x7FF] =	sst s3;
	s4 =	sadd.s32 $0x100000, s1  }
0x7: {  	s2 =	sshll.u32 s6, $0x7;
	s0 =	sand.u32 $0x1, s0;
	s6 =	sshll.u32 s6, $0x1  }
0x8: {  	_ =	strace $0x8000004D;
	s2 =	sand.u32 $0x600, s2;
	s5 =	ssub.s32 $0x2, s0  }
0x9: {  	s0 =	sor.u32 s0, s6;
	s2 =	sadd.s32 s2, s1;
	s7 =	sshrl.u32 s5, $0x1  }
0xa: {  	s10 =	sshll.u32 s0, $0xD;
	s26 =	sshll.u32 s0, $0x4;
	s12 =	ssub.s32 s5, s7  }
0xb: {  	s5 =	sshll.u32 s0, $0x10;
	s6 =	sadd.s32 s4, s10;
	s31 =	sand.u32 $0x70, s26  }
0xc: {  	s10 =	sadd.s32 s1, s10;
	s26 =	simm.s32 $0x80;
	s7 =	sadd.s32 $0x80000, s6  }
0xd: {  	v0 =	vimm.s32 $0x0;
	s8 =	sadd.s32 $0x100000, s6;
	s0 =	sadd.s32 s31, s2;
	s9 =	sadd.s32 $0x180000, s6  }
0xe: {  	v1 =	vlaneseq.u32;
	v2 =	vimm.s32 $0x2;
	v3 =	vimm.s32 $0x1;
	s12 =	smax.u32 s12, $0x1;
	s13 =	sor.u32 $0x2000, s5;
	s11 =	sadd.s32 $0x500000, s0  }
.LBB2_1:
0xf: {  	[tilespmem:$0x14000] =	vst v0  }
0x10: {  	[tilespmem:$0x14010] =	vst v0  }
0x11: {  	[tilespmem:$0x14020] =	vst v0  }
0x12: {  	[tilespmem:$0x14030] =	vst v0  }
0x13: {  	[tilespmem:$0x14040] =	vst v0  }
0x14: {  	[tilespmem:$0x14050] =	vst v0  }
0x15: {  	[tilespmem:$0x14060] =	vst v0  }
0x16: {  	[tilespmem:$0x14070] =	vst v0  }
0x17: {  	[tilespmem:$0x14080] =	vst v0  }
0x18: {  	[tilespmem:$0x14090] =	vst v0  }
0x19: {  	[tilespmem:$0x140A0] =	vst v0  }
0x1a: {  	[tilespmem:$0x140B0] =	vst v0  }
0x1b: {  	[tilespmem:$0x140C0] =	vst v0  }
0x1c: {  	[tilespmem:$0x140D0] =	vst v0  }
0x1d: {  	[tilespmem:$0x140E0] =	vst v0  }
0x1e: {  	[tilespmem:$0x140F0] =	vst v0  }
0x1f: {  	[tilespmem:$0x14100] =	vst v0  }
0x20: {  	[tilespmem:$0x14110] =	vst v0  }
0x21: {  	[tilespmem:$0x14120] =	vst v0  }
0x22: {  	[tilespmem:$0x14130] =	vst v0  }
0x23: {  	[tilespmem:$0x14140] =	vst v0  }
0x24: {  	[tilespmem:$0x14150] =	vst v0  }
0x25: {  	[tilespmem:$0x14160] =	vst v0  }
0x26: {  	[tilespmem:$0x14170] =	vst v0  }
0x27: {  	[tilespmem:$0x14180] =	vst v0  }
0x28: {  	[tilespmem:$0x14190] =	vst v0  }
0x29: {  	[tilespmem:$0x141A0] =	vst v0  }
0x2a: {  	[tilespmem:$0x141B0] =	vst v0  }
0x2b: {  	[tilespmem:$0x141C0] =	vst v0  }
0x2c: {  	[tilespmem:$0x141D0] =	vst v0  }
0x2d: {  	[tilespmem:$0x141E0] =	vst v0  }
0x2e: {  	[tilespmem:$0x141F0] =	vst v0  }
0x2f: {  	[tilespmem:s3], [sflag:$0x1] =	stream.linear.gather [hbm4b:s6+s3], $0x2000, $0x38;
	[tilespmem:$0x14200] =	vst v63  }
0x30: {  	s0 =	simm.s32 $0x2000  }
0x31: {  	[tilespmem:s0], [sflag:$0x1] =	stream.linear.gather [hbm4b:s7+s3], $0x2000, $0x38;
	[tilespmem:$0x14200] =	vst v63  }
0x32: {  	s15 =	simm.s32 $0x4000  }
0x33: {  	[tilespmem:s15], [sflag:$0x1] =	stream.linear.gather [hbm4b:s8+s3], $0x2000, $0x38;
	[tilespmem:$0x14200] =	vst v63  }
0x34: {  	s16 =	simm.s32 $0x6000  }
0x35: {  	[tilespmem:s16], [sflag:$0x1] =	stream.linear.gather [hbm4b:s9+s3], $0x2000, $0x38;
	[tilespmem:$0x14200] =	vst v63  }
0x36: {  	s17 =	simm.s32 $0x8000;
	s31 =	simm.s32 $0x0  }
0x37: {  	[tilespmem:s17], [sflag:$0x1] =	stream.linear.gather [hbm4b:s10+s3], $0x2000, $0x38;
	[tilespmem:$0x14200] =	vst v63  }
.LBB2_2:
0x38: {  	s0 =	sshll.u32 s31, $0xE  }
0x39: {  	s2 =	sshrl.u32 s31, $0x2;
	s0 =	sand.u32 $0xC000, s0  }
0x3a: {  	s14 =	sshll.u32 s2, $0x18;
	s0 =	sor.u32 s13, s0  }
0x3b: {  	s14 =	sor.u32 s14, s0  }
0x3c: {  	s14 =	sshrl.u32 s14, $0x3  }
0x3d: {  	s14 =	sadd.s32 s4, s14  }
0x3e: {  	[tilespmem:s18], [sflag:$0x2] =	stream.linear.gather [hbm4b:s14+s3], $0x2000, $0x38;
	[tilespmem:$0x14200] =	vst v63  }
0x3f: {  	s2 =	sshll.u32 s2, $0x16;
	s15 =	sadd.s32 $0x80000, s14  }
0x40: {  	[tilespmem:s19], [sflag:$0x2] =	stream.linear.gather [hbm4b:s15+s3], $0x2000, $0x38;
	[tilespmem:$0x14200] =	vst v63  }
0x41: {  	s0 =	sor.u32 s2, s0;
	s16 =	sadd.s32 $0x100000, s14  }
0x42: {  	[tilespmem:s20], [sflag:$0x2] =	stream.linear.gather [hbm4b:s16+s3], $0x2000, $0x38;
	[tilespmem:$0x14200] =	vst v63  }
0x43: {  	s0 =	sshrl.u32 s0, $0x3;
	s17 =	sadd.s32 $0x180000, s14  }
0x44: {  	[tilespmem:s21], [sflag:$0x2] =	stream.linear.gather [hbm4b:s17+s3], $0x2000, $0x38;
	[tilespmem:$0x14200] =	vst v63  }
0x45: {  	s0 =	sadd.s32 s1, s0  }
0x46: {  	[tilespmem:s22], [sflag:$0x2] =	stream.linear.gather [hbm4b:s0+s3], $0x2000, $0x38;
	[tilespmem:$0x14200] =	vst v63  }
0x47: {  	_ =	swait.ge [sflag:s23], $0x2000  }
0x48: {  	[sflag:s23] =	ssyncset.done $0x0  }
0x49: {  	[sflag:s23] =	ssyncadd.s32 $0xFFFFE000  }
0x4a: {  	_ =	swait.ge [sflag:s23], $0x2000  }
0x4b: {  	[sflag:s23] =	ssyncset.done $0x0  }
0x4c: {  	[sflag:s23] =	ssyncadd.s32 $0xFFFFE000  }
0x4d: {  	_ =	swait.ge [sflag:s23], $0x2000  }
0x4e: {  	[sflag:s23] =	ssyncset.done $0x0  }
0x4f: {  	[sflag:s23] =	ssyncadd.s32 $0xFFFFE000  }
0x50: {  	_ =	swait.ge [sflag:s23], $0x2000  }
0x51: {  	[sflag:s23] =	ssyncset.done $0x0  }
0x52: {  	[sflag:s23] =	ssyncadd.s32 $0xFFFFE000  }
0x53: {  	_ =	swait.ge [sflag:s23], $0x2000  }
0x54: {  	[sflag:s23] =	ssyncset.done $0x0  }
0x55: {  	s16 =	simm.s32 $0x20;
	[sflag:s23] =	ssyncadd.s32 $0xFFFFE000  }
0x56: {  	s0 =	simm.s32 $0x2020;
	v4 =	vld [tilespmem:s16+$0x10]  }
0x57: {  	s2 =	simm.s32 $0x4020;
	v5 =	vld [tilespmem:s0+$0x10]  }
0x58: {  	s14 =	simm.s32 $0x6020;
	v6 =	vld [tilespmem:s2+$0x10]  }
0x59: {  	v7 =	vld [tilespmem:s14+$0x10]  }
0x5a: {  	s15 =	simm.s32 $0x8020;
	v8 =	vld [tilespmem:s0+$0xFFFFFFE0]  }
0x5b: {  	v9 =	vld [tilespmem:s15+$0x10]  }
0x5c: {  	v10 =	vld [tilespmem:s2+$0xFFFFFFE0]  }
0x5d: {  	v11 =	vld [tilespmem:s14+$0xFFFFFFE0]  }
0x5e: {  	v12 =	vld [tilespmem:s16+$0xFFFFFFF0]  }
0x5f: {  	v13 =	vld [tilespmem:s0+$0xFFFFFFF0]  }
0x60: {  	v15 =	vld [tilespmem:s2+$0xFFFFFFF0]  }
0x61: {  	v59 =	vld [tilespmem:s2+$0x0];
	v14 =	vmax.f32 v4, v5  }
0x62: {  	s17 =	sshll.u32 s31, $0x6;
	v60 =	vld [tilespmem:s14+$0x0];
	v16 =	vmax.f32 v6, v7;
	vm0 =	vgt.f32 v5, v4;
	vm1 =	vgt.f32 v7, v6  }
0x63: {  	s17 =	sand.u32 $0x100, s17;
	v17 =	vld [tilespmem:s16+$0xFFFFFFE0];
	v6 =	vsel vm0, $0x1, v0;
	v7 =	vsel vm1, $0x3, v2;
	vm6 =	vgt.f32 v16, v14  }
0x64: {  	v5 =	vld [tilespmem:s14+$0xFFFFFFF0];
	v4 =	vor.u32 s17, v1;
	v6 =	vsel vm6, v7, v6;
	v7 =	vshll.u32 v9, $0x4  }
0x65: {  	v6 =	vshll.u32 v6, $0x6;
	v7 =	vadd.s32 v4, v7  }
0x66: {  	v58 =	vld [tilespmem:s16+$0x0];
	v6 =	vadd.s32 v6, v7  }
0x67: {  	vm7 =	vgt.f32 v13, v12;
	vm9 =	vgt.f32 v11, v10;
	v9 =	vld [tilespmem:s0+$0x0]  }
0x68: {  	v10 =	vmax.f32 v10, v11;
	vm12 =	vgt.f32 v60, v59;
	vm13 =	vgt.f32 v8, v17  }
0x69: {  	v61 =	vld [tilespmem:s15+$0xFFFFFFE0];
	v11 =	vsel vm9, $0x3, v2;
	v7 =	vmax.f32 v12, v13;
	v18 =	vmax.f32 v15, v5  }
0x6a: {  	v63 =	vsel vm13, $0x1, v0;
	vm8 =	vgt.f32 v5, v15;
	vm10 =	vgt.f32 v18, v7;
	v7 =	vld [tilespmem:s15+$0xFFFFFFF0]  }
0x6b: {  	v13 =	vsel vm7, $0x1, v0;
	v5 =	vsel vm8, $0x3, v2;
	[tilespmem:v6+s24+$0x0] =	vst.idx.add.s32.msk $0xffff, v3;
	v6 =	vmax.f32 v17, v8  }
0x6c: {  	v5 =	vsel vm10, v5, v13;
	v62 =	vmax.f32 v58, v9;
	vm14 =	vgt.f32 v10, v6;
	v6 =	vld [tilespmem:s15+$0x0]  }
0x6d: {  	vm11 =	vgt.f32 v9, v58;
	v9 =	vmax.f32 v59, v60;
	v5 =	vshll.u32 v5, $0x6  }
0x6e: {  	v14 =	vsel vm11, $0x1, v0;
	vm15 =	vgt.f32 v9, v62;
	v8 =	vsel vm12, $0x3, v2  }
0x6f: {  	s16 =	simm.s32 $0x0;
	s17 =	simm.s32 $0x60;
	v9 =	vshll.u32 v61, $0x4;
	v8 =	vsel vm15, v8, v14;
	v10 =	vsel vm14, v11, v63  }
.LBB2_3:
0x70: {  	v11 =	vld [tilespmem:s17+$0x10];
	v10 =	vshll.u32 v10, $0x6;
	v7 =	vshll.u32 v7, $0x4;
	v8 =	vshll.u32 v8, $0x6;
	s0 =	sadd.s32 $0x40, s0  }
0x71: {  	v9 =	vadd.s32 v4, v9;
	s2 =	sadd.s32 $0x40, s2;
	v12 =	vld [tilespmem:s0+$0x10];
	v7 =	vadd.s32 v4, v7;
	v6 =	vshll.u32 v6, $0x4  }
0x72: {  	s14 =	sadd.s32 $0x40, s14;
	v9 =	vadd.s32 v10, v9;
	v13 =	vld [tilespmem:s2+$0x10];
	v10 =	vadd.s32 v5, v7;
	v5 =	vadd.s32 v4, v6  }
0x73: {  	s16 =	sadd.s32 $0x4, s16;
	v6 =	vld [tilespmem:s14+$0x10];
	v14 =	vadd.s32 v8, v5  }
0x74: {  	s15 =	sadd.s32 $0x40, s15;
	p0 =	slt.u32 s16, $0x1FC;
	v8 =	vld [tilespmem:s0+$0xFFFFFFE0]  }
0x75: {  	v5 =	vld [tilespmem:s15+$0x10]  }
0x76: {  	v7 =	vld [tilespmem:s2+$0xFFFFFFE0]  }
0x77: {  	v16 =	vmax.f32 v11, v12;
	v15 =	vld [tilespmem:s14+$0xFFFFFFE0]  }
0x78: {  	vm0 =	vgt.f32 v12, v11;
	v17 =	vld [tilespmem:s17+$0xFFFFFFF0];
	v18 =	vmax.f32 v13, v6;
	vm1 =	vgt.f32 v6, v13  }
0x79: {  	v11 =	vsel vm0, $0x1, v0;
	v6 =	vld [tilespmem:s0+$0xFFFFFFF0];
	v12 =	vsel vm1, $0x3, v2;
	vm0 =	vgt.f32 v18, v16  }
0x7a: {  	v13 =	vld [tilespmem:s2+$0xFFFFFFF0];
	v11 =	vsel vm0, v12, v11;
	v5 =	vshll.u32 v5, $0x4  }
0x7b: {  	v12 =	vld [tilespmem:s14+$0xFFFFFFF0];
	v11 =	vshll.u32 v11, $0x6;
	v5 =	vadd.s32 v4, v5  }
0x7c: {  	v16 =	vmax.f32 v7, v15;
	vm0 =	vgt.f32 v15, v7;
	v7 =	vld [tilespmem:s17+$0x0];
	v5 =	vadd.s32 v11, v5  }
0x7d: {  	v11 =	vsel vm0, $0x3, v2;
	v15 =	vld [tilespmem:s0+$0x0]  }
0x7e: {  	v18 =	vmax.f32 v17, v6;
	vm0 =	vgt.f32 v6, v17;
	v17 =	vld [tilespmem:s2+$0x0]  }
0x7f: {  	v6 =	vsel vm0, $0x1, v0;
	v19 =	vld [tilespmem:s14+$0x0]  }
0x80: {  	v20 =	vld [tilespmem:s17+$0xFFFFFFE0];
	v21 =	vmax.f32 v13, v12;
	vm0 =	vgt.f32 v12, v13  }
0x81: {  	v12 =	vsel vm0, $0x3, v2;
	vm0 =	vgt.f32 v21, v18;
	[tilespmem:v5+s24+$0x0] =	vst.idx.add.s32.msk $0xffff, v3  }
0x82: {  	v13 =	vld [tilespmem:s15+$0xFFFFFFE0];
	v5 =	vsel vm0, v12, v6;
	v12 =	vmax.f32 v7, v15;
	vm0 =	vgt.f32 v15, v7  }
.Ltmp0:
0x83: {  	v7 =	vld [tilespmem:s15+$0xFFFFFFF0];
	v5 =	vshll.u32 v5, $0x6;
	v15 =	vsel vm0, $0x1, v0;
	(pc) =	sbr.rel @p0 .LBB2_3-.Ltmp0, $4  }
0x84: {  	v6 =	vld [tilespmem:s15+$0x0];
	v18 =	vmax.f32 v17, v19;
	vm0 =	vgt.f32 v19, v17  }
0x85: {  	v17 =	vmax.f32 v20, v8;
	vm1 =	vgt.f32 v8, v20;
	v8 =	vsel vm0, $0x3, v2;
	[tilespmem:v9+s24+$0x0] =	vst.idx.add.s32.msk $0xffff, v3  }
0x86: {  	v9 =	vsel vm1, $0x1, v0;
	vm0 =	vgt.f32 v16, v17;
	vm1 =	vgt.f32 v18, v12;
	[tilespmem:v10+s24+$0x0] =	vst.idx.add.s32.msk $0xffff, v3  }
0x87: {  	s17 =	sadd.s32 $0x40, s17;
	v10 =	vsel vm0, v11, v9;
	v9 =	vshll.u32 v13, $0x4;
	v8 =	vsel vm1, v8, v15;
	[tilespmem:v14+s24+$0x0] =	vst.idx.add.s32.msk $0xffff, v3  }
0x88: {  	v10 =	vshll.u32 v10, $0x6;
	v7 =	vshll.u32 v7, $0x4;
	v9 =	vadd.s32 v4, v9;
	p0 =	seq.s32 s31, $0x7  }
0x89: {  	v7 =	vadd.s32 v4, v7;
	v6 =	vshll.u32 v6, $0x4;
	v9 =	vadd.s32 v10, v9;
	s0 =	sshll.u32 @!p0 s31, $0x1  }
0x8a: {  	v8 =	vshll.u32 v8, $0x6;
	v5 =	vadd.s32 v5, v7;
	v6 =	vadd.s32 v4, v6;
	s0 =	sadd.s32 @!p0 $0x2, s0  }
0x8b: {  	v6 =	vadd.s32 v8, v6;
	s2 =	sshll.u32 @!p0 s0, $0xD  }
0x8c: {  	s0 =	sshrl.u32 @!p0 s0, $0x3;
	s2 =	sand.u32 @!p0 $0xC000, s2  }
0x8d: {  	s14 =	sshll.u32 @!p0 s0, $0x18;
	s2 =	sor.u32 @!p0 s5, s2  }
0x8e: {  	[tilespmem:v9+s24+$0x0] =	vst.idx.add.s32.msk $0xffff, v3;
	s14 =	sor.u32 @!p0 s14, s2  }
0x8f: {  	[tilespmem:v5+s24+$0x0] =	vst.idx.add.s32.msk $0xffff, v3;
	s14 =	sshrl.u32 @!p0 s14, $0x3  }
0x90: {  	s15 =	simm.s32 @!p0 $0x0;
	[tilespmem:v6+s24+$0x0] =	vst.idx.add.s32.msk $0xffff, v3;
	s14 =	sadd.s32 @!p0 s4, s14  }
0x91: {  	[tilespmem:s15], [sflag:$0x1] =	stream.linear.gather @!p0 [hbm4b:s14+s15], $0x2000, $0x38;
	[tilespmem:$0x14200] =	vst v63  }
0x92: {  	s17 =	simm.s32 @!p0 $0x2000;
	s0 =	sshll.u32 @!p0 s0, $0x16;
	s16 =	sadd.s32 @!p0 $0x80000, s14  }
0x93: {  	[tilespmem:s17], [sflag:$0x1] =	stream.linear.gather @!p0 [hbm4b:s16+s15], $0x2000, $0x38;
	[tilespmem:$0x14200] =	vst v63  }
0x94: {  	s0 =	sor.u32 @!p0 s0, s2;
	s16 =	sadd.s32 @!p0 $0x100000, s14;
	s17 =	simm.s32 @!p0 $0x4000  }
0x95: {  	[tilespmem:s17], [sflag:$0x1] =	stream.linear.gather @!p0 [hbm4b:s16+s15], $0x2000, $0x38;
	[tilespmem:$0x14200] =	vst v63  }
0x96: {  	s0 =	sshrl.u32 @!p0 s0, $0x3;
	s2 =	sadd.s32 @!p0 $0x180000, s14;
	s14 =	simm.s32 @!p0 $0x6000  }
0x97: {  	[tilespmem:s14], [sflag:$0x1] =	stream.linear.gather @!p0 [hbm4b:s2+s15], $0x2000, $0x38;
	[tilespmem:$0x14200] =	vst v63  }
0x98: {  	s0 =	sadd.s32 @!p0 s1, s0;
	s2 =	simm.s32 @!p0 $0x8000  }
0x99: {  	[tilespmem:s2], [sflag:$0x1] =	stream.linear.gather @!p0 [hbm4b:s0+s15], $0x2000, $0x38;
	[tilespmem:$0x14200] =	vst v63  }
0x9a: {  	_ =	swait.ge [sflag:s25], $0x2000  }
0x9b: {  	[sflag:s25] =	ssyncset.done $0x0  }
0x9c: {  	[sflag:s25] =	ssyncadd.s32 $0xFFFFE000  }
0x9d: {  	_ =	swait.ge [sflag:s25], $0x2000  }
0x9e: {  	[sflag:s25] =	ssyncset.done $0x0  }
0x9f: {  	[sflag:s25] =	ssyncadd.s32 $0xFFFFE000  }
0xa0: {  	_ =	swait.ge [sflag:s25], $0x2000  }
0xa1: {  	[sflag:s25] =	ssyncset.done $0x0  }
0xa2: {  	[sflag:s25] =	ssyncadd.s32 $0xFFFFE000  }
0xa3: {  	_ =	swait.ge [sflag:s25], $0x2000  }
0xa4: {  	[sflag:s25] =	ssyncset.done $0x0  }
0xa5: {  	[sflag:s25] =	ssyncadd.s32 $0xFFFFE000  }
0xa6: {  	_ =	swait.ge [sflag:s25], $0x2000  }
0xa7: {  	[sflag:s25] =	ssyncset.done $0x0  }
0xa8: {  	s17 =	simm.s32 $0xA020;
	[sflag:s25] =	ssyncadd.s32 $0xFFFFE000  }
0xa9: {  	s0 =	simm.s32 $0xC020;
	v5 =	vld [tilespmem:s17+$0x10]  }
0xaa: {  	s2 =	simm.s32 $0xE020;
	v6 =	vld [tilespmem:s0+$0x10]  }
0xab: {  	s14 =	simm.s32 $0x10020;
	v7 =	vld [tilespmem:s2+$0x10]  }
0xac: {  	v8 =	vld [tilespmem:s14+$0x10]  }
0xad: {  	s15 =	simm.s32 $0x12020;
	v9 =	vld [tilespmem:s0+$0xFFFFFFE0]  }
0xae: {  	v10 =	vld [tilespmem:s15+$0x10]  }
0xaf: {  	v11 =	vld [tilespmem:s2+$0xFFFFFFE0]  }
0xb0: {  	v12 =	vld [tilespmem:s14+$0xFFFFFFE0]  }
0xb1: {  	v13 =	vld [tilespmem:s17+$0xFFFFFFF0]  }
0xb2: {  	v14 =	vld [tilespmem:s0+$0xFFFFFFF0]  }
0xb3: {  	v16 =	vld [tilespmem:s2+$0xFFFFFFF0]  }
0xb4: {  	v57 =	vld [tilespmem:s2+$0x0];
	v15 =	vmax.f32 v5, v6  }
0xb5: {  	v58 =	vld [tilespmem:s14+$0x0];
	v17 =	vmax.f32 v7, v8;
	vm0 =	vgt.f32 v6, v5;
	vm1 =	vgt.f32 v8, v7  }
0xb6: {  	v59 =	vld [tilespmem:s17+$0xFFFFFFE0];
	v6 =	vsel vm0, $0x1, v0;
	v7 =	vsel vm1, $0x3, v2;
	vm6 =	vgt.f32 v17, v15  }
0xb7: {  	v5 =	vld [tilespmem:s14+$0xFFFFFFF0];
	v6 =	vsel vm6, v7, v6;
	v7 =	vshll.u32 v10, $0x4  }
0xb8: {  	v6 =	vshll.u32 v6, $0x6;
	v7 =	vadd.s32 v4, v7  }
0xb9: {  	v8 =	vld [tilespmem:s17+$0x0];
	v6 =	vadd.s32 v6, v7  }
0xba: {  	vm7 =	vgt.f32 v14, v13;
	vm9 =	vgt.f32 v12, v11;
	v10 =	vld [tilespmem:s0+$0x0]  }
0xbb: {  	v11 =	vmax.f32 v11, v12;
	vm12 =	vgt.f32 v58, v57;
	vm13 =	vgt.f32 v9, v59  }
0xbc: {  	v61 =	vld [tilespmem:s15+$0xFFFFFFE0];
	v7 =	vmax.f32 v13, v14;
	v18 =	vmax.f32 v16, v5;
	vm8 =	vgt.f32 v5, v16  }
0xbd: {  	v14 =	vsel vm7, $0x1, v0;
	v5 =	vsel vm8, $0x3, v2;
	vm10 =	vgt.f32 v18, v7;
	v7 =	vld [tilespmem:s15+$0xFFFFFFF0]  }
0xbe: {  	v60 =	vsel vm9, $0x3, v2;
	v5 =	vsel vm10, v5, v14;
	[tilespmem:v6+s24+$0x0] =	vst.idx.add.s32.msk $0xffff, v3;
	v6 =	vmax.f32 v59, v9  }
0xbf: {  	v62 =	vmax.f32 v8, v10;
	vm11 =	vgt.f32 v10, v8;
	vm14 =	vgt.f32 v11, v6;
	v6 =	vld [tilespmem:s15+$0x0]  }
0xc0: {  	v8 =	vmax.f32 v57, v58;
	v10 =	vsel vm13, $0x1, v0;
	v5 =	vshll.u32 v5, $0x6  }
0xc1: {  	v63 =	vsel vm11, $0x1, v0;
	vm15 =	vgt.f32 v8, v62;
	v9 =	vsel vm12, $0x3, v2  }
0xc2: {  	s16 =	simm.s32 $0x0;
	s17 =	simm.s32 $0xA060;
	v8 =	vshll.u32 v61, $0x4;
	v9 =	vsel vm15, v9, v63;
	v10 =	vsel vm14, v60, v10  }
.LBB2_5:
0xc3: {  	v11 =	vld [tilespmem:s17+$0x10];
	v10 =	vshll.u32 v10, $0x6;
	v7 =	vshll.u32 v7, $0x4;
	v9 =	vshll.u32 v9, $0x6;
	s0 =	sadd.s32 $0x40, s0  }
0xc4: {  	v8 =	vadd.s32 v4, v8;
	s2 =	sadd.s32 $0x40, s2;
	v12 =	vld [tilespmem:s0+$0x10];
	v7 =	vadd.s32 v4, v7;
	v6 =	vshll.u32 v6, $0x4  }
0xc5: {  	s14 =	sadd.s32 $0x40, s14;
	v8 =	vadd.s32 v10, v8;
	v13 =	vld [tilespmem:s2+$0x10];
	v10 =	vadd.s32 v5, v7;
	v5 =	vadd.s32 v4, v6  }
0xc6: {  	s16 =	sadd.s32 $0x4, s16;
	v6 =	vld [tilespmem:s14+$0x10];
	v14 =	vadd.s32 v9, v5  }
0xc7: {  	s15 =	sadd.s32 $0x40, s15;
	p0 =	slt.u32 s16, $0x1FC;
	v9 =	vld [tilespmem:s0+$0xFFFFFFE0]  }
0xc8: {  	v5 =	vld [tilespmem:s15+$0x10]  }
0xc9: {  	v7 =	vld [tilespmem:s2+$0xFFFFFFE0]  }
0xca: {  	v16 =	vmax.f32 v11, v12;
	v15 =	vld [tilespmem:s14+$0xFFFFFFE0]  }
0xcb: {  	vm0 =	vgt.f32 v12, v11;
	v17 =	vld [tilespmem:s17+$0xFFFFFFF0];
	v18 =	vmax.f32 v13, v6;
	vm1 =	vgt.f32 v6, v13  }
0xcc: {  	v11 =	vsel vm0, $0x1, v0;
	v6 =	vld [tilespmem:s0+$0xFFFFFFF0];
	v12 =	vsel vm1, $0x3, v2;
	vm0 =	vgt.f32 v18, v16  }
0xcd: {  	v13 =	vld [tilespmem:s2+$0xFFFFFFF0];
	v11 =	vsel vm0, v12, v11;
	v5 =	vshll.u32 v5, $0x4  }
0xce: {  	v12 =	vld [tilespmem:s14+$0xFFFFFFF0];
	v11 =	vshll.u32 v11, $0x6;
	v5 =	vadd.s32 v4, v5  }
0xcf: {  	v16 =	vmax.f32 v7, v15;
	vm0 =	vgt.f32 v15, v7;
	v7 =	vld [tilespmem:s17+$0x0];
	v5 =	vadd.s32 v11, v5  }
0xd0: {  	v11 =	vsel vm0, $0x3, v2;
	v15 =	vld [tilespmem:s0+$0x0]  }
0xd1: {  	v18 =	vmax.f32 v17, v6;
	vm0 =	vgt.f32 v6, v17;
	v17 =	vld [tilespmem:s2+$0x0]  }
0xd2: {  	v6 =	vsel vm0, $0x1, v0;
	v19 =	vld [tilespmem:s14+$0x0]  }
0xd3: {  	v20 =	vld [tilespmem:s17+$0xFFFFFFE0];
	v21 =	vmax.f32 v13, v12;
	vm0 =	vgt.f32 v12, v13  }
0xd4: {  	v12 =	vsel vm0, $0x3, v2;
	vm0 =	vgt.f32 v21, v18;
	[tilespmem:v5+s24+$0x0] =	vst.idx.add.s32.msk $0xffff, v3  }
0xd5: {  	v13 =	vld [tilespmem:s15+$0xFFFFFFE0];
	v5 =	vsel vm0, v12, v6;
	v12 =	vmax.f32 v7, v15;
	vm0 =	vgt.f32 v15, v7  }
.Ltmp1:
0xd6: {  	v7 =	vld [tilespmem:s15+$0xFFFFFFF0];
	v5 =	vshll.u32 v5, $0x6;
	v15 =	vsel vm0, $0x1, v0;
	(pc) =	sbr.rel @p0 .LBB2_5-.Ltmp1, $4  }
0xd7: {  	v6 =	vld [tilespmem:s15+$0x0];
	v18 =	vmax.f32 v17, v19;
	vm0 =	vgt.f32 v19, v17  }
0xd8: {  	v17 =	vmax.f32 v20, v9;
	vm1 =	vgt.f32 v9, v20;
	v9 =	vsel vm0, $0x3, v2;
	[tilespmem:v8+s24+$0x0] =	vst.idx.add.s32.msk $0xffff, v3  }
0xd9: {  	v8 =	vsel vm1, $0x1, v0;
	vm0 =	vgt.f32 v16, v17;
	vm1 =	vgt.f32 v18, v12;
	[tilespmem:v10+s24+$0x0] =	vst.idx.add.s32.msk $0xffff, v3  }
0xda: {  	s17 =	sadd.s32 $0x40, s17;
	v10 =	vsel vm0, v11, v8;
	v8 =	vshll.u32 v13, $0x4;
	v9 =	vsel vm1, v9, v15;
	[tilespmem:v14+s24+$0x0] =	vst.idx.add.s32.msk $0xffff, v3  }
0xdb: {  	v10 =	vshll.u32 v10, $0x6;
	v7 =	vshll.u32 v7, $0x4;
	v8 =	vadd.s32 v4, v8  }
0xdc: {  	v7 =	vadd.s32 v4, v7;
	v6 =	vshll.u32 v6, $0x4;
	v8 =	vadd.s32 v10, v8  }
0xdd: {  	v9 =	vshll.u32 v9, $0x6;
	s31 =	sadd.s32 $0x1, s31;
	v5 =	vadd.s32 v5, v7;
	v4 =	vadd.s32 v4, v6  }
0xde: {  	p0 =	sne.s32 s31, $0x8;
	v4 =	vadd.s32 v9, v4  }
.Ltmp2:
0xdf: {  	_ = 	snop;
	(pc) =	sbr.rel @p0 .LBB2_2-.Ltmp2, $4  }
0xe0: {  	_ = 	snop  }
0xe1: {  	[tilespmem:v8+s24+$0x0] =	vst.idx.add.s32.msk $0xffff, v3  }
0xe2: {  	[tilespmem:v5+s24+$0x0] =	vst.idx.add.s32.msk $0xffff, v3  }
0xe3: {  	[tilespmem:v4+s24+$0x0] =	vst.idx.add.s32.msk $0xffff, v3  }
0xe4: {  	s30 =	sadd.s32 $0x1, s30  }
0xe5: {  	p0 =	sne.s32 s30, s12  }
.Ltmp3:
0xe6: {  	_ = 	snop;
	(pc) =	sbr.rel @p0 .LBB2_1-.Ltmp3, $4  }
0xe7: {  	[hbm4b:s11+s26] =	stream.strided.scatter [tilespmem:s24], [sflag:$0x3], $0x200, s28, s26, $0x38;
	[tilespmem:$0x14200] =	vst v63  }
0xe8: {  	_ =	swait.ge [sflag:s29], $0x200  }
0xe9: {  	[sflag:s29] =	ssyncset.done $0x0  }
0xea: {  	[sflag:s29] =	ssyncadd.s32 $0xFFFFFE00  }
0xeb: {  	_ =	sfence.sel $0x180000  }
0xec: {  	[bflag:$0x0] =	sbarrier.arrive $0xFFFF  }
0xed: {  	_ =	strace $0x9000004D  }
0xee: {  	s0 =	stileid.u32;
	[bflag:$0x2] =	sbarrier.arrive $0xFFFF  }
0xef: {  	p0 =	sne.s32 s0, $0x0;
	s0 =	rddreg [dreg:$0x1]  }
0xf0: {  	s0 =	sadd.s32 @!p0 $0x100000, s0  }
0xf1: {  	[sflag:s0] =	ssyncadd.tile.s32 @!p0 $0x1;
	_ =	shalt  }
.Lfunc_end2:
_tile_overlayer_lowered:
.L_overlay_start_2:
0xf2: {  	(tag) =	ssettag $0x2  }
0xf3: {  	s0 =	rddreg [dreg:$0x0];
	s2 =	stileid.u32  }
0xf4: {  	s1 =	rddreg [dreg:$0x1];
	p0 =	sne.s32 s2, $0x0  }
0xf5: {  	s3 =	rddreg [dreg:$0x2];
	[bflag:$0x3] =	sbarrier.arrive $0xFFFF;
	s2 =	simm.s32 @!p0 $0x1C03  }
0xf6: {  	[timem:s3], [sflag:s2] =	dma.local @!p0 [hbm:s0], s1  }
0xf7: {  	s0 =	simm.s32 @!p0 $0x3  }
0xf8: {  	_ =	swait.ge @!p0 [sflag:s0], s1  }
0xf9: {  	s1 =	ssub.s32 @!p0 $0x0, s1;
	[sflag:s0] =	ssyncset.done @!p0 $0x0  }
0xfa: {  	[sflag:s0] =	ssyncadd.s32 @!p0 s1  }
0xfb: {  	[bflag:$0x3] =	sbarrier.arrive $0xFFFF  }
0xfc: {  	_ =	shalt  }

// kernel: sparse-core-data-format-call.1.cloned.1.call-start
scs
called_computation.1_lowered:
.L_overlay_start_0:
0x0: {  	s2 =	sld [smem:$0x3FD9]  }
0x1: {  	s3 =	sld [smem:$0x3FFE];
	_ =	sdelay $0x1  }
0x2: {  	s1 =	srdreg.scid  }
0x3: {  	s0 =	sand.u32 $0x1, s1  }
0x4: {  	s18 =	sshll.u32 s0, $0xA;
	s2 =	sadd.s32 s3, s2  }
0x5: {  	s2 =	sadd.s32 s2, s18  }
0x6: {  	[smem:$0x3FC6] =	sst s2  }
0x7: {  	_ = 	snop  }
0x8: {  	s19 =	sld [smem:$0x3FC9];
	(tm) =	ssettm $0x1  }
0x9: {  	s20 =	sld [smem:$0x3FFB];
	_ =	sdelay $0x3  }
0xa: {  	_ =	strace s20  }
0xb: {  	s2 =	sld [smem:$0x3FFC];
	_ =	sdelay $0x3  }
0xc: {  	_ =	strace s2  }
0xd: {  	s2 =	sld [smem:$0x3FFD];
	_ =	sdelay $0x3  }
0xe: {  	_ =	strace s2  }
0xf: {  	_ =	strace $0x8FFFFFFF  }
0x10: {  	s21 =	sld [smem:$0x3FDB];
	_ =	sdelay $0x1  }
0x11: {  	s4 =	simm.s32 $_scs_section_size  }
0x12: {  	s5 =	simm.s32 $_size__tile_overlayer_lowered;
	s6 =	simm.s32 $_tile_overlayer_lowered  }
0x13: {  	s7 =	simm.s32 $0x1BFF;
	s22 =	sshll.u32 s6, $0x1;
	s4 =	sadd.s32 s4, s21  }
0x14: {  	s23 =	simm.s32 $0x0;
	s5 =	sshll.u32 s5, $0x1;
	s6 =	sadd.s32 s22, s4  }
0x15: {  	[timem:s23], [sflag:s7] =	dma.local [hbm:s6], s5  }
0x16: {  	_ =	swait.ge [sflag:s7], s5  }
0x17: {  	s5 =	ssub.s32 $0x0, s5;
	[sflag:s7] =	ssyncset.done $0x0  }
0x18: {  	[sflag:s7] =	ssyncadd.s32 s5;
	_ =	sdelay $0x1  }
0x19: {  	s24 =	simm.s32 $0x1B8B  }
0x1a: {  	_ =	swait.ge [sflag:s24], $0x1  }
0x1b: {  	[sflag:s24] =	ssyncset.done $0x0  }
0x1c: {  	[sflag:s24] =	ssyncadd.s32 $0xFFFFFFFF  }
0x1d: {  	s5 =	sld [smem:$0x0]  }
0x1e: {  	s6 =	sand.u32 $0xFFFFFFFE, s1  }
0x1f: {  	p0 =	sne.s32 s1, s6  }
0x20: {  	s6 =	sshll.u32 @p0 s6, $0xE  }
0x21: {  	s6 =	sadd.s32 @p0 $0x11B8D, s6;
	s7 =	sshll.u32 @p0 s5, $0x11  }
0x22: {  	s6 =	sor.u32 @p0 s7, s6  }
0x23: {  	[sflag:s6] =	ssyncadd.remote.s32 @p0 $0x1;
	_ =	sdelay $0x1  }
0x24: {  	s6 =	simm.s32 @p0 $0x1B8D  }
0x25: {  	_ =	swait.eq @p0 [sflag:s6], $0x1  }
0x26: {  	[sflag:s6] =	ssyncadd.s32 @p0 $0xFFFFFFFF  }
0x27: {  	s7 =	sshll.u32 @!p0 s1, $0xE  }
0x28: {  	s7 =	sor.u32 @!p0 $0x4000, s7;
	s6 =	simm.s32 @!p0 $0x1B8D  }
0x29: {  	s5 =	sshll.u32 @!p0 s5, $0x11;
	s7 =	sadd.s32 @!p0 $0x11B8D, s7;
	_ =	swait.eq @!p0 [sflag:s6], $0x1  }
0x2a: {  	s5 =	sor.u32 @!p0 s5, s7;
	[sflag:s6] =	ssyncadd.s32 @!p0 $0xFFFFFFFF  }
0x2b: {  	s26 =	simm.s32 $0x1B8E;
	s25 =	sld [smem:$0x3FFE];
	[sflag:s5] =	ssyncadd.remote.s32 @!p0 $0x1  }
0x2c: {  	s27 =	simm.s32 $execute0_lowered;
	[smem:$0x3FD2] =	sst s26  }
0x2d: {  	s6 =	sshll.u32 s27, $0x1;
	_ =	strace $0x80000049;
	[dreg:$0x1] =	wrdreg $0xFFFFFFFF  }
0x2e: {  	s28 =	simm.s32 $_size_execute0_lowered;
	s4 =	sadd.s32 s4, s6;
	[dreg:$0x0] =	wrdreg $0x0  }
0x2f: {  	s6 =	sshll.u32 s28, $0x1;
	[dreg:$0x2] =	wrdreg s4  }
0x30: {  	[dreg:$0x3] =	wrdreg s6  }
0x31: {  	[dreg:$0x4] =	wrdreg $0xC0  }
0x32: {  	_ =	task [dreg:s23], $0x5FFFF  }
0x33: {  	[dreg:$0x1] =	wrdreg $0xFFFFFFFF  }
0x34: {  	[dreg:$0x0] =	wrdreg $0x60  }
0x35: {  	[dreg:$0x2] =	wrdreg s19  }
0x36: {  	[dreg:$0x3] =	wrdreg s25  }
0x37: {  	[dreg:$0x4] =	wrdreg $0xA  }
0x38: {  	_ =	task.clear_ibuf [dreg:s23], $0x5FFFF;
	_ =	strace $0x90000049  }
0x39: {  	s29 =	simm.s32 $0xA;
	_ =	strace $0x8000004B  }
0x3a: {  	_ =	swait.ge [sflag:s29], $0x1  }
0x3b: {  	[sflag:s29] =	ssyncadd.s32 $0xFFFFFFFF  }
0x3c: {  	_ =	strace $0x9000004B  }
0x3d: {  	_ =	sfence  }
0x3e: {  	s30 =	sld [smem:$0x0];
	_ =	sdelay $0x2  }
0x3f: {  	s31 =	sshll.u32 s1, $0xD;
	s1 =	sshrl.u32 s1, $0x2  }
0x40: {  	s4 =	sand.u32 $0x4000, s31;
	s1 =	sadd.s32 s1, s30  }
0x41: {  	s0 =	sor.u32 s4, s0;
	s1 =	sshll.u32 s1, $0x11  }
0x42: {  	s0 =	sor.u32 s1, s0  }
0x43: {  	s0 =	sadd.s32 $0x8F2B, s0  }
0x44: {  	[sflag:s0] =	ssyncadd.remote.s32 $0x1  }
0x45: {  	_ =	sfence.sel $0xFFFF  }
0x46: {  	[dreg:$0x0] =	wrdreg $0xFFFFFFFF;
	(pc) =	sbr.abs _section_cstart, $3  }
0x47: {  	[dreg:$0x1] =	wrdreg $0xFFFFFFFF  }
0x48: {  	_ =	task.clear_ibuf [dreg:s23], $0x2FFFF;
	_ =	strace $0x9FFFFFFF  }
0x49: {  	(tm) =	ssettm $0x7FFFFFFF  }
tec
execute0_lowered:
.L_overlay_start_1:
0x0: {  	(tag) =	ssettag $0x1  }
0x1: {  	s0 =	srdreg.scid  }
0x2: {  	s1 =	sshll.u32 s0, $0x4  }
0x3: {  	s2 =	rddreg [dreg:$0x0];
	s0 =	stileid.u32;
	s1 =	sand.u32 $0x10, s1  }
0x4: {  	s4 =	rddreg [dreg:$0x1];
	s7 =	simm.s32 $0x1;
	s1 =	sor.u32 s0, s1  }
0x5: {  	s8 =	simm.s32 $0x2;
	s9 =	simm.s32 $0x0;
	s3 =	sshll.u32 s1, $0x3  }
0x6: {  	s12 =	simm.s32 $0x0;
	s11 =	simm.s32 $0x0;
	s6 =	ssub.s32 $0x4000, s3  }
.Ltmp0:
0x7: {  	s4 =	sadd.s32 $0x100000, s4;
	s5 =	sand.u32 $0xF8, s6;
	(pc) =	sbr.rel .LBB1_1-.Ltmp0, $4  }
0x8: {  	s1 =	rddreg [dreg:$0x2];
	_ =	strace $0x8000004A;
	p0 =	sne.s32 s5, $0x0  }
0x9: {  	s6 =	sshrl.u32 s6, $0x8;
	s5 =	simm.s32 $0x1;
	s7 =	simm.s32 @!p0 $0x0  }
0xa: {  	s10 =	smov.u32 s3;
	[sflag:s5] =	ssyncpa.u1 $0x0;
	s6 =	sadd.s32 s7, s6  }
0xb: {  	[sflag:s8] =	ssyncpa.u1 $0x0;
	s8 =	simm.s32 $0x0;
	s7 =	sadd.s32 $0x1, s6  }
.LBB1_9:
0xc: {  	s14 =	sadd.s32 $0x100, s10  }
0xd: {  	p1 =	sgt.s32 s14, $0x3FFF  }
0xe: {  	s14 =	smov.u32 @p1 s3;
	p1 =	sne.s32 s11, s7  }
.Ltmp1:
0xf: {  	p0 =	slt.u32 s11, $0x2;
	(pc) =	sbr.rel @!p1 .LBB1_10-.Ltmp1, $4  }
0x10: {  	s13 =	simm.s32 @!p0 $0x2  }
0x11: {  	s15 =	sadd.s32 $0x1, s11;
	_ =	swait.ge @!p0 [sflag:s13], $0x4000  }
0x12: {  	s12 =	smov.u32 s10;
	s9 =	sadd.s32 $0x4000, s9;
	[sflag:s13] =	ssyncset.done @!p0 $0x0  }
0x13: {  	s11 =	smov.u32 s15;
	s10 =	smov.u32 s14;
	[sflag:s13] =	ssyncadd.s32 @!p0 $0xFFFFC000  }
.LBB1_1:
0x14: {  	p0 =	sge.u32 s11, s6  }
0x15: {  	s13 =	sxor.u32 @!p0 $0xFFFFFFFF, s11  }
0x16: {  	s31 =	sadd.s32 $0xFFFFFFFF, s11;
	s14 =	sshll.u32 @!p0 s10, $0x8;
	s13 =	sshll.u32 @!p0 s13, $0xE  }
0x17: {  	s15 =	simm.s32 @!p0 $0x0;
	s14 =	sadd.s32 @!p0 s2, s14;
	s13 =	sand.u32 @!p0 $0x4000, s13  }
0x18: {  	[tilespmem:s13], [sflag:$0x1] =	stream.linear.gather @!p0 [hbm4b:s14+s15], $0x4000, $0x38;
	[tilespmem:$0x10000] =	vst v63  }
0x19: {  	p0 =	sge.u32 s31, s6  }
.Ltmp2:
0x1a: {  	_ = 	snop;
	(pc) =	sbr.rel @p0 .LBB1_9-.Ltmp2, $1  }
0x1b: {  	_ =	sdelay $0x3  }
0x1c: {  	s13 =	sshll.u32 s9, $0x2;
	_ =	swait.ge [sflag:s5], $0x4000;
	s14 =	sshll.u32 s11, $0xE  }
0x1d: {  	s16 =	simm.s32 $0x0;
	s17 =	simm.s32 $0x0;
	s15 =	sand.u32 $0x10000, s13  }
0x1e: {  	[sflag:s5] =	ssyncset.done $0x0;
	s31 =	sand.u32 $0x4000, s14;
	s14 =	sshrl.u32 s15, $0x2  }
0x1f: {  	[sflag:s5] =	ssyncadd.s32 $0xFFFFC000;
	s13 =	sor.u32 $0x8000, s31;
	s15 =	sor.u32 $0x8000, s14  }
.LBB1_3:
0x20: {  	s18 =	sshra.s32 s16, $0x2  }
0x21: {  	v0 =	vmov s18;
	_ =	sdelay $0x3  }
0x22: {  	p1 =	por $0x1, $0x1;
	s18 =	simm.s32 $0x0  }
.LBB1_4:
0x23: {  	_ = 	snop  }
0x24: {  	s19 =	sshll.u32 s18, $0xA  }
0x25: {  	s19 =	sand.u32 $0x3FFFFC00, s19  }
0x26: {  	s19 =	sadd.s32 s19, s14  }
0x27: {  	v5 =	vld.idx.msk [tilespmem:v0+s19+$0x70 ss:$0x1], $0xffff  }
0x28: {  	v6 =	vld.idx.msk [tilespmem:v0+s19+$0x10 ss:$0x1], $0xffff  }
0x29: {  	v7 =	vld.idx.msk [tilespmem:v0+s19+$0x20 ss:$0x1], $0xffff  }
0x2a: {  	s31 =	sshll.u32 s18, $0x7;
	v1 =	vld.idx.msk [tilespmem:v0+s19+$0x30 ss:$0x1], $0xffff  }
0x2b: {  	s18 =	sand.u32 $0x3FFFFF80, s31;
	v2 =	vld.idx.msk [tilespmem:v0+s19+$0x40 ss:$0x1], $0xffff  }
0x2c: {  	s18 =	sadd.s32 s18, s15;
	v3 =	vld.idx.msk [tilespmem:v0+s19+$0x50 ss:$0x1], $0xffff  }
0x2d: {  	v4 =	vld.idx.msk [tilespmem:v0+s19+$0x60 ss:$0x1], $0xffff;
	[tilespmem:v0+s18+$0x70 ss:$0x1] =	vst.idx.msk $0xffff, v5  }
0x2e: {  	v5 =	vld.idx.msk [tilespmem:v0+s19+$0x0 ss:$0x1], $0xffff;
	[tilespmem:v0+s18+$0x10 ss:$0x1] =	vst.idx.msk $0xffff, v6;
	s19 =	sadd.s32 $0x80, s19  }
0x2f: {  	p0 =	por p1, p1;
	s20 =	simm.s32 $0x6;
	[tilespmem:v0+s18+$0x20 ss:$0x1] =	vst.idx.msk $0xffff, v7;
	v6 =	vld.idx.msk [tilespmem:v0+s19+$0x70 ss:$0x1], $0xffff  }
.LBB1_5:
0x30: {  	p1 =	sne.s32 s20, $0x1;
	v7 =	vld.idx.msk [tilespmem:v0+s19+$0x10 ss:$0x1], $0xffff;
	[tilespmem:v0+s18+$0x30 ss:$0x1] =	vst.idx.msk $0xffff, v1  }
0x31: {  	v8 =	vld.idx.msk [tilespmem:v0+s19+$0x20 ss:$0x1], $0xffff;
	[tilespmem:v0+s18+$0x40 ss:$0x1] =	vst.idx.msk $0xffff, v2  }
0x32: {  	v1 =	vld.idx.msk [tilespmem:v0+s19+$0x30 ss:$0x1], $0xffff;
	[tilespmem:v0+s18+$0x50 ss:$0x1] =	vst.idx.msk $0xffff, v3  }
.Ltmp3:
0x33: {  	v2 =	vld.idx.msk [tilespmem:v0+s19+$0x40 ss:$0x1], $0xffff;
	[tilespmem:v0+s18+$0x60 ss:$0x1] =	vst.idx.msk $0xffff, v4;
	(pc) =	sbr.rel @p1 .LBB1_5-.Ltmp3, $4  }
0x34: {  	v3 =	vld.idx.msk [tilespmem:v0+s19+$0x50 ss:$0x1], $0xffff;
	[tilespmem:v0+s18+$0x0 ss:$0x1] =	vst.idx.msk $0xffff, v5;
	s18 =	sadd.s32 $0x100, s18  }
0x35: {  	v4 =	vld.idx.msk [tilespmem:v0+s19+$0x60 ss:$0x1], $0xffff;
	[tilespmem:v0+s18+$0x70 ss:$0x1] =	vst.idx.msk $0xffff, v6  }
0x36: {  	v5 =	vld.idx.msk [tilespmem:v0+s19+$0x0 ss:$0x1], $0xffff;
	[tilespmem:v0+s18+$0x10 ss:$0x1] =	vst.idx.msk $0xffff, v7;
	s19 =	sadd.s32 $0x80, s19  }
0x37: {  	s20 =	sadd.s32 $0xFFFFFFFF, s20;
	v6 =	vld.idx.msk [tilespmem:v0+s19+$0x70 ss:$0x1], $0xffff;
	[tilespmem:v0+s18+$0x20 ss:$0x1] =	vst.idx.msk $0xffff, v8  }
0x38: {  	_ =	sdelay $0x3  }
0x39: {  	[tilespmem:v0+s18+$0x30 ss:$0x1] =	vst.idx.msk $0xffff, v1  }
0x3a: {  	v1 =	vld.idx.msk [tilespmem:v0+s19+$0x10 ss:$0x1], $0xffff;
	[tilespmem:v0+s18+$0x40 ss:$0x1] =	vst.idx.msk $0xffff, v2  }
0x3b: {  	v2 =	vld.idx.msk [tilespmem:v0+s19+$0x20 ss:$0x1], $0xffff;
	[tilespmem:v0+s18+$0x50 ss:$0x1] =	vst.idx.msk $0xffff, v3  }
0x3c: {  	v61 =	vld.idx.msk [tilespmem:v0+s19+$0x40 ss:$0x1], $0xffff;
	[tilespmem:v0+s18+$0x60 ss:$0x1] =	vst.idx.msk $0xffff, v4  }
0x3d: {  	s31 =	sadd.s32 $0x100, s18;
	v62 =	vld.idx.msk [tilespmem:v0+s19+$0x50 ss:$0x1], $0xffff;
	[tilespmem:v0+s18+$0x0 ss:$0x1] =	vst.idx.msk $0xffff, v5  }
0x3e: {  	v63 =	vld.idx.msk [tilespmem:v0+s19+$0x60 ss:$0x1], $0xffff;
	[tilespmem:v0+s31+$0x70 ss:$0x1] =	vst.idx.msk $0xffff, v6  }
0x3f: {  	v3 =	vld.idx.msk [tilespmem:v0+s19+$0x30 ss:$0x1], $0xffff;
	[tilespmem:v0+s31+$0x10 ss:$0x1] =	vst.idx.msk $0xffff, v1  }
0x40: {  	v1 =	vld.idx.msk [tilespmem:v0+s19+$0x0 ss:$0x1], $0xffff;
	[tilespmem:v0+s31+$0x20 ss:$0x1] =	vst.idx.msk $0xffff, v2  }
.Ltmp4:
0x41: {  	[tilespmem:v0+s31+$0x40 ss:$0x1] =	vst.idx.msk $0xffff, v61;
	(pc) =	sbr.rel @p0 .LBB1_4-.Ltmp4, $4  }
0x42: {  	[tilespmem:v0+s31+$0x50 ss:$0x1] =	vst.idx.msk $0xffff, v62  }
0x43: {  	[tilespmem:v0+s31+$0x60 ss:$0x1] =	vst.idx.msk $0xffff, v63  }
0x44: {  	[tilespmem:v0+s31+$0x30 ss:$0x1] =	vst.idx.msk $0xffff, v3  }
0x45: {  	p1 =	por $0x0, $0x0;
	s18 =	simm.s32 $0x1;
	[tilespmem:v0+s31+$0x0 ss:$0x1] =	vst.idx.msk $0xffff, v1  }
0x46: {  	s17 =	sadd.s32 $0x1, s17  }
0x47: {  	p0 =	sne.s32 s17, $0x8  }
.Ltmp5:
0x48: {  	_ = 	snop;
	(pc) =	sbr.rel @p0 .LBB1_3-.Ltmp5, $2  }
0x49: {  	_ =	sdelay $0x2  }
0x4a: {  	s16 =	sadd.s32 $0x2000, s16  }
.Ltmp6:
0x4b: {  	(pc) =	sbr.rel .LBB1_9-.Ltmp6, $4  }
0x4c: {  	_ = 	snop  }
0x4d: {  	s12 =	sshll.u32 s12, $0x8  }
0x4e: {  	s12 =	sadd.s32 s4, s12  }
0x4f: {  	[hbm4b:s12+s8] =	stream.linear.scatter [tilespmem:s13], [sflag:$0x2], $0x4000, $0x38;
	[tilespmem:$0x10000] =	vst v63  }
.LBB1_10:
0x50: {  	_ =	sfence.sel $0x180000  }
0x51: {  	s2 =	simm.s32 $0x1;
	[bflag:$0x0] =	sbarrier.arrive $0xFFFF  }
0x52: {  	s31 =	simm.s32 $0x2;
	[sflag:s2] =	ssyncpa.u1 $0x1  }
0x53: {  	[sflag:s31] =	ssyncpa.u1 $0x1  }
0x54: {  	p0 =	sne.s32 s0, $0x0;
	_ =	strace $0x9000004A  }
0x55: {  	s0 =	sadd.s32 @!p0 $0x100000, s1;
	[bflag:$0x2] =	sbarrier.arrive $0xFFFF  }
0x56: {  	[sflag:s0] =	ssyncadd.tile.s32 @!p0 $0x1;
	_ =	shalt  }
.Lfunc_end1:
_tile_overlayer_lowered:
.L_overlay_start_2:
0x57: {  	(tag) =	ssettag $0x2  }
0x58: {  	s0 =	rddreg [dreg:$0x0];
	s2 =	stileid.u32  }
0x59: {  	s1 =	rddreg [dreg:$0x1];
	p0 =	sne.s32 s2, $0x0  }
0x5a: {  	s3 =	rddreg [dreg:$0x2];
	[bflag:$0x3] =	sbarrier.arrive $0xFFFF;
	s2 =	simm.s32 @!p0 $0x1C01  }
0x5b: {  	[timem:s3], [sflag:s2] =	dma.local @!p0 [hbm:s0], s1  }
0x5c: {  	s0 =	simm.s32 @!p0 $0x1  }
0x5d: {  	_ =	swait.ge @!p0 [sflag:s0], s1  }
0x5e: {  	s1 =	ssub.s32 @!p0 $0x0, s1;
	[sflag:s0] =	ssyncset.done @!p0 $0x0  }
0x5f: {  	[sflag:s0] =	ssyncadd.s32 @!p0 s1  }
0x60: {  	[bflag:$0x3] =	sbarrier.arrive $0xFFFF  }
0x61: {  	_ =	shalt  }

// kernel: sparse-core-data-format-call.cloned.1.call-start
scs
called_computation_lowered:
.L_overlay_start_0:
0x0: {  	s2 =	sld [smem:$0x3FD9]  }
0x1: {  	s3 =	sld [smem:$0x3FFE];
	_ =	sdelay $0x1  }
0x2: {  	s1 =	srdreg.scid  }
0x3: {  	s0 =	sand.u32 $0x1, s1  }
0x4: {  	s18 =	sshll.u32 s0, $0xA;
	s2 =	sadd.s32 s3, s2  }
0x5: {  	s2 =	sadd.s32 s2, s18  }
0x6: {  	[smem:$0x3FC6] =	sst s2  }
0x7: {  	_ = 	snop  }
0x8: {  	s2 =	sld [smem:$0x3FC8];
	(tm) =	ssettm $0x1  }
0x9: {  	s19 =	sld [smem:$0x3FFB];
	_ =	sdelay $0x3  }
0xa: {  	_ =	strace s19  }
0xb: {  	s3 =	sld [smem:$0x3FFC];
	_ =	sdelay $0x3  }
0xc: {  	_ =	strace s3  }
0xd: {  	s3 =	sld [smem:$0x3FFD];
	_ =	sdelay $0x3  }
0xe: {  	_ =	strace s3  }
0xf: {  	_ =	strace $0x8FFFFFFF  }
0x10: {  	s20 =	sld [smem:$0x3FDB];
	_ =	sdelay $0x1  }
0x11: {  	s4 =	simm.s32 $_scs_section_size  }
0x12: {  	s5 =	simm.s32 $_size__tile_overlayer_lowered;
	s6 =	simm.s32 $_tile_overlayer_lowered  }
0x13: {  	s23 =	simm.s32 $0x1BFF;
	s22 =	sshll.u32 s6, $0x1;
	s3 =	sadd.s32 s4, s20  }
0x14: {  	s7 =	simm.s32 $0x0;
	s21 =	sshll.u32 s5, $0x1;
	s5 =	sadd.s32 s22, s3  }
0x15: {  	[timem:s7], [sflag:s23] =	dma.local [hbm:s5], s21  }
0x16: {  	_ =	swait.ge [sflag:s23], s21  }
0x17: {  	s4 =	ssub.s32 $0x0, s21;
	[sflag:s23] =	ssyncset.done $0x0  }
0x18: {  	[sflag:s23] =	ssyncadd.s32 s4;
	_ =	sdelay $0x1  }
0x19: {  	s24 =	simm.s32 $0x1B8B  }
0x1a: {  	_ =	swait.ge [sflag:s24], $0x1  }
0x1b: {  	[sflag:s24] =	ssyncset.done $0x0  }
0x1c: {  	s26 =	simm.s32 $0x1B8E;
	s25 =	sld [smem:$0x3FFE];
	[sflag:s24] =	ssyncadd.s32 $0xFFFFFFFF  }
0x1d: {  	s27 =	simm.s32 $execute0_lowered;
	[smem:$0x3FD2] =	sst s26  }
0x1e: {  	s5 =	sshll.u32 s27, $0x1;
	_ =	strace $0x80000046;
	[dreg:$0x1] =	wrdreg $0xFFFFFFFF  }
0x1f: {  	s28 =	simm.s32 $_size_execute0_lowered;
	s3 =	sadd.s32 s3, s5;
	[dreg:$0x0] =	wrdreg $0x0  }
0x20: {  	s5 =	sshll.u32 s28, $0x1;
	[dreg:$0x2] =	wrdreg s3  }
0x21: {  	[dreg:$0x3] =	wrdreg s5  }
0x22: {  	[dreg:$0x4] =	wrdreg $0xC0  }
0x23: {  	_ =	task [dreg:s7], $0x5FFFF  }
0x24: {  	[dreg:$0x1] =	wrdreg $0xFFFFFFFF  }
0x25: {  	[dreg:$0x0] =	wrdreg $0x60  }
0x26: {  	[dreg:$0x2] =	wrdreg s2  }
0x27: {  	[dreg:$0x3] =	wrdreg s25  }
0x28: {  	[dreg:$0x4] =	wrdreg $0x9  }
0x29: {  	_ =	task.clear_ibuf [dreg:s7], $0x5FFFF;
	_ =	strace $0x90000046  }
0x2a: {  	s29 =	simm.s32 $0x9;
	_ =	strace $0x80000048  }
0x2b: {  	_ =	swait.ge [sflag:s29], $0x1  }
0x2c: {  	[sflag:s29] =	ssyncadd.s32 $0xFFFFFFFF  }
0x2d: {  	_ =	strace $0x90000048  }
0x2e: {  	_ =	sfence  }
0x2f: {  	s30 =	sld [smem:$0x0];
	_ =	sdelay $0x2  }
0x30: {  	s31 =	sshll.u32 s1, $0xD;
	s1 =	sshrl.u32 s1, $0x2  }
0x31: {  	s3 =	sand.u32 $0x4000, s31;
	s1 =	sadd.s32 s1, s30  }
0x32: {  	s0 =	sor.u32 s3, s0;
	s1 =	sshll.u32 s1, $0x11  }
0x33: {  	s0 =	sor.u32 s1, s0  }
0x34: {  	s0 =	sadd.s32 $0x8F2B, s0  }
0x35: {  	[sflag:s0] =	ssyncadd.remote.s32 $0x1  }
0x36: {  	_ =	sfence.sel $0xFFFF  }
0x37: {  	[dreg:$0x0] =	wrdreg $0xFFFFFFFF;
	(pc) =	sbr.abs _section_cstart, $3  }
0x38: {  	[dreg:$0x1] =	wrdreg $0xFFFFFFFF  }
0x39: {  	_ =	task.clear_ibuf [dreg:s7], $0x2FFFF;
	_ =	strace $0x9FFFFFFF  }
0x3a: {  	(tm) =	ssettm $0x7FFFFFFF  }
0x3b: {  	_ =	shalt  }
tec
execute0_lowered:
.L_overlay_start_1:
0x0: {  	(tag) =	ssettag $0x1  }
0x1: {  	s0 =	srdreg.scid  }
0x2: {  	s1 =	sshll.u32 s0, $0x4  }
0x3: {  	s2 =	rddreg [dreg:$0x0];
	s0 =	stileid.u32;
	s1 =	sand.u32 $0x10, s1  }
0x4: {  	s4 =	rddreg [dreg:$0x1];
	s1 =	sor.u32 s0, s1  }
0x5: {  	s7 =	simm.s32 $0x1;
	s8 =	simm.s32 $0x2;
	s3 =	sshll.u32 s1, $0x3  }
0x6: {  	s9 =	simm.s32 $0x0;
	s12 =	simm.s32 $0x0;
	s6 =	ssub.s32 $0x1000, s3  }
.Ltmp0:
0x7: {  	s11 =	simm.s32 $0x0;
	s5 =	sand.u32 $0xF8, s6;
	(pc) =	sbr.rel .LBB1_1-.Ltmp0, $4  }
0x8: {  	s1 =	rddreg [dreg:$0x2];
	_ =	strace $0x80000047;
	p0 =	sne.s32 s5, $0x0  }
0x9: {  	s6 =	sshrl.u32 s6, $0x8;
	s5 =	simm.s32 $0x1;
	s7 =	simm.s32 @!p0 $0x0  }
0xa: {  	s10 =	smov.u32 s3;
	[sflag:s5] =	ssyncpa.u1 $0x0;
	s6 =	sadd.s32 s7, s6  }
0xb: {  	[sflag:s8] =	ssyncpa.u1 $0x0;
	s8 =	simm.s32 $0x0;
	s7 =	sadd.s32 $0x1, s6  }
.LBB1_9:
0xc: {  	s14 =	sadd.s32 $0x100, s10  }
0xd: {  	p1 =	sgt.s32 s14, $0xFFF  }
0xe: {  	s14 =	smov.u32 @p1 s3;
	p1 =	sne.s32 s11, s7  }
.Ltmp1:
0xf: {  	p0 =	slt.u32 s11, $0x2;
	(pc) =	sbr.rel @!p1 .LBB1_10-.Ltmp1, $4  }
0x10: {  	s13 =	simm.s32 @!p0 $0x2  }
0x11: {  	s15 =	sadd.s32 $0x1, s11;
	_ =	swait.ge @!p0 [sflag:s13], $0x4000  }
0x12: {  	s12 =	smov.u32 s10;
	s9 =	sadd.s32 $0x4000, s9;
	[sflag:s13] =	ssyncset.done @!p0 $0x0  }
0x13: {  	s11 =	smov.u32 s15;
	s10 =	smov.u32 s14;
	[sflag:s13] =	ssyncadd.s32 @!p0 $0xFFFFC000  }
.LBB1_1:
0x14: {  	p0 =	sge.u32 s11, s6  }
0x15: {  	s13 =	sxor.u32 @!p0 $0xFFFFFFFF, s11  }
0x16: {  	s31 =	sadd.s32 $0xFFFFFFFF, s11;
	s14 =	sshll.u32 @!p0 s10, $0x8;
	s13 =	sshll.u32 @!p0 s13, $0xE  }
0x17: {  	s15 =	simm.s32 @!p0 $0x0;
	s14 =	sadd.s32 @!p0 s2, s14;
	s13 =	sand.u32 @!p0 $0x4000, s13  }
0x18: {  	[tilespmem:s13], [sflag:$0x1] =	stream.linear.gather @!p0 [hbm4b:s14+s15], $0x4000, $0x38;
	[tilespmem:$0x10000] =	vst v63  }
0x19: {  	p0 =	sge.u32 s31, s6  }
.Ltmp2:
0x1a: {  	_ = 	snop;
	(pc) =	sbr.rel @p0 .LBB1_9-.Ltmp2, $1  }
0x1b: {  	_ =	sdelay $0x3  }
0x1c: {  	s13 =	sshll.u32 s9, $0x2;
	_ =	swait.ge [sflag:s5], $0x4000;
	s14 =	sshll.u32 s11, $0xE  }
0x1d: {  	s16 =	simm.s32 $0x0;
	s17 =	simm.s32 $0x0;
	s15 =	sand.u32 $0x10000, s13  }
0x1e: {  	[sflag:s5] =	ssyncset.done $0x0;
	s31 =	sand.u32 $0x4000, s14;
	s14 =	sshrl.u32 s15, $0x2  }
0x1f: {  	[sflag:s5] =	ssyncadd.s32 $0xFFFFC000;
	s13 =	sor.u32 $0x8000, s31;
	s15 =	sor.u32 $0x8000, s14  }
.LBB1_3:
0x20: {  	s18 =	sshra.s32 s16, $0x2  }
0x21: {  	v0 =	vmov s18;
	_ =	sdelay $0x3  }
0x22: {  	p1 =	por $0x1, $0x1;
	s18 =	simm.s32 $0x0  }
.LBB1_4:
0x23: {  	_ = 	snop  }
0x24: {  	s19 =	sshll.u32 s18, $0xA  }
0x25: {  	s19 =	sand.u32 $0x3FFFFC00, s19  }
0x26: {  	s19 =	sadd.s32 s19, s14  }
0x27: {  	v5 =	vld.idx.msk [tilespmem:v0+s19+$0x70 ss:$0x1], $0xffff  }
0x28: {  	v6 =	vld.idx.msk [tilespmem:v0+s19+$0x10 ss:$0x1], $0xffff  }
0x29: {  	v7 =	vld.idx.msk [tilespmem:v0+s19+$0x20 ss:$0x1], $0xffff  }
0x2a: {  	s31 =	sshll.u32 s18, $0x7;
	v1 =	vld.idx.msk [tilespmem:v0+s19+$0x30 ss:$0x1], $0xffff  }
0x2b: {  	s18 =	sand.u32 $0x3FFFFF80, s31;
	v2 =	vld.idx.msk [tilespmem:v0+s19+$0x40 ss:$0x1], $0xffff  }
0x2c: {  	s18 =	sadd.s32 s18, s15;
	v3 =	vld.idx.msk [tilespmem:v0+s19+$0x50 ss:$0x1], $0xffff  }
0x2d: {  	v4 =	vld.idx.msk [tilespmem:v0+s19+$0x60 ss:$0x1], $0xffff;
	[tilespmem:v0+s18+$0x70 ss:$0x1] =	vst.idx.msk $0xffff, v5  }
0x2e: {  	v5 =	vld.idx.msk [tilespmem:v0+s19+$0x0 ss:$0x1], $0xffff;
	[tilespmem:v0+s18+$0x10 ss:$0x1] =	vst.idx.msk $0xffff, v6;
	s19 =	sadd.s32 $0x80, s19  }
0x2f: {  	p0 =	por p1, p1;
	s20 =	simm.s32 $0x6;
	[tilespmem:v0+s18+$0x20 ss:$0x1] =	vst.idx.msk $0xffff, v7;
	v6 =	vld.idx.msk [tilespmem:v0+s19+$0x70 ss:$0x1], $0xffff  }
.LBB1_5:
0x30: {  	p1 =	sne.s32 s20, $0x1;
	v7 =	vld.idx.msk [tilespmem:v0+s19+$0x10 ss:$0x1], $0xffff;
	[tilespmem:v0+s18+$0x30 ss:$0x1] =	vst.idx.msk $0xffff, v1  }
0x31: {  	v8 =	vld.idx.msk [tilespmem:v0+s19+$0x20 ss:$0x1], $0xffff;
	[tilespmem:v0+s18+$0x40 ss:$0x1] =	vst.idx.msk $0xffff, v2  }
0x32: {  	v1 =	vld.idx.msk [tilespmem:v0+s19+$0x30 ss:$0x1], $0xffff;
	[tilespmem:v0+s18+$0x50 ss:$0x1] =	vst.idx.msk $0xffff, v3  }
.Ltmp3:
0x33: {  	v2 =	vld.idx.msk [tilespmem:v0+s19+$0x40 ss:$0x1], $0xffff;
	[tilespmem:v0+s18+$0x60 ss:$0x1] =	vst.idx.msk $0xffff, v4;
	(pc) =	sbr.rel @p1 .LBB1_5-.Ltmp3, $4  }
0x34: {  	v3 =	vld.idx.msk [tilespmem:v0+s19+$0x50 ss:$0x1], $0xffff;
	[tilespmem:v0+s18+$0x0 ss:$0x1] =	vst.idx.msk $0xffff, v5;
	s18 =	sadd.s32 $0x100, s18  }
0x35: {  	v4 =	vld.idx.msk [tilespmem:v0+s19+$0x60 ss:$0x1], $0xffff;
	[tilespmem:v0+s18+$0x70 ss:$0x1] =	vst.idx.msk $0xffff, v6  }
0x36: {  	v5 =	vld.idx.msk [tilespmem:v0+s19+$0x0 ss:$0x1], $0xffff;
	[tilespmem:v0+s18+$0x10 ss:$0x1] =	vst.idx.msk $0xffff, v7;
	s19 =	sadd.s32 $0x80, s19  }
0x37: {  	s20 =	sadd.s32 $0xFFFFFFFF, s20;
	v6 =	vld.idx.msk [tilespmem:v0+s19+$0x70 ss:$0x1], $0xffff;
	[tilespmem:v0+s18+$0x20 ss:$0x1] =	vst.idx.msk $0xffff, v8  }
0x38: {  	_ =	sdelay $0x3  }
0x39: {  	[tilespmem:v0+s18+$0x30 ss:$0x1] =	vst.idx.msk $0xffff, v1  }
0x3a: {  	v1 =	vld.idx.msk [tilespmem:v0+s19+$0x10 ss:$0x1], $0xffff;
	[tilespmem:v0+s18+$0x40 ss:$0x1] =	vst.idx.msk $0xffff, v2  }
0x3b: {  	v2 =	vld.idx.msk [tilespmem:v0+s19+$0x20 ss:$0x1], $0xffff;
	[tilespmem:v0+s18+$0x50 ss:$0x1] =	vst.idx.msk $0xffff, v3  }
0x3c: {  	v61 =	vld.idx.msk [tilespmem:v0+s19+$0x40 ss:$0x1], $0xffff;
	[tilespmem:v0+s18+$0x60 ss:$0x1] =	vst.idx.msk $0xffff, v4  }
0x3d: {  	s31 =	sadd.s32 $0x100, s18;
	v62 =	vld.idx.msk [tilespmem:v0+s19+$0x50 ss:$0x1], $0xffff;
	[tilespmem:v0+s18+$0x0 ss:$0x1] =	vst.idx.msk $0xffff, v5  }
0x3e: {  	v63 =	vld.idx.msk [tilespmem:v0+s19+$0x60 ss:$0x1], $0xffff;
	[tilespmem:v0+s31+$0x70 ss:$0x1] =	vst.idx.msk $0xffff, v6  }
0x3f: {  	v3 =	vld.idx.msk [tilespmem:v0+s19+$0x30 ss:$0x1], $0xffff;
	[tilespmem:v0+s31+$0x10 ss:$0x1] =	vst.idx.msk $0xffff, v1  }
0x40: {  	v1 =	vld.idx.msk [tilespmem:v0+s19+$0x0 ss:$0x1], $0xffff;
	[tilespmem:v0+s31+$0x20 ss:$0x1] =	vst.idx.msk $0xffff, v2  }
.Ltmp4:
0x41: {  	[tilespmem:v0+s31+$0x40 ss:$0x1] =	vst.idx.msk $0xffff, v61;
	(pc) =	sbr.rel @p0 .LBB1_4-.Ltmp4, $4  }
0x42: {  	[tilespmem:v0+s31+$0x50 ss:$0x1] =	vst.idx.msk $0xffff, v62  }
0x43: {  	[tilespmem:v0+s31+$0x60 ss:$0x1] =	vst.idx.msk $0xffff, v63  }
0x44: {  	[tilespmem:v0+s31+$0x30 ss:$0x1] =	vst.idx.msk $0xffff, v3  }
0x45: {  	p1 =	por $0x0, $0x0;
	s18 =	simm.s32 $0x1;
	[tilespmem:v0+s31+$0x0 ss:$0x1] =	vst.idx.msk $0xffff, v1  }
0x46: {  	s17 =	sadd.s32 $0x1, s17  }
0x47: {  	p0 =	sne.s32 s17, $0x8  }
.Ltmp5:
0x48: {  	_ = 	snop;
	(pc) =	sbr.rel @p0 .LBB1_3-.Ltmp5, $2  }
0x49: {  	_ =	sdelay $0x2  }
0x4a: {  	s16 =	sadd.s32 $0x2000, s16  }
.Ltmp6:
0x4b: {  	(pc) =	sbr.rel .LBB1_9-.Ltmp6, $4  }
0x4c: {  	_ = 	snop  }
0x4d: {  	s12 =	sshll.u32 s12, $0x8  }
0x4e: {  	s12 =	sadd.s32 s4, s12  }
0x4f: {  	[hbm4b:s12+s8] =	stream.linear.scatter [tilespmem:s13], [sflag:$0x2], $0x4000, $0x38;
	[tilespmem:$0x10000] =	vst v63  }
.LBB1_10:
0x50: {  	_ =	sfence.sel $0x180000  }
0x51: {  	s2 =	simm.s32 $0x1;
	[bflag:$0x0] =	sbarrier.arrive $0xFFFF  }
0x52: {  	s31 =	simm.s32 $0x2;
	[sflag:s2] =	ssyncpa.u1 $0x1  }
0x53: {  	[sflag:s31] =	ssyncpa.u1 $0x1  }
0x54: {  	p0 =	sne.s32 s0, $0x0;
	_ =	strace $0x90000047  }
0x55: {  	s0 =	sadd.s32 @!p0 $0x100000, s1;
	[bflag:$0x2] =	sbarrier.arrive $0xFFFF  }
0x56: {  	[sflag:s0] =	ssyncadd.tile.s32 @!p0 $0x1;
	_ =	shalt  }
.Lfunc_end1:
_tile_overlayer_lowered:
.L_overlay_start_2:
0x57: {  	(tag) =	ssettag $0x2  }
0x58: {  	s0 =	rddreg [dreg:$0x0];
	s2 =	stileid.u32  }
0x59: {  	s1 =	rddreg [dreg:$0x1];
	p0 =	sne.s32 s2, $0x0  }
0x5a: {  	s3 =	rddreg [dreg:$0x2];
	[bflag:$0x3] =	sbarrier.arrive $0xFFFF;
	s2 =	simm.s32 @!p0 $0x1C01  }
0x5b: {  	[timem:s3], [sflag:s2] =	dma.local @!p0 [hbm:s0], s1  }
0x5c: {  	s0 =	simm.s32 @!p0 $0x1  }
0x5d: {  	_ =	swait.ge @!p0 [sflag:s0], s1  }
0x5e: {  	s1 =	ssub.s32 @!p0 $0x0, s1;
	[sflag:s0] =	ssyncset.done @!p0 $0x0  }
0x5f: {  	[sflag:s0] =	ssyncadd.s32 @!p0 s1  }
0x60: {  	[bflag:$0x3] =	sbarrier.arrive $0xFFFF  }
0x61: {  	_ =	shalt  }

</sc_bundles>
